<compile_context>
chip_gen: v7x
topology: tpu7x:2x2x1
jax: 0.10.2.dev20260603
libtpu: 0.0.44.dev20260713+nightly
codegen_flags: <defaults>
</compile_context>

<pallas_src>
import jax
import jax.numpy as jnp
from jax import lax
from jax.experimental import pallas as pl
from jax.experimental.pallas import tpu as pltpu
from jax.experimental.pallas import tpu_sc as plsc

NK = 5
NH = 12
S = 2048
NC = 2
NS = 16
NW = NC * NS
ROWS_W = S // NW
WIN = 2560


def _body(p_hbm, out_hbm, pv, rloc, sem):
    c = lax.axis_index("c")
    s = lax.axis_index("s")
    w = s * NC + c
    pltpu.sync_copy(p_hbm, pv)

    iota = lax.iota(jnp.int32, 16).astype(jnp.float32)
    p0 = w % 8
    m0 = 64 * (w // 8)
    bw = 1545 - p0 - 8 * m0
    bwf = bw.astype(jnp.float32)

    for h in range(NH):
        hrow = jnp.full((16,), h, jnp.int32)

        def splat(j):
            return plsc.load_gather(pv, [hrow, jnp.full((16,), j, jnp.int32)])

        co = [splat(1 + n) + bwf for n in range(NK)]
        ns = [-jnp.abs(splat(1 + NK + n)) for n in range(NK)]
        am = [splat(1 + 2 * NK + n) for n in range(NK)]

        @pl.loop(0, WIN // 16)
        def _compute(v):
            t0 = pl.multiple_of(v * 16, 16)
            tvec = iota + t0.astype(jnp.float32)
            acc = jnp.zeros((16,), jnp.float32)
            for n in range(NK):
                d = co[n] + tvec
                acc = acc + am[n] * jnp.exp(ns[n] * (d * d))
            rloc[h, pl.ds(t0, 16)] = acc

        if h > 0:
            blk = out_hbm.at[h - 1, pl.ds(0, ROWS_W)]
            pltpu.make_async_copy(blk, blk, sem).wait()

        @pl.loop(0, ROWS_W)
        def _fire(m):
            i = 8 * (m0 + m) + p0
            start = pl.multiple_of(8 * (63 - m), 8)
            pltpu.async_copy(rloc.at[h, pl.ds(start, S)], out_hbm.at[h, i], sem)

    blk = out_hbm.at[NH - 1, pl.ds(0, ROWS_W)]
    pltpu.make_async_copy(blk, blk, sem).wait()


def _build():
    mesh = plsc.VectorSubcoreMesh(core_axis_name="c", subcore_axis_name="s")
    return pl.kernel(
        _body,
        out_type=jax.ShapeDtypeStruct((NH, S, S), jnp.float32),
        mesh=mesh,
        scratch_types=[
            pltpu.VMEM((NH, 16), jnp.float32),
            pltpu.VMEM((NH, WIN), jnp.float32),
            pltpu.SemaphoreType.DMA,
        ],
        compiler_params=pltpu.CompilerParams(
            use_tc_tiling_on_sc=False, needs_layout_passes=False
        ),
    )


def kernel(kernel_offsets, kernel_amplitudes, kernel_sharpness, seq_len):
    zf = jnp.asarray(seq_len, jnp.float32) - jnp.float32(S)
    offz = kernel_offsets.astype(jnp.float32) - zf - jnp.float32(2048.0)
    p = jnp.zeros((NH, 16), jnp.float32)
    p = p.at[:, 1:1 + NK].set(offz.T)
    p = p.at[:, 1 + NK:1 + 2 * NK].set(kernel_sharpness.astype(jnp.float32).T)
    p = p.at[:, 1 + 2 * NK:16].set(kernel_amplitudes.astype(jnp.float32).T)
    return _build()(p)

# --- scband reference (transcript-rebuilt; emitter-appended) ---
"""Pipeline reference for scband-tisa-19164144074778 (READ-ONLY COPY).

The authoritative reference and input builder live on the scoring server;
editing this copy changes nothing except your own understanding.
"""

import jax, jax.numpy as jnp
import numpy as np

NUM_KERNELS = 5
NUM_HEADS = 12
SEQ_LEN = 2048


def setup_inputs(seed: int = 0) -> dict:
    key = jax.random.key(seed)
    k1, k2, k3 = jax.random.split(key, 3)
    kernel_offsets = jax.random.normal(k1, (NUM_KERNELS, NUM_HEADS), dtype=jnp.float32) * 5.0
    kernel_amplitudes = 0.1 + jax.random.normal(k2, (NUM_KERNELS, NUM_HEADS), dtype=jnp.float32) * 0.01
    kernel_sharpness = 0.1 + jax.random.normal(k3, (NUM_KERNELS, NUM_HEADS), dtype=jnp.float32) * 0.01
    return {
        "kernel_offsets": kernel_offsets,
        "kernel_amplitudes": kernel_amplitudes,
        "kernel_sharpness": kernel_sharpness,
        "seq_len": SEQ_LEN,
    }


def reference(kernel_offsets, kernel_amplitudes, kernel_sharpness, seq_len):
    num_heads = kernel_offsets.shape[1]
    seq_len_static = SEQ_LEN
    zero_fold = (jnp.asarray(seq_len, dtype=jnp.float32) - seq_len_static)
    # create_relative_offsets: [-seq_len, ..., seq_len] -> length 2*seq_len + 1
    relative_offsets = jnp.arange(-seq_len_static, seq_len_static + 1, dtype=jnp.float32) + zero_fold
    # compute_positional_scores: RBF over kernels -> [H, 2*seq_len+1]
    rbf_scores = (
        kernel_amplitudes[..., None]
        * jnp.exp(-jnp.abs(kernel_sharpness[..., None]) * (kernel_offsets[..., None] - relative_offsets) ** 2)
    ).sum(axis=0)
    # scores_to_toeplitz_matrix: index map so entry (i, j) reads offset (seq_len - 1 + i - j)
    deformed_toeplitz = (
        (jnp.arange(0, -(seq_len_static ** 2), -1, dtype=jnp.int64) + (seq_len_static - 1)).reshape(seq_len_static, seq_len_static)
        + (seq_len_static + 1) * jnp.arange(seq_len_static, dtype=jnp.int64).reshape(-1, 1)
    ).reshape(-1)
    idx = jnp.broadcast_to(deformed_toeplitz[None, :], (num_heads, seq_len_static * seq_len_static))
    expanded = jnp.take_along_axis(rbf_scores, idx, axis=1).reshape(num_heads, seq_len_static, seq_len_static)
    return expanded


if False:  # reference __main__ guard neutralized (emitter)
    out = reference(**setup_inputs())
    print(out.shape, out.dtype)

if __name__ == "__main__":
    import jax
    _d = setup_inputs()
    print(jax.jit(kernel)(*tuple(_d.values())))

</pallas_src>

<mosaic_0001>
#map = affine_map<(d0, d1) -> (0, 0)>
#map1 = affine_map<(d0, d1) -> (0, 0, 0)>
module attributes {stable_mosaic.version = 14 : i64} {
  func.func @_body(%arg0: i32, %arg1: i32, %arg2: memref<12x16xf32, #tpu.memory_space<hbm>>, %arg3: memref<12x2048x2048xf32, #tpu.memory_space<hbm>>, %arg4: memref<12x16xf32, #tpu.memory_space<vmem>>, %arg5: memref<12x2560xf32, #tpu.memory_space<vmem>>, %arg6: memref<!tpu.dma_semaphore, #tpu.memory_space<semaphore_mem>>) attributes {dimension_semantics = [#tpu.dimension_semantics<core_parallel>, #tpu.dimension_semantics<subcore_parallel>], iteration_bounds = array<i64: 2, 16>, scalar_prefetch = 0 : i64, scratch_operands = 3 : i64, tpu.core_type = #tpu.core_type<sc_vector_subcore>, window_params = [{transform_indices = #map}, {transform_indices = #map1}]} {
    %mul3A = arith.constant 2 : i32
    %mul3A_0 = arith.muli %arg1, %mul3A : i32
    %add3A = arith.addi %mul3A_0, %arg0 : i32
    "tpu.region"() ({
      %run_scoped3A = tpu.sem_alloc : memref<!tpu.dma_semaphore, #tpu.memory_space<semaphore_mem>>
      tpu.enqueue_dma source(%arg2 : memref<12x16xf32, #tpu.memory_space<hbm>>) target(%arg4 : memref<12x16xf32, #tpu.memory_space<vmem>>) target_semaphore(%run_scoped3A : memref<!tpu.dma_semaphore, #tpu.memory_space<semaphore_mem>>)
      tpu.wait_dma2 semaphore(%run_scoped3A : memref<!tpu.dma_semaphore, #tpu.memory_space<semaphore_mem>>) src(%arg2 : memref<12x16xf32, #tpu.memory_space<hbm>>) dst(%arg4 : memref<12x16xf32, #tpu.memory_space<vmem>>)
      tpu.yield
    }) : () -> ()
    %iota3A = tpu.iota {dimensions = array<i32: 0>} : vector<16xi32>
    %convert_element_type3A = arith.sitofp %iota3A : vector<16xi32> to vector<16xf32>
    %jit3A = arith.constant 8 : i32
    %eq3A = arith.constant 0 : i32
    %eq3A_1 = arith.cmpi eq, %jit3A, %eq3A : i32
    %jit3A_2 = arith.constant 1 : i32
    %select_n3A = arith.select %eq3A_1, %jit3A_2, %jit3A : i32
    %rem3A = arith.remsi %add3A, %select_n3A : i32
    %ne3A = arith.constant 0 : i32
    %ne3A_3 = arith.cmpi ne, %rem3A, %ne3A : i32
    %lt3A = arith.constant 0 : i32
    %lt3A_4 = arith.cmpi slt, %rem3A, %lt3A : i32
    %lt3A_5 = arith.constant 0 : i32
    %lt3A_6 = arith.cmpi slt, %select_n3A, %lt3A_5 : i32
    %ne3A_7 = arith.xori %lt3A_4, %lt3A_6 : i1
    %and3A = arith.andi %ne3A_7, %ne3A_3 : i1
    %add3A_8 = arith.addi %rem3A, %select_n3A : i32
    %select_n3A_9 = arith.select %and3A, %add3A_8, %rem3A : i32
    %jit3A_10 = arith.constant 8 : i32
    %div3A = arith.divsi %add3A, %jit3A_10 : i32
    %sign3A = arith.constant 0 : i32
    %sign3A_11 = arith.cmpi sgt, %add3A, %sign3A : i32
    %sign3A_12 = arith.extui %sign3A_11 : i1 to i32
    %sign3A_13 = arith.constant 0 : i32
    %sign3A_14 = arith.cmpi slt, %add3A, %sign3A_13 : i32
    %sign3A_15 = arith.extui %sign3A_14 : i1 to i32
    %sign3A_16 = arith.subi %sign3A_12, %sign3A_15 : i32
    %sign3A_17 = arith.constant 0 : i32
    %sign3A_18 = arith.cmpi sgt, %jit3A_10, %sign3A_17 : i32
    %sign3A_19 = arith.extui %sign3A_18 : i1 to i32
    %sign3A_20 = arith.constant 0 : i32
    %sign3A_21 = arith.cmpi slt, %jit3A_10, %sign3A_20 : i32
    %sign3A_22 = arith.extui %sign3A_21 : i1 to i32
    %sign3A_23 = arith.subi %sign3A_19, %sign3A_22 : i32
    %ne3A_24 = arith.cmpi ne, %sign3A_16, %sign3A_23 : i32
    %rem3A_25 = arith.remsi %add3A, %jit3A_10 : i32
    %ne3A_26 = arith.constant 0 : i32
    %ne3A_27 = arith.cmpi ne, %rem3A_25, %ne3A_26 : i32
    %and3A_28 = arith.andi %ne3A_24, %ne3A_27 : i1
    %sub3A = arith.constant 1 : i32
    %sub3A_29 = arith.subi %div3A, %sub3A : i32
    %select_n3A_30 = arith.select %and3A_28, %sub3A_29, %div3A : i32
    %mul3A_31 = arith.constant 64 : i32
    %mul3A_32 = arith.muli %mul3A_31, %select_n3A_30 : i32
    %sub3A_33 = arith.constant 1545 : i32
    %sub3A_34 = arith.subi %sub3A_33, %select_n3A_9 : i32
    %mul3A_35 = arith.constant 8 : i32
    %mul3A_36 = arith.muli %mul3A_35, %mul3A_32 : i32
    %sub3A_37 = arith.subi %sub3A_34, %mul3A_36 : i32
    %convert_element_type3A_38 = arith.sitofp %sub3A_37 : i32 to f32
    %broadcast_in_dim3A = arith.constant 0 : i32
    %broadcast_in_dim3A_39 = vector.broadcast %broadcast_in_dim3A : i32 to vector<16xi32>
    %broadcast_in_dim3A_40 = arith.constant 1 : i32
    %broadcast_in_dim3A_41 = vector.broadcast %broadcast_in_dim3A_40 : i32 to vector<16xi32>
    %gather3A = tpu.vector_load_idx %arg4[%broadcast_in_dim3A_39, %broadcast_in_dim3A_41] : memref<12x16xf32, #tpu.memory_space<vmem>>[vector<16xi32>, vector<16xi32>], vector<16xf32>,
    %add3A_42 = vector.broadcast %convert_element_type3A_38 : f32 to vector<16xf32>
    %add3A_43 = arith.addf %gather3A, %add3A_42 : vector<16xf32>
    %broadcast_in_dim3A_44 = arith.constant 2 : i32
    %broadcast_in_dim3A_45 = vector.broadcast %broadcast_in_dim3A_44 : i32 to vector<16xi32>
    %gather3A_46 = tpu.vector_load_idx %arg4[%broadcast_in_dim3A_39, %broadcast_in_dim3A_45] : memref<12x16xf32, #tpu.memory_space<vmem>>[vector<16xi32>, vector<16xi32>], vector<16xf32>,
    %add3A_47 = vector.broadcast %convert_element_type3A_38 : f32 to vector<16xf32>
    %add3A_48 = arith.addf %gather3A_46, %add3A_47 : vector<16xf32>
    %broadcast_in_dim3A_49 = arith.constant 3 : i32
    %broadcast_in_dim3A_50 = vector.broadcast %broadcast_in_dim3A_49 : i32 to vector<16xi32>
    %gather3A_51 = tpu.vector_load_idx %arg4[%broadcast_in_dim3A_39, %broadcast_in_dim3A_50] : memref<12x16xf32, #tpu.memory_space<vmem>>[vector<16xi32>, vector<16xi32>], vector<16xf32>,
    %add3A_52 = vector.broadcast %convert_element_type3A_38 : f32 to vector<16xf32>
    %add3A_53 = arith.addf %gather3A_51, %add3A_52 : vector<16xf32>
    %broadcast_in_dim3A_54 = arith.constant 4 : i32
    %broadcast_in_dim3A_55 = vector.broadcast %broadcast_in_dim3A_54 : i32 to vector<16xi32>
    %gather3A_56 = tpu.vector_load_idx %arg4[%broadcast_in_dim3A_39, %broadcast_in_dim3A_55] : memref<12x16xf32, #tpu.memory_space<vmem>>[vector<16xi32>, vector<16xi32>], vector<16xf32>,
    %add3A_57 = vector.broadcast %convert_element_type3A_38 : f32 to vector<16xf32>
    %add3A_58 = arith.addf %gather3A_56, %add3A_57 : vector<16xf32>
    %broadcast_in_dim3A_59 = arith.constant 5 : i32
    %broadcast_in_dim3A_60 = vector.broadcast %broadcast_in_dim3A_59 : i32 to vector<16xi32>
    %gather3A_61 = tpu.vector_load_idx %arg4[%broadcast_in_dim3A_39, %broadcast_in_dim3A_60] : memref<12x16xf32, #tpu.memory_space<vmem>>[vector<16xi32>, vector<16xi32>], vector<16xf32>,
    %add3A_62 = vector.broadcast %convert_element_type3A_38 : f32 to vector<16xf32>
    %add3A_63 = arith.addf %gather3A_61, %add3A_62 : vector<16xf32>
    %broadcast_in_dim3A_64 = arith.constant 6 : i32
    %broadcast_in_dim3A_65 = vector.broadcast %broadcast_in_dim3A_64 : i32 to vector<16xi32>
    %gather3A_66 = tpu.vector_load_idx %arg4[%broadcast_in_dim3A_39, %broadcast_in_dim3A_65] : memref<12x16xf32, #tpu.memory_space<vmem>>[vector<16xi32>, vector<16xi32>], vector<16xf32>,
    %abs3A = math.absf %gather3A_66 : vector<16xf32>
    %neg3A = arith.constant 0.000000e+00 : f32
    %neg3A_67 = vector.broadcast %neg3A : f32 to vector<16xf32>
    %neg3A_68 = arith.subf %neg3A_67, %abs3A : vector<16xf32>
    %broadcast_in_dim3A_69 = arith.constant 7 : i32
    %broadcast_in_dim3A_70 = vector.broadcast %broadcast_in_dim3A_69 : i32 to vector<16xi32>
    %gather3A_71 = tpu.vector_load_idx %arg4[%broadcast_in_dim3A_39, %broadcast_in_dim3A_70] : memref<12x16xf32, #tpu.memory_space<vmem>>[vector<16xi32>, vector<16xi32>], vector<16xf32>,
    %abs3A_72 = math.absf %gather3A_71 : vector<16xf32>
    %neg3A_73 = arith.constant 0.000000e+00 : f32
    %neg3A_74 = vector.broadcast %neg3A_73 : f32 to vector<16xf32>
    %neg3A_75 = arith.subf %neg3A_74, %abs3A_72 : vector<16xf32>
    %broadcast_in_dim3A_76 = arith.constant 8 : i32
    %broadcast_in_dim3A_77 = vector.broadcast %broadcast_in_dim3A_76 : i32 to vector<16xi32>
    %gather3A_78 = tpu.vector_load_idx %arg4[%broadcast_in_dim3A_39, %broadcast_in_dim3A_77] : memref<12x16xf32, #tpu.memory_space<vmem>>[vector<16xi32>, vector<16xi32>], vector<16xf32>,
    %abs3A_79 = math.absf %gather3A_78 : vector<16xf32>
    %neg3A_80 = arith.constant 0.000000e+00 : f32
    %neg3A_81 = vector.broadcast %neg3A_80 : f32 to vector<16xf32>
    %neg3A_82 = arith.subf %neg3A_81, %abs3A_79 : vector<16xf32>
    %broadcast_in_dim3A_83 = arith.constant 9 : i32
    %broadcast_in_dim3A_84 = vector.broadcast %broadcast_in_dim3A_83 : i32 to vector<16xi32>
    %gather3A_85 = tpu.vector_load_idx %arg4[%broadcast_in_dim3A_39, %broadcast_in_dim3A_84] : memref<12x16xf32, #tpu.memory_space<vmem>>[vector<16xi32>, vector<16xi32>], vector<16xf32>,
    %abs3A_86 = math.absf %gather3A_85 : vector<16xf32>
    %neg3A_87 = arith.constant 0.000000e+00 : f32
    %neg3A_88 = vector.broadcast %neg3A_87 : f32 to vector<16xf32>
    %neg3A_89 = arith.subf %neg3A_88, %abs3A_86 : vector<16xf32>
    %broadcast_in_dim3A_90 = arith.constant 10 : i32
    %broadcast_in_dim3A_91 = vector.broadcast %broadcast_in_dim3A_90 : i32 to vector<16xi32>
    %gather3A_92 = tpu.vector_load_idx %arg4[%broadcast_in_dim3A_39, %broadcast_in_dim3A_91] : memref<12x16xf32, #tpu.memory_space<vmem>>[vector<16xi32>, vector<16xi32>], vector<16xf32>,
    %abs3A_93 = math.absf %gather3A_92 : vector<16xf32>
    %neg3A_94 = arith.constant 0.000000e+00 : f32
    %neg3A_95 = vector.broadcast %neg3A_94 : f32 to vector<16xf32>
    %neg3A_96 = arith.subf %neg3A_95, %abs3A_93 : vector<16xf32>
    %broadcast_in_dim3A_97 = arith.constant 11 : i32
    %broadcast_in_dim3A_98 = vector.broadcast %broadcast_in_dim3A_97 : i32 to vector<16xi32>
    %gather3A_99 = tpu.vector_load_idx %arg4[%broadcast_in_dim3A_39, %broadcast_in_dim3A_98] : memref<12x16xf32, #tpu.memory_space<vmem>>[vector<16xi32>, vector<16xi32>], vector<16xf32>,
    %broadcast_in_dim3A_100 = arith.constant 12 : i32
    %broadcast_in_dim3A_101 = vector.broadcast %broadcast_in_dim3A_100 : i32 to vector<16xi32>
    %gather3A_102 = tpu.vector_load_idx %arg4[%broadcast_in_dim3A_39, %broadcast_in_dim3A_101] : memref<12x16xf32, #tpu.memory_space<vmem>>[vector<16xi32>, vector<16xi32>], vector<16xf32>,
    %broadcast_in_dim3A_103 = arith.constant 13 : i32
    %broadcast_in_dim3A_104 = vector.broadcast %broadcast_in_dim3A_103 : i32 to vector<16xi32>
    %gather3A_105 = tpu.vector_load_idx %arg4[%broadcast_in_dim3A_39, %broadcast_in_dim3A_104] : memref<12x16xf32, #tpu.memory_space<vmem>>[vector<16xi32>, vector<16xi32>], vector<16xf32>,
    %broadcast_in_dim3A_106 = arith.constant 14 : i32
    %broadcast_in_dim3A_107 = vector.broadcast %broadcast_in_dim3A_106 : i32 to vector<16xi32>
    %gather3A_108 = tpu.vector_load_idx %arg4[%broadcast_in_dim3A_39, %broadcast_in_dim3A_107] : memref<12x16xf32, #tpu.memory_space<vmem>>[vector<16xi32>, vector<16xi32>], vector<16xf32>,
    %broadcast_in_dim3A_109 = arith.constant 15 : i32
    %broadcast_in_dim3A_110 = vector.broadcast %broadcast_in_dim3A_109 : i32 to vector<16xi32>
    %gather3A_111 = tpu.vector_load_idx %arg4[%broadcast_in_dim3A_39, %broadcast_in_dim3A_110] : memref<12x16xf32, #tpu.memory_space<vmem>>[vector<16xi32>, vector<16xi32>], vector<16xf32>,
    %scan3A = arith.constant 0 : i32
    %scan3A_112 = arith.constant 160 : i32
    %scan3A_113 = arith.addi %scan3A, %scan3A_112 : i32
    %scan3A_114 = arith.constant 1 : i32
    scf.for %scan3A_1197 = %scan3A to %scan3A_113 step %scan3A_114  : i32 {
      %mul3A_1198 = arith.constant 1 : i32
      %mul3A_1199 = arith.muli %scan3A_1197, %mul3A_1198 : i32
      %add3A_1200 = arith.constant 0 : i32
      %add3A_1201 = arith.addi %add3A_1200, %mul3A_1199 : i32
      %mul3A_1202 = arith.constant 16 : i32
      %mul3A_1203 = arith.muli %add3A_1201, %mul3A_1202 : i32
      %multiple_of3A = tpu.assume_multiple %mul3A_1203, 16 : i32
      %convert_element_type3A_1204 = arith.sitofp %multiple_of3A : i32 to f32
      %add3A_1205 = vector.broadcast %convert_element_type3A_1204 : f32 to vector<16xf32>
      %add3A_1206 = arith.addf %convert_element_type3A, %add3A_1205 : vector<16xf32>
      %broadcast_in_dim3A_1207 = arith.constant 0.000000e+00 : f32
      %broadcast_in_dim3A_1208 = vector.broadcast %broadcast_in_dim3A_1207 : f32 to vector<16xf32>
      %add3A_1209 = arith.addf %add3A_43, %add3A_1206 : vector<16xf32>
      %mul3A_1210 = arith.mulf %add3A_1209, %add3A_1209 : vector<16xf32>
      %mul3A_1211 = arith.mulf %neg3A_68, %mul3A_1210 : vector<16xf32>
      %exp3A = math.exp %mul3A_1211 : vector<16xf32>
      %mul3A_1212 = arith.mulf %gather3A_99, %exp3A : vector<16xf32>
      %add3A_1213 = arith.addf %broadcast_in_dim3A_1208, %mul3A_1212 : vector<16xf32>
      %add3A_1214 = arith.addf %add3A_48, %add3A_1206 : vector<16xf32>
      %mul3A_1215 = arith.mulf %add3A_1214, %add3A_1214 : vector<16xf32>
      %mul3A_1216 = arith.mulf %neg3A_75, %mul3A_1215 : vector<16xf32>
      %exp3A_1217 = math.exp %mul3A_1216 : vector<16xf32>
      %mul3A_1218 = arith.mulf %gather3A_102, %exp3A_1217 : vector<16xf32>
      %add3A_1219 = arith.addf %add3A_1213, %mul3A_1218 : vector<16xf32>
      %add3A_1220 = arith.addf %add3A_53, %add3A_1206 : vector<16xf32>
      %mul3A_1221 = arith.mulf %add3A_1220, %add3A_1220 : vector<16xf32>
      %mul3A_1222 = arith.mulf %neg3A_82, %mul3A_1221 : vector<16xf32>
      %exp3A_1223 = math.exp %mul3A_1222 : vector<16xf32>
      %mul3A_1224 = arith.mulf %gather3A_105, %exp3A_1223 : vector<16xf32>
      %add3A_1225 = arith.addf %add3A_1219, %mul3A_1224 : vector<16xf32>
      %add3A_1226 = arith.addf %add3A_58, %add3A_1206 : vector<16xf32>
      %mul3A_1227 = arith.mulf %add3A_1226, %add3A_1226 : vector<16xf32>
      %mul3A_1228 = arith.mulf %neg3A_89, %mul3A_1227 : vector<16xf32>
      %exp3A_1229 = math.exp %mul3A_1228 : vector<16xf32>
      %mul3A_1230 = arith.mulf %gather3A_108, %exp3A_1229 : vector<16xf32>
      %add3A_1231 = arith.addf %add3A_1225, %mul3A_1230 : vector<16xf32>
      %add3A_1232 = arith.addf %add3A_63, %add3A_1206 : vector<16xf32>
      %mul3A_1233 = arith.mulf %add3A_1232, %add3A_1232 : vector<16xf32>
      %mul3A_1234 = arith.mulf %neg3A_96, %mul3A_1233 : vector<16xf32>
      %exp3A_1235 = math.exp %mul3A_1234 : vector<16xf32>
      %mul3A_1236 = arith.mulf %gather3A_111, %exp3A_1235 : vector<16xf32>
      %add3A_1237 = arith.addf %add3A_1231, %mul3A_1236 : vector<16xf32>
      %swap3A = arith.constant 0 : i32
      %swap3A_1238 = arith.index_cast %swap3A : i32 to index
      %swap3A_1239 = arith.index_cast %multiple_of3A : i32 to index
      %swap3A_1240 = tpu.vector_load %arg5[%swap3A_1238, %swap3A_1239] {strides = array<i32>} : memref<12x2560xf32, #tpu.memory_space<vmem>>, vector<16xf32>,
      tpu.vector_store %arg5[%swap3A_1238, %swap3A_1239], %add3A_1237 {strides = array<i32>} : memref<12x2560xf32, #tpu.memory_space<vmem>>, vector<16xf32>,
    }
    %scan3A_115 = arith.constant 160 : i32
    %scan3A_116 = arith.constant 0 : i32
    %scan3A_117 = arith.constant 64 : i32
    %scan3A_118 = arith.addi %scan3A_116, %scan3A_117 : i32
    %scan3A_119 = arith.constant 1 : i32
    scf.for %scan3A_1197 = %scan3A_116 to %scan3A_118 step %scan3A_119  : i32 {
      %mul3A_1198 = arith.constant 1 : i32
      %mul3A_1199 = arith.muli %scan3A_1197, %mul3A_1198 : i32
      %add3A_1200 = arith.constant 0 : i32
      %add3A_1201 = arith.addi %add3A_1200, %mul3A_1199 : i32
      %add3A_1202 = arith.addi %mul3A_32, %add3A_1201 : i32
      %mul3A_1203 = arith.constant 8 : i32
      %mul3A_1204 = arith.muli %mul3A_1203, %add3A_1202 : i32
      %add3A_1205 = arith.addi %mul3A_1204, %select_n3A_9 : i32
      %sub3A_1206 = arith.constant 63 : i32
      %sub3A_1207 = arith.subi %sub3A_1206, %add3A_1201 : i32
      %mul3A_1208 = arith.constant 8 : i32
      %mul3A_1209 = arith.muli %mul3A_1208, %sub3A_1207 : i32
      %multiple_of3A = tpu.assume_multiple %mul3A_1209, 8 : i32
      %dma_start3A = arith.constant 0 : i32
      %dma_start3A_1210 = arith.constant 0 : i32
      %dma_start3A_1211 = tpu.memref_slice %arg5[%dma_start3A, %multiple_of3A] : memref<12x2560xf32, #tpu.memory_space<vmem>> -> memref<1x2048xf32, #tpu.memory_space<vmem>>
      %dma_start3A_1212 = tpu.memref_squeeze %dma_start3A_1211 : memref<1x2048xf32, #tpu.memory_space<vmem>> -> memref<2048xf32, #tpu.memory_space<vmem>>
      %dma_start3A_1213 = arith.constant 0 : i32
      %dma_start3A_1214 = tpu.memref_slice %arg3[%dma_start3A_1210, %add3A_1205, %dma_start3A_1213] : memref<12x2048x2048xf32, #tpu.memory_space<hbm>> -> memref<1x1x2048xf32, #tpu.memory_space<hbm>>
      %dma_start3A_1215 = tpu.memref_squeeze %dma_start3A_1214 : memref<1x1x2048xf32, #tpu.memory_space<hbm>> -> memref<2048xf32, #tpu.memory_space<hbm>>
      %dma_start3A_1216 = arith.constant 0 : i32
      %dma_start3A_1217 = tpu.memref_slice %arg3[%dma_start3A_1210, %add3A_1205, %dma_start3A_1216] : memref<12x2048x2048xf32, #tpu.memory_space<hbm>> -> memref<1x1x2048xf32, #tpu.memory_space<hbm>>
      %dma_start3A_1218 = tpu.memref_squeeze %dma_start3A_1217 : memref<1x1x2048xf32, #tpu.memory_space<hbm>> -> memref<2048xf32, #tpu.memory_space<hbm>>
      %dma_start3A_1219 = tpu.memref_slice %arg5[%dma_start3A, %multiple_of3A] : memref<12x2560xf32, #tpu.memory_space<vmem>> -> memref<1x2048xf32, #tpu.memory_space<vmem>>
      %dma_start3A_1220 = tpu.memref_squeeze %dma_start3A_1219 : memref<1x2048xf32, #tpu.memory_space<vmem>> -> memref<2048xf32, #tpu.memory_space<vmem>>
      tpu.enqueue_dma source(%dma_start3A_1220 : memref<2048xf32, #tpu.memory_space<vmem>>) target(%dma_start3A_1218 : memref<2048xf32, #tpu.memory_space<hbm>>) target_semaphore(%arg6 : memref<!tpu.dma_semaphore, #tpu.memory_space<semaphore_mem>>)
    }
    %scan3A_120 = arith.constant 64 : i32
    %broadcast_in_dim3A_121 = arith.constant 1 : i32
    %broadcast_in_dim3A_122 = vector.broadcast %broadcast_in_dim3A_121 : i32 to vector<16xi32>
    %broadcast_in_dim3A_123 = arith.constant 1 : i32
    %broadcast_in_dim3A_124 = vector.broadcast %broadcast_in_dim3A_123 : i32 to vector<16xi32>
    %gather3A_125 = tpu.vector_load_idx %arg4[%broadcast_in_dim3A_122, %broadcast_in_dim3A_124] : memref<12x16xf32, #tpu.memory_space<vmem>>[vector<16xi32>, vector<16xi32>], vector<16xf32>,
    %add3A_126 = vector.broadcast %convert_element_type3A_38 : f32 to vector<16xf32>
    %add3A_127 = arith.addf %gather3A_125, %add3A_126 : vector<16xf32>
    %broadcast_in_dim3A_128 = arith.constant 2 : i32
    %broadcast_in_dim3A_129 = vector.broadcast %broadcast_in_dim3A_128 : i32 to vector<16xi32>
    %gather3A_130 = tpu.vector_load_idx %arg4[%broadcast_in_dim3A_122, %broadcast_in_dim3A_129] : memref<12x16xf32, #tpu.memory_space<vmem>>[vector<16xi32>, vector<16xi32>], vector<16xf32>,
    %add3A_131 = vector.broadcast %convert_element_type3A_38 : f32 to vector<16xf32>
    %add3A_132 = arith.addf %gather3A_130, %add3A_131 : vector<16xf32>
    %broadcast_in_dim3A_133 = arith.constant 3 : i32
    %broadcast_in_dim3A_134 = vector.broadcast %broadcast_in_dim3A_133 : i32 to vector<16xi32>
    %gather3A_135 = tpu.vector_load_idx %arg4[%broadcast_in_dim3A_122, %broadcast_in_dim3A_134] : memref<12x16xf32, #tpu.memory_space<vmem>>[vector<16xi32>, vector<16xi32>], vector<16xf32>,
    %add3A_136 = vector.broadcast %convert_element_type3A_38 : f32 to vector<16xf32>
    %add3A_137 = arith.addf %gather3A_135, %add3A_136 : vector<16xf32>
    %broadcast_in_dim3A_138 = arith.constant 4 : i32
    %broadcast_in_dim3A_139 = vector.broadcast %broadcast_in_dim3A_138 : i32 to vector<16xi32>
    %gather3A_140 = tpu.vector_load_idx %arg4[%broadcast_in_dim3A_122, %broadcast_in_dim3A_139] : memref<12x16xf32, #tpu.memory_space<vmem>>[vector<16xi32>, vector<16xi32>], vector<16xf32>,
    %add3A_141 = vector.broadcast %convert_element_type3A_38 : f32 to vector<16xf32>
    %add3A_142 = arith.addf %gather3A_140, %add3A_141 : vector<16xf32>
    %broadcast_in_dim3A_143 = arith.constant 5 : i32
    %broadcast_in_dim3A_144 = vector.broadcast %broadcast_in_dim3A_143 : i32 to vector<16xi32>
    %gather3A_145 = tpu.vector_load_idx %arg4[%broadcast_in_dim3A_122, %broadcast_in_dim3A_144] : memref<12x16xf32, #tpu.memory_space<vmem>>[vector<16xi32>, vector<16xi32>], vector<16xf32>,
    %add3A_146 = vector.broadcast %convert_element_type3A_38 : f32 to vector<16xf32>
    %add3A_147 = arith.addf %gather3A_145, %add3A_146 : vector<16xf32>
    %broadcast_in_dim3A_148 = arith.constant 6 : i32
    %broadcast_in_dim3A_149 = vector.broadcast %broadcast_in_dim3A_148 : i32 to vector<16xi32>
    %gather3A_150 = tpu.vector_load_idx %arg4[%broadcast_in_dim3A_122, %broadcast_in_dim3A_149] : memref<12x16xf32, #tpu.memory_space<vmem>>[vector<16xi32>, vector<16xi32>], vector<16xf32>,
    %abs3A_151 = math.absf %gather3A_150 : vector<16xf32>
    %neg3A_152 = arith.constant 0.000000e+00 : f32
    %neg3A_153 = vector.broadcast %neg3A_152 : f32 to vector<16xf32>
    %neg3A_154 = arith.subf %neg3A_153, %abs3A_151 : vector<16xf32>
    %broadcast_in_dim3A_155 = arith.constant 7 : i32
    %broadcast_in_dim3A_156 = vector.broadcast %broadcast_in_dim3A_155 : i32 to vector<16xi32>
    %gather3A_157 = tpu.vector_load_idx %arg4[%broadcast_in_dim3A_122, %broadcast_in_dim3A_156] : memref<12x16xf32, #tpu.memory_space<vmem>>[vector<16xi32>, vector<16xi32>], vector<16xf32>,
    %abs3A_158 = math.absf %gather3A_157 : vector<16xf32>
    %neg3A_159 = arith.constant 0.000000e+00 : f32
    %neg3A_160 = vector.broadcast %neg3A_159 : f32 to vector<16xf32>
    %neg3A_161 = arith.subf %neg3A_160, %abs3A_158 : vector<16xf32>
    %broadcast_in_dim3A_162 = arith.constant 8 : i32
    %broadcast_in_dim3A_163 = vector.broadcast %broadcast_in_dim3A_162 : i32 to vector<16xi32>
    %gather3A_164 = tpu.vector_load_idx %arg4[%broadcast_in_dim3A_122, %broadcast_in_dim3A_163] : memref<12x16xf32, #tpu.memory_space<vmem>>[vector<16xi32>, vector<16xi32>], vector<16xf32>,
    %abs3A_165 = math.absf %gather3A_164 : vector<16xf32>
    %neg3A_166 = arith.constant 0.000000e+00 : f32
    %neg3A_167 = vector.broadcast %neg3A_166 : f32 to vector<16xf32>
    %neg3A_168 = arith.subf %neg3A_167, %abs3A_165 : vector<16xf32>
    %broadcast_in_dim3A_169 = arith.constant 9 : i32
    %broadcast_in_dim3A_170 = vector.broadcast %broadcast_in_dim3A_169 : i32 to vector<16xi32>
    %gather3A_171 = tpu.vector_load_idx %arg4[%broadcast_in_dim3A_122, %broadcast_in_dim3A_170] : memref<12x16xf32, #tpu.memory_space<vmem>>[vector<16xi32>, vector<16xi32>], vector<16xf32>,
    %abs3A_172 = math.absf %gather3A_171 : vector<16xf32>
    %neg3A_173 = arith.constant 0.000000e+00 : f32
    %neg3A_174 = vector.broadcast %neg3A_173 : f32 to vector<16xf32>
    %neg3A_175 = arith.subf %neg3A_174, %abs3A_172 : vector<16xf32>
    %broadcast_in_dim3A_176 = arith.constant 10 : i32
    %broadcast_in_dim3A_177 = vector.broadcast %broadcast_in_dim3A_176 : i32 to vector<16xi32>
    %gather3A_178 = tpu.vector_load_idx %arg4[%broadcast_in_dim3A_122, %broadcast_in_dim3A_177] : memref<12x16xf32, #tpu.memory_space<vmem>>[vector<16xi32>, vector<16xi32>], vector<16xf32>,
    %abs3A_179 = math.absf %gather3A_178 : vector<16xf32>
    %neg3A_180 = arith.constant 0.000000e+00 : f32
    %neg3A_181 = vector.broadcast %neg3A_180 : f32 to vector<16xf32>
    %neg3A_182 = arith.subf %neg3A_181, %abs3A_179 : vector<16xf32>
    %broadcast_in_dim3A_183 = arith.constant 11 : i32
    %broadcast_in_dim3A_184 = vector.broadcast %broadcast_in_dim3A_183 : i32 to vector<16xi32>
    %gather3A_185 = tpu.vector_load_idx %arg4[%broadcast_in_dim3A_122, %broadcast_in_dim3A_184] : memref<12x16xf32, #tpu.memory_space<vmem>>[vector<16xi32>, vector<16xi32>], vector<16xf32>,
    %broadcast_in_dim3A_186 = arith.constant 12 : i32
    %broadcast_in_dim3A_187 = vector.broadcast %broadcast_in_dim3A_186 : i32 to vector<16xi32>
    %gather3A_188 = tpu.vector_load_idx %arg4[%broadcast_in_dim3A_122, %broadcast_in_dim3A_187] : memref<12x16xf32, #tpu.memory_space<vmem>>[vector<16xi32>, vector<16xi32>], vector<16xf32>,
    %broadcast_in_dim3A_189 = arith.constant 13 : i32
    %broadcast_in_dim3A_190 = vector.broadcast %broadcast_in_dim3A_189 : i32 to vector<16xi32>
    %gather3A_191 = tpu.vector_load_idx %arg4[%broadcast_in_dim3A_122, %broadcast_in_dim3A_190] : memref<12x16xf32, #tpu.memory_space<vmem>>[vector<16xi32>, vector<16xi32>], vector<16xf32>,
    %broadcast_in_dim3A_192 = arith.constant 14 : i32
    %broadcast_in_dim3A_193 = vector.broadcast %broadcast_in_dim3A_192 : i32 to vector<16xi32>
    %gather3A_194 = tpu.vector_load_idx %arg4[%broadcast_in_dim3A_122, %broadcast_in_dim3A_193] : memref<12x16xf32, #tpu.memory_space<vmem>>[vector<16xi32>, vector<16xi32>], vector<16xf32>,
    %broadcast_in_dim3A_195 = arith.constant 15 : i32
    %broadcast_in_dim3A_196 = vector.broadcast %broadcast_in_dim3A_195 : i32 to vector<16xi32>
    %gather3A_197 = tpu.vector_load_idx %arg4[%broadcast_in_dim3A_122, %broadcast_in_dim3A_196] : memref<12x16xf32, #tpu.memory_space<vmem>>[vector<16xi32>, vector<16xi32>], vector<16xf32>,
    %scan3A_198 = arith.constant 0 : i32
    %scan3A_199 = arith.constant 160 : i32
    %scan3A_200 = arith.addi %scan3A_198, %scan3A_199 : i32
    %scan3A_201 = arith.constant 1 : i32
    scf.for %scan3A_1197 = %scan3A_198 to %scan3A_200 step %scan3A_201  : i32 {
      %mul3A_1198 = arith.constant 1 : i32
      %mul3A_1199 = arith.muli %scan3A_1197, %mul3A_1198 : i32
      %add3A_1200 = arith.constant 0 : i32
      %add3A_1201 = arith.addi %add3A_1200, %mul3A_1199 : i32
      %mul3A_1202 = arith.constant 16 : i32
      %mul3A_1203 = arith.muli %add3A_1201, %mul3A_1202 : i32
      %multiple_of3A = tpu.assume_multiple %mul3A_1203, 16 : i32
      %convert_element_type3A_1204 = arith.sitofp %multiple_of3A : i32 to f32
      %add3A_1205 = vector.broadcast %convert_element_type3A_1204 : f32 to vector<16xf32>
      %add3A_1206 = arith.addf %convert_element_type3A, %add3A_1205 : vector<16xf32>
      %broadcast_in_dim3A_1207 = arith.constant 0.000000e+00 : f32
      %broadcast_in_dim3A_1208 = vector.broadcast %broadcast_in_dim3A_1207 : f32 to vector<16xf32>
      %add3A_1209 = arith.addf %add3A_127, %add3A_1206 : vector<16xf32>
      %mul3A_1210 = arith.mulf %add3A_1209, %add3A_1209 : vector<16xf32>
      %mul3A_1211 = arith.mulf %neg3A_154, %mul3A_1210 : vector<16xf32>
      %exp3A = math.exp %mul3A_1211 : vector<16xf32>
      %mul3A_1212 = arith.mulf %gather3A_185, %exp3A : vector<16xf32>
      %add3A_1213 = arith.addf %broadcast_in_dim3A_1208, %mul3A_1212 : vector<16xf32>
      %add3A_1214 = arith.addf %add3A_132, %add3A_1206 : vector<16xf32>
      %mul3A_1215 = arith.mulf %add3A_1214, %add3A_1214 : vector<16xf32>
      %mul3A_1216 = arith.mulf %neg3A_161, %mul3A_1215 : vector<16xf32>
      %exp3A_1217 = math.exp %mul3A_1216 : vector<16xf32>
      %mul3A_1218 = arith.mulf %gather3A_188, %exp3A_1217 : vector<16xf32>
      %add3A_1219 = arith.addf %add3A_1213, %mul3A_1218 : vector<16xf32>
      %add3A_1220 = arith.addf %add3A_137, %add3A_1206 : vector<16xf32>
      %mul3A_1221 = arith.mulf %add3A_1220, %add3A_1220 : vector<16xf32>
      %mul3A_1222 = arith.mulf %neg3A_168, %mul3A_1221 : vector<16xf32>
      %exp3A_1223 = math.exp %mul3A_1222 : vector<16xf32>
      %mul3A_1224 = arith.mulf %gather3A_191, %exp3A_1223 : vector<16xf32>
      %add3A_1225 = arith.addf %add3A_1219, %mul3A_1224 : vector<16xf32>
      %add3A_1226 = arith.addf %add3A_142, %add3A_1206 : vector<16xf32>
      %mul3A_1227 = arith.mulf %add3A_1226, %add3A_1226 : vector<16xf32>
      %mul3A_1228 = arith.mulf %neg3A_175, %mul3A_1227 : vector<16xf32>
      %exp3A_1229 = math.exp %mul3A_1228 : vector<16xf32>
      %mul3A_1230 = arith.mulf %gather3A_194, %exp3A_1229 : vector<16xf32>
      %add3A_1231 = arith.addf %add3A_1225, %mul3A_1230 : vector<16xf32>
      %add3A_1232 = arith.addf %add3A_147, %add3A_1206 : vector<16xf32>
      %mul3A_1233 = arith.mulf %add3A_1232, %add3A_1232 : vector<16xf32>
      %mul3A_1234 = arith.mulf %neg3A_182, %mul3A_1233 : vector<16xf32>
      %exp3A_1235 = math.exp %mul3A_1234 : vector<16xf32>
      %mul3A_1236 = arith.mulf %gather3A_197, %exp3A_1235 : vector<16xf32>
      %add3A_1237 = arith.addf %add3A_1231, %mul3A_1236 : vector<16xf32>
      %swap3A = arith.constant 1 : i32
      %swap3A_1238 = arith.index_cast %swap3A : i32 to index
      %swap3A_1239 = arith.index_cast %multiple_of3A : i32 to index
      %swap3A_1240 = tpu.vector_load %arg5[%swap3A_1238, %swap3A_1239] {strides = array<i32>} : memref<12x2560xf32, #tpu.memory_space<vmem>>, vector<16xf32>,
      tpu.vector_store %arg5[%swap3A_1238, %swap3A_1239], %add3A_1237 {strides = array<i32>} : memref<12x2560xf32, #tpu.memory_space<vmem>>, vector<16xf32>,
    }
    %scan3A_202 = arith.constant 160 : i32
    %dma_wait3A = arith.constant 0 : i32
    %dma_wait3A_203 = arith.constant 0 : i32
    %dma_wait3A_204 = arith.constant 0 : i32
    %dma_wait3A_205 = arith.constant 0 : i32
    %dma_wait3A_206 = tpu.memref_slice %arg3[%dma_wait3A_203, %dma_wait3A_204, %dma_wait3A_205] : memref<12x2048x2048xf32, #tpu.memory_space<hbm>> -> memref<1x64x2048xf32, #tpu.memory_space<hbm>>
    %dma_wait3A_207 = tpu.memref_squeeze %dma_wait3A_206 : memref<1x64x2048xf32, #tpu.memory_space<hbm>> -> memref<64x2048xf32, #tpu.memory_space<hbm>>
    %dma_wait3A_208 = arith.constant 0 : i32
    %dma_wait3A_209 = arith.constant 0 : i32
    %dma_wait3A_210 = tpu.memref_slice %arg3[%dma_wait3A, %dma_wait3A_208, %dma_wait3A_209] : memref<12x2048x2048xf32, #tpu.memory_space<hbm>> -> memref<1x64x2048xf32, #tpu.memory_space<hbm>>
    %dma_wait3A_211 = tpu.memref_squeeze %dma_wait3A_210 : memref<1x64x2048xf32, #tpu.memory_space<hbm>> -> memref<64x2048xf32, #tpu.memory_space<hbm>>
    tpu.wait_dma2 semaphore(%arg6 : memref<!tpu.dma_semaphore, #tpu.memory_space<semaphore_mem>>) src(%dma_wait3A_211 : memref<64x2048xf32, #tpu.memory_space<hbm>>) dst(%dma_wait3A_207 : memref<64x2048xf32, #tpu.memory_space<hbm>>)
    %scan3A_212 = arith.constant 0 : i32
    %scan3A_213 = arith.constant 64 : i32
    %scan3A_214 = arith.addi %scan3A_212, %scan3A_213 : i32
    %scan3A_215 = arith.constant 1 : i32
    scf.for %scan3A_1197 = %scan3A_212 to %scan3A_214 step %scan3A_215  : i32 {
      %mul3A_1198 = arith.constant 1 : i32
      %mul3A_1199 = arith.muli %scan3A_1197, %mul3A_1198 : i32
      %add3A_1200 = arith.constant 0 : i32
      %add3A_1201 = arith.addi %add3A_1200, %mul3A_1199 : i32
      %add3A_1202 = arith.addi %mul3A_32, %add3A_1201 : i32
      %mul3A_1203 = arith.constant 8 : i32
      %mul3A_1204 = arith.muli %mul3A_1203, %add3A_1202 : i32
      %add3A_1205 = arith.addi %mul3A_1204, %select_n3A_9 : i32
      %sub3A_1206 = arith.constant 63 : i32
      %sub3A_1207 = arith.subi %sub3A_1206, %add3A_1201 : i32
      %mul3A_1208 = arith.constant 8 : i32
      %mul3A_1209 = arith.muli %mul3A_1208, %sub3A_1207 : i32
      %multiple_of3A = tpu.assume_multiple %mul3A_1209, 8 : i32
      %dma_start3A = arith.constant 1 : i32
      %dma_start3A_1210 = arith.constant 1 : i32
      %dma_start3A_1211 = tpu.memref_slice %arg5[%dma_start3A, %multiple_of3A] : memref<12x2560xf32, #tpu.memory_space<vmem>> -> memref<1x2048xf32, #tpu.memory_space<vmem>>
      %dma_start3A_1212 = tpu.memref_squeeze %dma_start3A_1211 : memref<1x2048xf32, #tpu.memory_space<vmem>> -> memref<2048xf32, #tpu.memory_space<vmem>>
      %dma_start3A_1213 = arith.constant 0 : i32
      %dma_start3A_1214 = tpu.memref_slice %arg3[%dma_start3A_1210, %add3A_1205, %dma_start3A_1213] : memref<12x2048x2048xf32, #tpu.memory_space<hbm>> -> memref<1x1x2048xf32, #tpu.memory_space<hbm>>
      %dma_start3A_1215 = tpu.memref_squeeze %dma_start3A_1214 : memref<1x1x2048xf32, #tpu.memory_space<hbm>> -> memref<2048xf32, #tpu.memory_space<hbm>>
      %dma_start3A_1216 = arith.constant 0 : i32
      %dma_start3A_1217 = tpu.memref_slice %arg3[%dma_start3A_1210, %add3A_1205, %dma_start3A_1216] : memref<12x2048x2048xf32, #tpu.memory_space<hbm>> -> memref<1x1x2048xf32, #tpu.memory_space<hbm>>
      %dma_start3A_1218 = tpu.memref_squeeze %dma_start3A_1217 : memref<1x1x2048xf32, #tpu.memory_space<hbm>> -> memref<2048xf32, #tpu.memory_space<hbm>>
      %dma_start3A_1219 = tpu.memref_slice %arg5[%dma_start3A, %multiple_of3A] : memref<12x2560xf32, #tpu.memory_space<vmem>> -> memref<1x2048xf32, #tpu.memory_space<vmem>>
      %dma_start3A_1220 = tpu.memref_squeeze %dma_start3A_1219 : memref<1x2048xf32, #tpu.memory_space<vmem>> -> memref<2048xf32, #tpu.memory_space<vmem>>
      tpu.enqueue_dma source(%dma_start3A_1220 : memref<2048xf32, #tpu.memory_space<vmem>>) target(%dma_start3A_1218 : memref<2048xf32, #tpu.memory_space<hbm>>) target_semaphore(%arg6 : memref<!tpu.dma_semaphore, #tpu.memory_space<semaphore_mem>>)
    }
    %scan3A_216 = arith.constant 64 : i32
    %broadcast_in_dim3A_217 = arith.constant 2 : i32
    %broadcast_in_dim3A_218 = vector.broadcast %broadcast_in_dim3A_217 : i32 to vector<16xi32>
    %broadcast_in_dim3A_219 = arith.constant 1 : i32
    %broadcast_in_dim3A_220 = vector.broadcast %broadcast_in_dim3A_219 : i32 to vector<16xi32>
    %gather3A_221 = tpu.vector_load_idx %arg4[%broadcast_in_dim3A_218, %broadcast_in_dim3A_220] : memref<12x16xf32, #tpu.memory_space<vmem>>[vector<16xi32>, vector<16xi32>], vector<16xf32>,
    %add3A_222 = vector.broadcast %convert_element_type3A_38 : f32 to vector<16xf32>
    %add3A_223 = arith.addf %gather3A_221, %add3A_222 : vector<16xf32>
    %broadcast_in_dim3A_224 = arith.constant 2 : i32
    %broadcast_in_dim3A_225 = vector.broadcast %broadcast_in_dim3A_224 : i32 to vector<16xi32>
    %gather3A_226 = tpu.vector_load_idx %arg4[%broadcast_in_dim3A_218, %broadcast_in_dim3A_225] : memref<12x16xf32, #tpu.memory_space<vmem>>[vector<16xi32>, vector<16xi32>], vector<16xf32>,
    %add3A_227 = vector.broadcast %convert_element_type3A_38 : f32 to vector<16xf32>
    %add3A_228 = arith.addf %gather3A_226, %add3A_227 : vector<16xf32>
    %broadcast_in_dim3A_229 = arith.constant 3 : i32
    %broadcast_in_dim3A_230 = vector.broadcast %broadcast_in_dim3A_229 : i32 to vector<16xi32>
    %gather3A_231 = tpu.vector_load_idx %arg4[%broadcast_in_dim3A_218, %broadcast_in_dim3A_230] : memref<12x16xf32, #tpu.memory_space<vmem>>[vector<16xi32>, vector<16xi32>], vector<16xf32>,
    %add3A_232 = vector.broadcast %convert_element_type3A_38 : f32 to vector<16xf32>
    %add3A_233 = arith.addf %gather3A_231, %add3A_232 : vector<16xf32>
    %broadcast_in_dim3A_234 = arith.constant 4 : i32
    %broadcast_in_dim3A_235 = vector.broadcast %broadcast_in_dim3A_234 : i32 to vector<16xi32>
    %gather3A_236 = tpu.vector_load_idx %arg4[%broadcast_in_dim3A_218, %broadcast_in_dim3A_235] : memref<12x16xf32, #tpu.memory_space<vmem>>[vector<16xi32>, vector<16xi32>], vector<16xf32>,
    %add3A_237 = vector.broadcast %convert_element_type3A_38 : f32 to vector<16xf32>
    %add3A_238 = arith.addf %gather3A_236, %add3A_237 : vector<16xf32>
    %broadcast_in_dim3A_239 = arith.constant 5 : i32
    %broadcast_in_dim3A_240 = vector.broadcast %broadcast_in_dim3A_239 : i32 to vector<16xi32>
    %gather3A_241 = tpu.vector_load_idx %arg4[%broadcast_in_dim3A_218, %broadcast_in_dim3A_240] : memref<12x16xf32, #tpu.memory_space<vmem>>[vector<16xi32>, vector<16xi32>], vector<16xf32>,
    %add3A_242 = vector.broadcast %convert_element_type3A_38 : f32 to vector<16xf32>
    %add3A_243 = arith.addf %gather3A_241, %add3A_242 : vector<16xf32>
    %broadcast_in_dim3A_244 = arith.constant 6 : i32
    %broadcast_in_dim3A_245 = vector.broadcast %broadcast_in_dim3A_244 : i32 to vector<16xi32>
    %gather3A_246 = tpu.vector_load_idx %arg4[%broadcast_in_dim3A_218, %broadcast_in_dim3A_245] : memref<12x16xf32, #tpu.memory_space<vmem>>[vector<16xi32>, vector<16xi32>], vector<16xf32>,
    %abs3A_247 = math.absf %gather3A_246 : vector<16xf32>
    %neg3A_248 = arith.constant 0.000000e+00 : f32
    %neg3A_249 = vector.broadcast %neg3A_248 : f32 to vector<16xf32>
    %neg3A_250 = arith.subf %neg3A_249, %abs3A_247 : vector<16xf32>
    %broadcast_in_dim3A_251 = arith.constant 7 : i32
    %broadcast_in_dim3A_252 = vector.broadcast %broadcast_in_dim3A_251 : i32 to vector<16xi32>
    %gather3A_253 = tpu.vector_load_idx %arg4[%broadcast_in_dim3A_218, %broadcast_in_dim3A_252] : memref<12x16xf32, #tpu.memory_space<vmem>>[vector<16xi32>, vector<16xi32>], vector<16xf32>,
    %abs3A_254 = math.absf %gather3A_253 : vector<16xf32>
    %neg3A_255 = arith.constant 0.000000e+00 : f32
    %neg3A_256 = vector.broadcast %neg3A_255 : f32 to vector<16xf32>
    %neg3A_257 = arith.subf %neg3A_256, %abs3A_254 : vector<16xf32>
    %broadcast_in_dim3A_258 = arith.constant 8 : i32
    %broadcast_in_dim3A_259 = vector.broadcast %broadcast_in_dim3A_258 : i32 to vector<16xi32>
    %gather3A_260 = tpu.vector_load_idx %arg4[%broadcast_in_dim3A_218, %broadcast_in_dim3A_259] : memref<12x16xf32, #tpu.memory_space<vmem>>[vector<16xi32>, vector<16xi32>], vector<16xf32>,
    %abs3A_261 = math.absf %gather3A_260 : vector<16xf32>
    %neg3A_262 = arith.constant 0.000000e+00 : f32
    %neg3A_263 = vector.broadcast %neg3A_262 : f32 to vector<16xf32>
    %neg3A_264 = arith.subf %neg3A_263, %abs3A_261 : vector<16xf32>
    %broadcast_in_dim3A_265 = arith.constant 9 : i32
    %broadcast_in_dim3A_266 = vector.broadcast %broadcast_in_dim3A_265 : i32 to vector<16xi32>
    %gather3A_267 = tpu.vector_load_idx %arg4[%broadcast_in_dim3A_218, %broadcast_in_dim3A_266] : memref<12x16xf32, #tpu.memory_space<vmem>>[vector<16xi32>, vector<16xi32>], vector<16xf32>,
    %abs3A_268 = math.absf %gather3A_267 : vector<16xf32>
    %neg3A_269 = arith.constant 0.000000e+00 : f32
    %neg3A_270 = vector.broadcast %neg3A_269 : f32 to vector<16xf32>
    %neg3A_271 = arith.subf %neg3A_270, %abs3A_268 : vector<16xf32>
    %broadcast_in_dim3A_272 = arith.constant 10 : i32
    %broadcast_in_dim3A_273 = vector.broadcast %broadcast_in_dim3A_272 : i32 to vector<16xi32>
    %gather3A_274 = tpu.vector_load_idx %arg4[%broadcast_in_dim3A_218, %broadcast_in_dim3A_273] : memref<12x16xf32, #tpu.memory_space<vmem>>[vector<16xi32>, vector<16xi32>], vector<16xf32>,
    %abs3A_275 = math.absf %gather3A_274 : vector<16xf32>
    %neg3A_276 = arith.constant 0.000000e+00 : f32
    %neg3A_277 = vector.broadcast %neg3A_276 : f32 to vector<16xf32>
    %neg3A_278 = arith.subf %neg3A_277, %abs3A_275 : vector<16xf32>
    %broadcast_in_dim3A_279 = arith.constant 11 : i32
    %broadcast_in_dim3A_280 = vector.broadcast %broadcast_in_dim3A_279 : i32 to vector<16xi32>
    %gather3A_281 = tpu.vector_load_idx %arg4[%broadcast_in_dim3A_218, %broadcast_in_dim3A_280] : memref<12x16xf32, #tpu.memory_space<vmem>>[vector<16xi32>, vector<16xi32>], vector<16xf32>,
    %broadcast_in_dim3A_282 = arith.constant 12 : i32
    %broadcast_in_dim3A_283 = vector.broadcast %broadcast_in_dim3A_282 : i32 to vector<16xi32>
    %gather3A_284 = tpu.vector_load_idx %arg4[%broadcast_in_dim3A_218, %broadcast_in_dim3A_283] : memref<12x16xf32, #tpu.memory_space<vmem>>[vector<16xi32>, vector<16xi32>], vector<16xf32>,
    %broadcast_in_dim3A_285 = arith.constant 13 : i32
    %broadcast_in_dim3A_286 = vector.broadcast %broadcast_in_dim3A_285 : i32 to vector<16xi32>
    %gather3A_287 = tpu.vector_load_idx %arg4[%broadcast_in_dim3A_218, %broadcast_in_dim3A_286] : memref<12x16xf32, #tpu.memory_space<vmem>>[vector<16xi32>, vector<16xi32>], vector<16xf32>,
    %broadcast_in_dim3A_288 = arith.constant 14 : i32
    %broadcast_in_dim3A_289 = vector.broadcast %broadcast_in_dim3A_288 : i32 to vector<16xi32>
    %gather3A_290 = tpu.vector_load_idx %arg4[%broadcast_in_dim3A_218, %broadcast_in_dim3A_289] : memref<12x16xf32, #tpu.memory_space<vmem>>[vector<16xi32>, vector<16xi32>], vector<16xf32>,
    %broadcast_in_dim3A_291 = arith.constant 15 : i32
    %broadcast_in_dim3A_292 = vector.broadcast %broadcast_in_dim3A_291 : i32 to vector<16xi32>
    %gather3A_293 = tpu.vector_load_idx %arg4[%broadcast_in_dim3A_218, %broadcast_in_dim3A_292] : memref<12x16xf32, #tpu.memory_space<vmem>>[vector<16xi32>, vector<16xi32>], vector<16xf32>,
    %scan3A_294 = arith.constant 0 : i32
    %scan3A_295 = arith.constant 160 : i32
    %scan3A_296 = arith.addi %scan3A_294, %scan3A_295 : i32
    %scan3A_297 = arith.constant 1 : i32
    scf.for %scan3A_1197 = %scan3A_294 to %scan3A_296 step %scan3A_297  : i32 {
      %mul3A_1198 = arith.constant 1 : i32
      %mul3A_1199 = arith.muli %scan3A_1197, %mul3A_1198 : i32
      %add3A_1200 = arith.constant 0 : i32
      %add3A_1201 = arith.addi %add3A_1200, %mul3A_1199 : i32
      %mul3A_1202 = arith.constant 16 : i32
      %mul3A_1203 = arith.muli %add3A_1201, %mul3A_1202 : i32
      %multiple_of3A = tpu.assume_multiple %mul3A_1203, 16 : i32
      %convert_element_type3A_1204 = arith.sitofp %multiple_of3A : i32 to f32
      %add3A_1205 = vector.broadcast %convert_element_type3A_1204 : f32 to vector<16xf32>
      %add3A_1206 = arith.addf %convert_element_type3A, %add3A_1205 : vector<16xf32>
      %broadcast_in_dim3A_1207 = arith.constant 0.000000e+00 : f32
      %broadcast_in_dim3A_1208 = vector.broadcast %broadcast_in_dim3A_1207 : f32 to vector<16xf32>
      %add3A_1209 = arith.addf %add3A_223, %add3A_1206 : vector<16xf32>
      %mul3A_1210 = arith.mulf %add3A_1209, %add3A_1209 : vector<16xf32>
      %mul3A_1211 = arith.mulf %neg3A_250, %mul3A_1210 : vector<16xf32>
      %exp3A = math.exp %mul3A_1211 : vector<16xf32>
      %mul3A_1212 = arith.mulf %gather3A_281, %exp3A : vector<16xf32>
      %add3A_1213 = arith.addf %broadcast_in_dim3A_1208, %mul3A_1212 : vector<16xf32>
      %add3A_1214 = arith.addf %add3A_228, %add3A_1206 : vector<16xf32>
      %mul3A_1215 = arith.mulf %add3A_1214, %add3A_1214 : vector<16xf32>
      %mul3A_1216 = arith.mulf %neg3A_257, %mul3A_1215 : vector<16xf32>
      %exp3A_1217 = math.exp %mul3A_1216 : vector<16xf32>
      %mul3A_1218 = arith.mulf %gather3A_284, %exp3A_1217 : vector<16xf32>
      %add3A_1219 = arith.addf %add3A_1213, %mul3A_1218 : vector<16xf32>
      %add3A_1220 = arith.addf %add3A_233, %add3A_1206 : vector<16xf32>
      %mul3A_1221 = arith.mulf %add3A_1220, %add3A_1220 : vector<16xf32>
      %mul3A_1222 = arith.mulf %neg3A_264, %mul3A_1221 : vector<16xf32>
      %exp3A_1223 = math.exp %mul3A_1222 : vector<16xf32>
      %mul3A_1224 = arith.mulf %gather3A_287, %exp3A_1223 : vector<16xf32>
      %add3A_1225 = arith.addf %add3A_1219, %mul3A_1224 : vector<16xf32>
      %add3A_1226 = arith.addf %add3A_238, %add3A_1206 : vector<16xf32>
      %mul3A_1227 = arith.mulf %add3A_1226, %add3A_1226 : vector<16xf32>
      %mul3A_1228 = arith.mulf %neg3A_271, %mul3A_1227 : vector<16xf32>
      %exp3A_1229 = math.exp %mul3A_1228 : vector<16xf32>
      %mul3A_1230 = arith.mulf %gather3A_290, %exp3A_1229 : vector<16xf32>
      %add3A_1231 = arith.addf %add3A_1225, %mul3A_1230 : vector<16xf32>
      %add3A_1232 = arith.addf %add3A_243, %add3A_1206 : vector<16xf32>
      %mul3A_1233 = arith.mulf %add3A_1232, %add3A_1232 : vector<16xf32>
      %mul3A_1234 = arith.mulf %neg3A_278, %mul3A_1233 : vector<16xf32>
      %exp3A_1235 = math.exp %mul3A_1234 : vector<16xf32>
      %mul3A_1236 = arith.mulf %gather3A_293, %exp3A_1235 : vector<16xf32>
      %add3A_1237 = arith.addf %add3A_1231, %mul3A_1236 : vector<16xf32>
      %swap3A = arith.constant 2 : i32
      %swap3A_1238 = arith.index_cast %swap3A : i32 to index
      %swap3A_1239 = arith.index_cast %multiple_of3A : i32 to index
      %swap3A_1240 = tpu.vector_load %arg5[%swap3A_1238, %swap3A_1239] {strides = array<i32>} : memref<12x2560xf32, #tpu.memory_space<vmem>>, vector<16xf32>,
      tpu.vector_store %arg5[%swap3A_1238, %swap3A_1239], %add3A_1237 {strides = array<i32>} : memref<12x2560xf32, #tpu.memory_space<vmem>>, vector<16xf32>,
    }
    %scan3A_298 = arith.constant 160 : i32
    %dma_wait3A_299 = arith.constant 1 : i32
    %dma_wait3A_300 = arith.constant 1 : i32
    %dma_wait3A_301 = arith.constant 0 : i32
    %dma_wait3A_302 = arith.constant 0 : i32
    %dma_wait3A_303 = tpu.memref_slice %arg3[%dma_wait3A_300, %dma_wait3A_301, %dma_wait3A_302] : memref<12x2048x2048xf32, #tpu.memory_space<hbm>> -> memref<1x64x2048xf32, #tpu.memory_space<hbm>>
    %dma_wait3A_304 = tpu.memref_squeeze %dma_wait3A_303 : memref<1x64x2048xf32, #tpu.memory_space<hbm>> -> memref<64x2048xf32, #tpu.memory_space<hbm>>
    %dma_wait3A_305 = arith.constant 0 : i32
    %dma_wait3A_306 = arith.constant 0 : i32
    %dma_wait3A_307 = tpu.memref_slice %arg3[%dma_wait3A_299, %dma_wait3A_305, %dma_wait3A_306] : memref<12x2048x2048xf32, #tpu.memory_space<hbm>> -> memref<1x64x2048xf32, #tpu.memory_space<hbm>>
    %dma_wait3A_308 = tpu.memref_squeeze %dma_wait3A_307 : memref<1x64x2048xf32, #tpu.memory_space<hbm>> -> memref<64x2048xf32, #tpu.memory_space<hbm>>
    tpu.wait_dma2 semaphore(%arg6 : memref<!tpu.dma_semaphore, #tpu.memory_space<semaphore_mem>>) src(%dma_wait3A_308 : memref<64x2048xf32, #tpu.memory_space<hbm>>) dst(%dma_wait3A_304 : memref<64x2048xf32, #tpu.memory_space<hbm>>)
    %scan3A_309 = arith.constant 0 : i32
    %scan3A_310 = arith.constant 64 : i32
    %scan3A_311 = arith.addi %scan3A_309, %scan3A_310 : i32
    %scan3A_312 = arith.constant 1 : i32
    scf.for %scan3A_1197 = %scan3A_309 to %scan3A_311 step %scan3A_312  : i32 {
      %mul3A_1198 = arith.constant 1 : i32
      %mul3A_1199 = arith.muli %scan3A_1197, %mul3A_1198 : i32
      %add3A_1200 = arith.constant 0 : i32
      %add3A_1201 = arith.addi %add3A_1200, %mul3A_1199 : i32
      %add3A_1202 = arith.addi %mul3A_32, %add3A_1201 : i32
      %mul3A_1203 = arith.constant 8 : i32
      %mul3A_1204 = arith.muli %mul3A_1203, %add3A_1202 : i32
      %add3A_1205 = arith.addi %mul3A_1204, %select_n3A_9 : i32
      %sub3A_1206 = arith.constant 63 : i32
      %sub3A_1207 = arith.subi %sub3A_1206, %add3A_1201 : i32
      %mul3A_1208 = arith.constant 8 : i32
      %mul3A_1209 = arith.muli %mul3A_1208, %sub3A_1207 : i32
      %multiple_of3A = tpu.assume_multiple %mul3A_1209, 8 : i32
      %dma_start3A = arith.constant 2 : i32
      %dma_start3A_1210 = arith.constant 2 : i32
      %dma_start3A_1211 = tpu.memref_slice %arg5[%dma_start3A, %multiple_of3A] : memref<12x2560xf32, #tpu.memory_space<vmem>> -> memref<1x2048xf32, #tpu.memory_space<vmem>>
      %dma_start3A_1212 = tpu.memref_squeeze %dma_start3A_1211 : memref<1x2048xf32, #tpu.memory_space<vmem>> -> memref<2048xf32, #tpu.memory_space<vmem>>
      %dma_start3A_1213 = arith.constant 0 : i32
      %dma_start3A_1214 = tpu.memref_slice %arg3[%dma_start3A_1210, %add3A_1205, %dma_start3A_1213] : memref<12x2048x2048xf32, #tpu.memory_space<hbm>> -> memref<1x1x2048xf32, #tpu.memory_space<hbm>>
      %dma_start3A_1215 = tpu.memref_squeeze %dma_start3A_1214 : memref<1x1x2048xf32, #tpu.memory_space<hbm>> -> memref<2048xf32, #tpu.memory_space<hbm>>
      %dma_start3A_1216 = arith.constant 0 : i32
      %dma_start3A_1217 = tpu.memref_slice %arg3[%dma_start3A_1210, %add3A_1205, %dma_start3A_1216] : memref<12x2048x2048xf32, #tpu.memory_space<hbm>> -> memref<1x1x2048xf32, #tpu.memory_space<hbm>>
      %dma_start3A_1218 = tpu.memref_squeeze %dma_start3A_1217 : memref<1x1x2048xf32, #tpu.memory_space<hbm>> -> memref<2048xf32, #tpu.memory_space<hbm>>
      %dma_start3A_1219 = tpu.memref_slice %arg5[%dma_start3A, %multiple_of3A] : memref<12x2560xf32, #tpu.memory_space<vmem>> -> memref<1x2048xf32, #tpu.memory_space<vmem>>
      %dma_start3A_1220 = tpu.memref_squeeze %dma_start3A_1219 : memref<1x2048xf32, #tpu.memory_space<vmem>> -> memref<2048xf32, #tpu.memory_space<vmem>>
      tpu.enqueue_dma source(%dma_start3A_1220 : memref<2048xf32, #tpu.memory_space<vmem>>) target(%dma_start3A_1218 : memref<2048xf32, #tpu.memory_space<hbm>>) target_semaphore(%arg6 : memref<!tpu.dma_semaphore, #tpu.memory_space<semaphore_mem>>)
    }
    %scan3A_313 = arith.constant 64 : i32
    %broadcast_in_dim3A_314 = arith.constant 3 : i32
    %broadcast_in_dim3A_315 = vector.broadcast %broadcast_in_dim3A_314 : i32 to vector<16xi32>
    %broadcast_in_dim3A_316 = arith.constant 1 : i32
    %broadcast_in_dim3A_317 = vector.broadcast %broadcast_in_dim3A_316 : i32 to vector<16xi32>
    %gather3A_318 = tpu.vector_load_idx %arg4[%broadcast_in_dim3A_315, %broadcast_in_dim3A_317] : memref<12x16xf32, #tpu.memory_space<vmem>>[vector<16xi32>, vector<16xi32>], vector<16xf32>,
    %add3A_319 = vector.broadcast %convert_element_type3A_38 : f32 to vector<16xf32>
    %add3A_320 = arith.addf %gather3A_318, %add3A_319 : vector<16xf32>
    %broadcast_in_dim3A_321 = arith.constant 2 : i32
    %broadcast_in_dim3A_322 = vector.broadcast %broadcast_in_dim3A_321 : i32 to vector<16xi32>
    %gather3A_323 = tpu.vector_load_idx %arg4[%broadcast_in_dim3A_315, %broadcast_in_dim3A_322] : memref<12x16xf32, #tpu.memory_space<vmem>>[vector<16xi32>, vector<16xi32>], vector<16xf32>,
    %add3A_324 = vector.broadcast %convert_element_type3A_38 : f32 to vector<16xf32>
    %add3A_325 = arith.addf %gather3A_323, %add3A_324 : vector<16xf32>
    %broadcast_in_dim3A_326 = arith.constant 3 : i32
    %broadcast_in_dim3A_327 = vector.broadcast %broadcast_in_dim3A_326 : i32 to vector<16xi32>
    %gather3A_328 = tpu.vector_load_idx %arg4[%broadcast_in_dim3A_315, %broadcast_in_dim3A_327] : memref<12x16xf32, #tpu.memory_space<vmem>>[vector<16xi32>, vector<16xi32>], vector<16xf32>,
    %add3A_329 = vector.broadcast %convert_element_type3A_38 : f32 to vector<16xf32>
    %add3A_330 = arith.addf %gather3A_328, %add3A_329 : vector<16xf32>
    %broadcast_in_dim3A_331 = arith.constant 4 : i32
    %broadcast_in_dim3A_332 = vector.broadcast %broadcast_in_dim3A_331 : i32 to vector<16xi32>
    %gather3A_333 = tpu.vector_load_idx %arg4[%broadcast_in_dim3A_315, %broadcast_in_dim3A_332] : memref<12x16xf32, #tpu.memory_space<vmem>>[vector<16xi32>, vector<16xi32>], vector<16xf32>,
    %add3A_334 = vector.broadcast %convert_element_type3A_38 : f32 to vector<16xf32>
    %add3A_335 = arith.addf %gather3A_333, %add3A_334 : vector<16xf32>
    %broadcast_in_dim3A_336 = arith.constant 5 : i32
    %broadcast_in_dim3A_337 = vector.broadcast %broadcast_in_dim3A_336 : i32 to vector<16xi32>
    %gather3A_338 = tpu.vector_load_idx %arg4[%broadcast_in_dim3A_315, %broadcast_in_dim3A_337] : memref<12x16xf32, #tpu.memory_space<vmem>>[vector<16xi32>, vector<16xi32>], vector<16xf32>,
    %add3A_339 = vector.broadcast %convert_element_type3A_38 : f32 to vector<16xf32>
    %add3A_340 = arith.addf %gather3A_338, %add3A_339 : vector<16xf32>
    %broadcast_in_dim3A_341 = arith.constant 6 : i32
    %broadcast_in_dim3A_342 = vector.broadcast %broadcast_in_dim3A_341 : i32 to vector<16xi32>
    %gather3A_343 = tpu.vector_load_idx %arg4[%broadcast_in_dim3A_315, %broadcast_in_dim3A_342] : memref<12x16xf32, #tpu.memory_space<vmem>>[vector<16xi32>, vector<16xi32>], vector<16xf32>,
    %abs3A_344 = math.absf %gather3A_343 : vector<16xf32>
    %neg3A_345 = arith.constant 0.000000e+00 : f32
    %neg3A_346 = vector.broadcast %neg3A_345 : f32 to vector<16xf32>
    %neg3A_347 = arith.subf %neg3A_346, %abs3A_344 : vector<16xf32>
    %broadcast_in_dim3A_348 = arith.constant 7 : i32
    %broadcast_in_dim3A_349 = vector.broadcast %broadcast_in_dim3A_348 : i32 to vector<16xi32>
    %gather3A_350 = tpu.vector_load_idx %arg4[%broadcast_in_dim3A_315, %broadcast_in_dim3A_349] : memref<12x16xf32, #tpu.memory_space<vmem>>[vector<16xi32>, vector<16xi32>], vector<16xf32>,
    %abs3A_351 = math.absf %gather3A_350 : vector<16xf32>
    %neg3A_352 = arith.constant 0.000000e+00 : f32
    %neg3A_353 = vector.broadcast %neg3A_352 : f32 to vector<16xf32>
    %neg3A_354 = arith.subf %neg3A_353, %abs3A_351 : vector<16xf32>
    %broadcast_in_dim3A_355 = arith.constant 8 : i32
    %broadcast_in_dim3A_356 = vector.broadcast %broadcast_in_dim3A_355 : i32 to vector<16xi32>
    %gather3A_357 = tpu.vector_load_idx %arg4[%broadcast_in_dim3A_315, %broadcast_in_dim3A_356] : memref<12x16xf32, #tpu.memory_space<vmem>>[vector<16xi32>, vector<16xi32>], vector<16xf32>,
    %abs3A_358 = math.absf %gather3A_357 : vector<16xf32>
    %neg3A_359 = arith.constant 0.000000e+00 : f32
    %neg3A_360 = vector.broadcast %neg3A_359 : f32 to vector<16xf32>
    %neg3A_361 = arith.subf %neg3A_360, %abs3A_358 : vector<16xf32>
    %broadcast_in_dim3A_362 = arith.constant 9 : i32
    %broadcast_in_dim3A_363 = vector.broadcast %broadcast_in_dim3A_362 : i32 to vector<16xi32>
    %gather3A_364 = tpu.vector_load_idx %arg4[%broadcast_in_dim3A_315, %broadcast_in_dim3A_363] : memref<12x16xf32, #tpu.memory_space<vmem>>[vector<16xi32>, vector<16xi32>], vector<16xf32>,
    %abs3A_365 = math.absf %gather3A_364 : vector<16xf32>
    %neg3A_366 = arith.constant 0.000000e+00 : f32
    %neg3A_367 = vector.broadcast %neg3A_366 : f32 to vector<16xf32>
    %neg3A_368 = arith.subf %neg3A_367, %abs3A_365 : vector<16xf32>
    %broadcast_in_dim3A_369 = arith.constant 10 : i32
    %broadcast_in_dim3A_370 = vector.broadcast %broadcast_in_dim3A_369 : i32 to vector<16xi32>
    %gather3A_371 = tpu.vector_load_idx %arg4[%broadcast_in_dim3A_315, %broadcast_in_dim3A_370] : memref<12x16xf32, #tpu.memory_space<vmem>>[vector<16xi32>, vector<16xi32>], vector<16xf32>,
    %abs3A_372 = math.absf %gather3A_371 : vector<16xf32>
    %neg3A_373 = arith.constant 0.000000e+00 : f32
    %neg3A_374 = vector.broadcast %neg3A_373 : f32 to vector<16xf32>
    %neg3A_375 = arith.subf %neg3A_374, %abs3A_372 : vector<16xf32>
    %broadcast_in_dim3A_376 = arith.constant 11 : i32
    %broadcast_in_dim3A_377 = vector.broadcast %broadcast_in_dim3A_376 : i32 to vector<16xi32>
    %gather3A_378 = tpu.vector_load_idx %arg4[%broadcast_in_dim3A_315, %broadcast_in_dim3A_377] : memref<12x16xf32, #tpu.memory_space<vmem>>[vector<16xi32>, vector<16xi32>], vector<16xf32>,
    %broadcast_in_dim3A_379 = arith.constant 12 : i32
    %broadcast_in_dim3A_380 = vector.broadcast %broadcast_in_dim3A_379 : i32 to vector<16xi32>
    %gather3A_381 = tpu.vector_load_idx %arg4[%broadcast_in_dim3A_315, %broadcast_in_dim3A_380] : memref<12x16xf32, #tpu.memory_space<vmem>>[vector<16xi32>, vector<16xi32>], vector<16xf32>,
    %broadcast_in_dim3A_382 = arith.constant 13 : i32
    %broadcast_in_dim3A_383 = vector.broadcast %broadcast_in_dim3A_382 : i32 to vector<16xi32>
    %gather3A_384 = tpu.vector_load_idx %arg4[%broadcast_in_dim3A_315, %broadcast_in_dim3A_383] : memref<12x16xf32, #tpu.memory_space<vmem>>[vector<16xi32>, vector<16xi32>], vector<16xf32>,
    %broadcast_in_dim3A_385 = arith.constant 14 : i32
    %broadcast_in_dim3A_386 = vector.broadcast %broadcast_in_dim3A_385 : i32 to vector<16xi32>
    %gather3A_387 = tpu.vector_load_idx %arg4[%broadcast_in_dim3A_315, %broadcast_in_dim3A_386] : memref<12x16xf32, #tpu.memory_space<vmem>>[vector<16xi32>, vector<16xi32>], vector<16xf32>,
    %broadcast_in_dim3A_388 = arith.constant 15 : i32
    %broadcast_in_dim3A_389 = vector.broadcast %broadcast_in_dim3A_388 : i32 to vector<16xi32>
    %gather3A_390 = tpu.vector_load_idx %arg4[%broadcast_in_dim3A_315, %broadcast_in_dim3A_389] : memref<12x16xf32, #tpu.memory_space<vmem>>[vector<16xi32>, vector<16xi32>], vector<16xf32>,
    %scan3A_391 = arith.constant 0 : i32
    %scan3A_392 = arith.constant 160 : i32
    %scan3A_393 = arith.addi %scan3A_391, %scan3A_392 : i32
    %scan3A_394 = arith.constant 1 : i32
    scf.for %scan3A_1197 = %scan3A_391 to %scan3A_393 step %scan3A_394  : i32 {
      %mul3A_1198 = arith.constant 1 : i32
      %mul3A_1199 = arith.muli %scan3A_1197, %mul3A_1198 : i32
      %add3A_1200 = arith.constant 0 : i32
      %add3A_1201 = arith.addi %add3A_1200, %mul3A_1199 : i32
      %mul3A_1202 = arith.constant 16 : i32
      %mul3A_1203 = arith.muli %add3A_1201, %mul3A_1202 : i32
      %multiple_of3A = tpu.assume_multiple %mul3A_1203, 16 : i32
      %convert_element_type3A_1204 = arith.sitofp %multiple_of3A : i32 to f32
      %add3A_1205 = vector.broadcast %convert_element_type3A_1204 : f32 to vector<16xf32>
      %add3A_1206 = arith.addf %convert_element_type3A, %add3A_1205 : vector<16xf32>
      %broadcast_in_dim3A_1207 = arith.constant 0.000000e+00 : f32
      %broadcast_in_dim3A_1208 = vector.broadcast %broadcast_in_dim3A_1207 : f32 to vector<16xf32>
      %add3A_1209 = arith.addf %add3A_320, %add3A_1206 : vector<16xf32>
      %mul3A_1210 = arith.mulf %add3A_1209, %add3A_1209 : vector<16xf32>
      %mul3A_1211 = arith.mulf %neg3A_347, %mul3A_1210 : vector<16xf32>
      %exp3A = math.exp %mul3A_1211 : vector<16xf32>
      %mul3A_1212 = arith.mulf %gather3A_378, %exp3A : vector<16xf32>
      %add3A_1213 = arith.addf %broadcast_in_dim3A_1208, %mul3A_1212 : vector<16xf32>
      %add3A_1214 = arith.addf %add3A_325, %add3A_1206 : vector<16xf32>
      %mul3A_1215 = arith.mulf %add3A_1214, %add3A_1214 : vector<16xf32>
      %mul3A_1216 = arith.mulf %neg3A_354, %mul3A_1215 : vector<16xf32>
      %exp3A_1217 = math.exp %mul3A_1216 : vector<16xf32>
      %mul3A_1218 = arith.mulf %gather3A_381, %exp3A_1217 : vector<16xf32>
      %add3A_1219 = arith.addf %add3A_1213, %mul3A_1218 : vector<16xf32>
      %add3A_1220 = arith.addf %add3A_330, %add3A_1206 : vector<16xf32>
      %mul3A_1221 = arith.mulf %add3A_1220, %add3A_1220 : vector<16xf32>
      %mul3A_1222 = arith.mulf %neg3A_361, %mul3A_1221 : vector<16xf32>
      %exp3A_1223 = math.exp %mul3A_1222 : vector<16xf32>
      %mul3A_1224 = arith.mulf %gather3A_384, %exp3A_1223 : vector<16xf32>
      %add3A_1225 = arith.addf %add3A_1219, %mul3A_1224 : vector<16xf32>
      %add3A_1226 = arith.addf %add3A_335, %add3A_1206 : vector<16xf32>
      %mul3A_1227 = arith.mulf %add3A_1226, %add3A_1226 : vector<16xf32>
      %mul3A_1228 = arith.mulf %neg3A_368, %mul3A_1227 : vector<16xf32>
      %exp3A_1229 = math.exp %mul3A_1228 : vector<16xf32>
      %mul3A_1230 = arith.mulf %gather3A_387, %exp3A_1229 : vector<16xf32>
      %add3A_1231 = arith.addf %add3A_1225, %mul3A_1230 : vector<16xf32>
      %add3A_1232 = arith.addf %add3A_340, %add3A_1206 : vector<16xf32>
      %mul3A_1233 = arith.mulf %add3A_1232, %add3A_1232 : vector<16xf32>
      %mul3A_1234 = arith.mulf %neg3A_375, %mul3A_1233 : vector<16xf32>
      %exp3A_1235 = math.exp %mul3A_1234 : vector<16xf32>
      %mul3A_1236 = arith.mulf %gather3A_390, %exp3A_1235 : vector<16xf32>
      %add3A_1237 = arith.addf %add3A_1231, %mul3A_1236 : vector<16xf32>
      %swap3A = arith.constant 3 : i32
      %swap3A_1238 = arith.index_cast %swap3A : i32 to index
      %swap3A_1239 = arith.index_cast %multiple_of3A : i32 to index
      %swap3A_1240 = tpu.vector_load %arg5[%swap3A_1238, %swap3A_1239] {strides = array<i32>} : memref<12x2560xf32, #tpu.memory_space<vmem>>, vector<16xf32>,
      tpu.vector_store %arg5[%swap3A_1238, %swap3A_1239], %add3A_1237 {strides = array<i32>} : memref<12x2560xf32, #tpu.memory_space<vmem>>, vector<16xf32>,
    }
    %scan3A_395 = arith.constant 160 : i32
    %dma_wait3A_396 = arith.constant 2 : i32
    %dma_wait3A_397 = arith.constant 2 : i32
    %dma_wait3A_398 = arith.constant 0 : i32
    %dma_wait3A_399 = arith.constant 0 : i32
    %dma_wait3A_400 = tpu.memref_slice %arg3[%dma_wait3A_397, %dma_wait3A_398, %dma_wait3A_399] : memref<12x2048x2048xf32, #tpu.memory_space<hbm>> -> memref<1x64x2048xf32, #tpu.memory_space<hbm>>
    %dma_wait3A_401 = tpu.memref_squeeze %dma_wait3A_400 : memref<1x64x2048xf32, #tpu.memory_space<hbm>> -> memref<64x2048xf32, #tpu.memory_space<hbm>>
    %dma_wait3A_402 = arith.constant 0 : i32
    %dma_wait3A_403 = arith.constant 0 : i32
    %dma_wait3A_404 = tpu.memref_slice %arg3[%dma_wait3A_396, %dma_wait3A_402, %dma_wait3A_403] : memref<12x2048x2048xf32, #tpu.memory_space<hbm>> -> memref<1x64x2048xf32, #tpu.memory_space<hbm>>
    %dma_wait3A_405 = tpu.memref_squeeze %dma_wait3A_404 : memref<1x64x2048xf32, #tpu.memory_space<hbm>> -> memref<64x2048xf32, #tpu.memory_space<hbm>>
    tpu.wait_dma2 semaphore(%arg6 : memref<!tpu.dma_semaphore, #tpu.memory_space<semaphore_mem>>) src(%dma_wait3A_405 : memref<64x2048xf32, #tpu.memory_space<hbm>>) dst(%dma_wait3A_401 : memref<64x2048xf32, #tpu.memory_space<hbm>>)
    %scan3A_406 = arith.constant 0 : i32
    %scan3A_407 = arith.constant 64 : i32
    %scan3A_408 = arith.addi %scan3A_406, %scan3A_407 : i32
    %scan3A_409 = arith.constant 1 : i32
    scf.for %scan3A_1197 = %scan3A_406 to %scan3A_408 step %scan3A_409  : i32 {
      %mul3A_1198 = arith.constant 1 : i32
      %mul3A_1199 = arith.muli %scan3A_1197, %mul3A_1198 : i32
      %add3A_1200 = arith.constant 0 : i32
      %add3A_1201 = arith.addi %add3A_1200, %mul3A_1199 : i32
      %add3A_1202 = arith.addi %mul3A_32, %add3A_1201 : i32
      %mul3A_1203 = arith.constant 8 : i32
      %mul3A_1204 = arith.muli %mul3A_1203, %add3A_1202 : i32
      %add3A_1205 = arith.addi %mul3A_1204, %select_n3A_9 : i32
      %sub3A_1206 = arith.constant 63 : i32
      %sub3A_1207 = arith.subi %sub3A_1206, %add3A_1201 : i32
      %mul3A_1208 = arith.constant 8 : i32
      %mul3A_1209 = arith.muli %mul3A_1208, %sub3A_1207 : i32
      %multiple_of3A = tpu.assume_multiple %mul3A_1209, 8 : i32
      %dma_start3A = arith.constant 3 : i32
      %dma_start3A_1210 = arith.constant 3 : i32
      %dma_start3A_1211 = tpu.memref_slice %arg5[%dma_start3A, %multiple_of3A] : memref<12x2560xf32, #tpu.memory_space<vmem>> -> memref<1x2048xf32, #tpu.memory_space<vmem>>
      %dma_start3A_1212 = tpu.memref_squeeze %dma_start3A_1211 : memref<1x2048xf32, #tpu.memory_space<vmem>> -> memref<2048xf32, #tpu.memory_space<vmem>>
      %dma_start3A_1213 = arith.constant 0 : i32
      %dma_start3A_1214 = tpu.memref_slice %arg3[%dma_start3A_1210, %add3A_1205, %dma_start3A_1213] : memref<12x2048x2048xf32, #tpu.memory_space<hbm>> -> memref<1x1x2048xf32, #tpu.memory_space<hbm>>
      %dma_start3A_1215 = tpu.memref_squeeze %dma_start3A_1214 : memref<1x1x2048xf32, #tpu.memory_space<hbm>> -> memref<2048xf32, #tpu.memory_space<hbm>>
      %dma_start3A_1216 = arith.constant 0 : i32
      %dma_start3A_1217 = tpu.memref_slice %arg3[%dma_start3A_1210, %add3A_1205, %dma_start3A_1216] : memref<12x2048x2048xf32, #tpu.memory_space<hbm>> -> memref<1x1x2048xf32, #tpu.memory_space<hbm>>
      %dma_start3A_1218 = tpu.memref_squeeze %dma_start3A_1217 : memref<1x1x2048xf32, #tpu.memory_space<hbm>> -> memref<2048xf32, #tpu.memory_space<hbm>>
      %dma_start3A_1219 = tpu.memref_slice %arg5[%dma_start3A, %multiple_of3A] : memref<12x2560xf32, #tpu.memory_space<vmem>> -> memref<1x2048xf32, #tpu.memory_space<vmem>>
      %dma_start3A_1220 = tpu.memref_squeeze %dma_start3A_1219 : memref<1x2048xf32, #tpu.memory_space<vmem>> -> memref<2048xf32, #tpu.memory_space<vmem>>
      tpu.enqueue_dma source(%dma_start3A_1220 : memref<2048xf32, #tpu.memory_space<vmem>>) target(%dma_start3A_1218 : memref<2048xf32, #tpu.memory_space<hbm>>) target_semaphore(%arg6 : memref<!tpu.dma_semaphore, #tpu.memory_space<semaphore_mem>>)
    }
    %scan3A_410 = arith.constant 64 : i32
    %broadcast_in_dim3A_411 = arith.constant 4 : i32
    %broadcast_in_dim3A_412 = vector.broadcast %broadcast_in_dim3A_411 : i32 to vector<16xi32>
    %broadcast_in_dim3A_413 = arith.constant 1 : i32
    %broadcast_in_dim3A_414 = vector.broadcast %broadcast_in_dim3A_413 : i32 to vector<16xi32>
    %gather3A_415 = tpu.vector_load_idx %arg4[%broadcast_in_dim3A_412, %broadcast_in_dim3A_414] : memref<12x16xf32, #tpu.memory_space<vmem>>[vector<16xi32>, vector<16xi32>], vector<16xf32>,
    %add3A_416 = vector.broadcast %convert_element_type3A_38 : f32 to vector<16xf32>
    %add3A_417 = arith.addf %gather3A_415, %add3A_416 : vector<16xf32>
    %broadcast_in_dim3A_418 = arith.constant 2 : i32
    %broadcast_in_dim3A_419 = vector.broadcast %broadcast_in_dim3A_418 : i32 to vector<16xi32>
    %gather3A_420 = tpu.vector_load_idx %arg4[%broadcast_in_dim3A_412, %broadcast_in_dim3A_419] : memref<12x16xf32, #tpu.memory_space<vmem>>[vector<16xi32>, vector<16xi32>], vector<16xf32>,
    %add3A_421 = vector.broadcast %convert_element_type3A_38 : f32 to vector<16xf32>
    %add3A_422 = arith.addf %gather3A_420, %add3A_421 : vector<16xf32>
    %broadcast_in_dim3A_423 = arith.constant 3 : i32
    %broadcast_in_dim3A_424 = vector.broadcast %broadcast_in_dim3A_423 : i32 to vector<16xi32>
    %gather3A_425 = tpu.vector_load_idx %arg4[%broadcast_in_dim3A_412, %broadcast_in_dim3A_424] : memref<12x16xf32, #tpu.memory_space<vmem>>[vector<16xi32>, vector<16xi32>], vector<16xf32>,
    %add3A_426 = vector.broadcast %convert_element_type3A_38 : f32 to vector<16xf32>
    %add3A_427 = arith.addf %gather3A_425, %add3A_426 : vector<16xf32>
    %broadcast_in_dim3A_428 = arith.constant 4 : i32
    %broadcast_in_dim3A_429 = vector.broadcast %broadcast_in_dim3A_428 : i32 to vector<16xi32>
    %gather3A_430 = tpu.vector_load_idx %arg4[%broadcast_in_dim3A_412, %broadcast_in_dim3A_429] : memref<12x16xf32, #tpu.memory_space<vmem>>[vector<16xi32>, vector<16xi32>], vector<16xf32>,
    %add3A_431 = vector.broadcast %convert_element_type3A_38 : f32 to vector<16xf32>
    %add3A_432 = arith.addf %gather3A_430, %add3A_431 : vector<16xf32>
    %broadcast_in_dim3A_433 = arith.constant 5 : i32
    %broadcast_in_dim3A_434 = vector.broadcast %broadcast_in_dim3A_433 : i32 to vector<16xi32>
    %gather3A_435 = tpu.vector_load_idx %arg4[%broadcast_in_dim3A_412, %broadcast_in_dim3A_434] : memref<12x16xf32, #tpu.memory_space<vmem>>[vector<16xi32>, vector<16xi32>], vector<16xf32>,
    %add3A_436 = vector.broadcast %convert_element_type3A_38 : f32 to vector<16xf32>
    %add3A_437 = arith.addf %gather3A_435, %add3A_436 : vector<16xf32>
    %broadcast_in_dim3A_438 = arith.constant 6 : i32
    %broadcast_in_dim3A_439 = vector.broadcast %broadcast_in_dim3A_438 : i32 to vector<16xi32>
    %gather3A_440 = tpu.vector_load_idx %arg4[%broadcast_in_dim3A_412, %broadcast_in_dim3A_439] : memref<12x16xf32, #tpu.memory_space<vmem>>[vector<16xi32>, vector<16xi32>], vector<16xf32>,
    %abs3A_441 = math.absf %gather3A_440 : vector<16xf32>
    %neg3A_442 = arith.constant 0.000000e+00 : f32
    %neg3A_443 = vector.broadcast %neg3A_442 : f32 to vector<16xf32>
    %neg3A_444 = arith.subf %neg3A_443, %abs3A_441 : vector<16xf32>
    %broadcast_in_dim3A_445 = arith.constant 7 : i32
    %broadcast_in_dim3A_446 = vector.broadcast %broadcast_in_dim3A_445 : i32 to vector<16xi32>
    %gather3A_447 = tpu.vector_load_idx %arg4[%broadcast_in_dim3A_412, %broadcast_in_dim3A_446] : memref<12x16xf32, #tpu.memory_space<vmem>>[vector<16xi32>, vector<16xi32>], vector<16xf32>,
    %abs3A_448 = math.absf %gather3A_447 : vector<16xf32>
    %neg3A_449 = arith.constant 0.000000e+00 : f32
    %neg3A_450 = vector.broadcast %neg3A_449 : f32 to vector<16xf32>
    %neg3A_451 = arith.subf %neg3A_450, %abs3A_448 : vector<16xf32>
    %broadcast_in_dim3A_452 = arith.constant 8 : i32
    %broadcast_in_dim3A_453 = vector.broadcast %broadcast_in_dim3A_452 : i32 to vector<16xi32>
    %gather3A_454 = tpu.vector_load_idx %arg4[%broadcast_in_dim3A_412, %broadcast_in_dim3A_453] : memref<12x16xf32, #tpu.memory_space<vmem>>[vector<16xi32>, vector<16xi32>], vector<16xf32>,
    %abs3A_455 = math.absf %gather3A_454 : vector<16xf32>
    %neg3A_456 = arith.constant 0.000000e+00 : f32
    %neg3A_457 = vector.broadcast %neg3A_456 : f32 to vector<16xf32>
    %neg3A_458 = arith.subf %neg3A_457, %abs3A_455 : vector<16xf32>
    %broadcast_in_dim3A_459 = arith.constant 9 : i32
    %broadcast_in_dim3A_460 = vector.broadcast %broadcast_in_dim3A_459 : i32 to vector<16xi32>
    %gather3A_461 = tpu.vector_load_idx %arg4[%broadcast_in_dim3A_412, %broadcast_in_dim3A_460] : memref<12x16xf32, #tpu.memory_space<vmem>>[vector<16xi32>, vector<16xi32>], vector<16xf32>,
    %abs3A_462 = math.absf %gather3A_461 : vector<16xf32>
    %neg3A_463 = arith.constant 0.000000e+00 : f32
    %neg3A_464 = vector.broadcast %neg3A_463 : f32 to vector<16xf32>
    %neg3A_465 = arith.subf %neg3A_464, %abs3A_462 : vector<16xf32>
    %broadcast_in_dim3A_466 = arith.constant 10 : i32
    %broadcast_in_dim3A_467 = vector.broadcast %broadcast_in_dim3A_466 : i32 to vector<16xi32>
    %gather3A_468 = tpu.vector_load_idx %arg4[%broadcast_in_dim3A_412, %broadcast_in_dim3A_467] : memref<12x16xf32, #tpu.memory_space<vmem>>[vector<16xi32>, vector<16xi32>], vector<16xf32>,
    %abs3A_469 = math.absf %gather3A_468 : vector<16xf32>
    %neg3A_470 = arith.constant 0.000000e+00 : f32
    %neg3A_471 = vector.broadcast %neg3A_470 : f32 to vector<16xf32>
    %neg3A_472 = arith.subf %neg3A_471, %abs3A_469 : vector<16xf32>
    %broadcast_in_dim3A_473 = arith.constant 11 : i32
    %broadcast_in_dim3A_474 = vector.broadcast %broadcast_in_dim3A_473 : i32 to vector<16xi32>
    %gather3A_475 = tpu.vector_load_idx %arg4[%broadcast_in_dim3A_412, %broadcast_in_dim3A_474] : memref<12x16xf32, #tpu.memory_space<vmem>>[vector<16xi32>, vector<16xi32>], vector<16xf32>,
    %broadcast_in_dim3A_476 = arith.constant 12 : i32
    %broadcast_in_dim3A_477 = vector.broadcast %broadcast_in_dim3A_476 : i32 to vector<16xi32>
    %gather3A_478 = tpu.vector_load_idx %arg4[%broadcast_in_dim3A_412, %broadcast_in_dim3A_477] : memref<12x16xf32, #tpu.memory_space<vmem>>[vector<16xi32>, vector<16xi32>], vector<16xf32>,
    %broadcast_in_dim3A_479 = arith.constant 13 : i32
    %broadcast_in_dim3A_480 = vector.broadcast %broadcast_in_dim3A_479 : i32 to vector<16xi32>
    %gather3A_481 = tpu.vector_load_idx %arg4[%broadcast_in_dim3A_412, %broadcast_in_dim3A_480] : memref<12x16xf32, #tpu.memory_space<vmem>>[vector<16xi32>, vector<16xi32>], vector<16xf32>,
    %broadcast_in_dim3A_482 = arith.constant 14 : i32
    %broadcast_in_dim3A_483 = vector.broadcast %broadcast_in_dim3A_482 : i32 to vector<16xi32>
    %gather3A_484 = tpu.vector_load_idx %arg4[%broadcast_in_dim3A_412, %broadcast_in_dim3A_483] : memref<12x16xf32, #tpu.memory_space<vmem>>[vector<16xi32>, vector<16xi32>], vector<16xf32>,
    %broadcast_in_dim3A_485 = arith.constant 15 : i32
    %broadcast_in_dim3A_486 = vector.broadcast %broadcast_in_dim3A_485 : i32 to vector<16xi32>
    %gather3A_487 = tpu.vector_load_idx %arg4[%broadcast_in_dim3A_412, %broadcast_in_dim3A_486] : memref<12x16xf32, #tpu.memory_space<vmem>>[vector<16xi32>, vector<16xi32>], vector<16xf32>,
    %scan3A_488 = arith.constant 0 : i32
    %scan3A_489 = arith.constant 160 : i32
    %scan3A_490 = arith.addi %scan3A_488, %scan3A_489 : i32
    %scan3A_491 = arith.constant 1 : i32
    scf.for %scan3A_1197 = %scan3A_488 to %scan3A_490 step %scan3A_491  : i32 {
      %mul3A_1198 = arith.constant 1 : i32
      %mul3A_1199 = arith.muli %scan3A_1197, %mul3A_1198 : i32
      %add3A_1200 = arith.constant 0 : i32
      %add3A_1201 = arith.addi %add3A_1200, %mul3A_1199 : i32
      %mul3A_1202 = arith.constant 16 : i32
      %mul3A_1203 = arith.muli %add3A_1201, %mul3A_1202 : i32
      %multiple_of3A = tpu.assume_multiple %mul3A_1203, 16 : i32
      %convert_element_type3A_1204 = arith.sitofp %multiple_of3A : i32 to f32
      %add3A_1205 = vector.broadcast %convert_element_type3A_1204 : f32 to vector<16xf32>
      %add3A_1206 = arith.addf %convert_element_type3A, %add3A_1205 : vector<16xf32>
      %broadcast_in_dim3A_1207 = arith.constant 0.000000e+00 : f32
      %broadcast_in_dim3A_1208 = vector.broadcast %broadcast_in_dim3A_1207 : f32 to vector<16xf32>
      %add3A_1209 = arith.addf %add3A_417, %add3A_1206 : vector<16xf32>
      %mul3A_1210 = arith.mulf %add3A_1209, %add3A_1209 : vector<16xf32>
      %mul3A_1211 = arith.mulf %neg3A_444, %mul3A_1210 : vector<16xf32>
      %exp3A = math.exp %mul3A_1211 : vector<16xf32>
      %mul3A_1212 = arith.mulf %gather3A_475, %exp3A : vector<16xf32>
      %add3A_1213 = arith.addf %broadcast_in_dim3A_1208, %mul3A_1212 : vector<16xf32>
      %add3A_1214 = arith.addf %add3A_422, %add3A_1206 : vector<16xf32>
      %mul3A_1215 = arith.mulf %add3A_1214, %add3A_1214 : vector<16xf32>
      %mul3A_1216 = arith.mulf %neg3A_451, %mul3A_1215 : vector<16xf32>
      %exp3A_1217 = math.exp %mul3A_1216 : vector<16xf32>
      %mul3A_1218 = arith.mulf %gather3A_478, %exp3A_1217 : vector<16xf32>
      %add3A_1219 = arith.addf %add3A_1213, %mul3A_1218 : vector<16xf32>
      %add3A_1220 = arith.addf %add3A_427, %add3A_1206 : vector<16xf32>
      %mul3A_1221 = arith.mulf %add3A_1220, %add3A_1220 : vector<16xf32>
      %mul3A_1222 = arith.mulf %neg3A_458, %mul3A_1221 : vector<16xf32>
      %exp3A_1223 = math.exp %mul3A_1222 : vector<16xf32>
      %mul3A_1224 = arith.mulf %gather3A_481, %exp3A_1223 : vector<16xf32>
      %add3A_1225 = arith.addf %add3A_1219, %mul3A_1224 : vector<16xf32>
      %add3A_1226 = arith.addf %add3A_432, %add3A_1206 : vector<16xf32>
      %mul3A_1227 = arith.mulf %add3A_1226, %add3A_1226 : vector<16xf32>
      %mul3A_1228 = arith.mulf %neg3A_465, %mul3A_1227 : vector<16xf32>
      %exp3A_1229 = math.exp %mul3A_1228 : vector<16xf32>
      %mul3A_1230 = arith.mulf %gather3A_484, %exp3A_1229 : vector<16xf32>
      %add3A_1231 = arith.addf %add3A_1225, %mul3A_1230 : vector<16xf32>
      %add3A_1232 = arith.addf %add3A_437, %add3A_1206 : vector<16xf32>
      %mul3A_1233 = arith.mulf %add3A_1232, %add3A_1232 : vector<16xf32>
      %mul3A_1234 = arith.mulf %neg3A_472, %mul3A_1233 : vector<16xf32>
      %exp3A_1235 = math.exp %mul3A_1234 : vector<16xf32>
      %mul3A_1236 = arith.mulf %gather3A_487, %exp3A_1235 : vector<16xf32>
      %add3A_1237 = arith.addf %add3A_1231, %mul3A_1236 : vector<16xf32>
      %swap3A = arith.constant 4 : i32
      %swap3A_1238 = arith.index_cast %swap3A : i32 to index
      %swap3A_1239 = arith.index_cast %multiple_of3A : i32 to index
      %swap3A_1240 = tpu.vector_load %arg5[%swap3A_1238, %swap3A_1239] {strides = array<i32>} : memref<12x2560xf32, #tpu.memory_space<vmem>>, vector<16xf32>,
      tpu.vector_store %arg5[%swap3A_1238, %swap3A_1239], %add3A_1237 {strides = array<i32>} : memref<12x2560xf32, #tpu.memory_space<vmem>>, vector<16xf32>,
    }
    %scan3A_492 = arith.constant 160 : i32
    %dma_wait3A_493 = arith.constant 3 : i32
    %dma_wait3A_494 = arith.constant 3 : i32
    %dma_wait3A_495 = arith.constant 0 : i32
    %dma_wait3A_496 = arith.constant 0 : i32
    %dma_wait3A_497 = tpu.memref_slice %arg3[%dma_wait3A_494, %dma_wait3A_495, %dma_wait3A_496] : memref<12x2048x2048xf32, #tpu.memory_space<hbm>> -> memref<1x64x2048xf32, #tpu.memory_space<hbm>>
    %dma_wait3A_498 = tpu.memref_squeeze %dma_wait3A_497 : memref<1x64x2048xf32, #tpu.memory_space<hbm>> -> memref<64x2048xf32, #tpu.memory_space<hbm>>
    %dma_wait3A_499 = arith.constant 0 : i32
    %dma_wait3A_500 = arith.constant 0 : i32
    %dma_wait3A_501 = tpu.memref_slice %arg3[%dma_wait3A_493, %dma_wait3A_499, %dma_wait3A_500] : memref<12x2048x2048xf32, #tpu.memory_space<hbm>> -> memref<1x64x2048xf32, #tpu.memory_space<hbm>>
    %dma_wait3A_502 = tpu.memref_squeeze %dma_wait3A_501 : memref<1x64x2048xf32, #tpu.memory_space<hbm>> -> memref<64x2048xf32, #tpu.memory_space<hbm>>
    tpu.wait_dma2 semaphore(%arg6 : memref<!tpu.dma_semaphore, #tpu.memory_space<semaphore_mem>>) src(%dma_wait3A_502 : memref<64x2048xf32, #tpu.memory_space<hbm>>) dst(%dma_wait3A_498 : memref<64x2048xf32, #tpu.memory_space<hbm>>)
    %scan3A_503 = arith.constant 0 : i32
    %scan3A_504 = arith.constant 64 : i32
    %scan3A_505 = arith.addi %scan3A_503, %scan3A_504 : i32
    %scan3A_506 = arith.constant 1 : i32
    scf.for %scan3A_1197 = %scan3A_503 to %scan3A_505 step %scan3A_506  : i32 {
      %mul3A_1198 = arith.constant 1 : i32
      %mul3A_1199 = arith.muli %scan3A_1197, %mul3A_1198 : i32
      %add3A_1200 = arith.constant 0 : i32
      %add3A_1201 = arith.addi %add3A_1200, %mul3A_1199 : i32
      %add3A_1202 = arith.addi %mul3A_32, %add3A_1201 : i32
      %mul3A_1203 = arith.constant 8 : i32
      %mul3A_1204 = arith.muli %mul3A_1203, %add3A_1202 : i32
      %add3A_1205 = arith.addi %mul3A_1204, %select_n3A_9 : i32
      %sub3A_1206 = arith.constant 63 : i32
      %sub3A_1207 = arith.subi %sub3A_1206, %add3A_1201 : i32
      %mul3A_1208 = arith.constant 8 : i32
      %mul3A_1209 = arith.muli %mul3A_1208, %sub3A_1207 : i32
      %multiple_of3A = tpu.assume_multiple %mul3A_1209, 8 : i32
      %dma_start3A = arith.constant 4 : i32
      %dma_start3A_1210 = arith.constant 4 : i32
      %dma_start3A_1211 = tpu.memref_slice %arg5[%dma_start3A, %multiple_of3A] : memref<12x2560xf32, #tpu.memory_space<vmem>> -> memref<1x2048xf32, #tpu.memory_space<vmem>>
      %dma_start3A_1212 = tpu.memref_squeeze %dma_start3A_1211 : memref<1x2048xf32, #tpu.memory_space<vmem>> -> memref<2048xf32, #tpu.memory_space<vmem>>
      %dma_start3A_1213 = arith.constant 0 : i32
      %dma_start3A_1214 = tpu.memref_slice %arg3[%dma_start3A_1210, %add3A_1205, %dma_start3A_1213] : memref<12x2048x2048xf32, #tpu.memory_space<hbm>> -> memref<1x1x2048xf32, #tpu.memory_space<hbm>>
      %dma_start3A_1215 = tpu.memref_squeeze %dma_start3A_1214 : memref<1x1x2048xf32, #tpu.memory_space<hbm>> -> memref<2048xf32, #tpu.memory_space<hbm>>
      %dma_start3A_1216 = arith.constant 0 : i32
      %dma_start3A_1217 = tpu.memref_slice %arg3[%dma_start3A_1210, %add3A_1205, %dma_start3A_1216] : memref<12x2048x2048xf32, #tpu.memory_space<hbm>> -> memref<1x1x2048xf32, #tpu.memory_space<hbm>>
      %dma_start3A_1218 = tpu.memref_squeeze %dma_start3A_1217 : memref<1x1x2048xf32, #tpu.memory_space<hbm>> -> memref<2048xf32, #tpu.memory_space<hbm>>
      %dma_start3A_1219 = tpu.memref_slice %arg5[%dma_start3A, %multiple_of3A] : memref<12x2560xf32, #tpu.memory_space<vmem>> -> memref<1x2048xf32, #tpu.memory_space<vmem>>
      %dma_start3A_1220 = tpu.memref_squeeze %dma_start3A_1219 : memref<1x2048xf32, #tpu.memory_space<vmem>> -> memref<2048xf32, #tpu.memory_space<vmem>>
      tpu.enqueue_dma source(%dma_start3A_1220 : memref<2048xf32, #tpu.memory_space<vmem>>) target(%dma_start3A_1218 : memref<2048xf32, #tpu.memory_space<hbm>>) target_semaphore(%arg6 : memref<!tpu.dma_semaphore, #tpu.memory_space<semaphore_mem>>)
    }
    %scan3A_507 = arith.constant 64 : i32
    %broadcast_in_dim3A_508 = arith.constant 5 : i32
    %broadcast_in_dim3A_509 = vector.broadcast %broadcast_in_dim3A_508 : i32 to vector<16xi32>
    %broadcast_in_dim3A_510 = arith.constant 1 : i32
    %broadcast_in_dim3A_511 = vector.broadcast %broadcast_in_dim3A_510 : i32 to vector<16xi32>
    %gather3A_512 = tpu.vector_load_idx %arg4[%broadcast_in_dim3A_509, %broadcast_in_dim3A_511] : memref<12x16xf32, #tpu.memory_space<vmem>>[vector<16xi32>, vector<16xi32>], vector<16xf32>,
    %add3A_513 = vector.broadcast %convert_element_type3A_38 : f32 to vector<16xf32>
    %add3A_514 = arith.addf %gather3A_512, %add3A_513 : vector<16xf32>
    %broadcast_in_dim3A_515 = arith.constant 2 : i32
    %broadcast_in_dim3A_516 = vector.broadcast %broadcast_in_dim3A_515 : i32 to vector<16xi32>
    %gather3A_517 = tpu.vector_load_idx %arg4[%broadcast_in_dim3A_509, %broadcast_in_dim3A_516] : memref<12x16xf32, #tpu.memory_space<vmem>>[vector<16xi32>, vector<16xi32>], vector<16xf32>,
    %add3A_518 = vector.broadcast %convert_element_type3A_38 : f32 to vector<16xf32>
    %add3A_519 = arith.addf %gather3A_517, %add3A_518 : vector<16xf32>
    %broadcast_in_dim3A_520 = arith.constant 3 : i32
    %broadcast_in_dim3A_521 = vector.broadcast %broadcast_in_dim3A_520 : i32 to vector<16xi32>
    %gather3A_522 = tpu.vector_load_idx %arg4[%broadcast_in_dim3A_509, %broadcast_in_dim3A_521] : memref<12x16xf32, #tpu.memory_space<vmem>>[vector<16xi32>, vector<16xi32>], vector<16xf32>,
    %add3A_523 = vector.broadcast %convert_element_type3A_38 : f32 to vector<16xf32>
    %add3A_524 = arith.addf %gather3A_522, %add3A_523 : vector<16xf32>
    %broadcast_in_dim3A_525 = arith.constant 4 : i32
    %broadcast_in_dim3A_526 = vector.broadcast %broadcast_in_dim3A_525 : i32 to vector<16xi32>
    %gather3A_527 = tpu.vector_load_idx %arg4[%broadcast_in_dim3A_509, %broadcast_in_dim3A_526] : memref<12x16xf32, #tpu.memory_space<vmem>>[vector<16xi32>, vector<16xi32>], vector<16xf32>,
    %add3A_528 = vector.broadcast %convert_element_type3A_38 : f32 to vector<16xf32>
    %add3A_529 = arith.addf %gather3A_527, %add3A_528 : vector<16xf32>
    %broadcast_in_dim3A_530 = arith.constant 5 : i32
    %broadcast_in_dim3A_531 = vector.broadcast %broadcast_in_dim3A_530 : i32 to vector<16xi32>
    %gather3A_532 = tpu.vector_load_idx %arg4[%broadcast_in_dim3A_509, %broadcast_in_dim3A_531] : memref<12x16xf32, #tpu.memory_space<vmem>>[vector<16xi32>, vector<16xi32>], vector<16xf32>,
    %add3A_533 = vector.broadcast %convert_element_type3A_38 : f32 to vector<16xf32>
    %add3A_534 = arith.addf %gather3A_532, %add3A_533 : vector<16xf32>
    %broadcast_in_dim3A_535 = arith.constant 6 : i32
    %broadcast_in_dim3A_536 = vector.broadcast %broadcast_in_dim3A_535 : i32 to vector<16xi32>
    %gather3A_537 = tpu.vector_load_idx %arg4[%broadcast_in_dim3A_509, %broadcast_in_dim3A_536] : memref<12x16xf32, #tpu.memory_space<vmem>>[vector<16xi32>, vector<16xi32>], vector<16xf32>,
    %abs3A_538 = math.absf %gather3A_537 : vector<16xf32>
    %neg3A_539 = arith.constant 0.000000e+00 : f32
    %neg3A_540 = vector.broadcast %neg3A_539 : f32 to vector<16xf32>
    %neg3A_541 = arith.subf %neg3A_540, %abs3A_538 : vector<16xf32>
    %broadcast_in_dim3A_542 = arith.constant 7 : i32
    %broadcast_in_dim3A_543 = vector.broadcast %broadcast_in_dim3A_542 : i32 to vector<16xi32>
    %gather3A_544 = tpu.vector_load_idx %arg4[%broadcast_in_dim3A_509, %broadcast_in_dim3A_543] : memref<12x16xf32, #tpu.memory_space<vmem>>[vector<16xi32>, vector<16xi32>], vector<16xf32>,
    %abs3A_545 = math.absf %gather3A_544 : vector<16xf32>
    %neg3A_546 = arith.constant 0.000000e+00 : f32
    %neg3A_547 = vector.broadcast %neg3A_546 : f32 to vector<16xf32>
    %neg3A_548 = arith.subf %neg3A_547, %abs3A_545 : vector<16xf32>
    %broadcast_in_dim3A_549 = arith.constant 8 : i32
    %broadcast_in_dim3A_550 = vector.broadcast %broadcast_in_dim3A_549 : i32 to vector<16xi32>
    %gather3A_551 = tpu.vector_load_idx %arg4[%broadcast_in_dim3A_509, %broadcast_in_dim3A_550] : memref<12x16xf32, #tpu.memory_space<vmem>>[vector<16xi32>, vector<16xi32>], vector<16xf32>,
    %abs3A_552 = math.absf %gather3A_551 : vector<16xf32>
    %neg3A_553 = arith.constant 0.000000e+00 : f32
    %neg3A_554 = vector.broadcast %neg3A_553 : f32 to vector<16xf32>
    %neg3A_555 = arith.subf %neg3A_554, %abs3A_552 : vector<16xf32>
    %broadcast_in_dim3A_556 = arith.constant 9 : i32
    %broadcast_in_dim3A_557 = vector.broadcast %broadcast_in_dim3A_556 : i32 to vector<16xi32>
    %gather3A_558 = tpu.vector_load_idx %arg4[%broadcast_in_dim3A_509, %broadcast_in_dim3A_557] : memref<12x16xf32, #tpu.memory_space<vmem>>[vector<16xi32>, vector<16xi32>], vector<16xf32>,
    %abs3A_559 = math.absf %gather3A_558 : vector<16xf32>
    %neg3A_560 = arith.constant 0.000000e+00 : f32
    %neg3A_561 = vector.broadcast %neg3A_560 : f32 to vector<16xf32>
    %neg3A_562 = arith.subf %neg3A_561, %abs3A_559 : vector<16xf32>
    %broadcast_in_dim3A_563 = arith.constant 10 : i32
    %broadcast_in_dim3A_564 = vector.broadcast %broadcast_in_dim3A_563 : i32 to vector<16xi32>
    %gather3A_565 = tpu.vector_load_idx %arg4[%broadcast_in_dim3A_509, %broadcast_in_dim3A_564] : memref<12x16xf32, #tpu.memory_space<vmem>>[vector<16xi32>, vector<16xi32>], vector<16xf32>,
    %abs3A_566 = math.absf %gather3A_565 : vector<16xf32>
    %neg3A_567 = arith.constant 0.000000e+00 : f32
    %neg3A_568 = vector.broadcast %neg3A_567 : f32 to vector<16xf32>
    %neg3A_569 = arith.subf %neg3A_568, %abs3A_566 : vector<16xf32>
    %broadcast_in_dim3A_570 = arith.constant 11 : i32
    %broadcast_in_dim3A_571 = vector.broadcast %broadcast_in_dim3A_570 : i32 to vector<16xi32>
    %gather3A_572 = tpu.vector_load_idx %arg4[%broadcast_in_dim3A_509, %broadcast_in_dim3A_571] : memref<12x16xf32, #tpu.memory_space<vmem>>[vector<16xi32>, vector<16xi32>], vector<16xf32>,
    %broadcast_in_dim3A_573 = arith.constant 12 : i32
    %broadcast_in_dim3A_574 = vector.broadcast %broadcast_in_dim3A_573 : i32 to vector<16xi32>
    %gather3A_575 = tpu.vector_load_idx %arg4[%broadcast_in_dim3A_509, %broadcast_in_dim3A_574] : memref<12x16xf32, #tpu.memory_space<vmem>>[vector<16xi32>, vector<16xi32>], vector<16xf32>,
    %broadcast_in_dim3A_576 = arith.constant 13 : i32
    %broadcast_in_dim3A_577 = vector.broadcast %broadcast_in_dim3A_576 : i32 to vector<16xi32>
    %gather3A_578 = tpu.vector_load_idx %arg4[%broadcast_in_dim3A_509, %broadcast_in_dim3A_577] : memref<12x16xf32, #tpu.memory_space<vmem>>[vector<16xi32>, vector<16xi32>], vector<16xf32>,
    %broadcast_in_dim3A_579 = arith.constant 14 : i32
    %broadcast_in_dim3A_580 = vector.broadcast %broadcast_in_dim3A_579 : i32 to vector<16xi32>
    %gather3A_581 = tpu.vector_load_idx %arg4[%broadcast_in_dim3A_509, %broadcast_in_dim3A_580] : memref<12x16xf32, #tpu.memory_space<vmem>>[vector<16xi32>, vector<16xi32>], vector<16xf32>,
    %broadcast_in_dim3A_582 = arith.constant 15 : i32
    %broadcast_in_dim3A_583 = vector.broadcast %broadcast_in_dim3A_582 : i32 to vector<16xi32>
    %gather3A_584 = tpu.vector_load_idx %arg4[%broadcast_in_dim3A_509, %broadcast_in_dim3A_583] : memref<12x16xf32, #tpu.memory_space<vmem>>[vector<16xi32>, vector<16xi32>], vector<16xf32>,
    %scan3A_585 = arith.constant 0 : i32
    %scan3A_586 = arith.constant 160 : i32
    %scan3A_587 = arith.addi %scan3A_585, %scan3A_586 : i32
    %scan3A_588 = arith.constant 1 : i32
    scf.for %scan3A_1197 = %scan3A_585 to %scan3A_587 step %scan3A_588  : i32 {
      %mul3A_1198 = arith.constant 1 : i32
      %mul3A_1199 = arith.muli %scan3A_1197, %mul3A_1198 : i32
      %add3A_1200 = arith.constant 0 : i32
      %add3A_1201 = arith.addi %add3A_1200, %mul3A_1199 : i32
      %mul3A_1202 = arith.constant 16 : i32
      %mul3A_1203 = arith.muli %add3A_1201, %mul3A_1202 : i32
      %multiple_of3A = tpu.assume_multiple %mul3A_1203, 16 : i32
      %convert_element_type3A_1204 = arith.sitofp %multiple_of3A : i32 to f32
      %add3A_1205 = vector.broadcast %convert_element_type3A_1204 : f32 to vector<16xf32>
      %add3A_1206 = arith.addf %convert_element_type3A, %add3A_1205 : vector<16xf32>
      %broadcast_in_dim3A_1207 = arith.constant 0.000000e+00 : f32
      %broadcast_in_dim3A_1208 = vector.broadcast %broadcast_in_dim3A_1207 : f32 to vector<16xf32>
      %add3A_1209 = arith.addf %add3A_514, %add3A_1206 : vector<16xf32>
      %mul3A_1210 = arith.mulf %add3A_1209, %add3A_1209 : vector<16xf32>
      %mul3A_1211 = arith.mulf %neg3A_541, %mul3A_1210 : vector<16xf32>
      %exp3A = math.exp %mul3A_1211 : vector<16xf32>
      %mul3A_1212 = arith.mulf %gather3A_572, %exp3A : vector<16xf32>
      %add3A_1213 = arith.addf %broadcast_in_dim3A_1208, %mul3A_1212 : vector<16xf32>
      %add3A_1214 = arith.addf %add3A_519, %add3A_1206 : vector<16xf32>
      %mul3A_1215 = arith.mulf %add3A_1214, %add3A_1214 : vector<16xf32>
      %mul3A_1216 = arith.mulf %neg3A_548, %mul3A_1215 : vector<16xf32>
      %exp3A_1217 = math.exp %mul3A_1216 : vector<16xf32>
      %mul3A_1218 = arith.mulf %gather3A_575, %exp3A_1217 : vector<16xf32>
      %add3A_1219 = arith.addf %add3A_1213, %mul3A_1218 : vector<16xf32>
      %add3A_1220 = arith.addf %add3A_524, %add3A_1206 : vector<16xf32>
      %mul3A_1221 = arith.mulf %add3A_1220, %add3A_1220 : vector<16xf32>
      %mul3A_1222 = arith.mulf %neg3A_555, %mul3A_1221 : vector<16xf32>
      %exp3A_1223 = math.exp %mul3A_1222 : vector<16xf32>
      %mul3A_1224 = arith.mulf %gather3A_578, %exp3A_1223 : vector<16xf32>
      %add3A_1225 = arith.addf %add3A_1219, %mul3A_1224 : vector<16xf32>
      %add3A_1226 = arith.addf %add3A_529, %add3A_1206 : vector<16xf32>
      %mul3A_1227 = arith.mulf %add3A_1226, %add3A_1226 : vector<16xf32>
      %mul3A_1228 = arith.mulf %neg3A_562, %mul3A_1227 : vector<16xf32>
      %exp3A_1229 = math.exp %mul3A_1228 : vector<16xf32>
      %mul3A_1230 = arith.mulf %gather3A_581, %exp3A_1229 : vector<16xf32>
      %add3A_1231 = arith.addf %add3A_1225, %mul3A_1230 : vector<16xf32>
      %add3A_1232 = arith.addf %add3A_534, %add3A_1206 : vector<16xf32>
      %mul3A_1233 = arith.mulf %add3A_1232, %add3A_1232 : vector<16xf32>
      %mul3A_1234 = arith.mulf %neg3A_569, %mul3A_1233 : vector<16xf32>
      %exp3A_1235 = math.exp %mul3A_1234 : vector<16xf32>
      %mul3A_1236 = arith.mulf %gather3A_584, %exp3A_1235 : vector<16xf32>
      %add3A_1237 = arith.addf %add3A_1231, %mul3A_1236 : vector<16xf32>
      %swap3A = arith.constant 5 : i32
      %swap3A_1238 = arith.index_cast %swap3A : i32 to index
      %swap3A_1239 = arith.index_cast %multiple_of3A : i32 to index
      %swap3A_1240 = tpu.vector_load %arg5[%swap3A_1238, %swap3A_1239] {strides = array<i32>} : memref<12x2560xf32, #tpu.memory_space<vmem>>, vector<16xf32>,
      tpu.vector_store %arg5[%swap3A_1238, %swap3A_1239], %add3A_1237 {strides = array<i32>} : memref<12x2560xf32, #tpu.memory_space<vmem>>, vector<16xf32>,
    }
    %scan3A_589 = arith.constant 160 : i32
    %dma_wait3A_590 = arith.constant 4 : i32
    %dma_wait3A_591 = arith.constant 4 : i32
    %dma_wait3A_592 = arith.constant 0 : i32
    %dma_wait3A_593 = arith.constant 0 : i32
    %dma_wait3A_594 = tpu.memref_slice %arg3[%dma_wait3A_591, %dma_wait3A_592, %dma_wait3A_593] : memref<12x2048x2048xf32, #tpu.memory_space<hbm>> -> memref<1x64x2048xf32, #tpu.memory_space<hbm>>
    %dma_wait3A_595 = tpu.memref_squeeze %dma_wait3A_594 : memref<1x64x2048xf32, #tpu.memory_space<hbm>> -> memref<64x2048xf32, #tpu.memory_space<hbm>>
    %dma_wait3A_596 = arith.constant 0 : i32
    %dma_wait3A_597 = arith.constant 0 : i32
    %dma_wait3A_598 = tpu.memref_slice %arg3[%dma_wait3A_590, %dma_wait3A_596, %dma_wait3A_597] : memref<12x2048x2048xf32, #tpu.memory_space<hbm>> -> memref<1x64x2048xf32, #tpu.memory_space<hbm>>
    %dma_wait3A_599 = tpu.memref_squeeze %dma_wait3A_598 : memref<1x64x2048xf32, #tpu.memory_space<hbm>> -> memref<64x2048xf32, #tpu.memory_space<hbm>>
    tpu.wait_dma2 semaphore(%arg6 : memref<!tpu.dma_semaphore, #tpu.memory_space<semaphore_mem>>) src(%dma_wait3A_599 : memref<64x2048xf32, #tpu.memory_space<hbm>>) dst(%dma_wait3A_595 : memref<64x2048xf32, #tpu.memory_space<hbm>>)
    %scan3A_600 = arith.constant 0 : i32
    %scan3A_601 = arith.constant 64 : i32
    %scan3A_602 = arith.addi %scan3A_600, %scan3A_601 : i32
    %scan3A_603 = arith.constant 1 : i32
    scf.for %scan3A_1197 = %scan3A_600 to %scan3A_602 step %scan3A_603  : i32 {
      %mul3A_1198 = arith.constant 1 : i32
      %mul3A_1199 = arith.muli %scan3A_1197, %mul3A_1198 : i32
      %add3A_1200 = arith.constant 0 : i32
      %add3A_1201 = arith.addi %add3A_1200, %mul3A_1199 : i32
      %add3A_1202 = arith.addi %mul3A_32, %add3A_1201 : i32
      %mul3A_1203 = arith.constant 8 : i32
      %mul3A_1204 = arith.muli %mul3A_1203, %add3A_1202 : i32
      %add3A_1205 = arith.addi %mul3A_1204, %select_n3A_9 : i32
      %sub3A_1206 = arith.constant 63 : i32
      %sub3A_1207 = arith.subi %sub3A_1206, %add3A_1201 : i32
      %mul3A_1208 = arith.constant 8 : i32
      %mul3A_1209 = arith.muli %mul3A_1208, %sub3A_1207 : i32
      %multiple_of3A = tpu.assume_multiple %mul3A_1209, 8 : i32
      %dma_start3A = arith.constant 5 : i32
      %dma_start3A_1210 = arith.constant 5 : i32
      %dma_start3A_1211 = tpu.memref_slice %arg5[%dma_start3A, %multiple_of3A] : memref<12x2560xf32, #tpu.memory_space<vmem>> -> memref<1x2048xf32, #tpu.memory_space<vmem>>
      %dma_start3A_1212 = tpu.memref_squeeze %dma_start3A_1211 : memref<1x2048xf32, #tpu.memory_space<vmem>> -> memref<2048xf32, #tpu.memory_space<vmem>>
      %dma_start3A_1213 = arith.constant 0 : i32
      %dma_start3A_1214 = tpu.memref_slice %arg3[%dma_start3A_1210, %add3A_1205, %dma_start3A_1213] : memref<12x2048x2048xf32, #tpu.memory_space<hbm>> -> memref<1x1x2048xf32, #tpu.memory_space<hbm>>
      %dma_start3A_1215 = tpu.memref_squeeze %dma_start3A_1214 : memref<1x1x2048xf32, #tpu.memory_space<hbm>> -> memref<2048xf32, #tpu.memory_space<hbm>>
      %dma_start3A_1216 = arith.constant 0 : i32
      %dma_start3A_1217 = tpu.memref_slice %arg3[%dma_start3A_1210, %add3A_1205, %dma_start3A_1216] : memref<12x2048x2048xf32, #tpu.memory_space<hbm>> -> memref<1x1x2048xf32, #tpu.memory_space<hbm>>
      %dma_start3A_1218 = tpu.memref_squeeze %dma_start3A_1217 : memref<1x1x2048xf32, #tpu.memory_space<hbm>> -> memref<2048xf32, #tpu.memory_space<hbm>>
      %dma_start3A_1219 = tpu.memref_slice %arg5[%dma_start3A, %multiple_of3A] : memref<12x2560xf32, #tpu.memory_space<vmem>> -> memref<1x2048xf32, #tpu.memory_space<vmem>>
      %dma_start3A_1220 = tpu.memref_squeeze %dma_start3A_1219 : memref<1x2048xf32, #tpu.memory_space<vmem>> -> memref<2048xf32, #tpu.memory_space<vmem>>
      tpu.enqueue_dma source(%dma_start3A_1220 : memref<2048xf32, #tpu.memory_space<vmem>>) target(%dma_start3A_1218 : memref<2048xf32, #tpu.memory_space<hbm>>) target_semaphore(%arg6 : memref<!tpu.dma_semaphore, #tpu.memory_space<semaphore_mem>>)
    }
    %scan3A_604 = arith.constant 64 : i32
    %broadcast_in_dim3A_605 = arith.constant 6 : i32
    %broadcast_in_dim3A_606 = vector.broadcast %broadcast_in_dim3A_605 : i32 to vector<16xi32>
    %broadcast_in_dim3A_607 = arith.constant 1 : i32
    %broadcast_in_dim3A_608 = vector.broadcast %broadcast_in_dim3A_607 : i32 to vector<16xi32>
    %gather3A_609 = tpu.vector_load_idx %arg4[%broadcast_in_dim3A_606, %broadcast_in_dim3A_608] : memref<12x16xf32, #tpu.memory_space<vmem>>[vector<16xi32>, vector<16xi32>], vector<16xf32>,
    %add3A_610 = vector.broadcast %convert_element_type3A_38 : f32 to vector<16xf32>
    %add3A_611 = arith.addf %gather3A_609, %add3A_610 : vector<16xf32>
    %broadcast_in_dim3A_612 = arith.constant 2 : i32
    %broadcast_in_dim3A_613 = vector.broadcast %broadcast_in_dim3A_612 : i32 to vector<16xi32>
    %gather3A_614 = tpu.vector_load_idx %arg4[%broadcast_in_dim3A_606, %broadcast_in_dim3A_613] : memref<12x16xf32, #tpu.memory_space<vmem>>[vector<16xi32>, vector<16xi32>], vector<16xf32>,
    %add3A_615 = vector.broadcast %convert_element_type3A_38 : f32 to vector<16xf32>
    %add3A_616 = arith.addf %gather3A_614, %add3A_615 : vector<16xf32>
    %broadcast_in_dim3A_617 = arith.constant 3 : i32
    %broadcast_in_dim3A_618 = vector.broadcast %broadcast_in_dim3A_617 : i32 to vector<16xi32>
    %gather3A_619 = tpu.vector_load_idx %arg4[%broadcast_in_dim3A_606, %broadcast_in_dim3A_618] : memref<12x16xf32, #tpu.memory_space<vmem>>[vector<16xi32>, vector<16xi32>], vector<16xf32>,
    %add3A_620 = vector.broadcast %convert_element_type3A_38 : f32 to vector<16xf32>
    %add3A_621 = arith.addf %gather3A_619, %add3A_620 : vector<16xf32>
    %broadcast_in_dim3A_622 = arith.constant 4 : i32
    %broadcast_in_dim3A_623 = vector.broadcast %broadcast_in_dim3A_622 : i32 to vector<16xi32>
    %gather3A_624 = tpu.vector_load_idx %arg4[%broadcast_in_dim3A_606, %broadcast_in_dim3A_623] : memref<12x16xf32, #tpu.memory_space<vmem>>[vector<16xi32>, vector<16xi32>], vector<16xf32>,
    %add3A_625 = vector.broadcast %convert_element_type3A_38 : f32 to vector<16xf32>
    %add3A_626 = arith.addf %gather3A_624, %add3A_625 : vector<16xf32>
    %broadcast_in_dim3A_627 = arith.constant 5 : i32
    %broadcast_in_dim3A_628 = vector.broadcast %broadcast_in_dim3A_627 : i32 to vector<16xi32>
    %gather3A_629 = tpu.vector_load_idx %arg4[%broadcast_in_dim3A_606, %broadcast_in_dim3A_628] : memref<12x16xf32, #tpu.memory_space<vmem>>[vector<16xi32>, vector<16xi32>], vector<16xf32>,
    %add3A_630 = vector.broadcast %convert_element_type3A_38 : f32 to vector<16xf32>
    %add3A_631 = arith.addf %gather3A_629, %add3A_630 : vector<16xf32>
    %broadcast_in_dim3A_632 = arith.constant 6 : i32
    %broadcast_in_dim3A_633 = vector.broadcast %broadcast_in_dim3A_632 : i32 to vector<16xi32>
    %gather3A_634 = tpu.vector_load_idx %arg4[%broadcast_in_dim3A_606, %broadcast_in_dim3A_633] : memref<12x16xf32, #tpu.memory_space<vmem>>[vector<16xi32>, vector<16xi32>], vector<16xf32>,
    %abs3A_635 = math.absf %gather3A_634 : vector<16xf32>
    %neg3A_636 = arith.constant 0.000000e+00 : f32
    %neg3A_637 = vector.broadcast %neg3A_636 : f32 to vector<16xf32>
    %neg3A_638 = arith.subf %neg3A_637, %abs3A_635 : vector<16xf32>
    %broadcast_in_dim3A_639 = arith.constant 7 : i32
    %broadcast_in_dim3A_640 = vector.broadcast %broadcast_in_dim3A_639 : i32 to vector<16xi32>
    %gather3A_641 = tpu.vector_load_idx %arg4[%broadcast_in_dim3A_606, %broadcast_in_dim3A_640] : memref<12x16xf32, #tpu.memory_space<vmem>>[vector<16xi32>, vector<16xi32>], vector<16xf32>,
    %abs3A_642 = math.absf %gather3A_641 : vector<16xf32>
    %neg3A_643 = arith.constant 0.000000e+00 : f32
    %neg3A_644 = vector.broadcast %neg3A_643 : f32 to vector<16xf32>
    %neg3A_645 = arith.subf %neg3A_644, %abs3A_642 : vector<16xf32>
    %broadcast_in_dim3A_646 = arith.constant 8 : i32
    %broadcast_in_dim3A_647 = vector.broadcast %broadcast_in_dim3A_646 : i32 to vector<16xi32>
    %gather3A_648 = tpu.vector_load_idx %arg4[%broadcast_in_dim3A_606, %broadcast_in_dim3A_647] : memref<12x16xf32, #tpu.memory_space<vmem>>[vector<16xi32>, vector<16xi32>], vector<16xf32>,
    %abs3A_649 = math.absf %gather3A_648 : vector<16xf32>
    %neg3A_650 = arith.constant 0.000000e+00 : f32
    %neg3A_651 = vector.broadcast %neg3A_650 : f32 to vector<16xf32>
    %neg3A_652 = arith.subf %neg3A_651, %abs3A_649 : vector<16xf32>
    %broadcast_in_dim3A_653 = arith.constant 9 : i32
    %broadcast_in_dim3A_654 = vector.broadcast %broadcast_in_dim3A_653 : i32 to vector<16xi32>
    %gather3A_655 = tpu.vector_load_idx %arg4[%broadcast_in_dim3A_606, %broadcast_in_dim3A_654] : memref<12x16xf32, #tpu.memory_space<vmem>>[vector<16xi32>, vector<16xi32>], vector<16xf32>,
    %abs3A_656 = math.absf %gather3A_655 : vector<16xf32>
    %neg3A_657 = arith.constant 0.000000e+00 : f32
    %neg3A_658 = vector.broadcast %neg3A_657 : f32 to vector<16xf32>
    %neg3A_659 = arith.subf %neg3A_658, %abs3A_656 : vector<16xf32>
    %broadcast_in_dim3A_660 = arith.constant 10 : i32
    %broadcast_in_dim3A_661 = vector.broadcast %broadcast_in_dim3A_660 : i32 to vector<16xi32>
    %gather3A_662 = tpu.vector_load_idx %arg4[%broadcast_in_dim3A_606, %broadcast_in_dim3A_661] : memref<12x16xf32, #tpu.memory_space<vmem>>[vector<16xi32>, vector<16xi32>], vector<16xf32>,
    %abs3A_663 = math.absf %gather3A_662 : vector<16xf32>
    %neg3A_664 = arith.constant 0.000000e+00 : f32
    %neg3A_665 = vector.broadcast %neg3A_664 : f32 to vector<16xf32>
    %neg3A_666 = arith.subf %neg3A_665, %abs3A_663 : vector<16xf32>
    %broadcast_in_dim3A_667 = arith.constant 11 : i32
    %broadcast_in_dim3A_668 = vector.broadcast %broadcast_in_dim3A_667 : i32 to vector<16xi32>
    %gather3A_669 = tpu.vector_load_idx %arg4[%broadcast_in_dim3A_606, %broadcast_in_dim3A_668] : memref<12x16xf32, #tpu.memory_space<vmem>>[vector<16xi32>, vector<16xi32>], vector<16xf32>,
    %broadcast_in_dim3A_670 = arith.constant 12 : i32
    %broadcast_in_dim3A_671 = vector.broadcast %broadcast_in_dim3A_670 : i32 to vector<16xi32>
    %gather3A_672 = tpu.vector_load_idx %arg4[%broadcast_in_dim3A_606, %broadcast_in_dim3A_671] : memref<12x16xf32, #tpu.memory_space<vmem>>[vector<16xi32>, vector<16xi32>], vector<16xf32>,
    %broadcast_in_dim3A_673 = arith.constant 13 : i32
    %broadcast_in_dim3A_674 = vector.broadcast %broadcast_in_dim3A_673 : i32 to vector<16xi32>
    %gather3A_675 = tpu.vector_load_idx %arg4[%broadcast_in_dim3A_606, %broadcast_in_dim3A_674] : memref<12x16xf32, #tpu.memory_space<vmem>>[vector<16xi32>, vector<16xi32>], vector<16xf32>,
    %broadcast_in_dim3A_676 = arith.constant 14 : i32
    %broadcast_in_dim3A_677 = vector.broadcast %broadcast_in_dim3A_676 : i32 to vector<16xi32>
    %gather3A_678 = tpu.vector_load_idx %arg4[%broadcast_in_dim3A_606, %broadcast_in_dim3A_677] : memref<12x16xf32, #tpu.memory_space<vmem>>[vector<16xi32>, vector<16xi32>], vector<16xf32>,
    %broadcast_in_dim3A_679 = arith.constant 15 : i32
    %broadcast_in_dim3A_680 = vector.broadcast %broadcast_in_dim3A_679 : i32 to vector<16xi32>
    %gather3A_681 = tpu.vector_load_idx %arg4[%broadcast_in_dim3A_606, %broadcast_in_dim3A_680] : memref<12x16xf32, #tpu.memory_space<vmem>>[vector<16xi32>, vector<16xi32>], vector<16xf32>,
    %scan3A_682 = arith.constant 0 : i32
    %scan3A_683 = arith.constant 160 : i32
    %scan3A_684 = arith.addi %scan3A_682, %scan3A_683 : i32
    %scan3A_685 = arith.constant 1 : i32
    scf.for %scan3A_1197 = %scan3A_682 to %scan3A_684 step %scan3A_685  : i32 {
      %mul3A_1198 = arith.constant 1 : i32
      %mul3A_1199 = arith.muli %scan3A_1197, %mul3A_1198 : i32
      %add3A_1200 = arith.constant 0 : i32
      %add3A_1201 = arith.addi %add3A_1200, %mul3A_1199 : i32
      %mul3A_1202 = arith.constant 16 : i32
      %mul3A_1203 = arith.muli %add3A_1201, %mul3A_1202 : i32
      %multiple_of3A = tpu.assume_multiple %mul3A_1203, 16 : i32
      %convert_element_type3A_1204 = arith.sitofp %multiple_of3A : i32 to f32
      %add3A_1205 = vector.broadcast %convert_element_type3A_1204 : f32 to vector<16xf32>
      %add3A_1206 = arith.addf %convert_element_type3A, %add3A_1205 : vector<16xf32>
      %broadcast_in_dim3A_1207 = arith.constant 0.000000e+00 : f32
      %broadcast_in_dim3A_1208 = vector.broadcast %broadcast_in_dim3A_1207 : f32 to vector<16xf32>
      %add3A_1209 = arith.addf %add3A_611, %add3A_1206 : vector<16xf32>
      %mul3A_1210 = arith.mulf %add3A_1209, %add3A_1209 : vector<16xf32>
      %mul3A_1211 = arith.mulf %neg3A_638, %mul3A_1210 : vector<16xf32>
      %exp3A = math.exp %mul3A_1211 : vector<16xf32>
      %mul3A_1212 = arith.mulf %gather3A_669, %exp3A : vector<16xf32>
      %add3A_1213 = arith.addf %broadcast_in_dim3A_1208, %mul3A_1212 : vector<16xf32>
      %add3A_1214 = arith.addf %add3A_616, %add3A_1206 : vector<16xf32>
      %mul3A_1215 = arith.mulf %add3A_1214, %add3A_1214 : vector<16xf32>
      %mul3A_1216 = arith.mulf %neg3A_645, %mul3A_1215 : vector<16xf32>
      %exp3A_1217 = math.exp %mul3A_1216 : vector<16xf32>
      %mul3A_1218 = arith.mulf %gather3A_672, %exp3A_1217 : vector<16xf32>
      %add3A_1219 = arith.addf %add3A_1213, %mul3A_1218 : vector<16xf32>
      %add3A_1220 = arith.addf %add3A_621, %add3A_1206 : vector<16xf32>
      %mul3A_1221 = arith.mulf %add3A_1220, %add3A_1220 : vector<16xf32>
      %mul3A_1222 = arith.mulf %neg3A_652, %mul3A_1221 : vector<16xf32>
      %exp3A_1223 = math.exp %mul3A_1222 : vector<16xf32>
      %mul3A_1224 = arith.mulf %gather3A_675, %exp3A_1223 : vector<16xf32>
      %add3A_1225 = arith.addf %add3A_1219, %mul3A_1224 : vector<16xf32>
      %add3A_1226 = arith.addf %add3A_626, %add3A_1206 : vector<16xf32>
      %mul3A_1227 = arith.mulf %add3A_1226, %add3A_1226 : vector<16xf32>
      %mul3A_1228 = arith.mulf %neg3A_659, %mul3A_1227 : vector<16xf32>
      %exp3A_1229 = math.exp %mul3A_1228 : vector<16xf32>
      %mul3A_1230 = arith.mulf %gather3A_678, %exp3A_1229 : vector<16xf32>
      %add3A_1231 = arith.addf %add3A_1225, %mul3A_1230 : vector<16xf32>
      %add3A_1232 = arith.addf %add3A_631, %add3A_1206 : vector<16xf32>
      %mul3A_1233 = arith.mulf %add3A_1232, %add3A_1232 : vector<16xf32>
      %mul3A_1234 = arith.mulf %neg3A_666, %mul3A_1233 : vector<16xf32>
      %exp3A_1235 = math.exp %mul3A_1234 : vector<16xf32>
      %mul3A_1236 = arith.mulf %gather3A_681, %exp3A_1235 : vector<16xf32>
      %add3A_1237 = arith.addf %add3A_1231, %mul3A_1236 : vector<16xf32>
      %swap3A = arith.constant 6 : i32
      %swap3A_1238 = arith.index_cast %swap3A : i32 to index
      %swap3A_1239 = arith.index_cast %multiple_of3A : i32 to index
      %swap3A_1240 = tpu.vector_load %arg5[%swap3A_1238, %swap3A_1239] {strides = array<i32>} : memref<12x2560xf32, #tpu.memory_space<vmem>>, vector<16xf32>,
      tpu.vector_store %arg5[%swap3A_1238, %swap3A_1239], %add3A_1237 {strides = array<i32>} : memref<12x2560xf32, #tpu.memory_space<vmem>>, vector<16xf32>,
    }
    %scan3A_686 = arith.constant 160 : i32
    %dma_wait3A_687 = arith.constant 5 : i32
    %dma_wait3A_688 = arith.constant 5 : i32
    %dma_wait3A_689 = arith.constant 0 : i32
    %dma_wait3A_690 = arith.constant 0 : i32
    %dma_wait3A_691 = tpu.memref_slice %arg3[%dma_wait3A_688, %dma_wait3A_689, %dma_wait3A_690] : memref<12x2048x2048xf32, #tpu.memory_space<hbm>> -> memref<1x64x2048xf32, #tpu.memory_space<hbm>>
    %dma_wait3A_692 = tpu.memref_squeeze %dma_wait3A_691 : memref<1x64x2048xf32, #tpu.memory_space<hbm>> -> memref<64x2048xf32, #tpu.memory_space<hbm>>
    %dma_wait3A_693 = arith.constant 0 : i32
    %dma_wait3A_694 = arith.constant 0 : i32
    %dma_wait3A_695 = tpu.memref_slice %arg3[%dma_wait3A_687, %dma_wait3A_693, %dma_wait3A_694] : memref<12x2048x2048xf32, #tpu.memory_space<hbm>> -> memref<1x64x2048xf32, #tpu.memory_space<hbm>>
    %dma_wait3A_696 = tpu.memref_squeeze %dma_wait3A_695 : memref<1x64x2048xf32, #tpu.memory_space<hbm>> -> memref<64x2048xf32, #tpu.memory_space<hbm>>
    tpu.wait_dma2 semaphore(%arg6 : memref<!tpu.dma_semaphore, #tpu.memory_space<semaphore_mem>>) src(%dma_wait3A_696 : memref<64x2048xf32, #tpu.memory_space<hbm>>) dst(%dma_wait3A_692 : memref<64x2048xf32, #tpu.memory_space<hbm>>)
    %scan3A_697 = arith.constant 0 : i32
    %scan3A_698 = arith.constant 64 : i32
    %scan3A_699 = arith.addi %scan3A_697, %scan3A_698 : i32
    %scan3A_700 = arith.constant 1 : i32
    scf.for %scan3A_1197 = %scan3A_697 to %scan3A_699 step %scan3A_700  : i32 {
      %mul3A_1198 = arith.constant 1 : i32
      %mul3A_1199 = arith.muli %scan3A_1197, %mul3A_1198 : i32
      %add3A_1200 = arith.constant 0 : i32
      %add3A_1201 = arith.addi %add3A_1200, %mul3A_1199 : i32
      %add3A_1202 = arith.addi %mul3A_32, %add3A_1201 : i32
      %mul3A_1203 = arith.constant 8 : i32
      %mul3A_1204 = arith.muli %mul3A_1203, %add3A_1202 : i32
      %add3A_1205 = arith.addi %mul3A_1204, %select_n3A_9 : i32
      %sub3A_1206 = arith.constant 63 : i32
      %sub3A_1207 = arith.subi %sub3A_1206, %add3A_1201 : i32
      %mul3A_1208 = arith.constant 8 : i32
      %mul3A_1209 = arith.muli %mul3A_1208, %sub3A_1207 : i32
      %multiple_of3A = tpu.assume_multiple %mul3A_1209, 8 : i32
      %dma_start3A = arith.constant 6 : i32
      %dma_start3A_1210 = arith.constant 6 : i32
      %dma_start3A_1211 = tpu.memref_slice %arg5[%dma_start3A, %multiple_of3A] : memref<12x2560xf32, #tpu.memory_space<vmem>> -> memref<1x2048xf32, #tpu.memory_space<vmem>>
      %dma_start3A_1212 = tpu.memref_squeeze %dma_start3A_1211 : memref<1x2048xf32, #tpu.memory_space<vmem>> -> memref<2048xf32, #tpu.memory_space<vmem>>
      %dma_start3A_1213 = arith.constant 0 : i32
      %dma_start3A_1214 = tpu.memref_slice %arg3[%dma_start3A_1210, %add3A_1205, %dma_start3A_1213] : memref<12x2048x2048xf32, #tpu.memory_space<hbm>> -> memref<1x1x2048xf32, #tpu.memory_space<hbm>>
      %dma_start3A_1215 = tpu.memref_squeeze %dma_start3A_1214 : memref<1x1x2048xf32, #tpu.memory_space<hbm>> -> memref<2048xf32, #tpu.memory_space<hbm>>
      %dma_start3A_1216 = arith.constant 0 : i32
      %dma_start3A_1217 = tpu.memref_slice %arg3[%dma_start3A_1210, %add3A_1205, %dma_start3A_1216] : memref<12x2048x2048xf32, #tpu.memory_space<hbm>> -> memref<1x1x2048xf32, #tpu.memory_space<hbm>>
      %dma_start3A_1218 = tpu.memref_squeeze %dma_start3A_1217 : memref<1x1x2048xf32, #tpu.memory_space<hbm>> -> memref<2048xf32, #tpu.memory_space<hbm>>
      %dma_start3A_1219 = tpu.memref_slice %arg5[%dma_start3A, %multiple_of3A] : memref<12x2560xf32, #tpu.memory_space<vmem>> -> memref<1x2048xf32, #tpu.memory_space<vmem>>
      %dma_start3A_1220 = tpu.memref_squeeze %dma_start3A_1219 : memref<1x2048xf32, #tpu.memory_space<vmem>> -> memref<2048xf32, #tpu.memory_space<vmem>>
      tpu.enqueue_dma source(%dma_start3A_1220 : memref<2048xf32, #tpu.memory_space<vmem>>) target(%dma_start3A_1218 : memref<2048xf32, #tpu.memory_space<hbm>>) target_semaphore(%arg6 : memref<!tpu.dma_semaphore, #tpu.memory_space<semaphore_mem>>)
    }
    %scan3A_701 = arith.constant 64 : i32
    %broadcast_in_dim3A_702 = arith.constant 7 : i32
    %broadcast_in_dim3A_703 = vector.broadcast %broadcast_in_dim3A_702 : i32 to vector<16xi32>
    %broadcast_in_dim3A_704 = arith.constant 1 : i32
    %broadcast_in_dim3A_705 = vector.broadcast %broadcast_in_dim3A_704 : i32 to vector<16xi32>
    %gather3A_706 = tpu.vector_load_idx %arg4[%broadcast_in_dim3A_703, %broadcast_in_dim3A_705] : memref<12x16xf32, #tpu.memory_space<vmem>>[vector<16xi32>, vector<16xi32>], vector<16xf32>,
    %add3A_707 = vector.broadcast %convert_element_type3A_38 : f32 to vector<16xf32>
    %add3A_708 = arith.addf %gather3A_706, %add3A_707 : vector<16xf32>
    %broadcast_in_dim3A_709 = arith.constant 2 : i32
    %broadcast_in_dim3A_710 = vector.broadcast %broadcast_in_dim3A_709 : i32 to vector<16xi32>
    %gather3A_711 = tpu.vector_load_idx %arg4[%broadcast_in_dim3A_703, %broadcast_in_dim3A_710] : memref<12x16xf32, #tpu.memory_space<vmem>>[vector<16xi32>, vector<16xi32>], vector<16xf32>,
    %add3A_712 = vector.broadcast %convert_element_type3A_38 : f32 to vector<16xf32>
    %add3A_713 = arith.addf %gather3A_711, %add3A_712 : vector<16xf32>
    %broadcast_in_dim3A_714 = arith.constant 3 : i32
    %broadcast_in_dim3A_715 = vector.broadcast %broadcast_in_dim3A_714 : i32 to vector<16xi32>
    %gather3A_716 = tpu.vector_load_idx %arg4[%broadcast_in_dim3A_703, %broadcast_in_dim3A_715] : memref<12x16xf32, #tpu.memory_space<vmem>>[vector<16xi32>, vector<16xi32>], vector<16xf32>,
    %add3A_717 = vector.broadcast %convert_element_type3A_38 : f32 to vector<16xf32>
    %add3A_718 = arith.addf %gather3A_716, %add3A_717 : vector<16xf32>
    %broadcast_in_dim3A_719 = arith.constant 4 : i32
    %broadcast_in_dim3A_720 = vector.broadcast %broadcast_in_dim3A_719 : i32 to vector<16xi32>
    %gather3A_721 = tpu.vector_load_idx %arg4[%broadcast_in_dim3A_703, %broadcast_in_dim3A_720] : memref<12x16xf32, #tpu.memory_space<vmem>>[vector<16xi32>, vector<16xi32>], vector<16xf32>,
    %add3A_722 = vector.broadcast %convert_element_type3A_38 : f32 to vector<16xf32>
    %add3A_723 = arith.addf %gather3A_721, %add3A_722 : vector<16xf32>
    %broadcast_in_dim3A_724 = arith.constant 5 : i32
    %broadcast_in_dim3A_725 = vector.broadcast %broadcast_in_dim3A_724 : i32 to vector<16xi32>
    %gather3A_726 = tpu.vector_load_idx %arg4[%broadcast_in_dim3A_703, %broadcast_in_dim3A_725] : memref<12x16xf32, #tpu.memory_space<vmem>>[vector<16xi32>, vector<16xi32>], vector<16xf32>,
    %add3A_727 = vector.broadcast %convert_element_type3A_38 : f32 to vector<16xf32>
    %add3A_728 = arith.addf %gather3A_726, %add3A_727 : vector<16xf32>
    %broadcast_in_dim3A_729 = arith.constant 6 : i32
    %broadcast_in_dim3A_730 = vector.broadcast %broadcast_in_dim3A_729 : i32 to vector<16xi32>
    %gather3A_731 = tpu.vector_load_idx %arg4[%broadcast_in_dim3A_703, %broadcast_in_dim3A_730] : memref<12x16xf32, #tpu.memory_space<vmem>>[vector<16xi32>, vector<16xi32>], vector<16xf32>,
    %abs3A_732 = math.absf %gather3A_731 : vector<16xf32>
    %neg3A_733 = arith.constant 0.000000e+00 : f32
    %neg3A_734 = vector.broadcast %neg3A_733 : f32 to vector<16xf32>
    %neg3A_735 = arith.subf %neg3A_734, %abs3A_732 : vector<16xf32>
    %broadcast_in_dim3A_736 = arith.constant 7 : i32
    %broadcast_in_dim3A_737 = vector.broadcast %broadcast_in_dim3A_736 : i32 to vector<16xi32>
    %gather3A_738 = tpu.vector_load_idx %arg4[%broadcast_in_dim3A_703, %broadcast_in_dim3A_737] : memref<12x16xf32, #tpu.memory_space<vmem>>[vector<16xi32>, vector<16xi32>], vector<16xf32>,
    %abs3A_739 = math.absf %gather3A_738 : vector<16xf32>
    %neg3A_740 = arith.constant 0.000000e+00 : f32
    %neg3A_741 = vector.broadcast %neg3A_740 : f32 to vector<16xf32>
    %neg3A_742 = arith.subf %neg3A_741, %abs3A_739 : vector<16xf32>
    %broadcast_in_dim3A_743 = arith.constant 8 : i32
    %broadcast_in_dim3A_744 = vector.broadcast %broadcast_in_dim3A_743 : i32 to vector<16xi32>
    %gather3A_745 = tpu.vector_load_idx %arg4[%broadcast_in_dim3A_703, %broadcast_in_dim3A_744] : memref<12x16xf32, #tpu.memory_space<vmem>>[vector<16xi32>, vector<16xi32>], vector<16xf32>,
    %abs3A_746 = math.absf %gather3A_745 : vector<16xf32>
    %neg3A_747 = arith.constant 0.000000e+00 : f32
    %neg3A_748 = vector.broadcast %neg3A_747 : f32 to vector<16xf32>
    %neg3A_749 = arith.subf %neg3A_748, %abs3A_746 : vector<16xf32>
    %broadcast_in_dim3A_750 = arith.constant 9 : i32
    %broadcast_in_dim3A_751 = vector.broadcast %broadcast_in_dim3A_750 : i32 to vector<16xi32>
    %gather3A_752 = tpu.vector_load_idx %arg4[%broadcast_in_dim3A_703, %broadcast_in_dim3A_751] : memref<12x16xf32, #tpu.memory_space<vmem>>[vector<16xi32>, vector<16xi32>], vector<16xf32>,
    %abs3A_753 = math.absf %gather3A_752 : vector<16xf32>
    %neg3A_754 = arith.constant 0.000000e+00 : f32
    %neg3A_755 = vector.broadcast %neg3A_754 : f32 to vector<16xf32>
    %neg3A_756 = arith.subf %neg3A_755, %abs3A_753 : vector<16xf32>
    %broadcast_in_dim3A_757 = arith.constant 10 : i32
    %broadcast_in_dim3A_758 = vector.broadcast %broadcast_in_dim3A_757 : i32 to vector<16xi32>
    %gather3A_759 = tpu.vector_load_idx %arg4[%broadcast_in_dim3A_703, %broadcast_in_dim3A_758] : memref<12x16xf32, #tpu.memory_space<vmem>>[vector<16xi32>, vector<16xi32>], vector<16xf32>,
    %abs3A_760 = math.absf %gather3A_759 : vector<16xf32>
    %neg3A_761 = arith.constant 0.000000e+00 : f32
    %neg3A_762 = vector.broadcast %neg3A_761 : f32 to vector<16xf32>
    %neg3A_763 = arith.subf %neg3A_762, %abs3A_760 : vector<16xf32>
    %broadcast_in_dim3A_764 = arith.constant 11 : i32
    %broadcast_in_dim3A_765 = vector.broadcast %broadcast_in_dim3A_764 : i32 to vector<16xi32>
    %gather3A_766 = tpu.vector_load_idx %arg4[%broadcast_in_dim3A_703, %broadcast_in_dim3A_765] : memref<12x16xf32, #tpu.memory_space<vmem>>[vector<16xi32>, vector<16xi32>], vector<16xf32>,
    %broadcast_in_dim3A_767 = arith.constant 12 : i32
    %broadcast_in_dim3A_768 = vector.broadcast %broadcast_in_dim3A_767 : i32 to vector<16xi32>
    %gather3A_769 = tpu.vector_load_idx %arg4[%broadcast_in_dim3A_703, %broadcast_in_dim3A_768] : memref<12x16xf32, #tpu.memory_space<vmem>>[vector<16xi32>, vector<16xi32>], vector<16xf32>,
    %broadcast_in_dim3A_770 = arith.constant 13 : i32
    %broadcast_in_dim3A_771 = vector.broadcast %broadcast_in_dim3A_770 : i32 to vector<16xi32>
    %gather3A_772 = tpu.vector_load_idx %arg4[%broadcast_in_dim3A_703, %broadcast_in_dim3A_771] : memref<12x16xf32, #tpu.memory_space<vmem>>[vector<16xi32>, vector<16xi32>], vector<16xf32>,
    %broadcast_in_dim3A_773 = arith.constant 14 : i32
    %broadcast_in_dim3A_774 = vector.broadcast %broadcast_in_dim3A_773 : i32 to vector<16xi32>
    %gather3A_775 = tpu.vector_load_idx %arg4[%broadcast_in_dim3A_703, %broadcast_in_dim3A_774] : memref<12x16xf32, #tpu.memory_space<vmem>>[vector<16xi32>, vector<16xi32>], vector<16xf32>,
    %broadcast_in_dim3A_776 = arith.constant 15 : i32
    %broadcast_in_dim3A_777 = vector.broadcast %broadcast_in_dim3A_776 : i32 to vector<16xi32>
    %gather3A_778 = tpu.vector_load_idx %arg4[%broadcast_in_dim3A_703, %broadcast_in_dim3A_777] : memref<12x16xf32, #tpu.memory_space<vmem>>[vector<16xi32>, vector<16xi32>], vector<16xf32>,
    %scan3A_779 = arith.constant 0 : i32
    %scan3A_780 = arith.constant 160 : i32
    %scan3A_781 = arith.addi %scan3A_779, %scan3A_780 : i32
    %scan3A_782 = arith.constant 1 : i32
    scf.for %scan3A_1197 = %scan3A_779 to %scan3A_781 step %scan3A_782  : i32 {
      %mul3A_1198 = arith.constant 1 : i32
      %mul3A_1199 = arith.muli %scan3A_1197, %mul3A_1198 : i32
      %add3A_1200 = arith.constant 0 : i32
      %add3A_1201 = arith.addi %add3A_1200, %mul3A_1199 : i32
      %mul3A_1202 = arith.constant 16 : i32
      %mul3A_1203 = arith.muli %add3A_1201, %mul3A_1202 : i32
      %multiple_of3A = tpu.assume_multiple %mul3A_1203, 16 : i32
      %convert_element_type3A_1204 = arith.sitofp %multiple_of3A : i32 to f32
      %add3A_1205 = vector.broadcast %convert_element_type3A_1204 : f32 to vector<16xf32>
      %add3A_1206 = arith.addf %convert_element_type3A, %add3A_1205 : vector<16xf32>
      %broadcast_in_dim3A_1207 = arith.constant 0.000000e+00 : f32
      %broadcast_in_dim3A_1208 = vector.broadcast %broadcast_in_dim3A_1207 : f32 to vector<16xf32>
      %add3A_1209 = arith.addf %add3A_708, %add3A_1206 : vector<16xf32>
      %mul3A_1210 = arith.mulf %add3A_1209, %add3A_1209 : vector<16xf32>
      %mul3A_1211 = arith.mulf %neg3A_735, %mul3A_1210 : vector<16xf32>
      %exp3A = math.exp %mul3A_1211 : vector<16xf32>
      %mul3A_1212 = arith.mulf %gather3A_766, %exp3A : vector<16xf32>
      %add3A_1213 = arith.addf %broadcast_in_dim3A_1208, %mul3A_1212 : vector<16xf32>
      %add3A_1214 = arith.addf %add3A_713, %add3A_1206 : vector<16xf32>
      %mul3A_1215 = arith.mulf %add3A_1214, %add3A_1214 : vector<16xf32>
      %mul3A_1216 = arith.mulf %neg3A_742, %mul3A_1215 : vector<16xf32>
      %exp3A_1217 = math.exp %mul3A_1216 : vector<16xf32>
      %mul3A_1218 = arith.mulf %gather3A_769, %exp3A_1217 : vector<16xf32>
      %add3A_1219 = arith.addf %add3A_1213, %mul3A_1218 : vector<16xf32>
      %add3A_1220 = arith.addf %add3A_718, %add3A_1206 : vector<16xf32>
      %mul3A_1221 = arith.mulf %add3A_1220, %add3A_1220 : vector<16xf32>
      %mul3A_1222 = arith.mulf %neg3A_749, %mul3A_1221 : vector<16xf32>
      %exp3A_1223 = math.exp %mul3A_1222 : vector<16xf32>
      %mul3A_1224 = arith.mulf %gather3A_772, %exp3A_1223 : vector<16xf32>
      %add3A_1225 = arith.addf %add3A_1219, %mul3A_1224 : vector<16xf32>
      %add3A_1226 = arith.addf %add3A_723, %add3A_1206 : vector<16xf32>
      %mul3A_1227 = arith.mulf %add3A_1226, %add3A_1226 : vector<16xf32>
      %mul3A_1228 = arith.mulf %neg3A_756, %mul3A_1227 : vector<16xf32>
      %exp3A_1229 = math.exp %mul3A_1228 : vector<16xf32>
      %mul3A_1230 = arith.mulf %gather3A_775, %exp3A_1229 : vector<16xf32>
      %add3A_1231 = arith.addf %add3A_1225, %mul3A_1230 : vector<16xf32>
      %add3A_1232 = arith.addf %add3A_728, %add3A_1206 : vector<16xf32>
      %mul3A_1233 = arith.mulf %add3A_1232, %add3A_1232 : vector<16xf32>
      %mul3A_1234 = arith.mulf %neg3A_763, %mul3A_1233 : vector<16xf32>
      %exp3A_1235 = math.exp %mul3A_1234 : vector<16xf32>
      %mul3A_1236 = arith.mulf %gather3A_778, %exp3A_1235 : vector<16xf32>
      %add3A_1237 = arith.addf %add3A_1231, %mul3A_1236 : vector<16xf32>
      %swap3A = arith.constant 7 : i32
      %swap3A_1238 = arith.index_cast %swap3A : i32 to index
      %swap3A_1239 = arith.index_cast %multiple_of3A : i32 to index
      %swap3A_1240 = tpu.vector_load %arg5[%swap3A_1238, %swap3A_1239] {strides = array<i32>} : memref<12x2560xf32, #tpu.memory_space<vmem>>, vector<16xf32>,
      tpu.vector_store %arg5[%swap3A_1238, %swap3A_1239], %add3A_1237 {strides = array<i32>} : memref<12x2560xf32, #tpu.memory_space<vmem>>, vector<16xf32>,
    }
    %scan3A_783 = arith.constant 160 : i32
    %dma_wait3A_784 = arith.constant 6 : i32
    %dma_wait3A_785 = arith.constant 6 : i32
    %dma_wait3A_786 = arith.constant 0 : i32
    %dma_wait3A_787 = arith.constant 0 : i32
    %dma_wait3A_788 = tpu.memref_slice %arg3[%dma_wait3A_785, %dma_wait3A_786, %dma_wait3A_787] : memref<12x2048x2048xf32, #tpu.memory_space<hbm>> -> memref<1x64x2048xf32, #tpu.memory_space<hbm>>
    %dma_wait3A_789 = tpu.memref_squeeze %dma_wait3A_788 : memref<1x64x2048xf32, #tpu.memory_space<hbm>> -> memref<64x2048xf32, #tpu.memory_space<hbm>>
    %dma_wait3A_790 = arith.constant 0 : i32
    %dma_wait3A_791 = arith.constant 0 : i32
    %dma_wait3A_792 = tpu.memref_slice %arg3[%dma_wait3A_784, %dma_wait3A_790, %dma_wait3A_791] : memref<12x2048x2048xf32, #tpu.memory_space<hbm>> -> memref<1x64x2048xf32, #tpu.memory_space<hbm>>
    %dma_wait3A_793 = tpu.memref_squeeze %dma_wait3A_792 : memref<1x64x2048xf32, #tpu.memory_space<hbm>> -> memref<64x2048xf32, #tpu.memory_space<hbm>>
    tpu.wait_dma2 semaphore(%arg6 : memref<!tpu.dma_semaphore, #tpu.memory_space<semaphore_mem>>) src(%dma_wait3A_793 : memref<64x2048xf32, #tpu.memory_space<hbm>>) dst(%dma_wait3A_789 : memref<64x2048xf32, #tpu.memory_space<hbm>>)
    %scan3A_794 = arith.constant 0 : i32
    %scan3A_795 = arith.constant 64 : i32
    %scan3A_796 = arith.addi %scan3A_794, %scan3A_795 : i32
    %scan3A_797 = arith.constant 1 : i32
    scf.for %scan3A_1197 = %scan3A_794 to %scan3A_796 step %scan3A_797  : i32 {
      %mul3A_1198 = arith.constant 1 : i32
      %mul3A_1199 = arith.muli %scan3A_1197, %mul3A_1198 : i32
      %add3A_1200 = arith.constant 0 : i32
      %add3A_1201 = arith.addi %add3A_1200, %mul3A_1199 : i32
      %add3A_1202 = arith.addi %mul3A_32, %add3A_1201 : i32
      %mul3A_1203 = arith.constant 8 : i32
      %mul3A_1204 = arith.muli %mul3A_1203, %add3A_1202 : i32
      %add3A_1205 = arith.addi %mul3A_1204, %select_n3A_9 : i32
      %sub3A_1206 = arith.constant 63 : i32
      %sub3A_1207 = arith.subi %sub3A_1206, %add3A_1201 : i32
      %mul3A_1208 = arith.constant 8 : i32
      %mul3A_1209 = arith.muli %mul3A_1208, %sub3A_1207 : i32
      %multiple_of3A = tpu.assume_multiple %mul3A_1209, 8 : i32
      %dma_start3A = arith.constant 7 : i32
      %dma_start3A_1210 = arith.constant 7 : i32
      %dma_start3A_1211 = tpu.memref_slice %arg5[%dma_start3A, %multiple_of3A] : memref<12x2560xf32, #tpu.memory_space<vmem>> -> memref<1x2048xf32, #tpu.memory_space<vmem>>
      %dma_start3A_1212 = tpu.memref_squeeze %dma_start3A_1211 : memref<1x2048xf32, #tpu.memory_space<vmem>> -> memref<2048xf32, #tpu.memory_space<vmem>>
      %dma_start3A_1213 = arith.constant 0 : i32
      %dma_start3A_1214 = tpu.memref_slice %arg3[%dma_start3A_1210, %add3A_1205, %dma_start3A_1213] : memref<12x2048x2048xf32, #tpu.memory_space<hbm>> -> memref<1x1x2048xf32, #tpu.memory_space<hbm>>
      %dma_start3A_1215 = tpu.memref_squeeze %dma_start3A_1214 : memref<1x1x2048xf32, #tpu.memory_space<hbm>> -> memref<2048xf32, #tpu.memory_space<hbm>>
      %dma_start3A_1216 = arith.constant 0 : i32
      %dma_start3A_1217 = tpu.memref_slice %arg3[%dma_start3A_1210, %add3A_1205, %dma_start3A_1216] : memref<12x2048x2048xf32, #tpu.memory_space<hbm>> -> memref<1x1x2048xf32, #tpu.memory_space<hbm>>
      %dma_start3A_1218 = tpu.memref_squeeze %dma_start3A_1217 : memref<1x1x2048xf32, #tpu.memory_space<hbm>> -> memref<2048xf32, #tpu.memory_space<hbm>>
      %dma_start3A_1219 = tpu.memref_slice %arg5[%dma_start3A, %multiple_of3A] : memref<12x2560xf32, #tpu.memory_space<vmem>> -> memref<1x2048xf32, #tpu.memory_space<vmem>>
      %dma_start3A_1220 = tpu.memref_squeeze %dma_start3A_1219 : memref<1x2048xf32, #tpu.memory_space<vmem>> -> memref<2048xf32, #tpu.memory_space<vmem>>
      tpu.enqueue_dma source(%dma_start3A_1220 : memref<2048xf32, #tpu.memory_space<vmem>>) target(%dma_start3A_1218 : memref<2048xf32, #tpu.memory_space<hbm>>) target_semaphore(%arg6 : memref<!tpu.dma_semaphore, #tpu.memory_space<semaphore_mem>>)
    }
    %scan3A_798 = arith.constant 64 : i32
    %broadcast_in_dim3A_799 = arith.constant 8 : i32
    %broadcast_in_dim3A_800 = vector.broadcast %broadcast_in_dim3A_799 : i32 to vector<16xi32>
    %broadcast_in_dim3A_801 = arith.constant 1 : i32
    %broadcast_in_dim3A_802 = vector.broadcast %broadcast_in_dim3A_801 : i32 to vector<16xi32>
    %gather3A_803 = tpu.vector_load_idx %arg4[%broadcast_in_dim3A_800, %broadcast_in_dim3A_802] : memref<12x16xf32, #tpu.memory_space<vmem>>[vector<16xi32>, vector<16xi32>], vector<16xf32>,
    %add3A_804 = vector.broadcast %convert_element_type3A_38 : f32 to vector<16xf32>
    %add3A_805 = arith.addf %gather3A_803, %add3A_804 : vector<16xf32>
    %broadcast_in_dim3A_806 = arith.constant 2 : i32
    %broadcast_in_dim3A_807 = vector.broadcast %broadcast_in_dim3A_806 : i32 to vector<16xi32>
    %gather3A_808 = tpu.vector_load_idx %arg4[%broadcast_in_dim3A_800, %broadcast_in_dim3A_807] : memref<12x16xf32, #tpu.memory_space<vmem>>[vector<16xi32>, vector<16xi32>], vector<16xf32>,
    %add3A_809 = vector.broadcast %convert_element_type3A_38 : f32 to vector<16xf32>
    %add3A_810 = arith.addf %gather3A_808, %add3A_809 : vector<16xf32>
    %broadcast_in_dim3A_811 = arith.constant 3 : i32
    %broadcast_in_dim3A_812 = vector.broadcast %broadcast_in_dim3A_811 : i32 to vector<16xi32>
    %gather3A_813 = tpu.vector_load_idx %arg4[%broadcast_in_dim3A_800, %broadcast_in_dim3A_812] : memref<12x16xf32, #tpu.memory_space<vmem>>[vector<16xi32>, vector<16xi32>], vector<16xf32>,
    %add3A_814 = vector.broadcast %convert_element_type3A_38 : f32 to vector<16xf32>
    %add3A_815 = arith.addf %gather3A_813, %add3A_814 : vector<16xf32>
    %broadcast_in_dim3A_816 = arith.constant 4 : i32
    %broadcast_in_dim3A_817 = vector.broadcast %broadcast_in_dim3A_816 : i32 to vector<16xi32>
    %gather3A_818 = tpu.vector_load_idx %arg4[%broadcast_in_dim3A_800, %broadcast_in_dim3A_817] : memref<12x16xf32, #tpu.memory_space<vmem>>[vector<16xi32>, vector<16xi32>], vector<16xf32>,
    %add3A_819 = vector.broadcast %convert_element_type3A_38 : f32 to vector<16xf32>
    %add3A_820 = arith.addf %gather3A_818, %add3A_819 : vector<16xf32>
    %broadcast_in_dim3A_821 = arith.constant 5 : i32
    %broadcast_in_dim3A_822 = vector.broadcast %broadcast_in_dim3A_821 : i32 to vector<16xi32>
    %gather3A_823 = tpu.vector_load_idx %arg4[%broadcast_in_dim3A_800, %broadcast_in_dim3A_822] : memref<12x16xf32, #tpu.memory_space<vmem>>[vector<16xi32>, vector<16xi32>], vector<16xf32>,
    %add3A_824 = vector.broadcast %convert_element_type3A_38 : f32 to vector<16xf32>
    %add3A_825 = arith.addf %gather3A_823, %add3A_824 : vector<16xf32>
    %broadcast_in_dim3A_826 = arith.constant 6 : i32
    %broadcast_in_dim3A_827 = vector.broadcast %broadcast_in_dim3A_826 : i32 to vector<16xi32>
    %gather3A_828 = tpu.vector_load_idx %arg4[%broadcast_in_dim3A_800, %broadcast_in_dim3A_827] : memref<12x16xf32, #tpu.memory_space<vmem>>[vector<16xi32>, vector<16xi32>], vector<16xf32>,
    %abs3A_829 = math.absf %gather3A_828 : vector<16xf32>
    %neg3A_830 = arith.constant 0.000000e+00 : f32
    %neg3A_831 = vector.broadcast %neg3A_830 : f32 to vector<16xf32>
    %neg3A_832 = arith.subf %neg3A_831, %abs3A_829 : vector<16xf32>
    %broadcast_in_dim3A_833 = arith.constant 7 : i32
    %broadcast_in_dim3A_834 = vector.broadcast %broadcast_in_dim3A_833 : i32 to vector<16xi32>
    %gather3A_835 = tpu.vector_load_idx %arg4[%broadcast_in_dim3A_800, %broadcast_in_dim3A_834] : memref<12x16xf32, #tpu.memory_space<vmem>>[vector<16xi32>, vector<16xi32>], vector<16xf32>,
    %abs3A_836 = math.absf %gather3A_835 : vector<16xf32>
    %neg3A_837 = arith.constant 0.000000e+00 : f32
    %neg3A_838 = vector.broadcast %neg3A_837 : f32 to vector<16xf32>
    %neg3A_839 = arith.subf %neg3A_838, %abs3A_836 : vector<16xf32>
    %broadcast_in_dim3A_840 = arith.constant 8 : i32
    %broadcast_in_dim3A_841 = vector.broadcast %broadcast_in_dim3A_840 : i32 to vector<16xi32>
    %gather3A_842 = tpu.vector_load_idx %arg4[%broadcast_in_dim3A_800, %broadcast_in_dim3A_841] : memref<12x16xf32, #tpu.memory_space<vmem>>[vector<16xi32>, vector<16xi32>], vector<16xf32>,
    %abs3A_843 = math.absf %gather3A_842 : vector<16xf32>
    %neg3A_844 = arith.constant 0.000000e+00 : f32
    %neg3A_845 = vector.broadcast %neg3A_844 : f32 to vector<16xf32>
    %neg3A_846 = arith.subf %neg3A_845, %abs3A_843 : vector<16xf32>
    %broadcast_in_dim3A_847 = arith.constant 9 : i32
    %broadcast_in_dim3A_848 = vector.broadcast %broadcast_in_dim3A_847 : i32 to vector<16xi32>
    %gather3A_849 = tpu.vector_load_idx %arg4[%broadcast_in_dim3A_800, %broadcast_in_dim3A_848] : memref<12x16xf32, #tpu.memory_space<vmem>>[vector<16xi32>, vector<16xi32>], vector<16xf32>,
    %abs3A_850 = math.absf %gather3A_849 : vector<16xf32>
    %neg3A_851 = arith.constant 0.000000e+00 : f32
    %neg3A_852 = vector.broadcast %neg3A_851 : f32 to vector<16xf32>
    %neg3A_853 = arith.subf %neg3A_852, %abs3A_850 : vector<16xf32>
    %broadcast_in_dim3A_854 = arith.constant 10 : i32
    %broadcast_in_dim3A_855 = vector.broadcast %broadcast_in_dim3A_854 : i32 to vector<16xi32>
    %gather3A_856 = tpu.vector_load_idx %arg4[%broadcast_in_dim3A_800, %broadcast_in_dim3A_855] : memref<12x16xf32, #tpu.memory_space<vmem>>[vector<16xi32>, vector<16xi32>], vector<16xf32>,
    %abs3A_857 = math.absf %gather3A_856 : vector<16xf32>
    %neg3A_858 = arith.constant 0.000000e+00 : f32
    %neg3A_859 = vector.broadcast %neg3A_858 : f32 to vector<16xf32>
    %neg3A_860 = arith.subf %neg3A_859, %abs3A_857 : vector<16xf32>
    %broadcast_in_dim3A_861 = arith.constant 11 : i32
    %broadcast_in_dim3A_862 = vector.broadcast %broadcast_in_dim3A_861 : i32 to vector<16xi32>
    %gather3A_863 = tpu.vector_load_idx %arg4[%broadcast_in_dim3A_800, %broadcast_in_dim3A_862] : memref<12x16xf32, #tpu.memory_space<vmem>>[vector<16xi32>, vector<16xi32>], vector<16xf32>,
    %broadcast_in_dim3A_864 = arith.constant 12 : i32
    %broadcast_in_dim3A_865 = vector.broadcast %broadcast_in_dim3A_864 : i32 to vector<16xi32>
    %gather3A_866 = tpu.vector_load_idx %arg4[%broadcast_in_dim3A_800, %broadcast_in_dim3A_865] : memref<12x16xf32, #tpu.memory_space<vmem>>[vector<16xi32>, vector<16xi32>], vector<16xf32>,
    %broadcast_in_dim3A_867 = arith.constant 13 : i32
    %broadcast_in_dim3A_868 = vector.broadcast %broadcast_in_dim3A_867 : i32 to vector<16xi32>
    %gather3A_869 = tpu.vector_load_idx %arg4[%broadcast_in_dim3A_800, %broadcast_in_dim3A_868] : memref<12x16xf32, #tpu.memory_space<vmem>>[vector<16xi32>, vector<16xi32>], vector<16xf32>,
    %broadcast_in_dim3A_870 = arith.constant 14 : i32
    %broadcast_in_dim3A_871 = vector.broadcast %broadcast_in_dim3A_870 : i32 to vector<16xi32>
    %gather3A_872 = tpu.vector_load_idx %arg4[%broadcast_in_dim3A_800, %broadcast_in_dim3A_871] : memref<12x16xf32, #tpu.memory_space<vmem>>[vector<16xi32>, vector<16xi32>], vector<16xf32>,
    %broadcast_in_dim3A_873 = arith.constant 15 : i32
    %broadcast_in_dim3A_874 = vector.broadcast %broadcast_in_dim3A_873 : i32 to vector<16xi32>
    %gather3A_875 = tpu.vector_load_idx %arg4[%broadcast_in_dim3A_800, %broadcast_in_dim3A_874] : memref<12x16xf32, #tpu.memory_space<vmem>>[vector<16xi32>, vector<16xi32>], vector<16xf32>,
    %scan3A_876 = arith.constant 0 : i32
    %scan3A_877 = arith.constant 160 : i32
    %scan3A_878 = arith.addi %scan3A_876, %scan3A_877 : i32
    %scan3A_879 = arith.constant 1 : i32
    scf.for %scan3A_1197 = %scan3A_876 to %scan3A_878 step %scan3A_879  : i32 {
      %mul3A_1198 = arith.constant 1 : i32
      %mul3A_1199 = arith.muli %scan3A_1197, %mul3A_1198 : i32
      %add3A_1200 = arith.constant 0 : i32
      %add3A_1201 = arith.addi %add3A_1200, %mul3A_1199 : i32
      %mul3A_1202 = arith.constant 16 : i32
      %mul3A_1203 = arith.muli %add3A_1201, %mul3A_1202 : i32
      %multiple_of3A = tpu.assume_multiple %mul3A_1203, 16 : i32
      %convert_element_type3A_1204 = arith.sitofp %multiple_of3A : i32 to f32
      %add3A_1205 = vector.broadcast %convert_element_type3A_1204 : f32 to vector<16xf32>
      %add3A_1206 = arith.addf %convert_element_type3A, %add3A_1205 : vector<16xf32>
      %broadcast_in_dim3A_1207 = arith.constant 0.000000e+00 : f32
      %broadcast_in_dim3A_1208 = vector.broadcast %broadcast_in_dim3A_1207 : f32 to vector<16xf32>
      %add3A_1209 = arith.addf %add3A_805, %add3A_1206 : vector<16xf32>
      %mul3A_1210 = arith.mulf %add3A_1209, %add3A_1209 : vector<16xf32>
      %mul3A_1211 = arith.mulf %neg3A_832, %mul3A_1210 : vector<16xf32>
      %exp3A = math.exp %mul3A_1211 : vector<16xf32>
      %mul3A_1212 = arith.mulf %gather3A_863, %exp3A : vector<16xf32>
      %add3A_1213 = arith.addf %broadcast_in_dim3A_1208, %mul3A_1212 : vector<16xf32>
      %add3A_1214 = arith.addf %add3A_810, %add3A_1206 : vector<16xf32>
      %mul3A_1215 = arith.mulf %add3A_1214, %add3A_1214 : vector<16xf32>
      %mul3A_1216 = arith.mulf %neg3A_839, %mul3A_1215 : vector<16xf32>
      %exp3A_1217 = math.exp %mul3A_1216 : vector<16xf32>
      %mul3A_1218 = arith.mulf %gather3A_866, %exp3A_1217 : vector<16xf32>
      %add3A_1219 = arith.addf %add3A_1213, %mul3A_1218 : vector<16xf32>
      %add3A_1220 = arith.addf %add3A_815, %add3A_1206 : vector<16xf32>
      %mul3A_1221 = arith.mulf %add3A_1220, %add3A_1220 : vector<16xf32>
      %mul3A_1222 = arith.mulf %neg3A_846, %mul3A_1221 : vector<16xf32>
      %exp3A_1223 = math.exp %mul3A_1222 : vector<16xf32>
      %mul3A_1224 = arith.mulf %gather3A_869, %exp3A_1223 : vector<16xf32>
      %add3A_1225 = arith.addf %add3A_1219, %mul3A_1224 : vector<16xf32>
      %add3A_1226 = arith.addf %add3A_820, %add3A_1206 : vector<16xf32>
      %mul3A_1227 = arith.mulf %add3A_1226, %add3A_1226 : vector<16xf32>
      %mul3A_1228 = arith.mulf %neg3A_853, %mul3A_1227 : vector<16xf32>
      %exp3A_1229 = math.exp %mul3A_1228 : vector<16xf32>
      %mul3A_1230 = arith.mulf %gather3A_872, %exp3A_1229 : vector<16xf32>
      %add3A_1231 = arith.addf %add3A_1225, %mul3A_1230 : vector<16xf32>
      %add3A_1232 = arith.addf %add3A_825, %add3A_1206 : vector<16xf32>
      %mul3A_1233 = arith.mulf %add3A_1232, %add3A_1232 : vector<16xf32>
      %mul3A_1234 = arith.mulf %neg3A_860, %mul3A_1233 : vector<16xf32>
      %exp3A_1235 = math.exp %mul3A_1234 : vector<16xf32>
      %mul3A_1236 = arith.mulf %gather3A_875, %exp3A_1235 : vector<16xf32>
      %add3A_1237 = arith.addf %add3A_1231, %mul3A_1236 : vector<16xf32>
      %swap3A = arith.constant 8 : i32
      %swap3A_1238 = arith.index_cast %swap3A : i32 to index
      %swap3A_1239 = arith.index_cast %multiple_of3A : i32 to index
      %swap3A_1240 = tpu.vector_load %arg5[%swap3A_1238, %swap3A_1239] {strides = array<i32>} : memref<12x2560xf32, #tpu.memory_space<vmem>>, vector<16xf32>,
      tpu.vector_store %arg5[%swap3A_1238, %swap3A_1239], %add3A_1237 {strides = array<i32>} : memref<12x2560xf32, #tpu.memory_space<vmem>>, vector<16xf32>,
    }
    %scan3A_880 = arith.constant 160 : i32
    %dma_wait3A_881 = arith.constant 7 : i32
    %dma_wait3A_882 = arith.constant 7 : i32
    %dma_wait3A_883 = arith.constant 0 : i32
    %dma_wait3A_884 = arith.constant 0 : i32
    %dma_wait3A_885 = tpu.memref_slice %arg3[%dma_wait3A_882, %dma_wait3A_883, %dma_wait3A_884] : memref<12x2048x2048xf32, #tpu.memory_space<hbm>> -> memref<1x64x2048xf32, #tpu.memory_space<hbm>>
    %dma_wait3A_886 = tpu.memref_squeeze %dma_wait3A_885 : memref<1x64x2048xf32, #tpu.memory_space<hbm>> -> memref<64x2048xf32, #tpu.memory_space<hbm>>
    %dma_wait3A_887 = arith.constant 0 : i32
    %dma_wait3A_888 = arith.constant 0 : i32
    %dma_wait3A_889 = tpu.memref_slice %arg3[%dma_wait3A_881, %dma_wait3A_887, %dma_wait3A_888] : memref<12x2048x2048xf32, #tpu.memory_space<hbm>> -> memref<1x64x2048xf32, #tpu.memory_space<hbm>>
    %dma_wait3A_890 = tpu.memref_squeeze %dma_wait3A_889 : memref<1x64x2048xf32, #tpu.memory_space<hbm>> -> memref<64x2048xf32, #tpu.memory_space<hbm>>
    tpu.wait_dma2 semaphore(%arg6 : memref<!tpu.dma_semaphore, #tpu.memory_space<semaphore_mem>>) src(%dma_wait3A_890 : memref<64x2048xf32, #tpu.memory_space<hbm>>) dst(%dma_wait3A_886 : memref<64x2048xf32, #tpu.memory_space<hbm>>)
    %scan3A_891 = arith.constant 0 : i32
    %scan3A_892 = arith.constant 64 : i32
    %scan3A_893 = arith.addi %scan3A_891, %scan3A_892 : i32
    %scan3A_894 = arith.constant 1 : i32
    scf.for %scan3A_1197 = %scan3A_891 to %scan3A_893 step %scan3A_894  : i32 {
      %mul3A_1198 = arith.constant 1 : i32
      %mul3A_1199 = arith.muli %scan3A_1197, %mul3A_1198 : i32
      %add3A_1200 = arith.constant 0 : i32
      %add3A_1201 = arith.addi %add3A_1200, %mul3A_1199 : i32
      %add3A_1202 = arith.addi %mul3A_32, %add3A_1201 : i32
      %mul3A_1203 = arith.constant 8 : i32
      %mul3A_1204 = arith.muli %mul3A_1203, %add3A_1202 : i32
      %add3A_1205 = arith.addi %mul3A_1204, %select_n3A_9 : i32
      %sub3A_1206 = arith.constant 63 : i32
      %sub3A_1207 = arith.subi %sub3A_1206, %add3A_1201 : i32
      %mul3A_1208 = arith.constant 8 : i32
      %mul3A_1209 = arith.muli %mul3A_1208, %sub3A_1207 : i32
      %multiple_of3A = tpu.assume_multiple %mul3A_1209, 8 : i32
      %dma_start3A = arith.constant 8 : i32
      %dma_start3A_1210 = arith.constant 8 : i32
      %dma_start3A_1211 = tpu.memref_slice %arg5[%dma_start3A, %multiple_of3A] : memref<12x2560xf32, #tpu.memory_space<vmem>> -> memref<1x2048xf32, #tpu.memory_space<vmem>>
      %dma_start3A_1212 = tpu.memref_squeeze %dma_start3A_1211 : memref<1x2048xf32, #tpu.memory_space<vmem>> -> memref<2048xf32, #tpu.memory_space<vmem>>
      %dma_start3A_1213 = arith.constant 0 : i32
      %dma_start3A_1214 = tpu.memref_slice %arg3[%dma_start3A_1210, %add3A_1205, %dma_start3A_1213] : memref<12x2048x2048xf32, #tpu.memory_space<hbm>> -> memref<1x1x2048xf32, #tpu.memory_space<hbm>>
      %dma_start3A_1215 = tpu.memref_squeeze %dma_start3A_1214 : memref<1x1x2048xf32, #tpu.memory_space<hbm>> -> memref<2048xf32, #tpu.memory_space<hbm>>
      %dma_start3A_1216 = arith.constant 0 : i32
      %dma_start3A_1217 = tpu.memref_slice %arg3[%dma_start3A_1210, %add3A_1205, %dma_start3A_1216] : memref<12x2048x2048xf32, #tpu.memory_space<hbm>> -> memref<1x1x2048xf32, #tpu.memory_space<hbm>>
      %dma_start3A_1218 = tpu.memref_squeeze %dma_start3A_1217 : memref<1x1x2048xf32, #tpu.memory_space<hbm>> -> memref<2048xf32, #tpu.memory_space<hbm>>
      %dma_start3A_1219 = tpu.memref_slice %arg5[%dma_start3A, %multiple_of3A] : memref<12x2560xf32, #tpu.memory_space<vmem>> -> memref<1x2048xf32, #tpu.memory_space<vmem>>
      %dma_start3A_1220 = tpu.memref_squeeze %dma_start3A_1219 : memref<1x2048xf32, #tpu.memory_space<vmem>> -> memref<2048xf32, #tpu.memory_space<vmem>>
      tpu.enqueue_dma source(%dma_start3A_1220 : memref<2048xf32, #tpu.memory_space<vmem>>) target(%dma_start3A_1218 : memref<2048xf32, #tpu.memory_space<hbm>>) target_semaphore(%arg6 : memref<!tpu.dma_semaphore, #tpu.memory_space<semaphore_mem>>)
    }
    %scan3A_895 = arith.constant 64 : i32
    %broadcast_in_dim3A_896 = arith.constant 9 : i32
    %broadcast_in_dim3A_897 = vector.broadcast %broadcast_in_dim3A_896 : i32 to vector<16xi32>
    %broadcast_in_dim3A_898 = arith.constant 1 : i32
    %broadcast_in_dim3A_899 = vector.broadcast %broadcast_in_dim3A_898 : i32 to vector<16xi32>
    %gather3A_900 = tpu.vector_load_idx %arg4[%broadcast_in_dim3A_897, %broadcast_in_dim3A_899] : memref<12x16xf32, #tpu.memory_space<vmem>>[vector<16xi32>, vector<16xi32>], vector<16xf32>,
    %add3A_901 = vector.broadcast %convert_element_type3A_38 : f32 to vector<16xf32>
    %add3A_902 = arith.addf %gather3A_900, %add3A_901 : vector<16xf32>
    %broadcast_in_dim3A_903 = arith.constant 2 : i32
    %broadcast_in_dim3A_904 = vector.broadcast %broadcast_in_dim3A_903 : i32 to vector<16xi32>
    %gather3A_905 = tpu.vector_load_idx %arg4[%broadcast_in_dim3A_897, %broadcast_in_dim3A_904] : memref<12x16xf32, #tpu.memory_space<vmem>>[vector<16xi32>, vector<16xi32>], vector<16xf32>,
    %add3A_906 = vector.broadcast %convert_element_type3A_38 : f32 to vector<16xf32>
    %add3A_907 = arith.addf %gather3A_905, %add3A_906 : vector<16xf32>
    %broadcast_in_dim3A_908 = arith.constant 3 : i32
    %broadcast_in_dim3A_909 = vector.broadcast %broadcast_in_dim3A_908 : i32 to vector<16xi32>
    %gather3A_910 = tpu.vector_load_idx %arg4[%broadcast_in_dim3A_897, %broadcast_in_dim3A_909] : memref<12x16xf32, #tpu.memory_space<vmem>>[vector<16xi32>, vector<16xi32>], vector<16xf32>,
    %add3A_911 = vector.broadcast %convert_element_type3A_38 : f32 to vector<16xf32>
    %add3A_912 = arith.addf %gather3A_910, %add3A_911 : vector<16xf32>
    %broadcast_in_dim3A_913 = arith.constant 4 : i32
    %broadcast_in_dim3A_914 = vector.broadcast %broadcast_in_dim3A_913 : i32 to vector<16xi32>
    %gather3A_915 = tpu.vector_load_idx %arg4[%broadcast_in_dim3A_897, %broadcast_in_dim3A_914] : memref<12x16xf32, #tpu.memory_space<vmem>>[vector<16xi32>, vector<16xi32>], vector<16xf32>,
    %add3A_916 = vector.broadcast %convert_element_type3A_38 : f32 to vector<16xf32>
    %add3A_917 = arith.addf %gather3A_915, %add3A_916 : vector<16xf32>
    %broadcast_in_dim3A_918 = arith.constant 5 : i32
    %broadcast_in_dim3A_919 = vector.broadcast %broadcast_in_dim3A_918 : i32 to vector<16xi32>
    %gather3A_920 = tpu.vector_load_idx %arg4[%broadcast_in_dim3A_897, %broadcast_in_dim3A_919] : memref<12x16xf32, #tpu.memory_space<vmem>>[vector<16xi32>, vector<16xi32>], vector<16xf32>,
    %add3A_921 = vector.broadcast %convert_element_type3A_38 : f32 to vector<16xf32>
    %add3A_922 = arith.addf %gather3A_920, %add3A_921 : vector<16xf32>
    %broadcast_in_dim3A_923 = arith.constant 6 : i32
    %broadcast_in_dim3A_924 = vector.broadcast %broadcast_in_dim3A_923 : i32 to vector<16xi32>
    %gather3A_925 = tpu.vector_load_idx %arg4[%broadcast_in_dim3A_897, %broadcast_in_dim3A_924] : memref<12x16xf32, #tpu.memory_space<vmem>>[vector<16xi32>, vector<16xi32>], vector<16xf32>,
    %abs3A_926 = math.absf %gather3A_925 : vector<16xf32>
    %neg3A_927 = arith.constant 0.000000e+00 : f32
    %neg3A_928 = vector.broadcast %neg3A_927 : f32 to vector<16xf32>
    %neg3A_929 = arith.subf %neg3A_928, %abs3A_926 : vector<16xf32>
    %broadcast_in_dim3A_930 = arith.constant 7 : i32
    %broadcast_in_dim3A_931 = vector.broadcast %broadcast_in_dim3A_930 : i32 to vector<16xi32>
    %gather3A_932 = tpu.vector_load_idx %arg4[%broadcast_in_dim3A_897, %broadcast_in_dim3A_931] : memref<12x16xf32, #tpu.memory_space<vmem>>[vector<16xi32>, vector<16xi32>], vector<16xf32>,
    %abs3A_933 = math.absf %gather3A_932 : vector<16xf32>
    %neg3A_934 = arith.constant 0.000000e+00 : f32
    %neg3A_935 = vector.broadcast %neg3A_934 : f32 to vector<16xf32>
    %neg3A_936 = arith.subf %neg3A_935, %abs3A_933 : vector<16xf32>
    %broadcast_in_dim3A_937 = arith.constant 8 : i32
    %broadcast_in_dim3A_938 = vector.broadcast %broadcast_in_dim3A_937 : i32 to vector<16xi32>
    %gather3A_939 = tpu.vector_load_idx %arg4[%broadcast_in_dim3A_897, %broadcast_in_dim3A_938] : memref<12x16xf32, #tpu.memory_space<vmem>>[vector<16xi32>, vector<16xi32>], vector<16xf32>,
    %abs3A_940 = math.absf %gather3A_939 : vector<16xf32>
    %neg3A_941 = arith.constant 0.000000e+00 : f32
    %neg3A_942 = vector.broadcast %neg3A_941 : f32 to vector<16xf32>
    %neg3A_943 = arith.subf %neg3A_942, %abs3A_940 : vector<16xf32>
    %broadcast_in_dim3A_944 = arith.constant 9 : i32
    %broadcast_in_dim3A_945 = vector.broadcast %broadcast_in_dim3A_944 : i32 to vector<16xi32>
    %gather3A_946 = tpu.vector_load_idx %arg4[%broadcast_in_dim3A_897, %broadcast_in_dim3A_945] : memref<12x16xf32, #tpu.memory_space<vmem>>[vector<16xi32>, vector<16xi32>], vector<16xf32>,
    %abs3A_947 = math.absf %gather3A_946 : vector<16xf32>
    %neg3A_948 = arith.constant 0.000000e+00 : f32
    %neg3A_949 = vector.broadcast %neg3A_948 : f32 to vector<16xf32>
    %neg3A_950 = arith.subf %neg3A_949, %abs3A_947 : vector<16xf32>
    %broadcast_in_dim3A_951 = arith.constant 10 : i32
    %broadcast_in_dim3A_952 = vector.broadcast %broadcast_in_dim3A_951 : i32 to vector<16xi32>
    %gather3A_953 = tpu.vector_load_idx %arg4[%broadcast_in_dim3A_897, %broadcast_in_dim3A_952] : memref<12x16xf32, #tpu.memory_space<vmem>>[vector<16xi32>, vector<16xi32>], vector<16xf32>,
    %abs3A_954 = math.absf %gather3A_953 : vector<16xf32>
    %neg3A_955 = arith.constant 0.000000e+00 : f32
    %neg3A_956 = vector.broadcast %neg3A_955 : f32 to vector<16xf32>
    %neg3A_957 = arith.subf %neg3A_956, %abs3A_954 : vector<16xf32>
    %broadcast_in_dim3A_958 = arith.constant 11 : i32
    %broadcast_in_dim3A_959 = vector.broadcast %broadcast_in_dim3A_958 : i32 to vector<16xi32>
    %gather3A_960 = tpu.vector_load_idx %arg4[%broadcast_in_dim3A_897, %broadcast_in_dim3A_959] : memref<12x16xf32, #tpu.memory_space<vmem>>[vector<16xi32>, vector<16xi32>], vector<16xf32>,
    %broadcast_in_dim3A_961 = arith.constant 12 : i32
    %broadcast_in_dim3A_962 = vector.broadcast %broadcast_in_dim3A_961 : i32 to vector<16xi32>
    %gather3A_963 = tpu.vector_load_idx %arg4[%broadcast_in_dim3A_897, %broadcast_in_dim3A_962] : memref<12x16xf32, #tpu.memory_space<vmem>>[vector<16xi32>, vector<16xi32>], vector<16xf32>,
    %broadcast_in_dim3A_964 = arith.constant 13 : i32
    %broadcast_in_dim3A_965 = vector.broadcast %broadcast_in_dim3A_964 : i32 to vector<16xi32>
    %gather3A_966 = tpu.vector_load_idx %arg4[%broadcast_in_dim3A_897, %broadcast_in_dim3A_965] : memref<12x16xf32, #tpu.memory_space<vmem>>[vector<16xi32>, vector<16xi32>], vector<16xf32>,
    %broadcast_in_dim3A_967 = arith.constant 14 : i32
    %broadcast_in_dim3A_968 = vector.broadcast %broadcast_in_dim3A_967 : i32 to vector<16xi32>
    %gather3A_969 = tpu.vector_load_idx %arg4[%broadcast_in_dim3A_897, %broadcast_in_dim3A_968] : memref<12x16xf32, #tpu.memory_space<vmem>>[vector<16xi32>, vector<16xi32>], vector<16xf32>,
    %broadcast_in_dim3A_970 = arith.constant 15 : i32
    %broadcast_in_dim3A_971 = vector.broadcast %broadcast_in_dim3A_970 : i32 to vector<16xi32>
    %gather3A_972 = tpu.vector_load_idx %arg4[%broadcast_in_dim3A_897, %broadcast_in_dim3A_971] : memref<12x16xf32, #tpu.memory_space<vmem>>[vector<16xi32>, vector<16xi32>], vector<16xf32>,
    %scan3A_973 = arith.constant 0 : i32
    %scan3A_974 = arith.constant 160 : i32
    %scan3A_975 = arith.addi %scan3A_973, %scan3A_974 : i32
    %scan3A_976 = arith.constant 1 : i32
    scf.for %scan3A_1197 = %scan3A_973 to %scan3A_975 step %scan3A_976  : i32 {
      %mul3A_1198 = arith.constant 1 : i32
      %mul3A_1199 = arith.muli %scan3A_1197, %mul3A_1198 : i32
      %add3A_1200 = arith.constant 0 : i32
      %add3A_1201 = arith.addi %add3A_1200, %mul3A_1199 : i32
      %mul3A_1202 = arith.constant 16 : i32
      %mul3A_1203 = arith.muli %add3A_1201, %mul3A_1202 : i32
      %multiple_of3A = tpu.assume_multiple %mul3A_1203, 16 : i32
      %convert_element_type3A_1204 = arith.sitofp %multiple_of3A : i32 to f32
      %add3A_1205 = vector.broadcast %convert_element_type3A_1204 : f32 to vector<16xf32>
      %add3A_1206 = arith.addf %convert_element_type3A, %add3A_1205 : vector<16xf32>
      %broadcast_in_dim3A_1207 = arith.constant 0.000000e+00 : f32
      %broadcast_in_dim3A_1208 = vector.broadcast %broadcast_in_dim3A_1207 : f32 to vector<16xf32>
      %add3A_1209 = arith.addf %add3A_902, %add3A_1206 : vector<16xf32>
      %mul3A_1210 = arith.mulf %add3A_1209, %add3A_1209 : vector<16xf32>
      %mul3A_1211 = arith.mulf %neg3A_929, %mul3A_1210 : vector<16xf32>
      %exp3A = math.exp %mul3A_1211 : vector<16xf32>
      %mul3A_1212 = arith.mulf %gather3A_960, %exp3A : vector<16xf32>
      %add3A_1213 = arith.addf %broadcast_in_dim3A_1208, %mul3A_1212 : vector<16xf32>
      %add3A_1214 = arith.addf %add3A_907, %add3A_1206 : vector<16xf32>
      %mul3A_1215 = arith.mulf %add3A_1214, %add3A_1214 : vector<16xf32>
      %mul3A_1216 = arith.mulf %neg3A_936, %mul3A_1215 : vector<16xf32>
      %exp3A_1217 = math.exp %mul3A_1216 : vector<16xf32>
      %mul3A_1218 = arith.mulf %gather3A_963, %exp3A_1217 : vector<16xf32>
      %add3A_1219 = arith.addf %add3A_1213, %mul3A_1218 : vector<16xf32>
      %add3A_1220 = arith.addf %add3A_912, %add3A_1206 : vector<16xf32>
      %mul3A_1221 = arith.mulf %add3A_1220, %add3A_1220 : vector<16xf32>
      %mul3A_1222 = arith.mulf %neg3A_943, %mul3A_1221 : vector<16xf32>
      %exp3A_1223 = math.exp %mul3A_1222 : vector<16xf32>
      %mul3A_1224 = arith.mulf %gather3A_966, %exp3A_1223 : vector<16xf32>
      %add3A_1225 = arith.addf %add3A_1219, %mul3A_1224 : vector<16xf32>
      %add3A_1226 = arith.addf %add3A_917, %add3A_1206 : vector<16xf32>
      %mul3A_1227 = arith.mulf %add3A_1226, %add3A_1226 : vector<16xf32>
      %mul3A_1228 = arith.mulf %neg3A_950, %mul3A_1227 : vector<16xf32>
      %exp3A_1229 = math.exp %mul3A_1228 : vector<16xf32>
      %mul3A_1230 = arith.mulf %gather3A_969, %exp3A_1229 : vector<16xf32>
      %add3A_1231 = arith.addf %add3A_1225, %mul3A_1230 : vector<16xf32>
      %add3A_1232 = arith.addf %add3A_922, %add3A_1206 : vector<16xf32>
      %mul3A_1233 = arith.mulf %add3A_1232, %add3A_1232 : vector<16xf32>
      %mul3A_1234 = arith.mulf %neg3A_957, %mul3A_1233 : vector<16xf32>
      %exp3A_1235 = math.exp %mul3A_1234 : vector<16xf32>
      %mul3A_1236 = arith.mulf %gather3A_972, %exp3A_1235 : vector<16xf32>
      %add3A_1237 = arith.addf %add3A_1231, %mul3A_1236 : vector<16xf32>
      %swap3A = arith.constant 9 : i32
      %swap3A_1238 = arith.index_cast %swap3A : i32 to index
      %swap3A_1239 = arith.index_cast %multiple_of3A : i32 to index
      %swap3A_1240 = tpu.vector_load %arg5[%swap3A_1238, %swap3A_1239] {strides = array<i32>} : memref<12x2560xf32, #tpu.memory_space<vmem>>, vector<16xf32>,
      tpu.vector_store %arg5[%swap3A_1238, %swap3A_1239], %add3A_1237 {strides = array<i32>} : memref<12x2560xf32, #tpu.memory_space<vmem>>, vector<16xf32>,
    }
    %scan3A_977 = arith.constant 160 : i32
    %dma_wait3A_978 = arith.constant 8 : i32
    %dma_wait3A_979 = arith.constant 8 : i32
    %dma_wait3A_980 = arith.constant 0 : i32
    %dma_wait3A_981 = arith.constant 0 : i32
    %dma_wait3A_982 = tpu.memref_slice %arg3[%dma_wait3A_979, %dma_wait3A_980, %dma_wait3A_981] : memref<12x2048x2048xf32, #tpu.memory_space<hbm>> -> memref<1x64x2048xf32, #tpu.memory_space<hbm>>
    %dma_wait3A_983 = tpu.memref_squeeze %dma_wait3A_982 : memref<1x64x2048xf32, #tpu.memory_space<hbm>> -> memref<64x2048xf32, #tpu.memory_space<hbm>>
    %dma_wait3A_984 = arith.constant 0 : i32
    %dma_wait3A_985 = arith.constant 0 : i32
    %dma_wait3A_986 = tpu.memref_slice %arg3[%dma_wait3A_978, %dma_wait3A_984, %dma_wait3A_985] : memref<12x2048x2048xf32, #tpu.memory_space<hbm>> -> memref<1x64x2048xf32, #tpu.memory_space<hbm>>
    %dma_wait3A_987 = tpu.memref_squeeze %dma_wait3A_986 : memref<1x64x2048xf32, #tpu.memory_space<hbm>> -> memref<64x2048xf32, #tpu.memory_space<hbm>>
    tpu.wait_dma2 semaphore(%arg6 : memref<!tpu.dma_semaphore, #tpu.memory_space<semaphore_mem>>) src(%dma_wait3A_987 : memref<64x2048xf32, #tpu.memory_space<hbm>>) dst(%dma_wait3A_983 : memref<64x2048xf32, #tpu.memory_space<hbm>>)
    %scan3A_988 = arith.constant 0 : i32
    %scan3A_989 = arith.constant 64 : i32
    %scan3A_990 = arith.addi %scan3A_988, %scan3A_989 : i32
    %scan3A_991 = arith.constant 1 : i32
    scf.for %scan3A_1197 = %scan3A_988 to %scan3A_990 step %scan3A_991  : i32 {
      %mul3A_1198 = arith.constant 1 : i32
      %mul3A_1199 = arith.muli %scan3A_1197, %mul3A_1198 : i32
      %add3A_1200 = arith.constant 0 : i32
      %add3A_1201 = arith.addi %add3A_1200, %mul3A_1199 : i32
      %add3A_1202 = arith.addi %mul3A_32, %add3A_1201 : i32
      %mul3A_1203 = arith.constant 8 : i32
      %mul3A_1204 = arith.muli %mul3A_1203, %add3A_1202 : i32
      %add3A_1205 = arith.addi %mul3A_1204, %select_n3A_9 : i32
      %sub3A_1206 = arith.constant 63 : i32
      %sub3A_1207 = arith.subi %sub3A_1206, %add3A_1201 : i32
      %mul3A_1208 = arith.constant 8 : i32
      %mul3A_1209 = arith.muli %mul3A_1208, %sub3A_1207 : i32
      %multiple_of3A = tpu.assume_multiple %mul3A_1209, 8 : i32
      %dma_start3A = arith.constant 9 : i32
      %dma_start3A_1210 = arith.constant 9 : i32
      %dma_start3A_1211 = tpu.memref_slice %arg5[%dma_start3A, %multiple_of3A] : memref<12x2560xf32, #tpu.memory_space<vmem>> -> memref<1x2048xf32, #tpu.memory_space<vmem>>
      %dma_start3A_1212 = tpu.memref_squeeze %dma_start3A_1211 : memref<1x2048xf32, #tpu.memory_space<vmem>> -> memref<2048xf32, #tpu.memory_space<vmem>>
      %dma_start3A_1213 = arith.constant 0 : i32
      %dma_start3A_1214 = tpu.memref_slice %arg3[%dma_start3A_1210, %add3A_1205, %dma_start3A_1213] : memref<12x2048x2048xf32, #tpu.memory_space<hbm>> -> memref<1x1x2048xf32, #tpu.memory_space<hbm>>
      %dma_start3A_1215 = tpu.memref_squeeze %dma_start3A_1214 : memref<1x1x2048xf32, #tpu.memory_space<hbm>> -> memref<2048xf32, #tpu.memory_space<hbm>>
      %dma_start3A_1216 = arith.constant 0 : i32
      %dma_start3A_1217 = tpu.memref_slice %arg3[%dma_start3A_1210, %add3A_1205, %dma_start3A_1216] : memref<12x2048x2048xf32, #tpu.memory_space<hbm>> -> memref<1x1x2048xf32, #tpu.memory_space<hbm>>
      %dma_start3A_1218 = tpu.memref_squeeze %dma_start3A_1217 : memref<1x1x2048xf32, #tpu.memory_space<hbm>> -> memref<2048xf32, #tpu.memory_space<hbm>>
      %dma_start3A_1219 = tpu.memref_slice %arg5[%dma_start3A, %multiple_of3A] : memref<12x2560xf32, #tpu.memory_space<vmem>> -> memref<1x2048xf32, #tpu.memory_space<vmem>>
      %dma_start3A_1220 = tpu.memref_squeeze %dma_start3A_1219 : memref<1x2048xf32, #tpu.memory_space<vmem>> -> memref<2048xf32, #tpu.memory_space<vmem>>
      tpu.enqueue_dma source(%dma_start3A_1220 : memref<2048xf32, #tpu.memory_space<vmem>>) target(%dma_start3A_1218 : memref<2048xf32, #tpu.memory_space<hbm>>) target_semaphore(%arg6 : memref<!tpu.dma_semaphore, #tpu.memory_space<semaphore_mem>>)
    }
    %scan3A_992 = arith.constant 64 : i32
    %broadcast_in_dim3A_993 = arith.constant 10 : i32
    %broadcast_in_dim3A_994 = vector.broadcast %broadcast_in_dim3A_993 : i32 to vector<16xi32>
    %broadcast_in_dim3A_995 = arith.constant 1 : i32
    %broadcast_in_dim3A_996 = vector.broadcast %broadcast_in_dim3A_995 : i32 to vector<16xi32>
    %gather3A_997 = tpu.vector_load_idx %arg4[%broadcast_in_dim3A_994, %broadcast_in_dim3A_996] : memref<12x16xf32, #tpu.memory_space<vmem>>[vector<16xi32>, vector<16xi32>], vector<16xf32>,
    %add3A_998 = vector.broadcast %convert_element_type3A_38 : f32 to vector<16xf32>
    %add3A_999 = arith.addf %gather3A_997, %add3A_998 : vector<16xf32>
    %broadcast_in_dim3A_1000 = arith.constant 2 : i32
    %broadcast_in_dim3A_1001 = vector.broadcast %broadcast_in_dim3A_1000 : i32 to vector<16xi32>
    %gather3A_1002 = tpu.vector_load_idx %arg4[%broadcast_in_dim3A_994, %broadcast_in_dim3A_1001] : memref<12x16xf32, #tpu.memory_space<vmem>>[vector<16xi32>, vector<16xi32>], vector<16xf32>,
    %add3A_1003 = vector.broadcast %convert_element_type3A_38 : f32 to vector<16xf32>
    %add3A_1004 = arith.addf %gather3A_1002, %add3A_1003 : vector<16xf32>
    %broadcast_in_dim3A_1005 = arith.constant 3 : i32
    %broadcast_in_dim3A_1006 = vector.broadcast %broadcast_in_dim3A_1005 : i32 to vector<16xi32>
    %gather3A_1007 = tpu.vector_load_idx %arg4[%broadcast_in_dim3A_994, %broadcast_in_dim3A_1006] : memref<12x16xf32, #tpu.memory_space<vmem>>[vector<16xi32>, vector<16xi32>], vector<16xf32>,
    %add3A_1008 = vector.broadcast %convert_element_type3A_38 : f32 to vector<16xf32>
    %add3A_1009 = arith.addf %gather3A_1007, %add3A_1008 : vector<16xf32>
    %broadcast_in_dim3A_1010 = arith.constant 4 : i32
    %broadcast_in_dim3A_1011 = vector.broadcast %broadcast_in_dim3A_1010 : i32 to vector<16xi32>
    %gather3A_1012 = tpu.vector_load_idx %arg4[%broadcast_in_dim3A_994, %broadcast_in_dim3A_1011] : memref<12x16xf32, #tpu.memory_space<vmem>>[vector<16xi32>, vector<16xi32>], vector<16xf32>,
    %add3A_1013 = vector.broadcast %convert_element_type3A_38 : f32 to vector<16xf32>
    %add3A_1014 = arith.addf %gather3A_1012, %add3A_1013 : vector<16xf32>
    %broadcast_in_dim3A_1015 = arith.constant 5 : i32
    %broadcast_in_dim3A_1016 = vector.broadcast %broadcast_in_dim3A_1015 : i32 to vector<16xi32>
    %gather3A_1017 = tpu.vector_load_idx %arg4[%broadcast_in_dim3A_994, %broadcast_in_dim3A_1016] : memref<12x16xf32, #tpu.memory_space<vmem>>[vector<16xi32>, vector<16xi32>], vector<16xf32>,
    %add3A_1018 = vector.broadcast %convert_element_type3A_38 : f32 to vector<16xf32>
    %add3A_1019 = arith.addf %gather3A_1017, %add3A_1018 : vector<16xf32>
    %broadcast_in_dim3A_1020 = arith.constant 6 : i32
    %broadcast_in_dim3A_1021 = vector.broadcast %broadcast_in_dim3A_1020 : i32 to vector<16xi32>
    %gather3A_1022 = tpu.vector_load_idx %arg4[%broadcast_in_dim3A_994, %broadcast_in_dim3A_1021] : memref<12x16xf32, #tpu.memory_space<vmem>>[vector<16xi32>, vector<16xi32>], vector<16xf32>,
    %abs3A_1023 = math.absf %gather3A_1022 : vector<16xf32>
    %neg3A_1024 = arith.constant 0.000000e+00 : f32
    %neg3A_1025 = vector.broadcast %neg3A_1024 : f32 to vector<16xf32>
    %neg3A_1026 = arith.subf %neg3A_1025, %abs3A_1023 : vector<16xf32>
    %broadcast_in_dim3A_1027 = arith.constant 7 : i32
    %broadcast_in_dim3A_1028 = vector.broadcast %broadcast_in_dim3A_1027 : i32 to vector<16xi32>
    %gather3A_1029 = tpu.vector_load_idx %arg4[%broadcast_in_dim3A_994, %broadcast_in_dim3A_1028] : memref<12x16xf32, #tpu.memory_space<vmem>>[vector<16xi32>, vector<16xi32>], vector<16xf32>,
    %abs3A_1030 = math.absf %gather3A_1029 : vector<16xf32>
    %neg3A_1031 = arith.constant 0.000000e+00 : f32
    %neg3A_1032 = vector.broadcast %neg3A_1031 : f32 to vector<16xf32>
    %neg3A_1033 = arith.subf %neg3A_1032, %abs3A_1030 : vector<16xf32>
    %broadcast_in_dim3A_1034 = arith.constant 8 : i32
    %broadcast_in_dim3A_1035 = vector.broadcast %broadcast_in_dim3A_1034 : i32 to vector<16xi32>
    %gather3A_1036 = tpu.vector_load_idx %arg4[%broadcast_in_dim3A_994, %broadcast_in_dim3A_1035] : memref<12x16xf32, #tpu.memory_space<vmem>>[vector<16xi32>, vector<16xi32>], vector<16xf32>,
    %abs3A_1037 = math.absf %gather3A_1036 : vector<16xf32>
    %neg3A_1038 = arith.constant 0.000000e+00 : f32
    %neg3A_1039 = vector.broadcast %neg3A_1038 : f32 to vector<16xf32>
    %neg3A_1040 = arith.subf %neg3A_1039, %abs3A_1037 : vector<16xf32>
    %broadcast_in_dim3A_1041 = arith.constant 9 : i32
    %broadcast_in_dim3A_1042 = vector.broadcast %broadcast_in_dim3A_1041 : i32 to vector<16xi32>
    %gather3A_1043 = tpu.vector_load_idx %arg4[%broadcast_in_dim3A_994, %broadcast_in_dim3A_1042] : memref<12x16xf32, #tpu.memory_space<vmem>>[vector<16xi32>, vector<16xi32>], vector<16xf32>,
    %abs3A_1044 = math.absf %gather3A_1043 : vector<16xf32>
    %neg3A_1045 = arith.constant 0.000000e+00 : f32
    %neg3A_1046 = vector.broadcast %neg3A_1045 : f32 to vector<16xf32>
    %neg3A_1047 = arith.subf %neg3A_1046, %abs3A_1044 : vector<16xf32>
    %broadcast_in_dim3A_1048 = arith.constant 10 : i32
    %broadcast_in_dim3A_1049 = vector.broadcast %broadcast_in_dim3A_1048 : i32 to vector<16xi32>
    %gather3A_1050 = tpu.vector_load_idx %arg4[%broadcast_in_dim3A_994, %broadcast_in_dim3A_1049] : memref<12x16xf32, #tpu.memory_space<vmem>>[vector<16xi32>, vector<16xi32>], vector<16xf32>,
    %abs3A_1051 = math.absf %gather3A_1050 : vector<16xf32>
    %neg3A_1052 = arith.constant 0.000000e+00 : f32
    %neg3A_1053 = vector.broadcast %neg3A_1052 : f32 to vector<16xf32>
    %neg3A_1054 = arith.subf %neg3A_1053, %abs3A_1051 : vector<16xf32>
    %broadcast_in_dim3A_1055 = arith.constant 11 : i32
    %broadcast_in_dim3A_1056 = vector.broadcast %broadcast_in_dim3A_1055 : i32 to vector<16xi32>
    %gather3A_1057 = tpu.vector_load_idx %arg4[%broadcast_in_dim3A_994, %broadcast_in_dim3A_1056] : memref<12x16xf32, #tpu.memory_space<vmem>>[vector<16xi32>, vector<16xi32>], vector<16xf32>,
    %broadcast_in_dim3A_1058 = arith.constant 12 : i32
    %broadcast_in_dim3A_1059 = vector.broadcast %broadcast_in_dim3A_1058 : i32 to vector<16xi32>
    %gather3A_1060 = tpu.vector_load_idx %arg4[%broadcast_in_dim3A_994, %broadcast_in_dim3A_1059] : memref<12x16xf32, #tpu.memory_space<vmem>>[vector<16xi32>, vector<16xi32>], vector<16xf32>,
    %broadcast_in_dim3A_1061 = arith.constant 13 : i32
    %broadcast_in_dim3A_1062 = vector.broadcast %broadcast_in_dim3A_1061 : i32 to vector<16xi32>
    %gather3A_1063 = tpu.vector_load_idx %arg4[%broadcast_in_dim3A_994, %broadcast_in_dim3A_1062] : memref<12x16xf32, #tpu.memory_space<vmem>>[vector<16xi32>, vector<16xi32>], vector<16xf32>,
    %broadcast_in_dim3A_1064 = arith.constant 14 : i32
    %broadcast_in_dim3A_1065 = vector.broadcast %broadcast_in_dim3A_1064 : i32 to vector<16xi32>
    %gather3A_1066 = tpu.vector_load_idx %arg4[%broadcast_in_dim3A_994, %broadcast_in_dim3A_1065] : memref<12x16xf32, #tpu.memory_space<vmem>>[vector<16xi32>, vector<16xi32>], vector<16xf32>,
    %broadcast_in_dim3A_1067 = arith.constant 15 : i32
    %broadcast_in_dim3A_1068 = vector.broadcast %broadcast_in_dim3A_1067 : i32 to vector<16xi32>
    %gather3A_1069 = tpu.vector_load_idx %arg4[%broadcast_in_dim3A_994, %broadcast_in_dim3A_1068] : memref<12x16xf32, #tpu.memory_space<vmem>>[vector<16xi32>, vector<16xi32>], vector<16xf32>,
    %scan3A_1070 = arith.constant 0 : i32
    %scan3A_1071 = arith.constant 160 : i32
    %scan3A_1072 = arith.addi %scan3A_1070, %scan3A_1071 : i32
    %scan3A_1073 = arith.constant 1 : i32
    scf.for %scan3A_1197 = %scan3A_1070 to %scan3A_1072 step %scan3A_1073  : i32 {
      %mul3A_1198 = arith.constant 1 : i32
      %mul3A_1199 = arith.muli %scan3A_1197, %mul3A_1198 : i32
      %add3A_1200 = arith.constant 0 : i32
      %add3A_1201 = arith.addi %add3A_1200, %mul3A_1199 : i32
      %mul3A_1202 = arith.constant 16 : i32
      %mul3A_1203 = arith.muli %add3A_1201, %mul3A_1202 : i32
      %multiple_of3A = tpu.assume_multiple %mul3A_1203, 16 : i32
      %convert_element_type3A_1204 = arith.sitofp %multiple_of3A : i32 to f32
      %add3A_1205 = vector.broadcast %convert_element_type3A_1204 : f32 to vector<16xf32>
      %add3A_1206 = arith.addf %convert_element_type3A, %add3A_1205 : vector<16xf32>
      %broadcast_in_dim3A_1207 = arith.constant 0.000000e+00 : f32
      %broadcast_in_dim3A_1208 = vector.broadcast %broadcast_in_dim3A_1207 : f32 to vector<16xf32>
      %add3A_1209 = arith.addf %add3A_999, %add3A_1206 : vector<16xf32>
      %mul3A_1210 = arith.mulf %add3A_1209, %add3A_1209 : vector<16xf32>
      %mul3A_1211 = arith.mulf %neg3A_1026, %mul3A_1210 : vector<16xf32>
      %exp3A = math.exp %mul3A_1211 : vector<16xf32>
      %mul3A_1212 = arith.mulf %gather3A_1057, %exp3A : vector<16xf32>
      %add3A_1213 = arith.addf %broadcast_in_dim3A_1208, %mul3A_1212 : vector<16xf32>
      %add3A_1214 = arith.addf %add3A_1004, %add3A_1206 : vector<16xf32>
      %mul3A_1215 = arith.mulf %add3A_1214, %add3A_1214 : vector<16xf32>
      %mul3A_1216 = arith.mulf %neg3A_1033, %mul3A_1215 : vector<16xf32>
      %exp3A_1217 = math.exp %mul3A_1216 : vector<16xf32>
      %mul3A_1218 = arith.mulf %gather3A_1060, %exp3A_1217 : vector<16xf32>
      %add3A_1219 = arith.addf %add3A_1213, %mul3A_1218 : vector<16xf32>
      %add3A_1220 = arith.addf %add3A_1009, %add3A_1206 : vector<16xf32>
      %mul3A_1221 = arith.mulf %add3A_1220, %add3A_1220 : vector<16xf32>
      %mul3A_1222 = arith.mulf %neg3A_1040, %mul3A_1221 : vector<16xf32>
      %exp3A_1223 = math.exp %mul3A_1222 : vector<16xf32>
      %mul3A_1224 = arith.mulf %gather3A_1063, %exp3A_1223 : vector<16xf32>
      %add3A_1225 = arith.addf %add3A_1219, %mul3A_1224 : vector<16xf32>
      %add3A_1226 = arith.addf %add3A_1014, %add3A_1206 : vector<16xf32>
      %mul3A_1227 = arith.mulf %add3A_1226, %add3A_1226 : vector<16xf32>
      %mul3A_1228 = arith.mulf %neg3A_1047, %mul3A_1227 : vector<16xf32>
      %exp3A_1229 = math.exp %mul3A_1228 : vector<16xf32>
      %mul3A_1230 = arith.mulf %gather3A_1066, %exp3A_1229 : vector<16xf32>
      %add3A_1231 = arith.addf %add3A_1225, %mul3A_1230 : vector<16xf32>
      %add3A_1232 = arith.addf %add3A_1019, %add3A_1206 : vector<16xf32>
      %mul3A_1233 = arith.mulf %add3A_1232, %add3A_1232 : vector<16xf32>
      %mul3A_1234 = arith.mulf %neg3A_1054, %mul3A_1233 : vector<16xf32>
      %exp3A_1235 = math.exp %mul3A_1234 : vector<16xf32>
      %mul3A_1236 = arith.mulf %gather3A_1069, %exp3A_1235 : vector<16xf32>
      %add3A_1237 = arith.addf %add3A_1231, %mul3A_1236 : vector<16xf32>
      %swap3A = arith.constant 10 : i32
      %swap3A_1238 = arith.index_cast %swap3A : i32 to index
      %swap3A_1239 = arith.index_cast %multiple_of3A : i32 to index
      %swap3A_1240 = tpu.vector_load %arg5[%swap3A_1238, %swap3A_1239] {strides = array<i32>} : memref<12x2560xf32, #tpu.memory_space<vmem>>, vector<16xf32>,
      tpu.vector_store %arg5[%swap3A_1238, %swap3A_1239], %add3A_1237 {strides = array<i32>} : memref<12x2560xf32, #tpu.memory_space<vmem>>, vector<16xf32>,
    }
    %scan3A_1074 = arith.constant 160 : i32
    %dma_wait3A_1075 = arith.constant 9 : i32
    %dma_wait3A_1076 = arith.constant 9 : i32
    %dma_wait3A_1077 = arith.constant 0 : i32
    %dma_wait3A_1078 = arith.constant 0 : i32
    %dma_wait3A_1079 = tpu.memref_slice %arg3[%dma_wait3A_1076, %dma_wait3A_1077, %dma_wait3A_1078] : memref<12x2048x2048xf32, #tpu.memory_space<hbm>> -> memref<1x64x2048xf32, #tpu.memory_space<hbm>>
    %dma_wait3A_1080 = tpu.memref_squeeze %dma_wait3A_1079 : memref<1x64x2048xf32, #tpu.memory_space<hbm>> -> memref<64x2048xf32, #tpu.memory_space<hbm>>
    %dma_wait3A_1081 = arith.constant 0 : i32
    %dma_wait3A_1082 = arith.constant 0 : i32
    %dma_wait3A_1083 = tpu.memref_slice %arg3[%dma_wait3A_1075, %dma_wait3A_1081, %dma_wait3A_1082] : memref<12x2048x2048xf32, #tpu.memory_space<hbm>> -> memref<1x64x2048xf32, #tpu.memory_space<hbm>>
    %dma_wait3A_1084 = tpu.memref_squeeze %dma_wait3A_1083 : memref<1x64x2048xf32, #tpu.memory_space<hbm>> -> memref<64x2048xf32, #tpu.memory_space<hbm>>
    tpu.wait_dma2 semaphore(%arg6 : memref<!tpu.dma_semaphore, #tpu.memory_space<semaphore_mem>>) src(%dma_wait3A_1084 : memref<64x2048xf32, #tpu.memory_space<hbm>>) dst(%dma_wait3A_1080 : memref<64x2048xf32, #tpu.memory_space<hbm>>)
    %scan3A_1085 = arith.constant 0 : i32
    %scan3A_1086 = arith.constant 64 : i32
    %scan3A_1087 = arith.addi %scan3A_1085, %scan3A_1086 : i32
    %scan3A_1088 = arith.constant 1 : i32
    scf.for %scan3A_1197 = %scan3A_1085 to %scan3A_1087 step %scan3A_1088  : i32 {
      %mul3A_1198 = arith.constant 1 : i32
      %mul3A_1199 = arith.muli %scan3A_1197, %mul3A_1198 : i32
      %add3A_1200 = arith.constant 0 : i32
      %add3A_1201 = arith.addi %add3A_1200, %mul3A_1199 : i32
      %add3A_1202 = arith.addi %mul3A_32, %add3A_1201 : i32
      %mul3A_1203 = arith.constant 8 : i32
      %mul3A_1204 = arith.muli %mul3A_1203, %add3A_1202 : i32
      %add3A_1205 = arith.addi %mul3A_1204, %select_n3A_9 : i32
      %sub3A_1206 = arith.constant 63 : i32
      %sub3A_1207 = arith.subi %sub3A_1206, %add3A_1201 : i32
      %mul3A_1208 = arith.constant 8 : i32
      %mul3A_1209 = arith.muli %mul3A_1208, %sub3A_1207 : i32
      %multiple_of3A = tpu.assume_multiple %mul3A_1209, 8 : i32
      %dma_start3A = arith.constant 10 : i32
      %dma_start3A_1210 = arith.constant 10 : i32
      %dma_start3A_1211 = tpu.memref_slice %arg5[%dma_start3A, %multiple_of3A] : memref<12x2560xf32, #tpu.memory_space<vmem>> -> memref<1x2048xf32, #tpu.memory_space<vmem>>
      %dma_start3A_1212 = tpu.memref_squeeze %dma_start3A_1211 : memref<1x2048xf32, #tpu.memory_space<vmem>> -> memref<2048xf32, #tpu.memory_space<vmem>>
      %dma_start3A_1213 = arith.constant 0 : i32
      %dma_start3A_1214 = tpu.memref_slice %arg3[%dma_start3A_1210, %add3A_1205, %dma_start3A_1213] : memref<12x2048x2048xf32, #tpu.memory_space<hbm>> -> memref<1x1x2048xf32, #tpu.memory_space<hbm>>
      %dma_start3A_1215 = tpu.memref_squeeze %dma_start3A_1214 : memref<1x1x2048xf32, #tpu.memory_space<hbm>> -> memref<2048xf32, #tpu.memory_space<hbm>>
      %dma_start3A_1216 = arith.constant 0 : i32
      %dma_start3A_1217 = tpu.memref_slice %arg3[%dma_start3A_1210, %add3A_1205, %dma_start3A_1216] : memref<12x2048x2048xf32, #tpu.memory_space<hbm>> -> memref<1x1x2048xf32, #tpu.memory_space<hbm>>
      %dma_start3A_1218 = tpu.memref_squeeze %dma_start3A_1217 : memref<1x1x2048xf32, #tpu.memory_space<hbm>> -> memref<2048xf32, #tpu.memory_space<hbm>>
      %dma_start3A_1219 = tpu.memref_slice %arg5[%dma_start3A, %multiple_of3A] : memref<12x2560xf32, #tpu.memory_space<vmem>> -> memref<1x2048xf32, #tpu.memory_space<vmem>>
      %dma_start3A_1220 = tpu.memref_squeeze %dma_start3A_1219 : memref<1x2048xf32, #tpu.memory_space<vmem>> -> memref<2048xf32, #tpu.memory_space<vmem>>
      tpu.enqueue_dma source(%dma_start3A_1220 : memref<2048xf32, #tpu.memory_space<vmem>>) target(%dma_start3A_1218 : memref<2048xf32, #tpu.memory_space<hbm>>) target_semaphore(%arg6 : memref<!tpu.dma_semaphore, #tpu.memory_space<semaphore_mem>>)
    }
    %scan3A_1089 = arith.constant 64 : i32
    %broadcast_in_dim3A_1090 = arith.constant 11 : i32
    %broadcast_in_dim3A_1091 = vector.broadcast %broadcast_in_dim3A_1090 : i32 to vector<16xi32>
    %broadcast_in_dim3A_1092 = arith.constant 1 : i32
    %broadcast_in_dim3A_1093 = vector.broadcast %broadcast_in_dim3A_1092 : i32 to vector<16xi32>
    %gather3A_1094 = tpu.vector_load_idx %arg4[%broadcast_in_dim3A_1091, %broadcast_in_dim3A_1093] : memref<12x16xf32, #tpu.memory_space<vmem>>[vector<16xi32>, vector<16xi32>], vector<16xf32>,
    %add3A_1095 = vector.broadcast %convert_element_type3A_38 : f32 to vector<16xf32>
    %add3A_1096 = arith.addf %gather3A_1094, %add3A_1095 : vector<16xf32>
    %broadcast_in_dim3A_1097 = arith.constant 2 : i32
    %broadcast_in_dim3A_1098 = vector.broadcast %broadcast_in_dim3A_1097 : i32 to vector<16xi32>
    %gather3A_1099 = tpu.vector_load_idx %arg4[%broadcast_in_dim3A_1091, %broadcast_in_dim3A_1098] : memref<12x16xf32, #tpu.memory_space<vmem>>[vector<16xi32>, vector<16xi32>], vector<16xf32>,
    %add3A_1100 = vector.broadcast %convert_element_type3A_38 : f32 to vector<16xf32>
    %add3A_1101 = arith.addf %gather3A_1099, %add3A_1100 : vector<16xf32>
    %broadcast_in_dim3A_1102 = arith.constant 3 : i32
    %broadcast_in_dim3A_1103 = vector.broadcast %broadcast_in_dim3A_1102 : i32 to vector<16xi32>
    %gather3A_1104 = tpu.vector_load_idx %arg4[%broadcast_in_dim3A_1091, %broadcast_in_dim3A_1103] : memref<12x16xf32, #tpu.memory_space<vmem>>[vector<16xi32>, vector<16xi32>], vector<16xf32>,
    %add3A_1105 = vector.broadcast %convert_element_type3A_38 : f32 to vector<16xf32>
    %add3A_1106 = arith.addf %gather3A_1104, %add3A_1105 : vector<16xf32>
    %broadcast_in_dim3A_1107 = arith.constant 4 : i32
    %broadcast_in_dim3A_1108 = vector.broadcast %broadcast_in_dim3A_1107 : i32 to vector<16xi32>
    %gather3A_1109 = tpu.vector_load_idx %arg4[%broadcast_in_dim3A_1091, %broadcast_in_dim3A_1108] : memref<12x16xf32, #tpu.memory_space<vmem>>[vector<16xi32>, vector<16xi32>], vector<16xf32>,
    %add3A_1110 = vector.broadcast %convert_element_type3A_38 : f32 to vector<16xf32>
    %add3A_1111 = arith.addf %gather3A_1109, %add3A_1110 : vector<16xf32>
    %broadcast_in_dim3A_1112 = arith.constant 5 : i32
    %broadcast_in_dim3A_1113 = vector.broadcast %broadcast_in_dim3A_1112 : i32 to vector<16xi32>
    %gather3A_1114 = tpu.vector_load_idx %arg4[%broadcast_in_dim3A_1091, %broadcast_in_dim3A_1113] : memref<12x16xf32, #tpu.memory_space<vmem>>[vector<16xi32>, vector<16xi32>], vector<16xf32>,
    %add3A_1115 = vector.broadcast %convert_element_type3A_38 : f32 to vector<16xf32>
    %add3A_1116 = arith.addf %gather3A_1114, %add3A_1115 : vector<16xf32>
    %broadcast_in_dim3A_1117 = arith.constant 6 : i32
    %broadcast_in_dim3A_1118 = vector.broadcast %broadcast_in_dim3A_1117 : i32 to vector<16xi32>
    %gather3A_1119 = tpu.vector_load_idx %arg4[%broadcast_in_dim3A_1091, %broadcast_in_dim3A_1118] : memref<12x16xf32, #tpu.memory_space<vmem>>[vector<16xi32>, vector<16xi32>], vector<16xf32>,
    %abs3A_1120 = math.absf %gather3A_1119 : vector<16xf32>
    %neg3A_1121 = arith.constant 0.000000e+00 : f32
    %neg3A_1122 = vector.broadcast %neg3A_1121 : f32 to vector<16xf32>
    %neg3A_1123 = arith.subf %neg3A_1122, %abs3A_1120 : vector<16xf32>
    %broadcast_in_dim3A_1124 = arith.constant 7 : i32
    %broadcast_in_dim3A_1125 = vector.broadcast %broadcast_in_dim3A_1124 : i32 to vector<16xi32>
    %gather3A_1126 = tpu.vector_load_idx %arg4[%broadcast_in_dim3A_1091, %broadcast_in_dim3A_1125] : memref<12x16xf32, #tpu.memory_space<vmem>>[vector<16xi32>, vector<16xi32>], vector<16xf32>,
    %abs3A_1127 = math.absf %gather3A_1126 : vector<16xf32>
    %neg3A_1128 = arith.constant 0.000000e+00 : f32
    %neg3A_1129 = vector.broadcast %neg3A_1128 : f32 to vector<16xf32>
    %neg3A_1130 = arith.subf %neg3A_1129, %abs3A_1127 : vector<16xf32>
    %broadcast_in_dim3A_1131 = arith.constant 8 : i32
    %broadcast_in_dim3A_1132 = vector.broadcast %broadcast_in_dim3A_1131 : i32 to vector<16xi32>
    %gather3A_1133 = tpu.vector_load_idx %arg4[%broadcast_in_dim3A_1091, %broadcast_in_dim3A_1132] : memref<12x16xf32, #tpu.memory_space<vmem>>[vector<16xi32>, vector<16xi32>], vector<16xf32>,
    %abs3A_1134 = math.absf %gather3A_1133 : vector<16xf32>
    %neg3A_1135 = arith.constant 0.000000e+00 : f32
    %neg3A_1136 = vector.broadcast %neg3A_1135 : f32 to vector<16xf32>
    %neg3A_1137 = arith.subf %neg3A_1136, %abs3A_1134 : vector<16xf32>
    %broadcast_in_dim3A_1138 = arith.constant 9 : i32
    %broadcast_in_dim3A_1139 = vector.broadcast %broadcast_in_dim3A_1138 : i32 to vector<16xi32>
    %gather3A_1140 = tpu.vector_load_idx %arg4[%broadcast_in_dim3A_1091, %broadcast_in_dim3A_1139] : memref<12x16xf32, #tpu.memory_space<vmem>>[vector<16xi32>, vector<16xi32>], vector<16xf32>,
    %abs3A_1141 = math.absf %gather3A_1140 : vector<16xf32>
    %neg3A_1142 = arith.constant 0.000000e+00 : f32
    %neg3A_1143 = vector.broadcast %neg3A_1142 : f32 to vector<16xf32>
    %neg3A_1144 = arith.subf %neg3A_1143, %abs3A_1141 : vector<16xf32>
    %broadcast_in_dim3A_1145 = arith.constant 10 : i32
    %broadcast_in_dim3A_1146 = vector.broadcast %broadcast_in_dim3A_1145 : i32 to vector<16xi32>
    %gather3A_1147 = tpu.vector_load_idx %arg4[%broadcast_in_dim3A_1091, %broadcast_in_dim3A_1146] : memref<12x16xf32, #tpu.memory_space<vmem>>[vector<16xi32>, vector<16xi32>], vector<16xf32>,
    %abs3A_1148 = math.absf %gather3A_1147 : vector<16xf32>
    %neg3A_1149 = arith.constant 0.000000e+00 : f32
    %neg3A_1150 = vector.broadcast %neg3A_1149 : f32 to vector<16xf32>
    %neg3A_1151 = arith.subf %neg3A_1150, %abs3A_1148 : vector<16xf32>
    %broadcast_in_dim3A_1152 = arith.constant 11 : i32
    %broadcast_in_dim3A_1153 = vector.broadcast %broadcast_in_dim3A_1152 : i32 to vector<16xi32>
    %gather3A_1154 = tpu.vector_load_idx %arg4[%broadcast_in_dim3A_1091, %broadcast_in_dim3A_1153] : memref<12x16xf32, #tpu.memory_space<vmem>>[vector<16xi32>, vector<16xi32>], vector<16xf32>,
    %broadcast_in_dim3A_1155 = arith.constant 12 : i32
    %broadcast_in_dim3A_1156 = vector.broadcast %broadcast_in_dim3A_1155 : i32 to vector<16xi32>
    %gather3A_1157 = tpu.vector_load_idx %arg4[%broadcast_in_dim3A_1091, %broadcast_in_dim3A_1156] : memref<12x16xf32, #tpu.memory_space<vmem>>[vector<16xi32>, vector<16xi32>], vector<16xf32>,
    %broadcast_in_dim3A_1158 = arith.constant 13 : i32
    %broadcast_in_dim3A_1159 = vector.broadcast %broadcast_in_dim3A_1158 : i32 to vector<16xi32>
    %gather3A_1160 = tpu.vector_load_idx %arg4[%broadcast_in_dim3A_1091, %broadcast_in_dim3A_1159] : memref<12x16xf32, #tpu.memory_space<vmem>>[vector<16xi32>, vector<16xi32>], vector<16xf32>,
    %broadcast_in_dim3A_1161 = arith.constant 14 : i32
    %broadcast_in_dim3A_1162 = vector.broadcast %broadcast_in_dim3A_1161 : i32 to vector<16xi32>
    %gather3A_1163 = tpu.vector_load_idx %arg4[%broadcast_in_dim3A_1091, %broadcast_in_dim3A_1162] : memref<12x16xf32, #tpu.memory_space<vmem>>[vector<16xi32>, vector<16xi32>], vector<16xf32>,
    %broadcast_in_dim3A_1164 = arith.constant 15 : i32
    %broadcast_in_dim3A_1165 = vector.broadcast %broadcast_in_dim3A_1164 : i32 to vector<16xi32>
    %gather3A_1166 = tpu.vector_load_idx %arg4[%broadcast_in_dim3A_1091, %broadcast_in_dim3A_1165] : memref<12x16xf32, #tpu.memory_space<vmem>>[vector<16xi32>, vector<16xi32>], vector<16xf32>,
    %scan3A_1167 = arith.constant 0 : i32
    %scan3A_1168 = arith.constant 160 : i32
    %scan3A_1169 = arith.addi %scan3A_1167, %scan3A_1168 : i32
    %scan3A_1170 = arith.constant 1 : i32
    scf.for %scan3A_1197 = %scan3A_1167 to %scan3A_1169 step %scan3A_1170  : i32 {
      %mul3A_1198 = arith.constant 1 : i32
      %mul3A_1199 = arith.muli %scan3A_1197, %mul3A_1198 : i32
      %add3A_1200 = arith.constant 0 : i32
      %add3A_1201 = arith.addi %add3A_1200, %mul3A_1199 : i32
      %mul3A_1202 = arith.constant 16 : i32
      %mul3A_1203 = arith.muli %add3A_1201, %mul3A_1202 : i32
      %multiple_of3A = tpu.assume_multiple %mul3A_1203, 16 : i32
      %convert_element_type3A_1204 = arith.sitofp %multiple_of3A : i32 to f32
      %add3A_1205 = vector.broadcast %convert_element_type3A_1204 : f32 to vector<16xf32>
      %add3A_1206 = arith.addf %convert_element_type3A, %add3A_1205 : vector<16xf32>
      %broadcast_in_dim3A_1207 = arith.constant 0.000000e+00 : f32
      %broadcast_in_dim3A_1208 = vector.broadcast %broadcast_in_dim3A_1207 : f32 to vector<16xf32>
      %add3A_1209 = arith.addf %add3A_1096, %add3A_1206 : vector<16xf32>
      %mul3A_1210 = arith.mulf %add3A_1209, %add3A_1209 : vector<16xf32>
      %mul3A_1211 = arith.mulf %neg3A_1123, %mul3A_1210 : vector<16xf32>
      %exp3A = math.exp %mul3A_1211 : vector<16xf32>
      %mul3A_1212 = arith.mulf %gather3A_1154, %exp3A : vector<16xf32>
      %add3A_1213 = arith.addf %broadcast_in_dim3A_1208, %mul3A_1212 : vector<16xf32>
      %add3A_1214 = arith.addf %add3A_1101, %add3A_1206 : vector<16xf32>
      %mul3A_1215 = arith.mulf %add3A_1214, %add3A_1214 : vector<16xf32>
      %mul3A_1216 = arith.mulf %neg3A_1130, %mul3A_1215 : vector<16xf32>
      %exp3A_1217 = math.exp %mul3A_1216 : vector<16xf32>
      %mul3A_1218 = arith.mulf %gather3A_1157, %exp3A_1217 : vector<16xf32>
      %add3A_1219 = arith.addf %add3A_1213, %mul3A_1218 : vector<16xf32>
      %add3A_1220 = arith.addf %add3A_1106, %add3A_1206 : vector<16xf32>
      %mul3A_1221 = arith.mulf %add3A_1220, %add3A_1220 : vector<16xf32>
      %mul3A_1222 = arith.mulf %neg3A_1137, %mul3A_1221 : vector<16xf32>
      %exp3A_1223 = math.exp %mul3A_1222 : vector<16xf32>
      %mul3A_1224 = arith.mulf %gather3A_1160, %exp3A_1223 : vector<16xf32>
      %add3A_1225 = arith.addf %add3A_1219, %mul3A_1224 : vector<16xf32>
      %add3A_1226 = arith.addf %add3A_1111, %add3A_1206 : vector<16xf32>
      %mul3A_1227 = arith.mulf %add3A_1226, %add3A_1226 : vector<16xf32>
      %mul3A_1228 = arith.mulf %neg3A_1144, %mul3A_1227 : vector<16xf32>
      %exp3A_1229 = math.exp %mul3A_1228 : vector<16xf32>
      %mul3A_1230 = arith.mulf %gather3A_1163, %exp3A_1229 : vector<16xf32>
      %add3A_1231 = arith.addf %add3A_1225, %mul3A_1230 : vector<16xf32>
      %add3A_1232 = arith.addf %add3A_1116, %add3A_1206 : vector<16xf32>
      %mul3A_1233 = arith.mulf %add3A_1232, %add3A_1232 : vector<16xf32>
      %mul3A_1234 = arith.mulf %neg3A_1151, %mul3A_1233 : vector<16xf32>
      %exp3A_1235 = math.exp %mul3A_1234 : vector<16xf32>
      %mul3A_1236 = arith.mulf %gather3A_1166, %exp3A_1235 : vector<16xf32>
      %add3A_1237 = arith.addf %add3A_1231, %mul3A_1236 : vector<16xf32>
      %swap3A = arith.constant 11 : i32
      %swap3A_1238 = arith.index_cast %swap3A : i32 to index
      %swap3A_1239 = arith.index_cast %multiple_of3A : i32 to index
      %swap3A_1240 = tpu.vector_load %arg5[%swap3A_1238, %swap3A_1239] {strides = array<i32>} : memref<12x2560xf32, #tpu.memory_space<vmem>>, vector<16xf32>,
      tpu.vector_store %arg5[%swap3A_1238, %swap3A_1239], %add3A_1237 {strides = array<i32>} : memref<12x2560xf32, #tpu.memory_space<vmem>>, vector<16xf32>,
    }
    %scan3A_1171 = arith.constant 160 : i32
    %dma_wait3A_1172 = arith.constant 10 : i32
    %dma_wait3A_1173 = arith.constant 10 : i32
    %dma_wait3A_1174 = arith.constant 0 : i32
    %dma_wait3A_1175 = arith.constant 0 : i32
    %dma_wait3A_1176 = tpu.memref_slice %arg3[%dma_wait3A_1173, %dma_wait3A_1174, %dma_wait3A_1175] : memref<12x2048x2048xf32, #tpu.memory_space<hbm>> -> memref<1x64x2048xf32, #tpu.memory_space<hbm>>
    %dma_wait3A_1177 = tpu.memref_squeeze %dma_wait3A_1176 : memref<1x64x2048xf32, #tpu.memory_space<hbm>> -> memref<64x2048xf32, #tpu.memory_space<hbm>>
    %dma_wait3A_1178 = arith.constant 0 : i32
    %dma_wait3A_1179 = arith.constant 0 : i32
    %dma_wait3A_1180 = tpu.memref_slice %arg3[%dma_wait3A_1172, %dma_wait3A_1178, %dma_wait3A_1179] : memref<12x2048x2048xf32, #tpu.memory_space<hbm>> -> memref<1x64x2048xf32, #tpu.memory_space<hbm>>
    %dma_wait3A_1181 = tpu.memref_squeeze %dma_wait3A_1180 : memref<1x64x2048xf32, #tpu.memory_space<hbm>> -> memref<64x2048xf32, #tpu.memory_space<hbm>>
    tpu.wait_dma2 semaphore(%arg6 : memref<!tpu.dma_semaphore, #tpu.memory_space<semaphore_mem>>) src(%dma_wait3A_1181 : memref<64x2048xf32, #tpu.memory_space<hbm>>) dst(%dma_wait3A_1177 : memref<64x2048xf32, #tpu.memory_space<hbm>>)
    %scan3A_1182 = arith.constant 0 : i32
    %scan3A_1183 = arith.constant 64 : i32
    %scan3A_1184 = arith.addi %scan3A_1182, %scan3A_1183 : i32
    %scan3A_1185 = arith.constant 1 : i32
    scf.for %scan3A_1197 = %scan3A_1182 to %scan3A_1184 step %scan3A_1185  : i32 {
      %mul3A_1198 = arith.constant 1 : i32
      %mul3A_1199 = arith.muli %scan3A_1197, %mul3A_1198 : i32
      %add3A_1200 = arith.constant 0 : i32
      %add3A_1201 = arith.addi %add3A_1200, %mul3A_1199 : i32
      %add3A_1202 = arith.addi %mul3A_32, %add3A_1201 : i32
      %mul3A_1203 = arith.constant 8 : i32
      %mul3A_1204 = arith.muli %mul3A_1203, %add3A_1202 : i32
      %add3A_1205 = arith.addi %mul3A_1204, %select_n3A_9 : i32
      %sub3A_1206 = arith.constant 63 : i32
      %sub3A_1207 = arith.subi %sub3A_1206, %add3A_1201 : i32
      %mul3A_1208 = arith.constant 8 : i32
      %mul3A_1209 = arith.muli %mul3A_1208, %sub3A_1207 : i32
      %multiple_of3A = tpu.assume_multiple %mul3A_1209, 8 : i32
      %dma_start3A = arith.constant 11 : i32
      %dma_start3A_1210 = arith.constant 11 : i32
      %dma_start3A_1211 = tpu.memref_slice %arg5[%dma_start3A, %multiple_of3A] : memref<12x2560xf32, #tpu.memory_space<vmem>> -> memref<1x2048xf32, #tpu.memory_space<vmem>>
      %dma_start3A_1212 = tpu.memref_squeeze %dma_start3A_1211 : memref<1x2048xf32, #tpu.memory_space<vmem>> -> memref<2048xf32, #tpu.memory_space<vmem>>
      %dma_start3A_1213 = arith.constant 0 : i32
      %dma_start3A_1214 = tpu.memref_slice %arg3[%dma_start3A_1210, %add3A_1205, %dma_start3A_1213] : memref<12x2048x2048xf32, #tpu.memory_space<hbm>> -> memref<1x1x2048xf32, #tpu.memory_space<hbm>>
      %dma_start3A_1215 = tpu.memref_squeeze %dma_start3A_1214 : memref<1x1x2048xf32, #tpu.memory_space<hbm>> -> memref<2048xf32, #tpu.memory_space<hbm>>
      %dma_start3A_1216 = arith.constant 0 : i32
      %dma_start3A_1217 = tpu.memref_slice %arg3[%dma_start3A_1210, %add3A_1205, %dma_start3A_1216] : memref<12x2048x2048xf32, #tpu.memory_space<hbm>> -> memref<1x1x2048xf32, #tpu.memory_space<hbm>>
      %dma_start3A_1218 = tpu.memref_squeeze %dma_start3A_1217 : memref<1x1x2048xf32, #tpu.memory_space<hbm>> -> memref<2048xf32, #tpu.memory_space<hbm>>
      %dma_start3A_1219 = tpu.memref_slice %arg5[%dma_start3A, %multiple_of3A] : memref<12x2560xf32, #tpu.memory_space<vmem>> -> memref<1x2048xf32, #tpu.memory_space<vmem>>
      %dma_start3A_1220 = tpu.memref_squeeze %dma_start3A_1219 : memref<1x2048xf32, #tpu.memory_space<vmem>> -> memref<2048xf32, #tpu.memory_space<vmem>>
      tpu.enqueue_dma source(%dma_start3A_1220 : memref<2048xf32, #tpu.memory_space<vmem>>) target(%dma_start3A_1218 : memref<2048xf32, #tpu.memory_space<hbm>>) target_semaphore(%arg6 : memref<!tpu.dma_semaphore, #tpu.memory_space<semaphore_mem>>)
    }
    %scan3A_1186 = arith.constant 64 : i32
    %dma_wait3A_1187 = arith.constant 11 : i32
    %dma_wait3A_1188 = arith.constant 11 : i32
    %dma_wait3A_1189 = arith.constant 0 : i32
    %dma_wait3A_1190 = arith.constant 0 : i32
    %dma_wait3A_1191 = tpu.memref_slice %arg3[%dma_wait3A_1188, %dma_wait3A_1189, %dma_wait3A_1190] : memref<12x2048x2048xf32, #tpu.memory_space<hbm>> -> memref<1x64x2048xf32, #tpu.memory_space<hbm>>
    %dma_wait3A_1192 = tpu.memref_squeeze %dma_wait3A_1191 : memref<1x64x2048xf32, #tpu.memory_space<hbm>> -> memref<64x2048xf32, #tpu.memory_space<hbm>>
    %dma_wait3A_1193 = arith.constant 0 : i32
    %dma_wait3A_1194 = arith.constant 0 : i32
    %dma_wait3A_1195 = tpu.memref_slice %arg3[%dma_wait3A_1187, %dma_wait3A_1193, %dma_wait3A_1194] : memref<12x2048x2048xf32, #tpu.memory_space<hbm>> -> memref<1x64x2048xf32, #tpu.memory_space<hbm>>
    %dma_wait3A_1196 = tpu.memref_squeeze %dma_wait3A_1195 : memref<1x64x2048xf32, #tpu.memory_space<hbm>> -> memref<64x2048xf32, #tpu.memory_space<hbm>>
    tpu.wait_dma2 semaphore(%arg6 : memref<!tpu.dma_semaphore, #tpu.memory_space<semaphore_mem>>) src(%dma_wait3A_1196 : memref<64x2048xf32, #tpu.memory_space<hbm>>) dst(%dma_wait3A_1192 : memref<64x2048xf32, #tpu.memory_space<hbm>>)
    return
  }
}

</mosaic_0001>

<sc_bundles>
// kernel: kernel.3.cloned.1.call-start
scs
__scs_entry_jumppad:
0x0: {  	(pc) =	sbr.rel $0x88, $3  }
0x1: {  	(tag) =	ssettag $0x0;
	lr =	simm.s32 $0x1  }
0x2: {  	[smem:$0x3F9D] =	sst lr;
	_ =	strace $0xD0000000  }
0x3: {  	_ = 	snop  }
0x4: {  	_ = 	snop  }
0x5: {  	_ = 	snop  }
0x6: {  	_ = 	snop  }
0x7: {  	_ = 	snop  }
__scs_overlays_trampoline_lowered:
0x8: {  	[smem:$0x3FAC] =	sst s0  }
0x9: {  	[smem:$0x3FAD] =	sst s1  }
0xa: {  	[smem:$0x3FAE] =	sst s2  }
0xb: {  	[smem:$0x3FAF] =	sst s3  }
0xc: {  	[smem:$0x3FB0] =	sst s4  }
0xd: {  	[smem:$0x3FB1] =	sst s5  }
0xe: {  	[smem:$0x3FB2] =	sst s6  }
0xf: {  	[smem:$0x3FB3] =	sst s7  }
0x10: {  	[smem:$0x3FB4] =	sst s8  }
0x11: {  	[smem:$0x3FB5] =	sst s9;
	s0 =	simm.s32 @!p0 $0x0  }
0x12: {  	s1 =	sld [smem:$0x3F9B];
	s0 =	simm.s32 @p0 $0x1  }
0x13: {  	[smem:$0x3FB6] =	sst s0;
	s0 =	simm.s32 @!p1 $0x0  }
0x14: {  	s2 =	sld [smem:$0x3F9A];
	s0 =	simm.s32 @p1 $0x1  }
0x15: {  	[smem:$0x3FB7] =	sst s0;
	s0 =	simm.s32 @!p2 $0x0  }
0x16: {  	s3 =	sld [smem:$0x3FDB];
	s0 =	simm.s32 @p2 $0x1  }
0x17: {  	s4 =	simm.s32 $0x1BF5;
	[smem:$0x3FB9] =	sst s0  }
0x18: {  	s0 =	sld [smem:$0x3F9C];
	_ =	swait.ge [sflag:s4], $0x0  }
0x19: {  	s7 =	sld [smem:$0x3F9D]  }
0x1a: {  	s8 =	sadd.s32 $0xFFFFE003, lr  }
0x1b: {  	s9 =	sadd.s32 $0xFFFFFEF7, lr;
	s5 =	simm.s32 $0xFFFFFFFF;
	p2 =	slt.u32 s8, $0xFFFFF086  }
0x1c: {  	p1 =	slt.u32 s9, $0xF7A;
	s5 =	simm.s32 @!p2 $0x0  }
0x1d: {  	s5 =	simm.s32 @p1 $0x1;
	p0 =	seq.s32 s7, s2  }
0x1e: {  	s7 =	smul.u32 @!p0 $0xF7A, s2;
	p2 =	seq.s32 @!p0 s5, $0x0  }
0x1f: {  	s9 =	smul.u32 $0xF7A, s1;
	s8 =	simm.s32 @!p0 $0x1BF5;
	p2 =	por !p2, p0  }
0x20: {  	[sflag:s8] =	ssyncset.s32 @!p0 $0xFFFFF086;
	s6 =	sadd.s32 @!p0 s3, s7;
	s7 =	simm.s32 @!p0 $0x108  }
0x21: {  	s3 =	sadd.s32 s3, s9;
	s6 =	sadd.s32 @!p0 $0x88, s6;
	s7 =	simm.s32 @p2 $0x1082  }
0x22: {  	[simem:s7], [sflag:s8] =	dma.local @!p0 [hbm:s6], $0xF7A  }
0x23: {  	s9 =	sor.u32 $0xD0000000, s2;
	s6 =	simm.s32 $0x108;
	_ =	swait.ge @!p0 [sflag:s8], $0x0  }
0x24: {  	s3 =	sadd.s32 $0x88, s3;
	s6 =	simm.s32 @!p1 $0x1082;
	[sflag:s4] =	ssyncset.s32 $0xFFFFF086  }
0x25: {  	[simem:s6], [sflag:s4] =	dma.local [hbm:s3], $0xF7A  }
0x26: {  	[smem:$0x3F9D] =	sst s1;
	(tag) =	ssettag s2;
	_ =	strace s9  }
0x27: {  	s1 =	sld [smem:$0x3FAD]  }
0x28: {  	s2 =	sld [smem:$0x3FAE]  }
0x29: {  	s4 =	sld [smem:$0x3FB0]  }
0x2a: {  	p0 =	seq.s32 s5, $0x0;
	s5 =	sld [smem:$0x3FB1]  }
0x2b: {  	s6 =	sld [smem:$0x3FB2]  }
0x2c: {  	s7 =	sld [smem:$0x3FB3]  }
0x2d: {  	s3 =	simm.s32 $0x108;
	s8 =	sld [smem:$0x3FB4]  }
0x2e: {  	s3 =	simm.s32 @!p0 $0x1082;
	s9 =	sld [smem:$0x3FB5]  }
0x2f: {  	lr =	sadd.s32 s0, s3;
	s0 =	sld [smem:$0x3FAC]  }
0x30: {  	s3 =	sld [smem:$0x3FAF]  }
0x31: {  	[smem:$0x3FB8] =	sst s10  }
0x32: {  	s10 =	sld [smem:$0x3FB6];
	_ =	sdelay $0x3  }
0x33: {  	p0 =	seq.s32 s10, $0x1;
	s10 =	sld [smem:$0x3FB8];
	_ =	sdelay $0x3  }
0x34: {  	[smem:$0x3FB8] =	sst s10  }
0x35: {  	s10 =	sld [smem:$0x3FB7];
	_ =	sdelay $0x3  }
0x36: {  	p1 =	seq.s32 s10, $0x1;
	s10 =	sld [smem:$0x3FB8];
	_ =	sdelay $0x3  }
0x37: {  	[smem:$0x3FB8] =	sst s10  }
0x38: {  	s10 =	sld [smem:$0x3FB9]  }
0x39: {  	_ = 	snop;
	(pc) =	sbr.ind lr, $3  }
0x3a: {  	_ = 	snop  }
0x3b: {  	_ = 	snop  }
0x3c: {  	p2 =	seq.s32 s10, $0x1;
	s10 =	sld [smem:$0x3FB8]  }
0x3d: {  	_ =	shalt  }
0x3e: {  	_ =	shalt  }
0x3f: {  	_ =	shalt  }
0x40: {  	_ =	shalt  }
0x41: {  	_ =	shalt  }
0x42: {  	_ =	shalt  }
0x43: {  	_ =	shalt  }
0x44: {  	_ =	shalt  }
0x45: {  	_ =	shalt  }
0x46: {  	_ =	shalt  }
0x47: {  	_ =	shalt  }
0x48: {  	_ =	shalt  }
0x49: {  	_ =	shalt  }
0x4a: {  	_ =	shalt  }
0x4b: {  	_ =	shalt  }
0x4c: {  	_ =	shalt  }
0x4d: {  	_ =	shalt  }
0x4e: {  	_ =	shalt  }
0x4f: {  	_ =	shalt  }
0x50: {  	_ =	shalt  }
0x51: {  	_ =	shalt  }
0x52: {  	_ =	shalt  }
0x53: {  	_ =	shalt  }
0x54: {  	_ =	shalt  }
0x55: {  	_ =	shalt  }
0x56: {  	_ =	shalt  }
0x57: {  	_ =	shalt  }
0x58: {  	_ =	shalt  }
0x59: {  	_ =	shalt  }
0x5a: {  	_ =	shalt  }
0x5b: {  	_ =	shalt  }
0x5c: {  	_ =	shalt  }
0x5d: {  	_ =	shalt  }
0x5e: {  	_ =	shalt  }
0x5f: {  	_ =	shalt  }
0x60: {  	_ =	shalt  }
0x61: {  	_ =	shalt  }
0x62: {  	_ =	shalt  }
0x63: {  	_ =	shalt  }
0x64: {  	_ =	shalt  }
0x65: {  	_ =	shalt  }
0x66: {  	_ =	shalt  }
0x67: {  	_ =	shalt  }
0x68: {  	_ =	shalt  }
0x69: {  	_ =	shalt  }
0x6a: {  	_ =	shalt  }
0x6b: {  	_ =	shalt  }
0x6c: {  	_ =	shalt  }
0x6d: {  	_ =	shalt  }
0x6e: {  	_ =	shalt  }
0x6f: {  	_ =	shalt  }
0x70: {  	_ =	shalt  }
0x71: {  	_ =	shalt  }
0x72: {  	_ =	shalt  }
0x73: {  	_ =	shalt  }
0x74: {  	_ =	shalt  }
0x75: {  	_ =	shalt  }
0x76: {  	_ =	shalt  }
0x77: {  	_ =	shalt  }
0x78: {  	_ =	shalt  }
0x79: {  	_ =	shalt  }
0x7a: {  	_ =	shalt  }
0x7b: {  	_ =	shalt  }
0x7c: {  	_ =	shalt  }
0x7d: {  	_ =	shalt  }
0x7e: {  	_ =	shalt  }
0x7f: {  	_ =	shalt  }
0x80: {  	_ =	shalt  }
0x81: {  	_ =	shalt  }
0x82: {  	_ =	shalt  }
0x83: {  	_ =	shalt  }
0x84: {  	_ =	shalt  }
0x85: {  	_ =	shalt  }
0x86: {  	_ =	shalt  }
0x87: {  	_ =	shalt  }
.Lfunc_end0:
.L_simem_size_0:
called_computation_lowered:
.L_overlay_start_0:
0x88: {  	s2 =	sld [smem:$0x3FD9]  }
0x89: {  	s3 =	sld [smem:$0x3FFE];
	_ =	sdelay $0x1  }
0x8a: {  	s1 =	srdreg.scid  }
0x8b: {  	s0 =	sand.u32 $0x1, s1  }
0x8c: {  	s17 =	sshll.u32 s0, $0xA;
	s2 =	sadd.s32 s3, s2  }
0x8d: {  	s2 =	sadd.s32 s2, s17  }
0x8e: {  	[smem:$0x3FC4] =	sst s2  }
0x8f: {  	_ = 	snop  }
0x90: {  	s2 =	sld [smem:$0x3FD0];
	(tm) =	ssettm $0x1  }
0x91: {  	s18 =	sld [smem:$0x3FFB];
	_ =	sdelay $0x3  }
0x92: {  	_ =	strace s18  }
0x93: {  	s3 =	sld [smem:$0x3FFC];
	_ =	sdelay $0x3  }
0x94: {  	_ =	strace s3  }
0x95: {  	s3 =	sld [smem:$0x3FFD];
	_ =	sdelay $0x3  }
0x96: {  	_ =	strace s3  }
0x97: {  	_ =	strace $0x8FFFFFFF  }
0x98: {  	s19 =	sld [smem:$0x3FDB];
	_ =	sdelay $0x1  }
0x99: {  	s4 =	simm.s32 $_scs_section_size  }
0x9a: {  	s5 =	simm.s32 $_size__tile_overlayer_lowered;
	s6 =	simm.s32 $_tile_overlayer_lowered  }
0x9b: {  	s22 =	simm.s32 $0x1BFF;
	s21 =	sshll.u32 s6, $0x1;
	s3 =	sadd.s32 s4, s19  }
0x9c: {  	s7 =	simm.s32 $0x0;
	s20 =	sshll.u32 s5, $0x1;
	s5 =	sadd.s32 s21, s3  }
0x9d: {  	[timem:s7], [sflag:s22] =	dma.local [hbm:s5], s20  }
0x9e: {  	_ =	swait.ge [sflag:s22], s20  }
0x9f: {  	s4 =	ssub.s32 $0x0, s20;
	[sflag:s22] =	ssyncset.done $0x0  }
0xa0: {  	[sflag:s22] =	ssyncadd.s32 s4;
	_ =	sdelay $0x1  }
0xa1: {  	s23 =	simm.s32 $0x1B8B  }
0xa2: {  	_ =	swait.ge [sflag:s23], $0x1  }
0xa3: {  	[sflag:s23] =	ssyncset.done $0x0  }
0xa4: {  	s25 =	simm.s32 $0x1B8E;
	s24 =	sld [smem:$0x3FFE];
	[sflag:s23] =	ssyncadd.s32 $0xFFFFFFFF  }
0xa5: {  	s26 =	simm.s32 $execute0_lowered;
	[smem:$0x3FD2] =	sst s25  }
0xa6: {  	s5 =	sshll.u32 s26, $0x1;
	_ =	strace $0x80000046;
	[dreg:$0x1] =	wrdreg $0xFFFFFFFF  }
0xa7: {  	s28 =	simm.s32 $_size_execute0_lowered;
	s3 =	sadd.s32 s3, s5;
	[dreg:$0x0] =	wrdreg $0x0  }
0xa8: {  	s5 =	sshll.u32 s28, $0x1;
	[dreg:$0x2] =	wrdreg s3  }
0xa9: {  	[dreg:$0x3] =	wrdreg s5  }
0xaa: {  	[dreg:$0x4] =	wrdreg $0xC0  }
0xab: {  	_ =	task [dreg:s7], $0x5FFFF  }
0xac: {  	[dreg:$0x1] =	wrdreg $0xFFFFFFFF  }
0xad: {  	[dreg:$0x0] =	wrdreg $0x60  }
0xae: {  	[dreg:$0x2] =	wrdreg s2  }
0xaf: {  	[dreg:$0x3] =	wrdreg s24  }
0xb0: {  	[dreg:$0x4] =	wrdreg $0x9  }
0xb1: {  	_ =	task.clear_ibuf [dreg:s7], $0x5FFFF;
	_ =	strace $0x90000046  }
0xb2: {  	s29 =	simm.s32 $0x9;
	_ =	strace $0x80000048  }
0xb3: {  	_ =	swait.ge [sflag:s29], $0x1  }
0xb4: {  	[sflag:s29] =	ssyncadd.s32 $0xFFFFFFFF  }
0xb5: {  	_ =	strace $0x90000048  }
0xb6: {  	_ =	sfence  }
0xb7: {  	s30 =	sld [smem:$0x0];
	_ =	sdelay $0x2  }
0xb8: {  	s31 =	sshll.u32 s1, $0xD;
	s1 =	sshrl.u32 s1, $0x2  }
0xb9: {  	s3 =	sand.u32 $0x4000, s31;
	s1 =	sadd.s32 s1, s30  }
0xba: {  	s0 =	sor.u32 s3, s0;
	s1 =	sshll.u32 s1, $0x11  }
0xbb: {  	s0 =	sor.u32 s1, s0  }
0xbc: {  	s0 =	sadd.s32 $0x8F2B, s0  }
0xbd: {  	[sflag:s0] =	ssyncadd.remote.s32 $0x1  }
0xbe: {  	_ =	sfence.sel $0xFFFF  }
0xbf: {  	[dreg:$0x0] =	wrdreg $0xFFFFFFFF;
	(pc) =	sbr.abs _section_cstart, $3  }
0xc0: {  	[dreg:$0x1] =	wrdreg $0xFFFFFFFF  }
0xc1: {  	_ =	task.clear_ibuf [dreg:s7], $0x2FFFF;
	_ =	strace $0x9FFFFFFF  }
0xc2: {  	(tm) =	ssettm $0x7FFFFFFF  }
0xc3: {  	_ =	shalt  }
tec
execute0_lowered:
.L_overlay_start_1:
0x0: {  	(tag) =	ssettag $0x1  }
0x1: {  	v1 =	vimm.f32 $1.500000000e+01;
	vm0 =	vcmask $0x300  }
0x2: {  	vm14 =	vcmask $0x704;
	vm15 =	vcmask $0xB08;
	vm4 =	vcmask $0xF0C  }
0x3: {  	vm5 =	vcmask $0x1310;
	vm6 =	vcmask $0x1714;
	vm7 =	vcmask $0x1B18  }
0x4: {  	vm8 =	vcmask $0x1F1C;
	vm9 =	vcmask $0x2320;
	vm10 =	vcmask $0x2724  }
0x5: {  	vm11 =	vcmask $0x2B28;
	vm12 =	vcmask $0x2F2C;
	vm13 =	vcmask $0x3330  }
0x6: {  	v22 =	vimm.s32 $0x9A;
	v23 =	vimm.s32 $0x9B;
	v24 =	vimm.s32 $0x9C  }
0x7: {  	v25 =	vimm.s32 $0x9D;
	v26 =	vimm.s32 $0x9E;
	v27 =	vimm.s32 $0x9F  }
0x8: {  	v28 =	vimm.s32 $0xA1;
	v29 =	vimm.s32 $0xA2;
	v30 =	vimm.s32 $0xA3  }
0x9: {  	s0 =	stileid.u32;
	v31 =	vimm.s32 $0xA4;
	v32 =	vimm.s32 $0xA5;
	v1 =	vsel vm0, $0x0, v1  }
0xa: {  	s1 =	srdreg.scid;
	s6 =	rddreg [dreg:$0x1];
	v33 =	vimm.s32 $0xA6;
	v34 =	vimm.s32 $0xA7;
	v1 =	vsel vm14, $0x3F800000, v1  }
0xb: {  	s3 =	simm.s32 $0x0;
	v35 =	vimm.s32 $0xA8;
	v36 =	vimm.s32 $0xA9;
	s17 =	simm.s32 $0x2;
	s18 =	simm.s32 $0x1;
	v1 =	vsel vm15, $0x40000000, v1  }
0xc: {  	v37 =	vimm.s32 $0xAA;
	v38 =	vimm.s32 $0xAB;
	s19 =	simm.s32 $0x0;
	s2 =	sshll.u32 s0, $0x1;
	s4 =	sand.u32 $0x1, s1;
	v1 =	vsel vm4, $0x40400000, v1  }
0xd: {  	v39 =	vimm.s32 $0xAC;
	v40 =	vimm.s32 $0xAD;
	s5 =	sshrl.u32 s0, $0x2;
	[smem:$0x7FF] =	sst s3;
	s7 =	sand.u32 $0x3, s0;
	v1 =	vsel vm5, $0x40800000, v1  }
0xe: {  	v41 =	vimm.s32 $0xAE;
	v42 =	vimm.s32 $0xAF;
	s26 =	sand.u32 $0x6, s2;
	s28 =	sshll.u32 s5, $0x9;
	s2 =	rddreg [dreg:$0x2];
	v1 =	vsel vm6, $0x40A00000, v1  }
0xf: {  	v43 =	vimm.s32 $0xB1;
	v44 =	vimm.s32 $0xB2;
	s5 =	sshll.u32 s5, $0x11;
	s8 =	ssub.s32 $0x2, s4;
	s29 =	sshll.u32 s7, $0x9;
	v1 =	vsel vm7, $0x40C00000, v1  }
0x10: {  	v45 =	vimm.s32 $0xB3;
	v46 =	vimm.s32 $0xB4;
	s1 =	sor.u32 s4, s26;
	s5 =	sadd.s32 s5, s6;
	s30 =	sshrl.u32 s8, $0x1;
	v1 =	vsel vm8, $0x40E00000, v1  }
0x11: {  	v47 =	vimm.s32 $0xB5;
	v48 =	vimm.s32 $0xB6;
	s4 =	sshll.u32 s4, $0x8;
	s1 =	sor.u32 s1, s28;
	s5 =	sadd.s32 s29, s5;
	v1 =	vsel vm9, $0x41000000, v1  }
0x12: {  	v49 =	vimm.s32 $0xB7;
	v50 =	vimm.s32 $0xB8;
	s31 =	ssub.s32 s8, s30;
	s1 =	ssub.s32 $0x609, s1;
	s4 =	sadd.s32 s4, s5;
	v1 =	vsel vm10, $0x41100000, v1  }
0x13: {  	v51 =	vimm.s32 $0xB9;
	v52 =	vimm.s32 $0xBA;
	s5 =	smax.u32 s31, $0x1;
	s1 =	scvt.s32.f32 s1;
	s6 =	sadd.s32 $0x80000, s4;
	v1 =	vsel vm11, $0x41200000, v1  }
0x14: {  	v53 =	vimm.s32 $0xBB;
	v54 =	vimm.s32 $0xBC;
	s7 =	sadd.s32 $0x100000, s4;
	s8 =	sadd.s32 $0x180000, s4;
	s9 =	sadd.s32 $0x200000, s4;
	v1 =	vsel vm12, $0x41300000, v1  }
0x15: {  	v55 =	vimm.s32 $0xBD;
	vm14 =	vcmask $0x3734;
	s10 =	sadd.s32 $0x280000, s4;
	s11 =	sadd.s32 $0x300000, s4;
	s12 =	sadd.s32 $0x380000, s4;
	v1 =	vsel vm13, $0x41400000, v1  }
0x16: {  	v56 =	vimm.s32 $0xBE;
	vm15 =	vcmask $0x3B38;
	s13 =	sadd.s32 $0x400000, s4;
	s14 =	sadd.s32 $0x480000, s4;
	s15 =	sadd.s32 $0x500000, s4;
	v1 =	vsel vm14, $0x41500000, v1  }
0x17: {  	v57 =	vimm.s32 $0xBF;
	s16 =	sadd.s32 $0x580000, s4;
	v0 =	vmov s1;
	s1 =	rddreg [dreg:$0x0];
	_ =	strace $0x80000047;
	v16 =	vsel vm15, $0x41600000, v1  }
.LBB2_1:
0x18: {  	v2 =	vimm.s32 $0x2  }
0x19: {  	[tilespmem:s3], [sflag:$0x2] =	stream.linear.gather [hbm4b:s1+s3], $0xC0, $0x38;
	v3 =	vimm.s32 $0x3;
	[tilespmem:$0x78C0] =	vst v63  }
0x1a: {  	v4 =	vimm.s32 $0x4;
	_ =	swait.ge [sflag:s17], $0xC0  }
0x1b: {  	v5 =	vimm.s32 $0x6;
	[sflag:s17] =	ssyncset.done $0x0  }
0x1c: {  	v7 =	vimm.s32 $0x7;
	[sflag:s17] =	ssyncadd.s32 $0xFFFFFF40  }
0x1d: {  	v1 =	vimm.s32 $0x1;
	v2 =	vld.idx.msk [tilespmem:v2+s3+$0x0], $0xffff  }
0x1e: {  	v6 =	vimm.s32 $0x5;
	v3 =	vld.idx.msk [tilespmem:v3+s3+$0x0], $0xffff  }
0x1f: {  	v4 =	vld.idx.msk [tilespmem:v4+s3+$0x0], $0xffff  }
0x20: {  	v8 =	vimm.s32 $0x8;
	v5 =	vld.idx.msk [tilespmem:v5+s3+$0x0], $0xffff  }
0x21: {  	v7 =	vld.idx.msk [tilespmem:v7+s3+$0x0], $0xffff  }
0x22: {  	v1 =	vld.idx.msk [tilespmem:v1+s3+$0x0], $0xffff  }
0x23: {  	v6 =	vld.idx.msk [tilespmem:v6+s3+$0x0], $0xffff  }
0x24: {  	v59 =	vadd.f32 v3, v0;
	v3 =	vadd.f32 v4, v0;
	v4 =	vimm.s32 $0x9  }
0x25: {  	s20 =	scvt.s32.f32 s3;
	v8 =	vld.idx.msk [tilespmem:v8+s3+$0x0], $0xffff;
	v60 =	vadd.f32 v2, v0;
	v2 =	vand.u32 $0x7FFFFFFF, v5  }
0x26: {  	v62 =	vsub.f32 $0.0e+00, v2;
	v2 =	vand.u32 $0x7FFFFFFF, v7;
	v7 =	vimm.s32 $0xA  }
0x27: {  	v9 =	vadd.f32 s20, v16;
	v1 =	vadd.f32 v1, v0  }
0x28: {  	v58 =	vadd.f32 v6, v0  }
0x29: {  	v5 =	vadd.f32 v9, v1;
	v6 =	vadd.f32 v9, v60;
	v4 =	vld.idx.msk [tilespmem:v4+s3+$0x0], $0xffff  }
0x2a: {  	v61 =	vsub.f32 $0.0e+00, v2;
	v2 =	vand.u32 $0x7FFFFFFF, v8;
	v8 =	vadd.f32 v9, v59  }
0x2b: {  	v5 =	vmul.f32 v5, v5;
	v6 =	vmul.f32 v6, v6;
	v7 =	vld.idx.msk [tilespmem:v7+s3+$0x0], $0xffff  }
0x2c: {  	v63 =	vsub.f32 $0.0e+00, v2;
	v8 =	vmul.f32 v8, v8  }
0x2d: {  	v5 =	vmul.f32 v5, v62;
	v6 =	vmul.f32 v6, v61  }
0x2e: {  	v10 =	vmul.f32 v8, v63;
	v2 =	vand.u32 $0x7FFFFFFF, v4;
	v4 =	vadd.f32 v9, v3  }
0x2f: {  	v5 =	vmul.f32 $1.442695020e+00, v5;
	v6 =	vmul.f32 $1.442695020e+00, v6;
	v9 =	vadd.f32 v9, v58  }
0x30: {  	v2 =	vsub.f32 $0.0e+00, v2;
	v7 =	vand.u32 $0x7FFFFFFF, v7;
	v4 =	vmul.f32 v4, v4  }
0x31: {  	s29 =	simm.s32 $0x10;
	(erf) = vpow2.f32 v5;
	v8 =	vsub.f32 $0.0e+00, v7;
	v5 =	vmul.f32 v9, v9  }
0x32: {  	s20 =	scvt.s32.f32 s29;
	(erf) = vpow2.f32 v6;
	v4 =	vmul.f32 v4, v2  }
0x33: {  	v7 =	vmul.f32 $1.442695020e+00, v10;
	v5 =	vmul.f32 v5, v8  }
0x34: {  	v6 =	vadd.f32 s20, v16;
	v9 =	vmul.f32 $1.442695020e+00, v4;
	v4 =	vimm.s32 $0xB  }
0x35: {  	(erf) = vpow2.f32 v7;
	v12 =	vmul.f32 $1.442695020e+00, v5  }
0x36: {  	v5 =	vimm.s32 $0xC;
	(erf) = vpow2.f32 v9;
	v9 =	vadd.f32 v6, v60  }
0x37: {  	v7 =	vadd.f32 v6, v58  }
0x38: {  	v10 =	vadd.f32 v6, v1;
	v11 =	vadd.f32 v6, v3;
	v9 =	vmul.f32 v9, v9  }
0x39: {  	v13 =	vmul.f32 v7, v7;
	v7 =	vadd.f32 v6, v59;
	v6 =	vimm.s32 $0xD;
	v4 =	vld.idx.msk [tilespmem:v4+s3+$0x0], $0xffff  }
0x3a: {  	v10 =	vmul.f32 v10, v10;
	v14 =	vmul.f32 v9, v61;
	v9 =	vimm.s32 $0xE  }
0x3b: {  	v7 =	vmul.f32 v7, v7;
	v5 =	vld.idx.msk [tilespmem:v5+s3+$0x0], $0xffff  }
0x3c: {  	v11 =	vmul.f32 v11, v11;
	v10 =	vmul.f32 v10, v62  }
0x3d: {  	(erf) = vpow2.f32 v12;
	v12 =	vpop (erf);
	v17 =	vmul.f32 v7, v63;
	v7 =	vimm.s32 $0xF  }
0x3e: {  	s30 =	simm.s32 $0x20;
	v10 =	vmul.f32 $1.442695020e+00, v10;
	v6 =	vld.idx.msk [tilespmem:v6+s3+$0x0], $0xffff;
	v12 =	vmul.f32 v12, v4  }
0x3f: {  	s20 =	scvt.s32.f32 s30;
	v15 =	vpop (erf);
	v9 =	vld.idx.msk [tilespmem:v9+s3+$0x0], $0xffff  }
0x40: {  	v11 =	vmul.f32 v11, v2;
	v15 =	vmul.f32 v15, v5;
	v12 =	vadd.f32 $0.0e+00, v12  }
0x41: {  	v18 =	vadd.f32 s20, v16;
	(erf) = vpow2.f32 v10;
	v14 =	vmul.f32 $1.442695020e+00, v14  }
0x42: {  	v13 =	vmul.f32 v13, v8;
	v10 =	vpop (erf);
	v7 =	vld.idx.msk [tilespmem:v7+s3+$0x0], $0xffff;
	v12 =	vadd.f32 v12, v15;
	v15 =	vmul.f32 $1.442695020e+00, v17  }
0x43: {  	(erf) = vpow2.f32 v14;
	v10 =	vmul.f32 v10, v6;
	v17 =	vpop (erf)  }
0x44: {  	(erf) = vpow2.f32 v15;
	v15 =	vmul.f32 v17, v9;
	v17 =	vadd.f32 v18, v1  }
0x45: {  	v12 =	vadd.f32 v12, v10;
	v10 =	vmul.f32 $1.442695020e+00, v11  }
0x46: {  	v13 =	vmul.f32 $1.442695020e+00, v13;
	v11 =	vpop (erf);
	v17 =	vmul.f32 v17, v17  }
0x47: {  	v14 =	vadd.f32 v18, v58;
	v11 =	vmul.f32 v11, v7;
	(erf) = vpow2.f32 v10  }
0x48: {  	v20 =	vadd.f32 v18, v60;
	(erf) = vpow2.f32 v13;
	v13 =	vmul.f32 v17, v62  }
0x49: {  	v19 =	vadd.f32 v18, v3;
	v10 =	vmul.f32 v14, v14;
	v14 =	vadd.f32 v18, v59  }
0x4a: {  	v12 =	vadd.f32 v12, v15;
	v15 =	vmul.f32 v20, v20;
	v17 =	vpop (erf);
	v13 =	vmul.f32 $1.442695020e+00, v13  }
0x4b: {  	s31 =	simm.s32 $0x30;
	v14 =	vmul.f32 v14, v14;
	v17 =	vmul.f32 v17, v4  }
0x4c: {  	s21 =	scvt.s32.f32 s31;
	v18 =	vmul.f32 v19, v19;
	v12 =	vadd.f32 v12, v11;
	v15 =	vmul.f32 v15, v61;
	v11 =	vpop (erf)  }
0x4d: {  	v14 =	vmul.f32 v14, v63;
	v20 =	vmul.f32 v11, v5;
	v19 =	vadd.f32 $0.0e+00, v17  }
0x4e: {  	s20 =	simm.s32 $0xC0;
	v11 =	vadd.f32 s21, v16;
	(erf) = vpow2.f32 v13;
	v17 =	vmul.f32 $1.442695020e+00, v15;
	v13 =	vpop (erf)  }
0x4f: {  	[tilespmem:s20+$0x0] =	vst v12;
	s21 =	simm.s32 $0x40;
	v15 =	vmul.f32 v18, v2;
	v12 =	vadd.f32 v19, v20;
	v13 =	vmul.f32 v13, v6  }
.LBB2_2:
0x50: {  	p0 =	sne.s32 s21, $0x9F0;
	v18 =	vadd.f32 v11, v58;
	v19 =	vmul.f32 $1.442695020e+00, v14;
	(erf) = vpow2.f32 v17;
	v17 =	vpop (erf)  }
0x51: {  	v10 =	vmul.f32 v10, v8;
	v12 =	vadd.f32 v12, v13;
	v13 =	vmul.f32 v17, v9  }
0x52: {  	v17 =	vadd.f32 v11, v3;
	v15 =	vmul.f32 $1.442695020e+00, v15;
	(erf) = vpow2.f32 v19;
	v14 =	vpop (erf)  }
0x53: {  	v19 =	vadd.f32 v11, v1;
	v12 =	vadd.f32 v12, v13;
	v13 =	vmul.f32 v14, v7  }
0x54: {  	v20 =	vmul.f32 $1.442695020e+00, v10;
	v14 =	vadd.f32 v11, v60;
	(erf) = vpow2.f32 v15  }
0x55: {  	v10 =	vmul.f32 v18, v18;
	v15 =	vmul.f32 v19, v19;
	v12 =	vadd.f32 v12, v13  }
0x56: {  	s20 =	sadd.s32 $0x10, s20;
	v11 =	vadd.f32 v11, v59;
	v13 =	vmul.f32 v17, v17;
	(erf) = vpow2.f32 v20  }
0x57: {  	v14 =	vmul.f32 v14, v14;
	v15 =	vmul.f32 v15, v62;
	v17 =	vpop (erf);
	[tilespmem:s20+$0x0] =	vst v12  }
.Ltmp0:
0x58: {  	v11 =	vmul.f32 v11, v11;
	v12 =	vmul.f32 v17, v4;
	(pc) =	sbr.rel @p0 .LBB2_2-.Ltmp0, $4  }
0x59: {  	s22 =	scvt.s32.f32 s21;
	v15 =	vmul.f32 $1.442695020e+00, v15;
	v17 =	vmul.f32 v14, v61;
	v18 =	vpop (erf)  }
0x5a: {  	v14 =	vmul.f32 v11, v63;
	v12 =	vadd.f32 $0.0e+00, v12;
	v18 =	vmul.f32 v18, v5  }
0x5b: {  	v11 =	vadd.f32 s22, v16;
	v17 =	vmul.f32 $1.442695020e+00, v17;
	(erf) = vpow2.f32 v15;
	v19 =	vpop (erf)  }
0x5c: {  	s21 =	sadd.s32 $0x10, s21;
	v15 =	vmul.f32 v13, v2;
	v12 =	vadd.f32 v12, v18;
	v13 =	vmul.f32 v19, v6  }
0x5d: {  	v14 =	vmul.f32 $1.442695020e+00, v14;
	(erf) = vpow2.f32 v17;
	v1 =	vadd.f32 v11, v1  }
0x5e: {  	v10 =	vmul.f32 v10, v8;
	v60 =	vadd.f32 v11, v60;
	v15 =	vmul.f32 $1.442695020e+00, v15  }
0x5f: {  	(erf) = vpow2.f32 v14;
	v1 =	vmul.f32 v1, v1  }
0x60: {  	v3 =	vadd.f32 v11, v3;
	v10 =	vmul.f32 $1.442695020e+00, v10;
	v14 =	vmul.f32 v60, v60  }
0x61: {  	(erf) = vpow2.f32 v15;
	v15 =	vadd.f32 v11, v59;
	v1 =	vmul.f32 v1, v62  }
0x62: {  	v3 =	vmul.f32 v3, v3;
	v14 =	vmul.f32 v14, v61  }
0x63: {  	v15 =	vmul.f32 v15, v15;
	v1 =	vmul.f32 $1.442695020e+00, v1  }
0x64: {  	v60 =	vadd.f32 v11, v58;
	(erf) = vpow2.f32 v10;
	v14 =	vmul.f32 $1.442695020e+00, v14  }
0x65: {  	v61 =	vmul.f32 v15, v63;
	(erf) = vpow2.f32 v1  }
0x66: {  	v2 =	vmul.f32 v3, v2;
	v1 =	vmul.f32 v60, v60  }
0x67: {  	v3 =	vpop (erf);
	v10 =	vmul.f32 $1.442695020e+00, v61;
	(erf) = vpow2.f32 v14  }
0x68: {  	v2 =	vmul.f32 $1.442695020e+00, v2;
	v11 =	vpop (erf)  }
0x69: {  	v62 =	vpop (erf);
	v1 =	vmul.f32 v1, v8;
	(erf) = vpow2.f32 v10  }
0x6a: {  	v63 =	vpop (erf)  }
0x6b: {  	v58 =	vpop (erf);
	v1 =	vmul.f32 $1.442695020e+00, v1;
	(erf) = vpow2.f32 v2  }
0x6c: {  	v2 =	vpop (erf)  }
0x6d: {  	v15 =	vpop (erf);
	(erf) = vpow2.f32 v1  }
0x6e: {  	v1 =	vmul.f32 v62, v4;
	v59 =	vpop (erf)  }
0x6f: {  	v60 =	vmul.f32 v59, v4  }
0x70: {  	v61 =	vmul.f32 v63, v5;
	v1 =	vadd.f32 $0.0e+00, v1;
	v62 =	vpop (erf)  }
0x71: {  	v12 =	vadd.f32 v12, v13;
	v63 =	vmul.f32 v62, v5;
	v4 =	vadd.f32 $0.0e+00, v60  }
0x72: {  	v3 =	vmul.f32 v3, v9;
	v13 =	vmul.f32 v58, v6;
	v1 =	vadd.f32 v1, v61;
	v14 =	vpop (erf)  }
0x73: {  	v58 =	vmul.f32 v14, v6;
	v4 =	vadd.f32 v4, v63  }
0x74: {  	v3 =	vadd.f32 v12, v3;
	v2 =	vmul.f32 v2, v9;
	v1 =	vadd.f32 v1, v13;
	v59 =	vpop (erf)  }
0x75: {  	v60 =	vmul.f32 v11, v7;
	v61 =	vmul.f32 v59, v9;
	v4 =	vadd.f32 v4, v58  }
0x76: {  	v1 =	vadd.f32 v1, v2;
	v2 =	vmul.f32 v15, v7;
	v62 =	vpop (erf)  }
0x77: {  	v3 =	vadd.f32 v3, v60;
	v63 =	vmul.f32 v62, v7;
	v4 =	vadd.f32 v4, v61  }
0x78: {  	s20 =	sadd.s32 $0x10, s20;
	v1 =	vadd.f32 v1, v2  }
0x79: {  	[tilespmem:s20+$0x0] =	vst v3;
	s20 =	sadd.s32 $0x10, s20;
	v2 =	vadd.f32 v4, v63  }
0x7a: {  	[tilespmem:s20+$0x0] =	vst v1;
	s20 =	sadd.s32 $0x10, s20  }
0x7b: {  	s31 =	simm.s32 $0x2B8;
	s21 =	smov.u32 s4;
	[tilespmem:s20+$0x0] =	vst v2;
	s20 =	simm.s32 $0x7C0  }
0x7c: {  	[hbm4b:s4+s3] =	stream.linear.scatter [tilespmem:s31], [sflag:$0x1], $0x800, $0x38;
	[tilespmem:$0x78C0] =	vst v63  }
.LBB2_4:
0x7d: {  	p0 =	sne.s32 s20, $0x0  }
.Ltmp1:
0x7e: {  	_ = 	snop;
	(pc) =	sbr.rel @p0 .LBB2_4-.Ltmp1, $4  }
0x7f: {  	_ = 	snop  }
0x80: {  	s22 =	sshra.s32 s20, $0x2;
	s20 =	sadd.s32 $0xFFFFFFE0, s20  }
0x81: {  	s21 =	sadd.s32 $0x800, s21;
	s22 =	sadd.s32 $0xC0, s22  }
0x82: {  	[hbm4b:s21+s3] =	stream.linear.scatter [tilespmem:s22], [sflag:$0x1], $0x800, $0x38;
	[tilespmem:$0x78C0] =	vst v63  }
0x83: {  	v1 =	vimm.s32 $0x11  }
0x84: {  	v2 =	vimm.s32 $0x12  }
0x85: {  	v3 =	vimm.s32 $0x13  }
0x86: {  	v4 =	vimm.s32 $0x14  }
0x87: {  	s20 =	simm.s32 $0x0;
	v5 =	vimm.s32 $0x16  }
0x88: {  	v7 =	vimm.s32 $0x17;
	v1 =	vld.idx.msk [tilespmem:v1+s20+$0x0], $0xffff  }
0x89: {  	v2 =	vld.idx.msk [tilespmem:v2+s20+$0x0], $0xffff  }
0x8a: {  	v3 =	vld.idx.msk [tilespmem:v3+s20+$0x0], $0xffff  }
0x8b: {  	v4 =	vld.idx.msk [tilespmem:v4+s20+$0x0], $0xffff  }
0x8c: {  	v5 =	vld.idx.msk [tilespmem:v5+s20+$0x0], $0xffff  }
0x8d: {  	v6 =	vimm.s32 $0x15;
	v7 =	vld.idx.msk [tilespmem:v7+s20+$0x0], $0xffff;
	_ =	sdelay $0x1  }
0x8e: {  	v62 =	vadd.f32 v1, v0;
	v1 =	vimm.s32 $0x18  }
0x8f: {  	v59 =	vadd.f32 v3, v0;
	v3 =	vadd.f32 v4, v0;
	v4 =	vimm.s32 $0x19  }
0x90: {  	s21 =	scvt.s32.f32 s20;
	v60 =	vadd.f32 v2, v0;
	v2 =	vand.u32 $0x7FFFFFFF, v5  }
0x91: {  	v6 =	vld.idx.msk [tilespmem:v6+s20+$0x0], $0xffff;
	v63 =	vsub.f32 $0.0e+00, v2;
	v2 =	vand.u32 $0x7FFFFFFF, v7  }
0x92: {  	v8 =	vadd.f32 s21, v16;
	v61 =	vsub.f32 $0.0e+00, v2;
	v2 =	vimm.s32 $0x1A  }
0x93: {  	v1 =	vld.idx.msk [tilespmem:v1+s20+$0x0], $0xffff  }
0x94: {  	v5 =	vadd.f32 v8, v62;
	v4 =	vld.idx.msk [tilespmem:v4+s20+$0x0], $0xffff;
	_ =	sdelay $0x1  }
0x95: {  	v58 =	vadd.f32 v6, v0;
	v6 =	vadd.f32 v8, v60;
	v5 =	vmul.f32 v5, v5  }
0x96: {  	v9 =	vadd.f32 v8, v3;
	v7 =	vld.idx.msk [tilespmem:v2+s20+$0x0], $0xffff;
	v2 =	vadd.f32 v8, v59  }
0x97: {  	v6 =	vmul.f32 v6, v6;
	v5 =	vmul.f32 v5, v63;
	v1 =	vand.u32 $0x7FFFFFFF, v1  }
0x98: {  	v10 =	vmul.f32 v2, v2;
	v4 =	vand.u32 $0x7FFFFFFF, v4;
	v1 =	vsub.f32 $0.0e+00, v1  }
0x99: {  	v2 =	vsub.f32 $0.0e+00, v4;
	v4 =	vmul.f32 $1.442695020e+00, v5;
	v5 =	vmul.f32 v6, v61  }
0x9a: {  	s28 =	simm.s32 $0x10;
	v9 =	vmul.f32 v9, v9;
	v6 =	vadd.f32 v8, v58  }
0x9b: {  	s21 =	scvt.s32.f32 s28;
	v7 =	vand.u32 $0x7FFFFFFF, v7;
	v10 =	vmul.f32 v10, v1;
	v5 =	vmul.f32 $1.442695020e+00, v5  }
0x9c: {  	(erf) = vpow2.f32 v4;
	v8 =	vsub.f32 $0.0e+00, v7;
	v4 =	vmul.f32 v6, v6  }
0x9d: {  	v6 =	vmul.f32 v9, v2;
	v9 =	vadd.f32 s21, v16;
	v7 =	vmul.f32 $1.442695020e+00, v10  }
0x9e: {  	(erf) = vpow2.f32 v5;
	v5 =	vmul.f32 v4, v8  }
0x9f: {  	v6 =	vmul.f32 $1.442695020e+00, v6;
	v4 =	vimm.s32 $0x1B;
	v10 =	vadd.f32 v9, v62  }
0xa0: {  	v11 =	vadd.f32 v9, v3;
	(erf) = vpow2.f32 v7;
	v7 =	vadd.f32 v9, v58  }
0xa1: {  	v12 =	vmul.f32 $1.442695020e+00, v5;
	v5 =	vimm.s32 $0x1C;
	v10 =	vmul.f32 v10, v10  }
0xa2: {  	v13 =	vadd.f32 v9, v60;
	(erf) = vpow2.f32 v6;
	v6 =	vimm.s32 $0x1D  }
0xa3: {  	v14 =	vmul.f32 v7, v7;
	v7 =	vadd.f32 v9, v59;
	v9 =	vmul.f32 v10, v63  }
0xa4: {  	v4 =	vld.idx.msk [tilespmem:v4+s20+$0x0], $0xffff  }
0xa5: {  	v10 =	vmul.f32 v13, v13;
	v13 =	vmul.f32 $1.442695020e+00, v9;
	v9 =	vimm.s32 $0x1E  }
0xa6: {  	v7 =	vmul.f32 v7, v7;
	v5 =	vld.idx.msk [tilespmem:v5+s20+$0x0], $0xffff  }
0xa7: {  	v11 =	vmul.f32 v11, v11  }
0xa8: {  	(erf) = vpow2.f32 v12;
	v12 =	vpop (erf);
	v6 =	vld.idx.msk [tilespmem:v6+s20+$0x0], $0xffff;
	v17 =	vmul.f32 v7, v1;
	v7 =	vimm.s32 $0x1F  }
0xa9: {  	s29 =	simm.s32 $0x20;
	v12 =	vmul.f32 v12, v4  }
0xaa: {  	s21 =	scvt.s32.f32 s29;
	v11 =	vmul.f32 v11, v2;
	v10 =	vmul.f32 v10, v61;
	v15 =	vpop (erf);
	v9 =	vld.idx.msk [tilespmem:v9+s20+$0x0], $0xffff  }
0xab: {  	v14 =	vmul.f32 v14, v8;
	v15 =	vmul.f32 v15, v5;
	v12 =	vadd.f32 $0.0e+00, v12  }
0xac: {  	v18 =	vadd.f32 s21, v16;
	v10 =	vmul.f32 $1.442695020e+00, v10;
	(erf) = vpow2.f32 v13;
	v13 =	vpop (erf)  }
0xad: {  	v7 =	vld.idx.msk [tilespmem:v7+s20+$0x0], $0xffff;
	v13 =	vmul.f32 v13, v6;
	v12 =	vadd.f32 v12, v15;
	v15 =	vmul.f32 $1.442695020e+00, v17  }
0xae: {  	v11 =	vmul.f32 $1.442695020e+00, v11;
	(erf) = vpow2.f32 v10;
	v17 =	vpop (erf)  }
0xaf: {  	(erf) = vpow2.f32 v15;
	v15 =	vmul.f32 v17, v9;
	v17 =	vadd.f32 v18, v62  }
0xb0: {  	v14 =	vmul.f32 $1.442695020e+00, v14;
	v12 =	vadd.f32 v12, v13  }
0xb1: {  	v13 =	vpop (erf);
	(erf) = vpow2.f32 v11;
	v11 =	vadd.f32 v18, v60;
	v17 =	vmul.f32 v17, v17  }
0xb2: {  	v19 =	vadd.f32 v18, v3;
	v13 =	vmul.f32 v13, v7;
	(erf) = vpow2.f32 v14  }
0xb3: {  	v12 =	vadd.f32 v12, v15;
	v11 =	vmul.f32 v11, v11;
	v14 =	vmul.f32 v17, v63  }
0xb4: {  	v10 =	vadd.f32 v18, v58;
	v18 =	vadd.f32 v18, v59  }
0xb5: {  	v19 =	vmul.f32 v19, v19;
	v15 =	vpop (erf);
	v12 =	vadd.f32 v12, v13;
	v13 =	vmul.f32 $1.442695020e+00, v14  }
0xb6: {  	s30 =	simm.s32 $0x30;
	v17 =	vmul.f32 v18, v18;
	v15 =	vmul.f32 v15, v4  }
0xb7: {  	s31 =	scvt.s32.f32 s30;
	v10 =	vmul.f32 v10, v10;
	v18 =	vmul.f32 v11, v61;
	v11 =	vpop (erf)  }
0xb8: {  	v14 =	vmul.f32 v17, v1;
	v20 =	vadd.f32 $0.0e+00, v15;
	v21 =	vmul.f32 v11, v5  }
0xb9: {  	s20 =	simm.s32 $0xAC0;
	v17 =	vmul.f32 $1.442695020e+00, v18;
	v11 =	vadd.f32 s31, v16;
	(erf) = vpow2.f32 v13;
	v13 =	vpop (erf)  }
0xba: {  	s21 =	simm.s32 $0x40;
	[tilespmem:s20+$0x0] =	vst v12;
	v15 =	vmul.f32 v19, v2;
	v12 =	vadd.f32 v20, v21;
	v13 =	vmul.f32 v13, v6  }
.LBB2_6:
0xbb: {  	p0 =	sne.s32 s21, $0x9F0;
	v18 =	vadd.f32 v11, v58;
	v19 =	vmul.f32 $1.442695020e+00, v14;
	(erf) = vpow2.f32 v17;
	v17 =	vpop (erf)  }
0xbc: {  	v10 =	vmul.f32 v10, v8;
	v12 =	vadd.f32 v12, v13;
	v13 =	vmul.f32 v17, v9  }
0xbd: {  	v17 =	vadd.f32 v11, v3;
	v15 =	vmul.f32 $1.442695020e+00, v15;
	(erf) = vpow2.f32 v19;
	v14 =	vpop (erf)  }
0xbe: {  	v19 =	vadd.f32 v11, v62;
	v12 =	vadd.f32 v12, v13;
	v13 =	vmul.f32 v14, v7  }
0xbf: {  	v20 =	vmul.f32 $1.442695020e+00, v10;
	v14 =	vadd.f32 v11, v60;
	(erf) = vpow2.f32 v15  }
0xc0: {  	v10 =	vmul.f32 v18, v18;
	v15 =	vmul.f32 v19, v19;
	v12 =	vadd.f32 v12, v13  }
0xc1: {  	s20 =	sadd.s32 $0x10, s20;
	v11 =	vadd.f32 v11, v59;
	v13 =	vmul.f32 v17, v17;
	(erf) = vpow2.f32 v20  }
0xc2: {  	v14 =	vmul.f32 v14, v14;
	v15 =	vmul.f32 v15, v63;
	v17 =	vpop (erf);
	[tilespmem:s20+$0x0] =	vst v12  }
.Ltmp2:
0xc3: {  	v11 =	vmul.f32 v11, v11;
	v12 =	vmul.f32 v17, v4;
	(pc) =	sbr.rel @p0 .LBB2_6-.Ltmp2, $4  }
0xc4: {  	s22 =	scvt.s32.f32 s21;
	v15 =	vmul.f32 $1.442695020e+00, v15;
	v17 =	vmul.f32 v14, v61;
	v18 =	vpop (erf)  }
0xc5: {  	v14 =	vmul.f32 v11, v1;
	v12 =	vadd.f32 $0.0e+00, v12;
	v18 =	vmul.f32 v18, v5  }
0xc6: {  	v11 =	vadd.f32 s22, v16;
	v17 =	vmul.f32 $1.442695020e+00, v17;
	(erf) = vpow2.f32 v15;
	v19 =	vpop (erf)  }
0xc7: {  	s21 =	sadd.s32 $0x10, s21;
	v15 =	vmul.f32 v13, v2;
	v12 =	vadd.f32 v12, v18;
	v13 =	vmul.f32 v19, v6  }
0xc8: {  	v14 =	vmul.f32 $1.442695020e+00, v14;
	(erf) = vpow2.f32 v17;
	v17 =	vadd.f32 v11, v62  }
0xc9: {  	v10 =	vmul.f32 v10, v8;
	v3 =	vadd.f32 v11, v3;
	v15 =	vmul.f32 $1.442695020e+00, v15  }
0xca: {  	v62 =	vadd.f32 v11, v60;
	(erf) = vpow2.f32 v14;
	v17 =	vmul.f32 v17, v17  }
0xcb: {  	v10 =	vmul.f32 $1.442695020e+00, v10;
	(erf) = vpow2.f32 v15;
	v15 =	vadd.f32 v11, v59  }
0xcc: {  	v14 =	vmul.f32 v62, v62;
	v17 =	vmul.f32 v17, v63  }
0xcd: {  	v3 =	vmul.f32 v3, v3;
	v15 =	vmul.f32 v15, v15  }
0xce: {  	v14 =	vmul.f32 v14, v61;
	v17 =	vmul.f32 $1.442695020e+00, v17  }
0xcf: {  	(erf) = vpow2.f32 v10;
	v1 =	vmul.f32 v15, v1  }
0xd0: {  	v60 =	vadd.f32 v11, v58;
	v61 =	vmul.f32 $1.442695020e+00, v14;
	(erf) = vpow2.f32 v17  }
0xd1: {  	v2 =	vmul.f32 v3, v2;
	v1 =	vmul.f32 $1.442695020e+00, v1  }
0xd2: {  	v11 =	vmul.f32 v60, v60;
	v3 =	vpop (erf);
	(erf) = vpow2.f32 v61  }
0xd3: {  	v2 =	vmul.f32 $1.442695020e+00, v2;
	v10 =	vpop (erf)  }
0xd4: {  	v62 =	vmul.f32 v11, v8;
	v63 =	vpop (erf);
	(erf) = vpow2.f32 v1  }
0xd5: {  	v1 =	vpop (erf)  }
0xd6: {  	v8 =	vmul.f32 $1.442695020e+00, v62;
	(erf) = vpow2.f32 v2;
	v58 =	vpop (erf)  }
0xd7: {  	v2 =	vpop (erf)  }
0xd8: {  	(erf) = vpow2.f32 v8;
	v15 =	vpop (erf)  }
0xd9: {  	v59 =	vmul.f32 v63, v4;
	v60 =	vpop (erf)  }
0xda: {  	v61 =	vmul.f32 v60, v4  }
0xdb: {  	v8 =	vadd.f32 $0.0e+00, v59;
	v1 =	vmul.f32 v1, v5;
	v62 =	vpop (erf)  }
0xdc: {  	v12 =	vadd.f32 v12, v13;
	v63 =	vmul.f32 v62, v5;
	v4 =	vadd.f32 $0.0e+00, v61  }
0xdd: {  	v3 =	vmul.f32 v3, v9;
	v13 =	vmul.f32 v58, v6;
	v1 =	vadd.f32 v8, v1;
	v14 =	vpop (erf)  }
0xde: {  	v58 =	vmul.f32 v14, v6;
	v4 =	vadd.f32 v4, v63  }
0xdf: {  	v3 =	vadd.f32 v12, v3;
	v2 =	vmul.f32 v2, v9;
	v1 =	vadd.f32 v1, v13;
	v59 =	vpop (erf)  }
0xe0: {  	v60 =	vmul.f32 v10, v7;
	v61 =	vmul.f32 v59, v9;
	v4 =	vadd.f32 v4, v58  }
0xe1: {  	v1 =	vadd.f32 v1, v2;
	v2 =	vmul.f32 v15, v7;
	v62 =	vpop (erf)  }
0xe2: {  	v3 =	vadd.f32 v3, v60;
	v63 =	vmul.f32 v62, v7;
	v4 =	vadd.f32 v4, v61  }
0xe3: {  	s20 =	sadd.s32 $0x10, s20;
	v1 =	vadd.f32 v1, v2  }
0xe4: {  	[tilespmem:s20+$0x0] =	vst v3;
	s20 =	sadd.s32 $0x10, s20;
	v2 =	vadd.f32 v4, v63  }
0xe5: {  	[tilespmem:s20+$0x0] =	vst v1;
	s20 =	sadd.s32 $0x10, s20  }
0xe6: {  	[tilespmem:s20+$0x0] =	vst v2  }
0xe7: {  	_ =	swait.ge [sflag:s18], $0x4000  }
0xe8: {  	s31 =	simm.s32 $0xCB8;
	[sflag:s18] =	ssyncset.done $0x0  }
0xe9: {  	s21 =	smov.u32 s6;
	s20 =	simm.s32 $0xFFFFFFE0;
	[sflag:s18] =	ssyncadd.s32 $0xFFFFC000  }
0xea: {  	[hbm4b:s6+s3] =	stream.linear.scatter [tilespmem:s31], [sflag:$0x1], $0x800, $0x38;
	[tilespmem:$0x78C0] =	vst v63  }
.LBB2_8:
0xeb: {  	p0 =	sne.s32 s20, $0xFFFFF820  }
.Ltmp3:
0xec: {  	_ = 	snop;
	(pc) =	sbr.rel @p0 .LBB2_8-.Ltmp3, $4  }
0xed: {  	_ = 	snop  }
0xee: {  	s22 =	sshra.s32 s20, $0x2;
	s20 =	sadd.s32 $0xFFFFFFE0, s20  }
0xef: {  	s21 =	sadd.s32 $0x800, s21;
	s22 =	sadd.s32 $0xCB8, s22  }
0xf0: {  	[hbm4b:s21+s3] =	stream.linear.scatter [tilespmem:s22], [sflag:$0x1], $0x800, $0x38;
	[tilespmem:$0x78C0] =	vst v63  }
0xf1: {  	v2 =	vimm.s32 $0x22  }
0xf2: {  	v3 =	vimm.s32 $0x23  }
0xf3: {  	v4 =	vimm.s32 $0x24  }
0xf4: {  	v5 =	vimm.s32 $0x26  }
0xf5: {  	s20 =	simm.s32 $0x0;
	v7 =	vimm.s32 $0x27  }
0xf6: {  	v1 =	vimm.s32 $0x21;
	v2 =	vld.idx.msk [tilespmem:v2+s20+$0x0], $0xffff  }
0xf7: {  	v6 =	vimm.s32 $0x25;
	v3 =	vld.idx.msk [tilespmem:v3+s20+$0x0], $0xffff  }
0xf8: {  	v4 =	vld.idx.msk [tilespmem:v4+s20+$0x0], $0xffff  }
0xf9: {  	v8 =	vimm.s32 $0x28;
	v5 =	vld.idx.msk [tilespmem:v5+s20+$0x0], $0xffff  }
0xfa: {  	v7 =	vld.idx.msk [tilespmem:v7+s20+$0x0], $0xffff  }
0xfb: {  	v1 =	vld.idx.msk [tilespmem:v1+s20+$0x0], $0xffff  }
0xfc: {  	v6 =	vld.idx.msk [tilespmem:v6+s20+$0x0], $0xffff  }
0xfd: {  	v59 =	vadd.f32 v3, v0;
	v3 =	vadd.f32 v4, v0;
	v4 =	vimm.s32 $0x29  }
0xfe: {  	s21 =	scvt.s32.f32 s20;
	v8 =	vld.idx.msk [tilespmem:v8+s20+$0x0], $0xffff;
	v60 =	vadd.f32 v2, v0;
	v2 =	vand.u32 $0x7FFFFFFF, v5  }
0xff: {  	v62 =	vsub.f32 $0.0e+00, v2;
	v2 =	vand.u32 $0x7FFFFFFF, v7;
	v7 =	vimm.s32 $0x2A  }
0x100: {  	v9 =	vadd.f32 s21, v16;
	v1 =	vadd.f32 v1, v0  }
0x101: {  	v58 =	vadd.f32 v6, v0  }
0x102: {  	v5 =	vadd.f32 v9, v1;
	v6 =	vadd.f32 v9, v60;
	v4 =	vld.idx.msk [tilespmem:v4+s20+$0x0], $0xffff  }
0x103: {  	v61 =	vsub.f32 $0.0e+00, v2;
	v2 =	vand.u32 $0x7FFFFFFF, v8;
	v8 =	vadd.f32 v9, v59  }
0x104: {  	v5 =	vmul.f32 v5, v5;
	v6 =	vmul.f32 v6, v6;
	v7 =	vld.idx.msk [tilespmem:v7+s20+$0x0], $0xffff  }
0x105: {  	v63 =	vsub.f32 $0.0e+00, v2;
	v8 =	vmul.f32 v8, v8  }
0x106: {  	v5 =	vmul.f32 v5, v62;
	v6 =	vmul.f32 v6, v61  }
0x107: {  	v10 =	vmul.f32 v8, v63;
	v2 =	vand.u32 $0x7FFFFFFF, v4;
	v4 =	vadd.f32 v9, v3  }
0x108: {  	v5 =	vmul.f32 $1.442695020e+00, v5;
	v6 =	vmul.f32 $1.442695020e+00, v6;
	v9 =	vadd.f32 v9, v58  }
0x109: {  	v2 =	vsub.f32 $0.0e+00, v2;
	v7 =	vand.u32 $0x7FFFFFFF, v7;
	v4 =	vmul.f32 v4, v4  }
0x10a: {  	s28 =	simm.s32 $0x10;
	(erf) = vpow2.f32 v5;
	v8 =	vsub.f32 $0.0e+00, v7;
	v5 =	vmul.f32 v9, v9  }
0x10b: {  	s21 =	scvt.s32.f32 s28;
	(erf) = vpow2.f32 v6;
	v4 =	vmul.f32 v4, v2  }
0x10c: {  	v7 =	vmul.f32 $1.442695020e+00, v10;
	v5 =	vmul.f32 v5, v8  }
0x10d: {  	v6 =	vadd.f32 s21, v16;
	v9 =	vmul.f32 $1.442695020e+00, v4;
	v4 =	vimm.s32 $0x2B  }
0x10e: {  	(erf) = vpow2.f32 v7;
	v12 =	vmul.f32 $1.442695020e+00, v5  }
0x10f: {  	v5 =	vimm.s32 $0x2C;
	(erf) = vpow2.f32 v9;
	v9 =	vadd.f32 v6, v60  }
0x110: {  	v7 =	vadd.f32 v6, v58  }
0x111: {  	v10 =	vadd.f32 v6, v1;
	v11 =	vadd.f32 v6, v3;
	v9 =	vmul.f32 v9, v9  }
0x112: {  	v13 =	vmul.f32 v7, v7;
	v7 =	vadd.f32 v6, v59;
	v6 =	vimm.s32 $0x2D;
	v4 =	vld.idx.msk [tilespmem:v4+s20+$0x0], $0xffff  }
0x113: {  	v10 =	vmul.f32 v10, v10;
	v14 =	vmul.f32 v9, v61;
	v9 =	vimm.s32 $0x2E  }
0x114: {  	v7 =	vmul.f32 v7, v7;
	v5 =	vld.idx.msk [tilespmem:v5+s20+$0x0], $0xffff  }
0x115: {  	v11 =	vmul.f32 v11, v11;
	v10 =	vmul.f32 v10, v62  }
0x116: {  	(erf) = vpow2.f32 v12;
	v12 =	vpop (erf);
	v17 =	vmul.f32 v7, v63;
	v7 =	vimm.s32 $0x2F  }
0x117: {  	s29 =	simm.s32 $0x20;
	v10 =	vmul.f32 $1.442695020e+00, v10;
	v6 =	vld.idx.msk [tilespmem:v6+s20+$0x0], $0xffff;
	v12 =	vmul.f32 v12, v4  }
0x118: {  	s21 =	scvt.s32.f32 s29;
	v15 =	vpop (erf);
	v9 =	vld.idx.msk [tilespmem:v9+s20+$0x0], $0xffff  }
0x119: {  	v11 =	vmul.f32 v11, v2;
	v15 =	vmul.f32 v15, v5;
	v12 =	vadd.f32 $0.0e+00, v12  }
0x11a: {  	v18 =	vadd.f32 s21, v16;
	(erf) = vpow2.f32 v10;
	v14 =	vmul.f32 $1.442695020e+00, v14  }
0x11b: {  	v13 =	vmul.f32 v13, v8;
	v10 =	vpop (erf);
	v7 =	vld.idx.msk [tilespmem:v7+s20+$0x0], $0xffff;
	v12 =	vadd.f32 v12, v15;
	v15 =	vmul.f32 $1.442695020e+00, v17  }
0x11c: {  	(erf) = vpow2.f32 v14;
	v10 =	vmul.f32 v10, v6;
	v17 =	vpop (erf)  }
0x11d: {  	(erf) = vpow2.f32 v15;
	v15 =	vmul.f32 v17, v9;
	v17 =	vadd.f32 v18, v1  }
0x11e: {  	v12 =	vadd.f32 v12, v10;
	v10 =	vmul.f32 $1.442695020e+00, v11  }
0x11f: {  	v13 =	vmul.f32 $1.442695020e+00, v13;
	v11 =	vpop (erf);
	v17 =	vmul.f32 v17, v17  }
0x120: {  	v14 =	vadd.f32 v18, v58;
	v11 =	vmul.f32 v11, v7;
	(erf) = vpow2.f32 v10  }
0x121: {  	v20 =	vadd.f32 v18, v60;
	(erf) = vpow2.f32 v13;
	v13 =	vmul.f32 v17, v62  }
0x122: {  	v19 =	vadd.f32 v18, v3;
	v10 =	vmul.f32 v14, v14;
	v14 =	vadd.f32 v18, v59  }
0x123: {  	v12 =	vadd.f32 v12, v15;
	v15 =	vmul.f32 v20, v20;
	v17 =	vpop (erf);
	v13 =	vmul.f32 $1.442695020e+00, v13  }
0x124: {  	s30 =	simm.s32 $0x30;
	v14 =	vmul.f32 v14, v14;
	v17 =	vmul.f32 v17, v4  }
0x125: {  	s31 =	scvt.s32.f32 s30;
	v18 =	vmul.f32 v19, v19;
	v12 =	vadd.f32 v12, v11;
	v15 =	vmul.f32 v15, v61;
	v11 =	vpop (erf)  }
0x126: {  	v14 =	vmul.f32 v14, v63;
	v20 =	vmul.f32 v11, v5;
	v19 =	vadd.f32 $0.0e+00, v17  }
0x127: {  	s20 =	simm.s32 $0x14C0;
	v11 =	vadd.f32 s31, v16;
	(erf) = vpow2.f32 v13;
	v17 =	vmul.f32 $1.442695020e+00, v15;
	v13 =	vpop (erf)  }
0x128: {  	s21 =	simm.s32 $0x40;
	[tilespmem:s20+$0x0] =	vst v12;
	v15 =	vmul.f32 v18, v2;
	v12 =	vadd.f32 v19, v20;
	v13 =	vmul.f32 v13, v6  }
.LBB2_10:
0x129: {  	p0 =	sne.s32 s21, $0x9F0;
	v18 =	vadd.f32 v11, v58;
	v19 =	vmul.f32 $1.442695020e+00, v14;
	(erf) = vpow2.f32 v17;
	v17 =	vpop (erf)  }
0x12a: {  	v10 =	vmul.f32 v10, v8;
	v12 =	vadd.f32 v12, v13;
	v13 =	vmul.f32 v17, v9  }
0x12b: {  	v17 =	vadd.f32 v11, v3;
	v15 =	vmul.f32 $1.442695020e+00, v15;
	(erf) = vpow2.f32 v19;
	v14 =	vpop (erf)  }
0x12c: {  	v19 =	vadd.f32 v11, v1;
	v12 =	vadd.f32 v12, v13;
	v13 =	vmul.f32 v14, v7  }
0x12d: {  	v20 =	vmul.f32 $1.442695020e+00, v10;
	v14 =	vadd.f32 v11, v60;
	(erf) = vpow2.f32 v15  }
0x12e: {  	v10 =	vmul.f32 v18, v18;
	v15 =	vmul.f32 v19, v19;
	v12 =	vadd.f32 v12, v13  }
0x12f: {  	s20 =	sadd.s32 $0x10, s20;
	v11 =	vadd.f32 v11, v59;
	v13 =	vmul.f32 v17, v17;
	(erf) = vpow2.f32 v20  }
0x130: {  	v14 =	vmul.f32 v14, v14;
	v15 =	vmul.f32 v15, v62;
	v17 =	vpop (erf);
	[tilespmem:s20+$0x0] =	vst v12  }
.Ltmp4:
0x131: {  	v11 =	vmul.f32 v11, v11;
	v12 =	vmul.f32 v17, v4;
	(pc) =	sbr.rel @p0 .LBB2_10-.Ltmp4, $4  }
0x132: {  	s22 =	scvt.s32.f32 s21;
	v15 =	vmul.f32 $1.442695020e+00, v15;
	v17 =	vmul.f32 v14, v61;
	v18 =	vpop (erf)  }
0x133: {  	v14 =	vmul.f32 v11, v63;
	v12 =	vadd.f32 $0.0e+00, v12;
	v18 =	vmul.f32 v18, v5  }
0x134: {  	v11 =	vadd.f32 s22, v16;
	v17 =	vmul.f32 $1.442695020e+00, v17;
	(erf) = vpow2.f32 v15;
	v19 =	vpop (erf)  }
0x135: {  	s21 =	sadd.s32 $0x10, s21;
	v15 =	vmul.f32 v13, v2;
	v12 =	vadd.f32 v12, v18;
	v13 =	vmul.f32 v19, v6  }
0x136: {  	v14 =	vmul.f32 $1.442695020e+00, v14;
	(erf) = vpow2.f32 v17;
	v1 =	vadd.f32 v11, v1  }
0x137: {  	v10 =	vmul.f32 v10, v8;
	v60 =	vadd.f32 v11, v60;
	v15 =	vmul.f32 $1.442695020e+00, v15  }
0x138: {  	(erf) = vpow2.f32 v14;
	v1 =	vmul.f32 v1, v1  }
0x139: {  	v3 =	vadd.f32 v11, v3;
	v10 =	vmul.f32 $1.442695020e+00, v10;
	v14 =	vmul.f32 v60, v60  }
0x13a: {  	(erf) = vpow2.f32 v15;
	v15 =	vadd.f32 v11, v59;
	v1 =	vmul.f32 v1, v62  }
0x13b: {  	v3 =	vmul.f32 v3, v3;
	v14 =	vmul.f32 v14, v61  }
0x13c: {  	v15 =	vmul.f32 v15, v15;
	v1 =	vmul.f32 $1.442695020e+00, v1  }
0x13d: {  	v60 =	vadd.f32 v11, v58;
	(erf) = vpow2.f32 v10;
	v14 =	vmul.f32 $1.442695020e+00, v14  }
0x13e: {  	v61 =	vmul.f32 v15, v63;
	(erf) = vpow2.f32 v1  }
0x13f: {  	v2 =	vmul.f32 v3, v2;
	v1 =	vmul.f32 v60, v60  }
0x140: {  	v3 =	vpop (erf);
	v10 =	vmul.f32 $1.442695020e+00, v61;
	(erf) = vpow2.f32 v14  }
0x141: {  	v2 =	vmul.f32 $1.442695020e+00, v2;
	v11 =	vpop (erf)  }
0x142: {  	v62 =	vpop (erf);
	v1 =	vmul.f32 v1, v8;
	(erf) = vpow2.f32 v10  }
0x143: {  	v63 =	vpop (erf)  }
0x144: {  	v58 =	vpop (erf);
	v1 =	vmul.f32 $1.442695020e+00, v1;
	(erf) = vpow2.f32 v2  }
0x145: {  	v2 =	vpop (erf)  }
0x146: {  	v15 =	vpop (erf);
	(erf) = vpow2.f32 v1  }
0x147: {  	v1 =	vmul.f32 v62, v4;
	v59 =	vpop (erf)  }
0x148: {  	v60 =	vmul.f32 v59, v4  }
0x149: {  	v61 =	vmul.f32 v63, v5;
	v1 =	vadd.f32 $0.0e+00, v1;
	v62 =	vpop (erf)  }
0x14a: {  	v12 =	vadd.f32 v12, v13;
	v63 =	vmul.f32 v62, v5;
	v4 =	vadd.f32 $0.0e+00, v60  }
0x14b: {  	v3 =	vmul.f32 v3, v9;
	v13 =	vmul.f32 v58, v6;
	v1 =	vadd.f32 v1, v61;
	v14 =	vpop (erf)  }
0x14c: {  	v58 =	vmul.f32 v14, v6;
	v4 =	vadd.f32 v4, v63  }
0x14d: {  	v3 =	vadd.f32 v12, v3;
	v2 =	vmul.f32 v2, v9;
	v1 =	vadd.f32 v1, v13;
	v59 =	vpop (erf)  }
0x14e: {  	v60 =	vmul.f32 v11, v7;
	v61 =	vmul.f32 v59, v9;
	v4 =	vadd.f32 v4, v58  }
0x14f: {  	v1 =	vadd.f32 v1, v2;
	v2 =	vmul.f32 v15, v7;
	v62 =	vpop (erf)  }
0x150: {  	v3 =	vadd.f32 v3, v60;
	v63 =	vmul.f32 v62, v7;
	v4 =	vadd.f32 v4, v61  }
0x151: {  	s20 =	sadd.s32 $0x10, s20;
	v1 =	vadd.f32 v1, v2  }
0x152: {  	[tilespmem:s20+$0x0] =	vst v3;
	s20 =	sadd.s32 $0x10, s20;
	v2 =	vadd.f32 v4, v63  }
0x153: {  	[tilespmem:s20+$0x0] =	vst v1;
	s20 =	sadd.s32 $0x10, s20  }
0x154: {  	[tilespmem:s20+$0x0] =	vst v2  }
0x155: {  	_ =	swait.ge [sflag:s18], $0x4000  }
0x156: {  	s31 =	simm.s32 $0x16B8;
	[sflag:s18] =	ssyncset.done $0x0  }
0x157: {  	s21 =	smov.u32 s7;
	s20 =	simm.s32 $0xFFFFFFE0;
	[sflag:s18] =	ssyncadd.s32 $0xFFFFC000  }
0x158: {  	[hbm4b:s7+s3] =	stream.linear.scatter [tilespmem:s31], [sflag:$0x1], $0x800, $0x38;
	[tilespmem:$0x78C0] =	vst v63  }
.LBB2_12:
0x159: {  	p0 =	sne.s32 s20, $0xFFFFF820  }
.Ltmp5:
0x15a: {  	_ = 	snop;
	(pc) =	sbr.rel @p0 .LBB2_12-.Ltmp5, $4  }
0x15b: {  	_ = 	snop  }
0x15c: {  	s22 =	sshra.s32 s20, $0x2;
	s20 =	sadd.s32 $0xFFFFFFE0, s20  }
0x15d: {  	s21 =	sadd.s32 $0x800, s21;
	s22 =	sadd.s32 $0x16B8, s22  }
0x15e: {  	[hbm4b:s21+s3] =	stream.linear.scatter [tilespmem:s22], [sflag:$0x1], $0x800, $0x38;
	[tilespmem:$0x78C0] =	vst v63  }
0x15f: {  	v2 =	vimm.s32 $0x32  }
0x160: {  	v3 =	vimm.s32 $0x33  }
0x161: {  	v4 =	vimm.s32 $0x34  }
0x162: {  	v5 =	vimm.s32 $0x36  }
0x163: {  	s20 =	simm.s32 $0x0;
	v7 =	vimm.s32 $0x37  }
0x164: {  	v1 =	vimm.s32 $0x31;
	v2 =	vld.idx.msk [tilespmem:v2+s20+$0x0], $0xffff  }
0x165: {  	v6 =	vimm.s32 $0x35;
	v3 =	vld.idx.msk [tilespmem:v3+s20+$0x0], $0xffff  }
0x166: {  	v4 =	vld.idx.msk [tilespmem:v4+s20+$0x0], $0xffff  }
0x167: {  	v8 =	vimm.s32 $0x38;
	v5 =	vld.idx.msk [tilespmem:v5+s20+$0x0], $0xffff  }
0x168: {  	v7 =	vld.idx.msk [tilespmem:v7+s20+$0x0], $0xffff  }
0x169: {  	v1 =	vld.idx.msk [tilespmem:v1+s20+$0x0], $0xffff  }
0x16a: {  	v6 =	vld.idx.msk [tilespmem:v6+s20+$0x0], $0xffff  }
0x16b: {  	v59 =	vadd.f32 v3, v0;
	v3 =	vadd.f32 v4, v0;
	v4 =	vimm.s32 $0x39  }
0x16c: {  	s21 =	scvt.s32.f32 s20;
	v8 =	vld.idx.msk [tilespmem:v8+s20+$0x0], $0xffff;
	v60 =	vadd.f32 v2, v0;
	v2 =	vand.u32 $0x7FFFFFFF, v5  }
0x16d: {  	v62 =	vsub.f32 $0.0e+00, v2;
	v2 =	vand.u32 $0x7FFFFFFF, v7;
	v7 =	vimm.s32 $0x3A  }
0x16e: {  	v9 =	vadd.f32 s21, v16;
	v1 =	vadd.f32 v1, v0  }
0x16f: {  	v58 =	vadd.f32 v6, v0  }
0x170: {  	v5 =	vadd.f32 v9, v1;
	v6 =	vadd.f32 v9, v60;
	v4 =	vld.idx.msk [tilespmem:v4+s20+$0x0], $0xffff  }
0x171: {  	v61 =	vsub.f32 $0.0e+00, v2;
	v2 =	vand.u32 $0x7FFFFFFF, v8;
	v8 =	vadd.f32 v9, v59  }
0x172: {  	v5 =	vmul.f32 v5, v5;
	v6 =	vmul.f32 v6, v6;
	v7 =	vld.idx.msk [tilespmem:v7+s20+$0x0], $0xffff  }
0x173: {  	v63 =	vsub.f32 $0.0e+00, v2;
	v8 =	vmul.f32 v8, v8  }
0x174: {  	v5 =	vmul.f32 v5, v62;
	v6 =	vmul.f32 v6, v61  }
0x175: {  	v10 =	vmul.f32 v8, v63;
	v2 =	vand.u32 $0x7FFFFFFF, v4;
	v4 =	vadd.f32 v9, v3  }
0x176: {  	v5 =	vmul.f32 $1.442695020e+00, v5;
	v6 =	vmul.f32 $1.442695020e+00, v6;
	v9 =	vadd.f32 v9, v58  }
0x177: {  	v2 =	vsub.f32 $0.0e+00, v2;
	v7 =	vand.u32 $0x7FFFFFFF, v7;
	v4 =	vmul.f32 v4, v4  }
0x178: {  	s28 =	simm.s32 $0x10;
	(erf) = vpow2.f32 v5;
	v8 =	vsub.f32 $0.0e+00, v7;
	v5 =	vmul.f32 v9, v9  }
0x179: {  	s21 =	scvt.s32.f32 s28;
	(erf) = vpow2.f32 v6;
	v4 =	vmul.f32 v4, v2  }
0x17a: {  	v7 =	vmul.f32 $1.442695020e+00, v10;
	v5 =	vmul.f32 v5, v8  }
0x17b: {  	v6 =	vadd.f32 s21, v16;
	v9 =	vmul.f32 $1.442695020e+00, v4;
	v4 =	vimm.s32 $0x3B  }
0x17c: {  	(erf) = vpow2.f32 v7;
	v12 =	vmul.f32 $1.442695020e+00, v5  }
0x17d: {  	v5 =	vimm.s32 $0x3C;
	(erf) = vpow2.f32 v9;
	v9 =	vadd.f32 v6, v60  }
0x17e: {  	v7 =	vadd.f32 v6, v58  }
0x17f: {  	v10 =	vadd.f32 v6, v1;
	v11 =	vadd.f32 v6, v3;
	v9 =	vmul.f32 v9, v9  }
0x180: {  	v13 =	vmul.f32 v7, v7;
	v7 =	vadd.f32 v6, v59;
	v6 =	vimm.s32 $0x3D;
	v4 =	vld.idx.msk [tilespmem:v4+s20+$0x0], $0xffff  }
0x181: {  	v10 =	vmul.f32 v10, v10;
	v14 =	vmul.f32 v9, v61;
	v9 =	vimm.s32 $0x3E  }
0x182: {  	v7 =	vmul.f32 v7, v7;
	v5 =	vld.idx.msk [tilespmem:v5+s20+$0x0], $0xffff  }
0x183: {  	v11 =	vmul.f32 v11, v11;
	v10 =	vmul.f32 v10, v62  }
0x184: {  	(erf) = vpow2.f32 v12;
	v12 =	vpop (erf);
	v17 =	vmul.f32 v7, v63;
	v7 =	vimm.s32 $0x3F  }
0x185: {  	s29 =	simm.s32 $0x20;
	v10 =	vmul.f32 $1.442695020e+00, v10;
	v6 =	vld.idx.msk [tilespmem:v6+s20+$0x0], $0xffff;
	v12 =	vmul.f32 v12, v4  }
0x186: {  	s21 =	scvt.s32.f32 s29;
	v15 =	vpop (erf);
	v9 =	vld.idx.msk [tilespmem:v9+s20+$0x0], $0xffff  }
0x187: {  	v11 =	vmul.f32 v11, v2;
	v15 =	vmul.f32 v15, v5;
	v12 =	vadd.f32 $0.0e+00, v12  }
0x188: {  	v18 =	vadd.f32 s21, v16;
	(erf) = vpow2.f32 v10;
	v14 =	vmul.f32 $1.442695020e+00, v14  }
0x189: {  	v13 =	vmul.f32 v13, v8;
	v10 =	vpop (erf);
	v7 =	vld.idx.msk [tilespmem:v7+s20+$0x0], $0xffff;
	v12 =	vadd.f32 v12, v15;
	v15 =	vmul.f32 $1.442695020e+00, v17  }
0x18a: {  	(erf) = vpow2.f32 v14;
	v10 =	vmul.f32 v10, v6;
	v17 =	vpop (erf)  }
0x18b: {  	(erf) = vpow2.f32 v15;
	v15 =	vmul.f32 v17, v9;
	v17 =	vadd.f32 v18, v1  }
0x18c: {  	v12 =	vadd.f32 v12, v10;
	v10 =	vmul.f32 $1.442695020e+00, v11  }
0x18d: {  	v13 =	vmul.f32 $1.442695020e+00, v13;
	v11 =	vpop (erf);
	v17 =	vmul.f32 v17, v17  }
0x18e: {  	v14 =	vadd.f32 v18, v58;
	v11 =	vmul.f32 v11, v7;
	(erf) = vpow2.f32 v10  }
0x18f: {  	v20 =	vadd.f32 v18, v60;
	(erf) = vpow2.f32 v13;
	v13 =	vmul.f32 v17, v62  }
0x190: {  	v19 =	vadd.f32 v18, v3;
	v10 =	vmul.f32 v14, v14;
	v14 =	vadd.f32 v18, v59  }
0x191: {  	v12 =	vadd.f32 v12, v15;
	v15 =	vmul.f32 v20, v20;
	v17 =	vpop (erf);
	v13 =	vmul.f32 $1.442695020e+00, v13  }
0x192: {  	s30 =	simm.s32 $0x30;
	v14 =	vmul.f32 v14, v14;
	v17 =	vmul.f32 v17, v4  }
0x193: {  	s31 =	scvt.s32.f32 s30;
	v18 =	vmul.f32 v19, v19;
	v12 =	vadd.f32 v12, v11;
	v15 =	vmul.f32 v15, v61;
	v11 =	vpop (erf)  }
0x194: {  	v14 =	vmul.f32 v14, v63;
	v20 =	vmul.f32 v11, v5;
	v19 =	vadd.f32 $0.0e+00, v17  }
0x195: {  	s20 =	simm.s32 $0x1EC0;
	v11 =	vadd.f32 s31, v16;
	(erf) = vpow2.f32 v13;
	v17 =	vmul.f32 $1.442695020e+00, v15;
	v13 =	vpop (erf)  }
0x196: {  	s21 =	simm.s32 $0x40;
	[tilespmem:s20+$0x0] =	vst v12;
	v15 =	vmul.f32 v18, v2;
	v12 =	vadd.f32 v19, v20;
	v13 =	vmul.f32 v13, v6  }
.LBB2_14:
0x197: {  	p0 =	sne.s32 s21, $0x9F0;
	v18 =	vadd.f32 v11, v58;
	v19 =	vmul.f32 $1.442695020e+00, v14;
	(erf) = vpow2.f32 v17;
	v17 =	vpop (erf)  }
0x198: {  	v10 =	vmul.f32 v10, v8;
	v12 =	vadd.f32 v12, v13;
	v13 =	vmul.f32 v17, v9  }
0x199: {  	v17 =	vadd.f32 v11, v3;
	v15 =	vmul.f32 $1.442695020e+00, v15;
	(erf) = vpow2.f32 v19;
	v14 =	vpop (erf)  }
0x19a: {  	v19 =	vadd.f32 v11, v1;
	v12 =	vadd.f32 v12, v13;
	v13 =	vmul.f32 v14, v7  }
0x19b: {  	v20 =	vmul.f32 $1.442695020e+00, v10;
	v14 =	vadd.f32 v11, v60;
	(erf) = vpow2.f32 v15  }
0x19c: {  	v10 =	vmul.f32 v18, v18;
	v15 =	vmul.f32 v19, v19;
	v12 =	vadd.f32 v12, v13  }
0x19d: {  	s20 =	sadd.s32 $0x10, s20;
	v11 =	vadd.f32 v11, v59;
	v13 =	vmul.f32 v17, v17;
	(erf) = vpow2.f32 v20  }
0x19e: {  	v14 =	vmul.f32 v14, v14;
	v15 =	vmul.f32 v15, v62;
	v17 =	vpop (erf);
	[tilespmem:s20+$0x0] =	vst v12  }
.Ltmp6:
0x19f: {  	v11 =	vmul.f32 v11, v11;
	v12 =	vmul.f32 v17, v4;
	(pc) =	sbr.rel @p0 .LBB2_14-.Ltmp6, $4  }
0x1a0: {  	s22 =	scvt.s32.f32 s21;
	v15 =	vmul.f32 $1.442695020e+00, v15;
	v17 =	vmul.f32 v14, v61;
	v18 =	vpop (erf)  }
0x1a1: {  	v14 =	vmul.f32 v11, v63;
	v12 =	vadd.f32 $0.0e+00, v12;
	v18 =	vmul.f32 v18, v5  }
0x1a2: {  	v11 =	vadd.f32 s22, v16;
	v17 =	vmul.f32 $1.442695020e+00, v17;
	(erf) = vpow2.f32 v15;
	v19 =	vpop (erf)  }
0x1a3: {  	s21 =	sadd.s32 $0x10, s21;
	v15 =	vmul.f32 v13, v2;
	v12 =	vadd.f32 v12, v18;
	v13 =	vmul.f32 v19, v6  }
0x1a4: {  	v14 =	vmul.f32 $1.442695020e+00, v14;
	(erf) = vpow2.f32 v17;
	v1 =	vadd.f32 v11, v1  }
0x1a5: {  	v10 =	vmul.f32 v10, v8;
	v60 =	vadd.f32 v11, v60;
	v15 =	vmul.f32 $1.442695020e+00, v15  }
0x1a6: {  	(erf) = vpow2.f32 v14;
	v1 =	vmul.f32 v1, v1  }
0x1a7: {  	v3 =	vadd.f32 v11, v3;
	v10 =	vmul.f32 $1.442695020e+00, v10;
	v14 =	vmul.f32 v60, v60  }
0x1a8: {  	(erf) = vpow2.f32 v15;
	v15 =	vadd.f32 v11, v59;
	v1 =	vmul.f32 v1, v62  }
0x1a9: {  	v3 =	vmul.f32 v3, v3;
	v14 =	vmul.f32 v14, v61  }
0x1aa: {  	v15 =	vmul.f32 v15, v15;
	v1 =	vmul.f32 $1.442695020e+00, v1  }
0x1ab: {  	v60 =	vadd.f32 v11, v58;
	(erf) = vpow2.f32 v10;
	v14 =	vmul.f32 $1.442695020e+00, v14  }
0x1ac: {  	v61 =	vmul.f32 v15, v63;
	(erf) = vpow2.f32 v1  }
0x1ad: {  	v2 =	vmul.f32 v3, v2;
	v1 =	vmul.f32 v60, v60  }
0x1ae: {  	v3 =	vpop (erf);
	v10 =	vmul.f32 $1.442695020e+00, v61;
	(erf) = vpow2.f32 v14  }
0x1af: {  	v2 =	vmul.f32 $1.442695020e+00, v2;
	v11 =	vpop (erf)  }
0x1b0: {  	v62 =	vpop (erf);
	v1 =	vmul.f32 v1, v8;
	(erf) = vpow2.f32 v10  }
0x1b1: {  	v63 =	vpop (erf)  }
0x1b2: {  	v58 =	vpop (erf);
	v1 =	vmul.f32 $1.442695020e+00, v1;
	(erf) = vpow2.f32 v2  }
0x1b3: {  	v2 =	vpop (erf)  }
0x1b4: {  	v15 =	vpop (erf);
	(erf) = vpow2.f32 v1  }
0x1b5: {  	v1 =	vmul.f32 v62, v4;
	v59 =	vpop (erf)  }
0x1b6: {  	v60 =	vmul.f32 v59, v4  }
0x1b7: {  	v61 =	vmul.f32 v63, v5;
	v1 =	vadd.f32 $0.0e+00, v1;
	v62 =	vpop (erf)  }
0x1b8: {  	v12 =	vadd.f32 v12, v13;
	v63 =	vmul.f32 v62, v5;
	v4 =	vadd.f32 $0.0e+00, v60  }
0x1b9: {  	v3 =	vmul.f32 v3, v9;
	v13 =	vmul.f32 v58, v6;
	v1 =	vadd.f32 v1, v61;
	v14 =	vpop (erf)  }
0x1ba: {  	v58 =	vmul.f32 v14, v6;
	v4 =	vadd.f32 v4, v63  }
0x1bb: {  	v3 =	vadd.f32 v12, v3;
	v2 =	vmul.f32 v2, v9;
	v1 =	vadd.f32 v1, v13;
	v59 =	vpop (erf)  }
0x1bc: {  	v60 =	vmul.f32 v11, v7;
	v61 =	vmul.f32 v59, v9;
	v4 =	vadd.f32 v4, v58  }
0x1bd: {  	v1 =	vadd.f32 v1, v2;
	v2 =	vmul.f32 v15, v7;
	v62 =	vpop (erf)  }
0x1be: {  	v3 =	vadd.f32 v3, v60;
	v63 =	vmul.f32 v62, v7;
	v4 =	vadd.f32 v4, v61  }
0x1bf: {  	s20 =	sadd.s32 $0x10, s20;
	v1 =	vadd.f32 v1, v2  }
0x1c0: {  	[tilespmem:s20+$0x0] =	vst v3;
	s20 =	sadd.s32 $0x10, s20;
	v2 =	vadd.f32 v4, v63  }
0x1c1: {  	[tilespmem:s20+$0x0] =	vst v1;
	s20 =	sadd.s32 $0x10, s20  }
0x1c2: {  	[tilespmem:s20+$0x0] =	vst v2  }
0x1c3: {  	_ =	swait.ge [sflag:s18], $0x4000  }
0x1c4: {  	s31 =	simm.s32 $0x20B8;
	[sflag:s18] =	ssyncset.done $0x0  }
0x1c5: {  	s21 =	smov.u32 s8;
	s20 =	simm.s32 $0xFFFFFFE0;
	[sflag:s18] =	ssyncadd.s32 $0xFFFFC000  }
0x1c6: {  	[hbm4b:s8+s3] =	stream.linear.scatter [tilespmem:s31], [sflag:$0x1], $0x800, $0x38;
	[tilespmem:$0x78C0] =	vst v63  }
.LBB2_16:
0x1c7: {  	p0 =	sne.s32 s20, $0xFFFFF820  }
.Ltmp7:
0x1c8: {  	_ = 	snop;
	(pc) =	sbr.rel @p0 .LBB2_16-.Ltmp7, $4  }
0x1c9: {  	_ = 	snop  }
0x1ca: {  	s22 =	sshra.s32 s20, $0x2;
	s20 =	sadd.s32 $0xFFFFFFE0, s20  }
0x1cb: {  	s21 =	sadd.s32 $0x800, s21;
	s22 =	sadd.s32 $0x20B8, s22  }
0x1cc: {  	[hbm4b:s21+s3] =	stream.linear.scatter [tilespmem:s22], [sflag:$0x1], $0x800, $0x38;
	[tilespmem:$0x78C0] =	vst v63  }
0x1cd: {  	v2 =	vimm.s32 $0x42  }
0x1ce: {  	v3 =	vimm.s32 $0x43  }
0x1cf: {  	v4 =	vimm.s32 $0x44  }
0x1d0: {  	v5 =	vimm.s32 $0x46  }
0x1d1: {  	s20 =	simm.s32 $0x0;
	v7 =	vimm.s32 $0x47  }
0x1d2: {  	v1 =	vimm.s32 $0x41;
	v2 =	vld.idx.msk [tilespmem:v2+s20+$0x0], $0xffff  }
0x1d3: {  	v6 =	vimm.s32 $0x45;
	v3 =	vld.idx.msk [tilespmem:v3+s20+$0x0], $0xffff  }
0x1d4: {  	v4 =	vld.idx.msk [tilespmem:v4+s20+$0x0], $0xffff  }
0x1d5: {  	v8 =	vimm.s32 $0x48;
	v5 =	vld.idx.msk [tilespmem:v5+s20+$0x0], $0xffff  }
0x1d6: {  	v7 =	vld.idx.msk [tilespmem:v7+s20+$0x0], $0xffff  }
0x1d7: {  	v1 =	vld.idx.msk [tilespmem:v1+s20+$0x0], $0xffff  }
0x1d8: {  	v6 =	vld.idx.msk [tilespmem:v6+s20+$0x0], $0xffff  }
0x1d9: {  	v59 =	vadd.f32 v3, v0;
	v3 =	vadd.f32 v4, v0;
	v4 =	vimm.s32 $0x49  }
0x1da: {  	s21 =	scvt.s32.f32 s20;
	v8 =	vld.idx.msk [tilespmem:v8+s20+$0x0], $0xffff;
	v60 =	vadd.f32 v2, v0;
	v2 =	vand.u32 $0x7FFFFFFF, v5  }
0x1db: {  	v62 =	vsub.f32 $0.0e+00, v2;
	v2 =	vand.u32 $0x7FFFFFFF, v7;
	v7 =	vimm.s32 $0x4A  }
0x1dc: {  	v9 =	vadd.f32 s21, v16;
	v1 =	vadd.f32 v1, v0  }
0x1dd: {  	v58 =	vadd.f32 v6, v0  }
0x1de: {  	v5 =	vadd.f32 v9, v1;
	v6 =	vadd.f32 v9, v60;
	v4 =	vld.idx.msk [tilespmem:v4+s20+$0x0], $0xffff  }
0x1df: {  	v61 =	vsub.f32 $0.0e+00, v2;
	v2 =	vand.u32 $0x7FFFFFFF, v8;
	v8 =	vadd.f32 v9, v59  }
0x1e0: {  	v5 =	vmul.f32 v5, v5;
	v6 =	vmul.f32 v6, v6;
	v7 =	vld.idx.msk [tilespmem:v7+s20+$0x0], $0xffff  }
0x1e1: {  	v63 =	vsub.f32 $0.0e+00, v2;
	v8 =	vmul.f32 v8, v8  }
0x1e2: {  	v5 =	vmul.f32 v5, v62;
	v6 =	vmul.f32 v6, v61  }
0x1e3: {  	v10 =	vmul.f32 v8, v63;
	v2 =	vand.u32 $0x7FFFFFFF, v4;
	v4 =	vadd.f32 v9, v3  }
0x1e4: {  	v5 =	vmul.f32 $1.442695020e+00, v5;
	v6 =	vmul.f32 $1.442695020e+00, v6;
	v9 =	vadd.f32 v9, v58  }
0x1e5: {  	v2 =	vsub.f32 $0.0e+00, v2;
	v7 =	vand.u32 $0x7FFFFFFF, v7;
	v4 =	vmul.f32 v4, v4  }
0x1e6: {  	s28 =	simm.s32 $0x10;
	(erf) = vpow2.f32 v5;
	v8 =	vsub.f32 $0.0e+00, v7;
	v5 =	vmul.f32 v9, v9  }
0x1e7: {  	s21 =	scvt.s32.f32 s28;
	(erf) = vpow2.f32 v6;
	v4 =	vmul.f32 v4, v2  }
0x1e8: {  	v7 =	vmul.f32 $1.442695020e+00, v10;
	v5 =	vmul.f32 v5, v8  }
0x1e9: {  	v6 =	vadd.f32 s21, v16;
	v9 =	vmul.f32 $1.442695020e+00, v4;
	v4 =	vimm.s32 $0x4B  }
0x1ea: {  	(erf) = vpow2.f32 v7;
	v12 =	vmul.f32 $1.442695020e+00, v5  }
0x1eb: {  	v5 =	vimm.s32 $0x4C;
	(erf) = vpow2.f32 v9;
	v9 =	vadd.f32 v6, v60  }
0x1ec: {  	v7 =	vadd.f32 v6, v58  }
0x1ed: {  	v10 =	vadd.f32 v6, v1;
	v11 =	vadd.f32 v6, v3;
	v9 =	vmul.f32 v9, v9  }
0x1ee: {  	v13 =	vmul.f32 v7, v7;
	v7 =	vadd.f32 v6, v59;
	v6 =	vimm.s32 $0x4D;
	v4 =	vld.idx.msk [tilespmem:v4+s20+$0x0], $0xffff  }
0x1ef: {  	v10 =	vmul.f32 v10, v10;
	v14 =	vmul.f32 v9, v61;
	v9 =	vimm.s32 $0x4E  }
0x1f0: {  	v7 =	vmul.f32 v7, v7;
	v5 =	vld.idx.msk [tilespmem:v5+s20+$0x0], $0xffff  }
0x1f1: {  	v11 =	vmul.f32 v11, v11;
	v10 =	vmul.f32 v10, v62  }
0x1f2: {  	(erf) = vpow2.f32 v12;
	v12 =	vpop (erf);
	v17 =	vmul.f32 v7, v63;
	v7 =	vimm.s32 $0x4F  }
0x1f3: {  	s29 =	simm.s32 $0x20;
	v10 =	vmul.f32 $1.442695020e+00, v10;
	v6 =	vld.idx.msk [tilespmem:v6+s20+$0x0], $0xffff;
	v12 =	vmul.f32 v12, v4  }
0x1f4: {  	s21 =	scvt.s32.f32 s29;
	v15 =	vpop (erf);
	v9 =	vld.idx.msk [tilespmem:v9+s20+$0x0], $0xffff  }
0x1f5: {  	v11 =	vmul.f32 v11, v2;
	v15 =	vmul.f32 v15, v5;
	v12 =	vadd.f32 $0.0e+00, v12  }
0x1f6: {  	v18 =	vadd.f32 s21, v16;
	(erf) = vpow2.f32 v10;
	v14 =	vmul.f32 $1.442695020e+00, v14  }
0x1f7: {  	v13 =	vmul.f32 v13, v8;
	v10 =	vpop (erf);
	v7 =	vld.idx.msk [tilespmem:v7+s20+$0x0], $0xffff;
	v12 =	vadd.f32 v12, v15;
	v15 =	vmul.f32 $1.442695020e+00, v17  }
0x1f8: {  	(erf) = vpow2.f32 v14;
	v10 =	vmul.f32 v10, v6;
	v17 =	vpop (erf)  }
0x1f9: {  	(erf) = vpow2.f32 v15;
	v15 =	vmul.f32 v17, v9;
	v17 =	vadd.f32 v18, v1  }
0x1fa: {  	v12 =	vadd.f32 v12, v10;
	v10 =	vmul.f32 $1.442695020e+00, v11  }
0x1fb: {  	v13 =	vmul.f32 $1.442695020e+00, v13;
	v11 =	vpop (erf);
	v17 =	vmul.f32 v17, v17  }
0x1fc: {  	v14 =	vadd.f32 v18, v58;
	v11 =	vmul.f32 v11, v7;
	(erf) = vpow2.f32 v10  }
0x1fd: {  	v20 =	vadd.f32 v18, v60;
	(erf) = vpow2.f32 v13;
	v13 =	vmul.f32 v17, v62  }
0x1fe: {  	v19 =	vadd.f32 v18, v3;
	v10 =	vmul.f32 v14, v14;
	v14 =	vadd.f32 v18, v59  }
0x1ff: {  	v12 =	vadd.f32 v12, v15;
	v15 =	vmul.f32 v20, v20;
	v17 =	vpop (erf);
	v13 =	vmul.f32 $1.442695020e+00, v13  }
0x200: {  	s30 =	simm.s32 $0x30;
	v14 =	vmul.f32 v14, v14;
	v17 =	vmul.f32 v17, v4  }
0x201: {  	s31 =	scvt.s32.f32 s30;
	v18 =	vmul.f32 v19, v19;
	v12 =	vadd.f32 v12, v11;
	v15 =	vmul.f32 v15, v61;
	v11 =	vpop (erf)  }
0x202: {  	v14 =	vmul.f32 v14, v63;
	v20 =	vmul.f32 v11, v5;
	v19 =	vadd.f32 $0.0e+00, v17  }
0x203: {  	s20 =	simm.s32 $0x28C0;
	v11 =	vadd.f32 s31, v16;
	(erf) = vpow2.f32 v13;
	v17 =	vmul.f32 $1.442695020e+00, v15;
	v13 =	vpop (erf)  }
0x204: {  	s21 =	simm.s32 $0x40;
	[tilespmem:s20+$0x0] =	vst v12;
	v15 =	vmul.f32 v18, v2;
	v12 =	vadd.f32 v19, v20;
	v13 =	vmul.f32 v13, v6  }
.LBB2_18:
0x205: {  	p0 =	sne.s32 s21, $0x9F0;
	v18 =	vadd.f32 v11, v58;
	v19 =	vmul.f32 $1.442695020e+00, v14;
	(erf) = vpow2.f32 v17;
	v17 =	vpop (erf)  }
0x206: {  	v10 =	vmul.f32 v10, v8;
	v12 =	vadd.f32 v12, v13;
	v13 =	vmul.f32 v17, v9  }
0x207: {  	v17 =	vadd.f32 v11, v3;
	v15 =	vmul.f32 $1.442695020e+00, v15;
	(erf) = vpow2.f32 v19;
	v14 =	vpop (erf)  }
0x208: {  	v19 =	vadd.f32 v11, v1;
	v12 =	vadd.f32 v12, v13;
	v13 =	vmul.f32 v14, v7  }
0x209: {  	v20 =	vmul.f32 $1.442695020e+00, v10;
	v14 =	vadd.f32 v11, v60;
	(erf) = vpow2.f32 v15  }
0x20a: {  	v10 =	vmul.f32 v18, v18;
	v15 =	vmul.f32 v19, v19;
	v12 =	vadd.f32 v12, v13  }
0x20b: {  	s20 =	sadd.s32 $0x10, s20;
	v11 =	vadd.f32 v11, v59;
	v13 =	vmul.f32 v17, v17;
	(erf) = vpow2.f32 v20  }
0x20c: {  	v14 =	vmul.f32 v14, v14;
	v15 =	vmul.f32 v15, v62;
	v17 =	vpop (erf);
	[tilespmem:s20+$0x0] =	vst v12  }
.Ltmp8:
0x20d: {  	v11 =	vmul.f32 v11, v11;
	v12 =	vmul.f32 v17, v4;
	(pc) =	sbr.rel @p0 .LBB2_18-.Ltmp8, $4  }
0x20e: {  	s22 =	scvt.s32.f32 s21;
	v15 =	vmul.f32 $1.442695020e+00, v15;
	v17 =	vmul.f32 v14, v61;
	v18 =	vpop (erf)  }
0x20f: {  	v14 =	vmul.f32 v11, v63;
	v12 =	vadd.f32 $0.0e+00, v12;
	v18 =	vmul.f32 v18, v5  }
0x210: {  	v11 =	vadd.f32 s22, v16;
	v17 =	vmul.f32 $1.442695020e+00, v17;
	(erf) = vpow2.f32 v15;
	v19 =	vpop (erf)  }
0x211: {  	s21 =	sadd.s32 $0x10, s21;
	v15 =	vmul.f32 v13, v2;
	v12 =	vadd.f32 v12, v18;
	v13 =	vmul.f32 v19, v6  }
0x212: {  	v14 =	vmul.f32 $1.442695020e+00, v14;
	(erf) = vpow2.f32 v17;
	v1 =	vadd.f32 v11, v1  }
0x213: {  	v10 =	vmul.f32 v10, v8;
	v60 =	vadd.f32 v11, v60;
	v15 =	vmul.f32 $1.442695020e+00, v15  }
0x214: {  	(erf) = vpow2.f32 v14;
	v1 =	vmul.f32 v1, v1  }
0x215: {  	v3 =	vadd.f32 v11, v3;
	v10 =	vmul.f32 $1.442695020e+00, v10;
	v14 =	vmul.f32 v60, v60  }
0x216: {  	(erf) = vpow2.f32 v15;
	v15 =	vadd.f32 v11, v59;
	v1 =	vmul.f32 v1, v62  }
0x217: {  	v3 =	vmul.f32 v3, v3;
	v14 =	vmul.f32 v14, v61  }
0x218: {  	v15 =	vmul.f32 v15, v15;
	v1 =	vmul.f32 $1.442695020e+00, v1  }
0x219: {  	v60 =	vadd.f32 v11, v58;
	(erf) = vpow2.f32 v10;
	v14 =	vmul.f32 $1.442695020e+00, v14  }
0x21a: {  	v61 =	vmul.f32 v15, v63;
	(erf) = vpow2.f32 v1  }
0x21b: {  	v2 =	vmul.f32 v3, v2;
	v1 =	vmul.f32 v60, v60  }
0x21c: {  	v3 =	vpop (erf);
	v10 =	vmul.f32 $1.442695020e+00, v61;
	(erf) = vpow2.f32 v14  }
0x21d: {  	v2 =	vmul.f32 $1.442695020e+00, v2;
	v11 =	vpop (erf)  }
0x21e: {  	v62 =	vpop (erf);
	v1 =	vmul.f32 v1, v8;
	(erf) = vpow2.f32 v10  }
0x21f: {  	v63 =	vpop (erf)  }
0x220: {  	v58 =	vpop (erf);
	v1 =	vmul.f32 $1.442695020e+00, v1;
	(erf) = vpow2.f32 v2  }
0x221: {  	v2 =	vpop (erf)  }
0x222: {  	v15 =	vpop (erf);
	(erf) = vpow2.f32 v1  }
0x223: {  	v1 =	vmul.f32 v62, v4;
	v59 =	vpop (erf)  }
0x224: {  	v60 =	vmul.f32 v59, v4  }
0x225: {  	v61 =	vmul.f32 v63, v5;
	v1 =	vadd.f32 $0.0e+00, v1;
	v62 =	vpop (erf)  }
0x226: {  	v12 =	vadd.f32 v12, v13;
	v63 =	vmul.f32 v62, v5;
	v4 =	vadd.f32 $0.0e+00, v60  }
0x227: {  	v3 =	vmul.f32 v3, v9;
	v13 =	vmul.f32 v58, v6;
	v1 =	vadd.f32 v1, v61;
	v14 =	vpop (erf)  }
0x228: {  	v58 =	vmul.f32 v14, v6;
	v4 =	vadd.f32 v4, v63  }
0x229: {  	v3 =	vadd.f32 v12, v3;
	v2 =	vmul.f32 v2, v9;
	v1 =	vadd.f32 v1, v13;
	v59 =	vpop (erf)  }
0x22a: {  	v60 =	vmul.f32 v11, v7;
	v61 =	vmul.f32 v59, v9;
	v4 =	vadd.f32 v4, v58  }
0x22b: {  	v1 =	vadd.f32 v1, v2;
	v2 =	vmul.f32 v15, v7;
	v62 =	vpop (erf)  }
0x22c: {  	v3 =	vadd.f32 v3, v60;
	v63 =	vmul.f32 v62, v7;
	v4 =	vadd.f32 v4, v61  }
0x22d: {  	s20 =	sadd.s32 $0x10, s20;
	v1 =	vadd.f32 v1, v2  }
0x22e: {  	[tilespmem:s20+$0x0] =	vst v3;
	s20 =	sadd.s32 $0x10, s20;
	v2 =	vadd.f32 v4, v63  }
0x22f: {  	[tilespmem:s20+$0x0] =	vst v1;
	s20 =	sadd.s32 $0x10, s20  }
0x230: {  	[tilespmem:s20+$0x0] =	vst v2  }
0x231: {  	_ =	swait.ge [sflag:s18], $0x4000  }
0x232: {  	s31 =	simm.s32 $0x2AB8;
	[sflag:s18] =	ssyncset.done $0x0  }
0x233: {  	s21 =	smov.u32 s9;
	s20 =	simm.s32 $0xFFFFFFE0;
	[sflag:s18] =	ssyncadd.s32 $0xFFFFC000  }
0x234: {  	[hbm4b:s9+s3] =	stream.linear.scatter [tilespmem:s31], [sflag:$0x1], $0x800, $0x38;
	[tilespmem:$0x78C0] =	vst v63  }
.LBB2_20:
0x235: {  	p0 =	sne.s32 s20, $0xFFFFF820  }
.Ltmp9:
0x236: {  	_ = 	snop;
	(pc) =	sbr.rel @p0 .LBB2_20-.Ltmp9, $4  }
0x237: {  	_ = 	snop  }
0x238: {  	s22 =	sshra.s32 s20, $0x2;
	s20 =	sadd.s32 $0xFFFFFFE0, s20  }
0x239: {  	s21 =	sadd.s32 $0x800, s21;
	s22 =	sadd.s32 $0x2AB8, s22  }
0x23a: {  	[hbm4b:s21+s3] =	stream.linear.scatter [tilespmem:s22], [sflag:$0x1], $0x800, $0x38;
	[tilespmem:$0x78C0] =	vst v63  }
0x23b: {  	v2 =	vimm.s32 $0x52  }
0x23c: {  	v3 =	vimm.s32 $0x53  }
0x23d: {  	v4 =	vimm.s32 $0x54  }
0x23e: {  	v5 =	vimm.s32 $0x56  }
0x23f: {  	s20 =	simm.s32 $0x0;
	v7 =	vimm.s32 $0x57  }
0x240: {  	v1 =	vimm.s32 $0x51;
	v2 =	vld.idx.msk [tilespmem:v2+s20+$0x0], $0xffff  }
0x241: {  	v6 =	vimm.s32 $0x55;
	v3 =	vld.idx.msk [tilespmem:v3+s20+$0x0], $0xffff  }
0x242: {  	v4 =	vld.idx.msk [tilespmem:v4+s20+$0x0], $0xffff  }
0x243: {  	v8 =	vimm.s32 $0x58;
	v5 =	vld.idx.msk [tilespmem:v5+s20+$0x0], $0xffff  }
0x244: {  	v7 =	vld.idx.msk [tilespmem:v7+s20+$0x0], $0xffff  }
0x245: {  	v1 =	vld.idx.msk [tilespmem:v1+s20+$0x0], $0xffff  }
0x246: {  	v6 =	vld.idx.msk [tilespmem:v6+s20+$0x0], $0xffff  }
0x247: {  	v59 =	vadd.f32 v3, v0;
	v3 =	vadd.f32 v4, v0;
	v4 =	vimm.s32 $0x59  }
0x248: {  	s21 =	scvt.s32.f32 s20;
	v8 =	vld.idx.msk [tilespmem:v8+s20+$0x0], $0xffff;
	v60 =	vadd.f32 v2, v0;
	v2 =	vand.u32 $0x7FFFFFFF, v5  }
0x249: {  	v62 =	vsub.f32 $0.0e+00, v2;
	v2 =	vand.u32 $0x7FFFFFFF, v7;
	v7 =	vimm.s32 $0x5A  }
0x24a: {  	v9 =	vadd.f32 s21, v16;
	v1 =	vadd.f32 v1, v0  }
0x24b: {  	v58 =	vadd.f32 v6, v0  }
0x24c: {  	v5 =	vadd.f32 v9, v1;
	v6 =	vadd.f32 v9, v60;
	v4 =	vld.idx.msk [tilespmem:v4+s20+$0x0], $0xffff  }
0x24d: {  	v61 =	vsub.f32 $0.0e+00, v2;
	v2 =	vand.u32 $0x7FFFFFFF, v8;
	v8 =	vadd.f32 v9, v59  }
0x24e: {  	v5 =	vmul.f32 v5, v5;
	v6 =	vmul.f32 v6, v6;
	v7 =	vld.idx.msk [tilespmem:v7+s20+$0x0], $0xffff  }
0x24f: {  	v63 =	vsub.f32 $0.0e+00, v2;
	v8 =	vmul.f32 v8, v8  }
0x250: {  	v5 =	vmul.f32 v5, v62;
	v6 =	vmul.f32 v6, v61  }
0x251: {  	v10 =	vmul.f32 v8, v63;
	v2 =	vand.u32 $0x7FFFFFFF, v4;
	v4 =	vadd.f32 v9, v3  }
0x252: {  	v5 =	vmul.f32 $1.442695020e+00, v5;
	v6 =	vmul.f32 $1.442695020e+00, v6;
	v9 =	vadd.f32 v9, v58  }
0x253: {  	v2 =	vsub.f32 $0.0e+00, v2;
	v7 =	vand.u32 $0x7FFFFFFF, v7;
	v4 =	vmul.f32 v4, v4  }
0x254: {  	s28 =	simm.s32 $0x10;
	(erf) = vpow2.f32 v5;
	v8 =	vsub.f32 $0.0e+00, v7;
	v5 =	vmul.f32 v9, v9  }
0x255: {  	s21 =	scvt.s32.f32 s28;
	(erf) = vpow2.f32 v6;
	v4 =	vmul.f32 v4, v2  }
0x256: {  	v7 =	vmul.f32 $1.442695020e+00, v10;
	v5 =	vmul.f32 v5, v8  }
0x257: {  	v6 =	vadd.f32 s21, v16;
	v9 =	vmul.f32 $1.442695020e+00, v4;
	v4 =	vimm.s32 $0x5B  }
0x258: {  	(erf) = vpow2.f32 v7;
	v12 =	vmul.f32 $1.442695020e+00, v5  }
0x259: {  	v5 =	vimm.s32 $0x5C;
	(erf) = vpow2.f32 v9;
	v9 =	vadd.f32 v6, v60  }
0x25a: {  	v7 =	vadd.f32 v6, v58  }
0x25b: {  	v10 =	vadd.f32 v6, v1;
	v11 =	vadd.f32 v6, v3;
	v9 =	vmul.f32 v9, v9  }
0x25c: {  	v13 =	vmul.f32 v7, v7;
	v7 =	vadd.f32 v6, v59;
	v6 =	vimm.s32 $0x5D;
	v4 =	vld.idx.msk [tilespmem:v4+s20+$0x0], $0xffff  }
0x25d: {  	v10 =	vmul.f32 v10, v10;
	v14 =	vmul.f32 v9, v61;
	v9 =	vimm.s32 $0x5E  }
0x25e: {  	v7 =	vmul.f32 v7, v7;
	v5 =	vld.idx.msk [tilespmem:v5+s20+$0x0], $0xffff  }
0x25f: {  	v11 =	vmul.f32 v11, v11;
	v10 =	vmul.f32 v10, v62  }
0x260: {  	(erf) = vpow2.f32 v12;
	v12 =	vpop (erf);
	v17 =	vmul.f32 v7, v63;
	v7 =	vimm.s32 $0x5F  }
0x261: {  	s29 =	simm.s32 $0x20;
	v10 =	vmul.f32 $1.442695020e+00, v10;
	v6 =	vld.idx.msk [tilespmem:v6+s20+$0x0], $0xffff;
	v12 =	vmul.f32 v12, v4  }
0x262: {  	s21 =	scvt.s32.f32 s29;
	v15 =	vpop (erf);
	v9 =	vld.idx.msk [tilespmem:v9+s20+$0x0], $0xffff  }
0x263: {  	v11 =	vmul.f32 v11, v2;
	v15 =	vmul.f32 v15, v5;
	v12 =	vadd.f32 $0.0e+00, v12  }
0x264: {  	v18 =	vadd.f32 s21, v16;
	(erf) = vpow2.f32 v10;
	v14 =	vmul.f32 $1.442695020e+00, v14  }
0x265: {  	v13 =	vmul.f32 v13, v8;
	v10 =	vpop (erf);
	v7 =	vld.idx.msk [tilespmem:v7+s20+$0x0], $0xffff;
	v12 =	vadd.f32 v12, v15;
	v15 =	vmul.f32 $1.442695020e+00, v17  }
0x266: {  	(erf) = vpow2.f32 v14;
	v10 =	vmul.f32 v10, v6;
	v17 =	vpop (erf)  }
0x267: {  	(erf) = vpow2.f32 v15;
	v15 =	vmul.f32 v17, v9;
	v17 =	vadd.f32 v18, v1  }
0x268: {  	v12 =	vadd.f32 v12, v10;
	v10 =	vmul.f32 $1.442695020e+00, v11  }
0x269: {  	v13 =	vmul.f32 $1.442695020e+00, v13;
	v11 =	vpop (erf);
	v17 =	vmul.f32 v17, v17  }
0x26a: {  	v14 =	vadd.f32 v18, v58;
	v11 =	vmul.f32 v11, v7;
	(erf) = vpow2.f32 v10  }
0x26b: {  	v20 =	vadd.f32 v18, v60;
	(erf) = vpow2.f32 v13;
	v13 =	vmul.f32 v17, v62  }
0x26c: {  	v19 =	vadd.f32 v18, v3;
	v10 =	vmul.f32 v14, v14;
	v14 =	vadd.f32 v18, v59  }
0x26d: {  	v12 =	vadd.f32 v12, v15;
	v15 =	vmul.f32 v20, v20;
	v17 =	vpop (erf);
	v13 =	vmul.f32 $1.442695020e+00, v13  }
0x26e: {  	s30 =	simm.s32 $0x30;
	v14 =	vmul.f32 v14, v14;
	v17 =	vmul.f32 v17, v4  }
0x26f: {  	s31 =	scvt.s32.f32 s30;
	v18 =	vmul.f32 v19, v19;
	v12 =	vadd.f32 v12, v11;
	v15 =	vmul.f32 v15, v61;
	v11 =	vpop (erf)  }
0x270: {  	v14 =	vmul.f32 v14, v63;
	v20 =	vmul.f32 v11, v5;
	v19 =	vadd.f32 $0.0e+00, v17  }
0x271: {  	s20 =	simm.s32 $0x32C0;
	v11 =	vadd.f32 s31, v16;
	(erf) = vpow2.f32 v13;
	v17 =	vmul.f32 $1.442695020e+00, v15;
	v13 =	vpop (erf)  }
0x272: {  	s21 =	simm.s32 $0x40;
	[tilespmem:s20+$0x0] =	vst v12;
	v15 =	vmul.f32 v18, v2;
	v12 =	vadd.f32 v19, v20;
	v13 =	vmul.f32 v13, v6  }
.LBB2_22:
0x273: {  	p0 =	sne.s32 s21, $0x9F0;
	v18 =	vadd.f32 v11, v58;
	v19 =	vmul.f32 $1.442695020e+00, v14;
	(erf) = vpow2.f32 v17;
	v17 =	vpop (erf)  }
0x274: {  	v10 =	vmul.f32 v10, v8;
	v12 =	vadd.f32 v12, v13;
	v13 =	vmul.f32 v17, v9  }
0x275: {  	v17 =	vadd.f32 v11, v3;
	v15 =	vmul.f32 $1.442695020e+00, v15;
	(erf) = vpow2.f32 v19;
	v14 =	vpop (erf)  }
0x276: {  	v19 =	vadd.f32 v11, v1;
	v12 =	vadd.f32 v12, v13;
	v13 =	vmul.f32 v14, v7  }
0x277: {  	v20 =	vmul.f32 $1.442695020e+00, v10;
	v14 =	vadd.f32 v11, v60;
	(erf) = vpow2.f32 v15  }
0x278: {  	v10 =	vmul.f32 v18, v18;
	v15 =	vmul.f32 v19, v19;
	v12 =	vadd.f32 v12, v13  }
0x279: {  	s20 =	sadd.s32 $0x10, s20;
	v11 =	vadd.f32 v11, v59;
	v13 =	vmul.f32 v17, v17;
	(erf) = vpow2.f32 v20  }
0x27a: {  	v14 =	vmul.f32 v14, v14;
	v15 =	vmul.f32 v15, v62;
	v17 =	vpop (erf);
	[tilespmem:s20+$0x0] =	vst v12  }
.Ltmp10:
0x27b: {  	v11 =	vmul.f32 v11, v11;
	v12 =	vmul.f32 v17, v4;
	(pc) =	sbr.rel @p0 .LBB2_22-.Ltmp10, $4  }
0x27c: {  	s22 =	scvt.s32.f32 s21;
	v15 =	vmul.f32 $1.442695020e+00, v15;
	v17 =	vmul.f32 v14, v61;
	v18 =	vpop (erf)  }
0x27d: {  	v14 =	vmul.f32 v11, v63;
	v12 =	vadd.f32 $0.0e+00, v12;
	v18 =	vmul.f32 v18, v5  }
0x27e: {  	v11 =	vadd.f32 s22, v16;
	v17 =	vmul.f32 $1.442695020e+00, v17;
	(erf) = vpow2.f32 v15;
	v19 =	vpop (erf)  }
0x27f: {  	s21 =	sadd.s32 $0x10, s21;
	v15 =	vmul.f32 v13, v2;
	v12 =	vadd.f32 v12, v18;
	v13 =	vmul.f32 v19, v6  }
0x280: {  	v14 =	vmul.f32 $1.442695020e+00, v14;
	(erf) = vpow2.f32 v17;
	v1 =	vadd.f32 v11, v1  }
0x281: {  	v10 =	vmul.f32 v10, v8;
	v60 =	vadd.f32 v11, v60;
	v15 =	vmul.f32 $1.442695020e+00, v15  }
0x282: {  	(erf) = vpow2.f32 v14;
	v1 =	vmul.f32 v1, v1  }
0x283: {  	v3 =	vadd.f32 v11, v3;
	v10 =	vmul.f32 $1.442695020e+00, v10;
	v14 =	vmul.f32 v60, v60  }
0x284: {  	(erf) = vpow2.f32 v15;
	v15 =	vadd.f32 v11, v59;
	v1 =	vmul.f32 v1, v62  }
0x285: {  	v3 =	vmul.f32 v3, v3;
	v14 =	vmul.f32 v14, v61  }
0x286: {  	v15 =	vmul.f32 v15, v15;
	v1 =	vmul.f32 $1.442695020e+00, v1  }
0x287: {  	v60 =	vadd.f32 v11, v58;
	(erf) = vpow2.f32 v10;
	v14 =	vmul.f32 $1.442695020e+00, v14  }
0x288: {  	v61 =	vmul.f32 v15, v63;
	(erf) = vpow2.f32 v1  }
0x289: {  	v2 =	vmul.f32 v3, v2;
	v1 =	vmul.f32 v60, v60  }
0x28a: {  	v3 =	vpop (erf);
	v10 =	vmul.f32 $1.442695020e+00, v61;
	(erf) = vpow2.f32 v14  }
0x28b: {  	v2 =	vmul.f32 $1.442695020e+00, v2;
	v11 =	vpop (erf)  }
0x28c: {  	v62 =	vpop (erf);
	v1 =	vmul.f32 v1, v8;
	(erf) = vpow2.f32 v10  }
0x28d: {  	v63 =	vpop (erf)  }
0x28e: {  	v58 =	vpop (erf);
	v1 =	vmul.f32 $1.442695020e+00, v1;
	(erf) = vpow2.f32 v2  }
0x28f: {  	v2 =	vpop (erf)  }
0x290: {  	v15 =	vpop (erf);
	(erf) = vpow2.f32 v1  }
0x291: {  	v1 =	vmul.f32 v62, v4;
	v59 =	vpop (erf)  }
0x292: {  	v60 =	vmul.f32 v59, v4  }
0x293: {  	v61 =	vmul.f32 v63, v5;
	v1 =	vadd.f32 $0.0e+00, v1;
	v62 =	vpop (erf)  }
0x294: {  	v12 =	vadd.f32 v12, v13;
	v63 =	vmul.f32 v62, v5;
	v4 =	vadd.f32 $0.0e+00, v60  }
0x295: {  	v3 =	vmul.f32 v3, v9;
	v13 =	vmul.f32 v58, v6;
	v1 =	vadd.f32 v1, v61;
	v14 =	vpop (erf)  }
0x296: {  	v58 =	vmul.f32 v14, v6;
	v4 =	vadd.f32 v4, v63  }
0x297: {  	v3 =	vadd.f32 v12, v3;
	v2 =	vmul.f32 v2, v9;
	v1 =	vadd.f32 v1, v13;
	v59 =	vpop (erf)  }
0x298: {  	v60 =	vmul.f32 v11, v7;
	v61 =	vmul.f32 v59, v9;
	v4 =	vadd.f32 v4, v58  }
0x299: {  	v1 =	vadd.f32 v1, v2;
	v2 =	vmul.f32 v15, v7;
	v62 =	vpop (erf)  }
0x29a: {  	v3 =	vadd.f32 v3, v60;
	v63 =	vmul.f32 v62, v7;
	v4 =	vadd.f32 v4, v61  }
0x29b: {  	s20 =	sadd.s32 $0x10, s20;
	v1 =	vadd.f32 v1, v2  }
0x29c: {  	[tilespmem:s20+$0x0] =	vst v3;
	s20 =	sadd.s32 $0x10, s20;
	v2 =	vadd.f32 v4, v63  }
0x29d: {  	[tilespmem:s20+$0x0] =	vst v1;
	s20 =	sadd.s32 $0x10, s20  }
0x29e: {  	[tilespmem:s20+$0x0] =	vst v2  }
0x29f: {  	_ =	swait.ge [sflag:s18], $0x4000  }
0x2a0: {  	s31 =	simm.s32 $0x34B8;
	[sflag:s18] =	ssyncset.done $0x0  }
0x2a1: {  	s21 =	smov.u32 s10;
	s20 =	simm.s32 $0xFFFFFFE0;
	[sflag:s18] =	ssyncadd.s32 $0xFFFFC000  }
0x2a2: {  	[hbm4b:s10+s3] =	stream.linear.scatter [tilespmem:s31], [sflag:$0x1], $0x800, $0x38;
	[tilespmem:$0x78C0] =	vst v63  }
.LBB2_24:
0x2a3: {  	p0 =	sne.s32 s20, $0xFFFFF820  }
.Ltmp11:
0x2a4: {  	_ = 	snop;
	(pc) =	sbr.rel @p0 .LBB2_24-.Ltmp11, $4  }
0x2a5: {  	_ = 	snop  }
0x2a6: {  	s22 =	sshra.s32 s20, $0x2;
	s20 =	sadd.s32 $0xFFFFFFE0, s20  }
0x2a7: {  	s21 =	sadd.s32 $0x800, s21;
	s22 =	sadd.s32 $0x34B8, s22  }
0x2a8: {  	[hbm4b:s21+s3] =	stream.linear.scatter [tilespmem:s22], [sflag:$0x1], $0x800, $0x38;
	[tilespmem:$0x78C0] =	vst v63  }
0x2a9: {  	v2 =	vimm.s32 $0x62  }
0x2aa: {  	v3 =	vimm.s32 $0x63  }
0x2ab: {  	v4 =	vimm.s32 $0x64  }
0x2ac: {  	v5 =	vimm.s32 $0x66  }
0x2ad: {  	s20 =	simm.s32 $0x0;
	v7 =	vimm.s32 $0x67  }
0x2ae: {  	v1 =	vimm.s32 $0x61;
	v2 =	vld.idx.msk [tilespmem:v2+s20+$0x0], $0xffff  }
0x2af: {  	v6 =	vimm.s32 $0x65;
	v3 =	vld.idx.msk [tilespmem:v3+s20+$0x0], $0xffff  }
0x2b0: {  	v4 =	vld.idx.msk [tilespmem:v4+s20+$0x0], $0xffff  }
0x2b1: {  	v8 =	vimm.s32 $0x68;
	v5 =	vld.idx.msk [tilespmem:v5+s20+$0x0], $0xffff  }
0x2b2: {  	v7 =	vld.idx.msk [tilespmem:v7+s20+$0x0], $0xffff  }
0x2b3: {  	v1 =	vld.idx.msk [tilespmem:v1+s20+$0x0], $0xffff  }
0x2b4: {  	v6 =	vld.idx.msk [tilespmem:v6+s20+$0x0], $0xffff  }
0x2b5: {  	v59 =	vadd.f32 v3, v0;
	v3 =	vadd.f32 v4, v0;
	v4 =	vimm.s32 $0x69  }
0x2b6: {  	s21 =	scvt.s32.f32 s20;
	v8 =	vld.idx.msk [tilespmem:v8+s20+$0x0], $0xffff;
	v60 =	vadd.f32 v2, v0;
	v2 =	vand.u32 $0x7FFFFFFF, v5  }
0x2b7: {  	v62 =	vsub.f32 $0.0e+00, v2;
	v2 =	vand.u32 $0x7FFFFFFF, v7;
	v7 =	vimm.s32 $0x6A  }
0x2b8: {  	v9 =	vadd.f32 s21, v16;
	v1 =	vadd.f32 v1, v0  }
0x2b9: {  	v58 =	vadd.f32 v6, v0  }
0x2ba: {  	v5 =	vadd.f32 v9, v1;
	v6 =	vadd.f32 v9, v60;
	v4 =	vld.idx.msk [tilespmem:v4+s20+$0x0], $0xffff  }
0x2bb: {  	v61 =	vsub.f32 $0.0e+00, v2;
	v2 =	vand.u32 $0x7FFFFFFF, v8;
	v8 =	vadd.f32 v9, v59  }
0x2bc: {  	v5 =	vmul.f32 v5, v5;
	v6 =	vmul.f32 v6, v6;
	v7 =	vld.idx.msk [tilespmem:v7+s20+$0x0], $0xffff  }
0x2bd: {  	v63 =	vsub.f32 $0.0e+00, v2;
	v8 =	vmul.f32 v8, v8  }
0x2be: {  	v5 =	vmul.f32 v5, v62;
	v6 =	vmul.f32 v6, v61  }
0x2bf: {  	v10 =	vmul.f32 v8, v63;
	v2 =	vand.u32 $0x7FFFFFFF, v4;
	v4 =	vadd.f32 v9, v3  }
0x2c0: {  	v5 =	vmul.f32 $1.442695020e+00, v5;
	v6 =	vmul.f32 $1.442695020e+00, v6;
	v9 =	vadd.f32 v9, v58  }
0x2c1: {  	v2 =	vsub.f32 $0.0e+00, v2;
	v7 =	vand.u32 $0x7FFFFFFF, v7;
	v4 =	vmul.f32 v4, v4  }
0x2c2: {  	s28 =	simm.s32 $0x10;
	(erf) = vpow2.f32 v5;
	v8 =	vsub.f32 $0.0e+00, v7;
	v5 =	vmul.f32 v9, v9  }
0x2c3: {  	s21 =	scvt.s32.f32 s28;
	(erf) = vpow2.f32 v6;
	v4 =	vmul.f32 v4, v2  }
0x2c4: {  	v7 =	vmul.f32 $1.442695020e+00, v10;
	v5 =	vmul.f32 v5, v8  }
0x2c5: {  	v6 =	vadd.f32 s21, v16;
	v9 =	vmul.f32 $1.442695020e+00, v4;
	v4 =	vimm.s32 $0x6B  }
0x2c6: {  	(erf) = vpow2.f32 v7;
	v12 =	vmul.f32 $1.442695020e+00, v5  }
0x2c7: {  	v5 =	vimm.s32 $0x6C;
	(erf) = vpow2.f32 v9;
	v9 =	vadd.f32 v6, v60  }
0x2c8: {  	v7 =	vadd.f32 v6, v58  }
0x2c9: {  	v10 =	vadd.f32 v6, v1;
	v11 =	vadd.f32 v6, v3;
	v9 =	vmul.f32 v9, v9  }
0x2ca: {  	v13 =	vmul.f32 v7, v7;
	v7 =	vadd.f32 v6, v59;
	v6 =	vimm.s32 $0x6D;
	v4 =	vld.idx.msk [tilespmem:v4+s20+$0x0], $0xffff  }
0x2cb: {  	v10 =	vmul.f32 v10, v10;
	v14 =	vmul.f32 v9, v61;
	v9 =	vimm.s32 $0x6E  }
0x2cc: {  	v7 =	vmul.f32 v7, v7;
	v5 =	vld.idx.msk [tilespmem:v5+s20+$0x0], $0xffff  }
0x2cd: {  	v11 =	vmul.f32 v11, v11;
	v10 =	vmul.f32 v10, v62  }
0x2ce: {  	(erf) = vpow2.f32 v12;
	v12 =	vpop (erf);
	v17 =	vmul.f32 v7, v63;
	v7 =	vimm.s32 $0x6F  }
0x2cf: {  	s29 =	simm.s32 $0x20;
	v10 =	vmul.f32 $1.442695020e+00, v10;
	v6 =	vld.idx.msk [tilespmem:v6+s20+$0x0], $0xffff;
	v12 =	vmul.f32 v12, v4  }
0x2d0: {  	s21 =	scvt.s32.f32 s29;
	v15 =	vpop (erf);
	v9 =	vld.idx.msk [tilespmem:v9+s20+$0x0], $0xffff  }
0x2d1: {  	v11 =	vmul.f32 v11, v2;
	v15 =	vmul.f32 v15, v5;
	v12 =	vadd.f32 $0.0e+00, v12  }
0x2d2: {  	v18 =	vadd.f32 s21, v16;
	(erf) = vpow2.f32 v10;
	v14 =	vmul.f32 $1.442695020e+00, v14  }
0x2d3: {  	v13 =	vmul.f32 v13, v8;
	v10 =	vpop (erf);
	v7 =	vld.idx.msk [tilespmem:v7+s20+$0x0], $0xffff;
	v12 =	vadd.f32 v12, v15;
	v15 =	vmul.f32 $1.442695020e+00, v17  }
0x2d4: {  	(erf) = vpow2.f32 v14;
	v10 =	vmul.f32 v10, v6;
	v17 =	vpop (erf)  }
0x2d5: {  	(erf) = vpow2.f32 v15;
	v15 =	vmul.f32 v17, v9;
	v17 =	vadd.f32 v18, v1  }
0x2d6: {  	v12 =	vadd.f32 v12, v10;
	v10 =	vmul.f32 $1.442695020e+00, v11  }
0x2d7: {  	v13 =	vmul.f32 $1.442695020e+00, v13;
	v11 =	vpop (erf);
	v17 =	vmul.f32 v17, v17  }
0x2d8: {  	v14 =	vadd.f32 v18, v58;
	v11 =	vmul.f32 v11, v7;
	(erf) = vpow2.f32 v10  }
0x2d9: {  	v20 =	vadd.f32 v18, v60;
	(erf) = vpow2.f32 v13;
	v13 =	vmul.f32 v17, v62  }
0x2da: {  	v19 =	vadd.f32 v18, v3;
	v10 =	vmul.f32 v14, v14;
	v14 =	vadd.f32 v18, v59  }
0x2db: {  	v12 =	vadd.f32 v12, v15;
	v15 =	vmul.f32 v20, v20;
	v17 =	vpop (erf);
	v13 =	vmul.f32 $1.442695020e+00, v13  }
0x2dc: {  	s30 =	simm.s32 $0x30;
	v14 =	vmul.f32 v14, v14;
	v17 =	vmul.f32 v17, v4  }
0x2dd: {  	s31 =	scvt.s32.f32 s30;
	v18 =	vmul.f32 v19, v19;
	v12 =	vadd.f32 v12, v11;
	v15 =	vmul.f32 v15, v61;
	v11 =	vpop (erf)  }
0x2de: {  	v14 =	vmul.f32 v14, v63;
	v20 =	vmul.f32 v11, v5;
	v19 =	vadd.f32 $0.0e+00, v17  }
0x2df: {  	s20 =	simm.s32 $0x3CC0;
	v11 =	vadd.f32 s31, v16;
	(erf) = vpow2.f32 v13;
	v17 =	vmul.f32 $1.442695020e+00, v15;
	v13 =	vpop (erf)  }
0x2e0: {  	s21 =	simm.s32 $0x40;
	[tilespmem:s20+$0x0] =	vst v12;
	v15 =	vmul.f32 v18, v2;
	v12 =	vadd.f32 v19, v20;
	v13 =	vmul.f32 v13, v6  }
.LBB2_26:
0x2e1: {  	p0 =	sne.s32 s21, $0x9F0;
	v18 =	vadd.f32 v11, v58;
	v19 =	vmul.f32 $1.442695020e+00, v14;
	(erf) = vpow2.f32 v17;
	v17 =	vpop (erf)  }
0x2e2: {  	v10 =	vmul.f32 v10, v8;
	v12 =	vadd.f32 v12, v13;
	v13 =	vmul.f32 v17, v9  }
0x2e3: {  	v17 =	vadd.f32 v11, v3;
	v15 =	vmul.f32 $1.442695020e+00, v15;
	(erf) = vpow2.f32 v19;
	v14 =	vpop (erf)  }
0x2e4: {  	v19 =	vadd.f32 v11, v1;
	v12 =	vadd.f32 v12, v13;
	v13 =	vmul.f32 v14, v7  }
0x2e5: {  	v20 =	vmul.f32 $1.442695020e+00, v10;
	v14 =	vadd.f32 v11, v60;
	(erf) = vpow2.f32 v15  }
0x2e6: {  	v10 =	vmul.f32 v18, v18;
	v15 =	vmul.f32 v19, v19;
	v12 =	vadd.f32 v12, v13  }
0x2e7: {  	s20 =	sadd.s32 $0x10, s20;
	v11 =	vadd.f32 v11, v59;
	v13 =	vmul.f32 v17, v17;
	(erf) = vpow2.f32 v20  }
0x2e8: {  	v14 =	vmul.f32 v14, v14;
	v15 =	vmul.f32 v15, v62;
	v17 =	vpop (erf);
	[tilespmem:s20+$0x0] =	vst v12  }
.Ltmp12:
0x2e9: {  	v11 =	vmul.f32 v11, v11;
	v12 =	vmul.f32 v17, v4;
	(pc) =	sbr.rel @p0 .LBB2_26-.Ltmp12, $4  }
0x2ea: {  	s22 =	scvt.s32.f32 s21;
	v15 =	vmul.f32 $1.442695020e+00, v15;
	v17 =	vmul.f32 v14, v61;
	v18 =	vpop (erf)  }
0x2eb: {  	v14 =	vmul.f32 v11, v63;
	v12 =	vadd.f32 $0.0e+00, v12;
	v18 =	vmul.f32 v18, v5  }
0x2ec: {  	v11 =	vadd.f32 s22, v16;
	v17 =	vmul.f32 $1.442695020e+00, v17;
	(erf) = vpow2.f32 v15;
	v19 =	vpop (erf)  }
0x2ed: {  	s21 =	sadd.s32 $0x10, s21;
	v15 =	vmul.f32 v13, v2;
	v12 =	vadd.f32 v12, v18;
	v13 =	vmul.f32 v19, v6  }
0x2ee: {  	v14 =	vmul.f32 $1.442695020e+00, v14;
	(erf) = vpow2.f32 v17;
	v1 =	vadd.f32 v11, v1  }
0x2ef: {  	v10 =	vmul.f32 v10, v8;
	v60 =	vadd.f32 v11, v60;
	v15 =	vmul.f32 $1.442695020e+00, v15  }
0x2f0: {  	(erf) = vpow2.f32 v14;
	v1 =	vmul.f32 v1, v1  }
0x2f1: {  	v3 =	vadd.f32 v11, v3;
	v10 =	vmul.f32 $1.442695020e+00, v10;
	v14 =	vmul.f32 v60, v60  }
0x2f2: {  	(erf) = vpow2.f32 v15;
	v15 =	vadd.f32 v11, v59;
	v1 =	vmul.f32 v1, v62  }
0x2f3: {  	v3 =	vmul.f32 v3, v3;
	v14 =	vmul.f32 v14, v61  }
0x2f4: {  	v15 =	vmul.f32 v15, v15;
	v1 =	vmul.f32 $1.442695020e+00, v1  }
0x2f5: {  	v60 =	vadd.f32 v11, v58;
	(erf) = vpow2.f32 v10;
	v14 =	vmul.f32 $1.442695020e+00, v14  }
0x2f6: {  	v61 =	vmul.f32 v15, v63;
	(erf) = vpow2.f32 v1  }
0x2f7: {  	v2 =	vmul.f32 v3, v2;
	v1 =	vmul.f32 v60, v60  }
0x2f8: {  	v3 =	vpop (erf);
	v10 =	vmul.f32 $1.442695020e+00, v61;
	(erf) = vpow2.f32 v14  }
0x2f9: {  	v2 =	vmul.f32 $1.442695020e+00, v2;
	v11 =	vpop (erf)  }
0x2fa: {  	v62 =	vpop (erf);
	v1 =	vmul.f32 v1, v8;
	(erf) = vpow2.f32 v10  }
0x2fb: {  	v63 =	vpop (erf)  }
0x2fc: {  	v58 =	vpop (erf);
	v1 =	vmul.f32 $1.442695020e+00, v1;
	(erf) = vpow2.f32 v2  }
0x2fd: {  	v2 =	vpop (erf)  }
0x2fe: {  	v15 =	vpop (erf);
	(erf) = vpow2.f32 v1  }
0x2ff: {  	v1 =	vmul.f32 v62, v4;
	v59 =	vpop (erf)  }
0x300: {  	v60 =	vmul.f32 v59, v4  }
0x301: {  	v61 =	vmul.f32 v63, v5;
	v1 =	vadd.f32 $0.0e+00, v1;
	v62 =	vpop (erf)  }
0x302: {  	v12 =	vadd.f32 v12, v13;
	v63 =	vmul.f32 v62, v5;
	v4 =	vadd.f32 $0.0e+00, v60  }
0x303: {  	v3 =	vmul.f32 v3, v9;
	v13 =	vmul.f32 v58, v6;
	v1 =	vadd.f32 v1, v61;
	v14 =	vpop (erf)  }
0x304: {  	v58 =	vmul.f32 v14, v6;
	v4 =	vadd.f32 v4, v63  }
0x305: {  	v3 =	vadd.f32 v12, v3;
	v2 =	vmul.f32 v2, v9;
	v1 =	vadd.f32 v1, v13;
	v59 =	vpop (erf)  }
0x306: {  	v60 =	vmul.f32 v11, v7;
	v61 =	vmul.f32 v59, v9;
	v4 =	vadd.f32 v4, v58  }
0x307: {  	v1 =	vadd.f32 v1, v2;
	v2 =	vmul.f32 v15, v7;
	v62 =	vpop (erf)  }
0x308: {  	v3 =	vadd.f32 v3, v60;
	v63 =	vmul.f32 v62, v7;
	v4 =	vadd.f32 v4, v61  }
0x309: {  	s20 =	sadd.s32 $0x10, s20;
	v1 =	vadd.f32 v1, v2  }
0x30a: {  	[tilespmem:s20+$0x0] =	vst v3;
	s20 =	sadd.s32 $0x10, s20;
	v2 =	vadd.f32 v4, v63  }
0x30b: {  	[tilespmem:s20+$0x0] =	vst v1;
	s20 =	sadd.s32 $0x10, s20  }
0x30c: {  	[tilespmem:s20+$0x0] =	vst v2  }
0x30d: {  	_ =	swait.ge [sflag:s18], $0x4000  }
0x30e: {  	s31 =	simm.s32 $0x3EB8;
	[sflag:s18] =	ssyncset.done $0x0  }
0x30f: {  	s21 =	smov.u32 s11;
	s20 =	simm.s32 $0xFFFFFFE0;
	[sflag:s18] =	ssyncadd.s32 $0xFFFFC000  }
0x310: {  	[hbm4b:s11+s3] =	stream.linear.scatter [tilespmem:s31], [sflag:$0x1], $0x800, $0x38;
	[tilespmem:$0x78C0] =	vst v63  }
.LBB2_28:
0x311: {  	p0 =	sne.s32 s20, $0xFFFFF820  }
.Ltmp13:
0x312: {  	_ = 	snop;
	(pc) =	sbr.rel @p0 .LBB2_28-.Ltmp13, $4  }
0x313: {  	_ = 	snop  }
0x314: {  	s22 =	sshra.s32 s20, $0x2;
	s20 =	sadd.s32 $0xFFFFFFE0, s20  }
0x315: {  	s21 =	sadd.s32 $0x800, s21;
	s22 =	sadd.s32 $0x3EB8, s22  }
0x316: {  	[hbm4b:s21+s3] =	stream.linear.scatter [tilespmem:s22], [sflag:$0x1], $0x800, $0x38;
	[tilespmem:$0x78C0] =	vst v63  }
0x317: {  	v2 =	vimm.s32 $0x72  }
0x318: {  	v3 =	vimm.s32 $0x73  }
0x319: {  	v4 =	vimm.s32 $0x74  }
0x31a: {  	v5 =	vimm.s32 $0x76  }
0x31b: {  	s20 =	simm.s32 $0x0;
	v7 =	vimm.s32 $0x77  }
0x31c: {  	v1 =	vimm.s32 $0x71;
	v2 =	vld.idx.msk [tilespmem:v2+s20+$0x0], $0xffff  }
0x31d: {  	v6 =	vimm.s32 $0x75;
	v3 =	vld.idx.msk [tilespmem:v3+s20+$0x0], $0xffff  }
0x31e: {  	v4 =	vld.idx.msk [tilespmem:v4+s20+$0x0], $0xffff  }
0x31f: {  	v8 =	vimm.s32 $0x78;
	v5 =	vld.idx.msk [tilespmem:v5+s20+$0x0], $0xffff  }
0x320: {  	v7 =	vld.idx.msk [tilespmem:v7+s20+$0x0], $0xffff  }
0x321: {  	v1 =	vld.idx.msk [tilespmem:v1+s20+$0x0], $0xffff  }
0x322: {  	v6 =	vld.idx.msk [tilespmem:v6+s20+$0x0], $0xffff  }
0x323: {  	v59 =	vadd.f32 v3, v0;
	v3 =	vadd.f32 v4, v0;
	v4 =	vimm.s32 $0x79  }
0x324: {  	s21 =	scvt.s32.f32 s20;
	v8 =	vld.idx.msk [tilespmem:v8+s20+$0x0], $0xffff;
	v60 =	vadd.f32 v2, v0;
	v2 =	vand.u32 $0x7FFFFFFF, v5  }
0x325: {  	v62 =	vsub.f32 $0.0e+00, v2;
	v2 =	vand.u32 $0x7FFFFFFF, v7;
	v7 =	vimm.s32 $0x7A  }
0x326: {  	v9 =	vadd.f32 s21, v16;
	v1 =	vadd.f32 v1, v0  }
0x327: {  	v58 =	vadd.f32 v6, v0  }
0x328: {  	v5 =	vadd.f32 v9, v1;
	v6 =	vadd.f32 v9, v60;
	v4 =	vld.idx.msk [tilespmem:v4+s20+$0x0], $0xffff  }
0x329: {  	v61 =	vsub.f32 $0.0e+00, v2;
	v2 =	vand.u32 $0x7FFFFFFF, v8;
	v8 =	vadd.f32 v9, v59  }
0x32a: {  	v5 =	vmul.f32 v5, v5;
	v6 =	vmul.f32 v6, v6;
	v7 =	vld.idx.msk [tilespmem:v7+s20+$0x0], $0xffff  }
0x32b: {  	v63 =	vsub.f32 $0.0e+00, v2;
	v8 =	vmul.f32 v8, v8  }
0x32c: {  	v5 =	vmul.f32 v5, v62;
	v6 =	vmul.f32 v6, v61  }
0x32d: {  	v10 =	vmul.f32 v8, v63;
	v2 =	vand.u32 $0x7FFFFFFF, v4;
	v4 =	vadd.f32 v9, v3  }
0x32e: {  	v5 =	vmul.f32 $1.442695020e+00, v5;
	v6 =	vmul.f32 $1.442695020e+00, v6;
	v9 =	vadd.f32 v9, v58  }
0x32f: {  	v2 =	vsub.f32 $0.0e+00, v2;
	v7 =	vand.u32 $0x7FFFFFFF, v7;
	v4 =	vmul.f32 v4, v4  }
0x330: {  	s28 =	simm.s32 $0x10;
	(erf) = vpow2.f32 v5;
	v8 =	vsub.f32 $0.0e+00, v7;
	v5 =	vmul.f32 v9, v9  }
0x331: {  	s21 =	scvt.s32.f32 s28;
	(erf) = vpow2.f32 v6;
	v4 =	vmul.f32 v4, v2  }
0x332: {  	v7 =	vmul.f32 $1.442695020e+00, v10;
	v5 =	vmul.f32 v5, v8  }
0x333: {  	v6 =	vadd.f32 s21, v16;
	v9 =	vmul.f32 $1.442695020e+00, v4;
	v4 =	vimm.s32 $0x7B  }
0x334: {  	(erf) = vpow2.f32 v7;
	v12 =	vmul.f32 $1.442695020e+00, v5  }
0x335: {  	v5 =	vimm.s32 $0x7C;
	(erf) = vpow2.f32 v9;
	v9 =	vadd.f32 v6, v60  }
0x336: {  	v7 =	vadd.f32 v6, v58  }
0x337: {  	v10 =	vadd.f32 v6, v1;
	v11 =	vadd.f32 v6, v3;
	v9 =	vmul.f32 v9, v9  }
0x338: {  	v13 =	vmul.f32 v7, v7;
	v7 =	vadd.f32 v6, v59;
	v6 =	vimm.s32 $0x7D;
	v4 =	vld.idx.msk [tilespmem:v4+s20+$0x0], $0xffff  }
0x339: {  	v10 =	vmul.f32 v10, v10;
	v14 =	vmul.f32 v9, v61;
	v9 =	vimm.s32 $0x7E  }
0x33a: {  	v7 =	vmul.f32 v7, v7;
	v5 =	vld.idx.msk [tilespmem:v5+s20+$0x0], $0xffff  }
0x33b: {  	v11 =	vmul.f32 v11, v11;
	v10 =	vmul.f32 v10, v62  }
0x33c: {  	(erf) = vpow2.f32 v12;
	v12 =	vpop (erf);
	v17 =	vmul.f32 v7, v63;
	v7 =	vimm.s32 $0x7F  }
0x33d: {  	s29 =	simm.s32 $0x20;
	v10 =	vmul.f32 $1.442695020e+00, v10;
	v6 =	vld.idx.msk [tilespmem:v6+s20+$0x0], $0xffff;
	v12 =	vmul.f32 v12, v4  }
0x33e: {  	s21 =	scvt.s32.f32 s29;
	v15 =	vpop (erf);
	v9 =	vld.idx.msk [tilespmem:v9+s20+$0x0], $0xffff  }
0x33f: {  	v11 =	vmul.f32 v11, v2;
	v15 =	vmul.f32 v15, v5;
	v12 =	vadd.f32 $0.0e+00, v12  }
0x340: {  	v18 =	vadd.f32 s21, v16;
	(erf) = vpow2.f32 v10;
	v14 =	vmul.f32 $1.442695020e+00, v14  }
0x341: {  	v13 =	vmul.f32 v13, v8;
	v10 =	vpop (erf);
	v7 =	vld.idx.msk [tilespmem:v7+s20+$0x0], $0xffff;
	v12 =	vadd.f32 v12, v15;
	v15 =	vmul.f32 $1.442695020e+00, v17  }
0x342: {  	(erf) = vpow2.f32 v14;
	v10 =	vmul.f32 v10, v6;
	v17 =	vpop (erf)  }
0x343: {  	(erf) = vpow2.f32 v15;
	v15 =	vmul.f32 v17, v9;
	v17 =	vadd.f32 v18, v1  }
0x344: {  	v12 =	vadd.f32 v12, v10;
	v10 =	vmul.f32 $1.442695020e+00, v11  }
0x345: {  	v13 =	vmul.f32 $1.442695020e+00, v13;
	v11 =	vpop (erf);
	v17 =	vmul.f32 v17, v17  }
0x346: {  	v14 =	vadd.f32 v18, v58;
	v11 =	vmul.f32 v11, v7;
	(erf) = vpow2.f32 v10  }
0x347: {  	v20 =	vadd.f32 v18, v60;
	(erf) = vpow2.f32 v13;
	v13 =	vmul.f32 v17, v62  }
0x348: {  	v19 =	vadd.f32 v18, v3;
	v10 =	vmul.f32 v14, v14;
	v14 =	vadd.f32 v18, v59  }
0x349: {  	v12 =	vadd.f32 v12, v15;
	v15 =	vmul.f32 v20, v20;
	v17 =	vpop (erf);
	v13 =	vmul.f32 $1.442695020e+00, v13  }
0x34a: {  	s30 =	simm.s32 $0x30;
	v14 =	vmul.f32 v14, v14;
	v17 =	vmul.f32 v17, v4  }
0x34b: {  	s31 =	scvt.s32.f32 s30;
	v18 =	vmul.f32 v19, v19;
	v12 =	vadd.f32 v12, v11;
	v15 =	vmul.f32 v15, v61;
	v11 =	vpop (erf)  }
0x34c: {  	v14 =	vmul.f32 v14, v63;
	v20 =	vmul.f32 v11, v5;
	v19 =	vadd.f32 $0.0e+00, v17  }
0x34d: {  	s20 =	simm.s32 $0x46C0;
	v11 =	vadd.f32 s31, v16;
	(erf) = vpow2.f32 v13;
	v17 =	vmul.f32 $1.442695020e+00, v15;
	v13 =	vpop (erf)  }
0x34e: {  	s21 =	simm.s32 $0x40;
	[tilespmem:s20+$0x0] =	vst v12;
	v15 =	vmul.f32 v18, v2;
	v12 =	vadd.f32 v19, v20;
	v13 =	vmul.f32 v13, v6  }
.LBB2_30:
0x34f: {  	p0 =	sne.s32 s21, $0x9F0;
	v18 =	vadd.f32 v11, v58;
	v19 =	vmul.f32 $1.442695020e+00, v14;
	(erf) = vpow2.f32 v17;
	v17 =	vpop (erf)  }
0x350: {  	v10 =	vmul.f32 v10, v8;
	v12 =	vadd.f32 v12, v13;
	v13 =	vmul.f32 v17, v9  }
0x351: {  	v17 =	vadd.f32 v11, v3;
	v15 =	vmul.f32 $1.442695020e+00, v15;
	(erf) = vpow2.f32 v19;
	v14 =	vpop (erf)  }
0x352: {  	v19 =	vadd.f32 v11, v1;
	v12 =	vadd.f32 v12, v13;
	v13 =	vmul.f32 v14, v7  }
0x353: {  	v20 =	vmul.f32 $1.442695020e+00, v10;
	v14 =	vadd.f32 v11, v60;
	(erf) = vpow2.f32 v15  }
0x354: {  	v10 =	vmul.f32 v18, v18;
	v15 =	vmul.f32 v19, v19;
	v12 =	vadd.f32 v12, v13  }
0x355: {  	s20 =	sadd.s32 $0x10, s20;
	v11 =	vadd.f32 v11, v59;
	v13 =	vmul.f32 v17, v17;
	(erf) = vpow2.f32 v20  }
0x356: {  	v14 =	vmul.f32 v14, v14;
	v15 =	vmul.f32 v15, v62;
	v17 =	vpop (erf);
	[tilespmem:s20+$0x0] =	vst v12  }
.Ltmp14:
0x357: {  	v11 =	vmul.f32 v11, v11;
	v12 =	vmul.f32 v17, v4;
	(pc) =	sbr.rel @p0 .LBB2_30-.Ltmp14, $4  }
0x358: {  	s22 =	scvt.s32.f32 s21;
	v15 =	vmul.f32 $1.442695020e+00, v15;
	v17 =	vmul.f32 v14, v61;
	v18 =	vpop (erf)  }
0x359: {  	v14 =	vmul.f32 v11, v63;
	v12 =	vadd.f32 $0.0e+00, v12;
	v18 =	vmul.f32 v18, v5  }
0x35a: {  	v11 =	vadd.f32 s22, v16;
	v17 =	vmul.f32 $1.442695020e+00, v17;
	(erf) = vpow2.f32 v15;
	v19 =	vpop (erf)  }
0x35b: {  	s21 =	sadd.s32 $0x10, s21;
	v15 =	vmul.f32 v13, v2;
	v12 =	vadd.f32 v12, v18;
	v13 =	vmul.f32 v19, v6  }
0x35c: {  	v14 =	vmul.f32 $1.442695020e+00, v14;
	(erf) = vpow2.f32 v17;
	v1 =	vadd.f32 v11, v1  }
0x35d: {  	v10 =	vmul.f32 v10, v8;
	v60 =	vadd.f32 v11, v60;
	v15 =	vmul.f32 $1.442695020e+00, v15  }
0x35e: {  	(erf) = vpow2.f32 v14;
	v1 =	vmul.f32 v1, v1  }
0x35f: {  	v3 =	vadd.f32 v11, v3;
	v10 =	vmul.f32 $1.442695020e+00, v10;
	v14 =	vmul.f32 v60, v60  }
0x360: {  	(erf) = vpow2.f32 v15;
	v15 =	vadd.f32 v11, v59;
	v1 =	vmul.f32 v1, v62  }
0x361: {  	v3 =	vmul.f32 v3, v3;
	v14 =	vmul.f32 v14, v61  }
0x362: {  	v15 =	vmul.f32 v15, v15;
	v1 =	vmul.f32 $1.442695020e+00, v1  }
0x363: {  	v60 =	vadd.f32 v11, v58;
	(erf) = vpow2.f32 v10;
	v14 =	vmul.f32 $1.442695020e+00, v14  }
0x364: {  	v61 =	vmul.f32 v15, v63;
	(erf) = vpow2.f32 v1  }
0x365: {  	v2 =	vmul.f32 v3, v2;
	v1 =	vmul.f32 v60, v60  }
0x366: {  	v3 =	vpop (erf);
	v10 =	vmul.f32 $1.442695020e+00, v61;
	(erf) = vpow2.f32 v14  }
0x367: {  	v2 =	vmul.f32 $1.442695020e+00, v2;
	v11 =	vpop (erf)  }
0x368: {  	v62 =	vpop (erf);
	v1 =	vmul.f32 v1, v8;
	(erf) = vpow2.f32 v10  }
0x369: {  	v63 =	vpop (erf)  }
0x36a: {  	v58 =	vpop (erf);
	v1 =	vmul.f32 $1.442695020e+00, v1;
	(erf) = vpow2.f32 v2  }
0x36b: {  	v2 =	vpop (erf)  }
0x36c: {  	v15 =	vpop (erf);
	(erf) = vpow2.f32 v1  }
0x36d: {  	v1 =	vmul.f32 v62, v4;
	v59 =	vpop (erf)  }
0x36e: {  	v60 =	vmul.f32 v59, v4  }
0x36f: {  	v61 =	vmul.f32 v63, v5;
	v1 =	vadd.f32 $0.0e+00, v1;
	v62 =	vpop (erf)  }
0x370: {  	v12 =	vadd.f32 v12, v13;
	v63 =	vmul.f32 v62, v5;
	v4 =	vadd.f32 $0.0e+00, v60  }
0x371: {  	v3 =	vmul.f32 v3, v9;
	v13 =	vmul.f32 v58, v6;
	v1 =	vadd.f32 v1, v61;
	v14 =	vpop (erf)  }
0x372: {  	v58 =	vmul.f32 v14, v6;
	v4 =	vadd.f32 v4, v63  }
0x373: {  	v3 =	vadd.f32 v12, v3;
	v2 =	vmul.f32 v2, v9;
	v1 =	vadd.f32 v1, v13;
	v59 =	vpop (erf)  }
0x374: {  	v60 =	vmul.f32 v11, v7;
	v61 =	vmul.f32 v59, v9;
	v4 =	vadd.f32 v4, v58  }
0x375: {  	v1 =	vadd.f32 v1, v2;
	v2 =	vmul.f32 v15, v7;
	v62 =	vpop (erf)  }
0x376: {  	v3 =	vadd.f32 v3, v60;
	v63 =	vmul.f32 v62, v7;
	v4 =	vadd.f32 v4, v61  }
0x377: {  	s20 =	sadd.s32 $0x10, s20;
	v1 =	vadd.f32 v1, v2  }
0x378: {  	[tilespmem:s20+$0x0] =	vst v3;
	s20 =	sadd.s32 $0x10, s20;
	v2 =	vadd.f32 v4, v63  }
0x379: {  	[tilespmem:s20+$0x0] =	vst v1;
	s20 =	sadd.s32 $0x10, s20  }
0x37a: {  	[tilespmem:s20+$0x0] =	vst v2  }
0x37b: {  	_ =	swait.ge [sflag:s18], $0x4000  }
0x37c: {  	s31 =	simm.s32 $0x48B8;
	[sflag:s18] =	ssyncset.done $0x0  }
0x37d: {  	s21 =	smov.u32 s12;
	s20 =	simm.s32 $0xFFFFFFE0;
	[sflag:s18] =	ssyncadd.s32 $0xFFFFC000  }
0x37e: {  	[hbm4b:s12+s3] =	stream.linear.scatter [tilespmem:s31], [sflag:$0x1], $0x800, $0x38;
	[tilespmem:$0x78C0] =	vst v63  }
.LBB2_32:
0x37f: {  	p0 =	sne.s32 s20, $0xFFFFF820  }
.Ltmp15:
0x380: {  	_ = 	snop;
	(pc) =	sbr.rel @p0 .LBB2_32-.Ltmp15, $4  }
0x381: {  	_ = 	snop  }
0x382: {  	s22 =	sshra.s32 s20, $0x2;
	s20 =	sadd.s32 $0xFFFFFFE0, s20  }
0x383: {  	s21 =	sadd.s32 $0x800, s21;
	s22 =	sadd.s32 $0x48B8, s22  }
0x384: {  	[hbm4b:s21+s3] =	stream.linear.scatter [tilespmem:s22], [sflag:$0x1], $0x800, $0x38;
	[tilespmem:$0x78C0] =	vst v63  }
0x385: {  	v2 =	vimm.s32 $0x82  }
0x386: {  	v3 =	vimm.s32 $0x83  }
0x387: {  	v4 =	vimm.s32 $0x84  }
0x388: {  	v5 =	vimm.s32 $0x86  }
0x389: {  	s20 =	simm.s32 $0x0;
	v7 =	vimm.s32 $0x87  }
0x38a: {  	v1 =	vimm.s32 $0x81;
	v2 =	vld.idx.msk [tilespmem:v2+s20+$0x0], $0xffff  }
0x38b: {  	v6 =	vimm.s32 $0x85;
	v3 =	vld.idx.msk [tilespmem:v3+s20+$0x0], $0xffff  }
0x38c: {  	v4 =	vld.idx.msk [tilespmem:v4+s20+$0x0], $0xffff  }
0x38d: {  	v8 =	vimm.s32 $0x88;
	v5 =	vld.idx.msk [tilespmem:v5+s20+$0x0], $0xffff  }
0x38e: {  	v7 =	vld.idx.msk [tilespmem:v7+s20+$0x0], $0xffff  }
0x38f: {  	v1 =	vld.idx.msk [tilespmem:v1+s20+$0x0], $0xffff  }
0x390: {  	v6 =	vld.idx.msk [tilespmem:v6+s20+$0x0], $0xffff  }
0x391: {  	v59 =	vadd.f32 v3, v0;
	v3 =	vadd.f32 v4, v0;
	v4 =	vimm.s32 $0x89  }
0x392: {  	s21 =	scvt.s32.f32 s20;
	v8 =	vld.idx.msk [tilespmem:v8+s20+$0x0], $0xffff;
	v60 =	vadd.f32 v2, v0;
	v2 =	vand.u32 $0x7FFFFFFF, v5  }
0x393: {  	v62 =	vsub.f32 $0.0e+00, v2;
	v2 =	vand.u32 $0x7FFFFFFF, v7;
	v7 =	vimm.s32 $0x8A  }
0x394: {  	v9 =	vadd.f32 s21, v16;
	v1 =	vadd.f32 v1, v0  }
0x395: {  	v58 =	vadd.f32 v6, v0  }
0x396: {  	v5 =	vadd.f32 v9, v1;
	v6 =	vadd.f32 v9, v60;
	v4 =	vld.idx.msk [tilespmem:v4+s20+$0x0], $0xffff  }
0x397: {  	v61 =	vsub.f32 $0.0e+00, v2;
	v2 =	vand.u32 $0x7FFFFFFF, v8;
	v8 =	vadd.f32 v9, v59  }
0x398: {  	v5 =	vmul.f32 v5, v5;
	v6 =	vmul.f32 v6, v6;
	v7 =	vld.idx.msk [tilespmem:v7+s20+$0x0], $0xffff  }
0x399: {  	v63 =	vsub.f32 $0.0e+00, v2;
	v8 =	vmul.f32 v8, v8  }
0x39a: {  	v5 =	vmul.f32 v5, v62;
	v6 =	vmul.f32 v6, v61  }
0x39b: {  	v10 =	vmul.f32 v8, v63;
	v2 =	vand.u32 $0x7FFFFFFF, v4;
	v4 =	vadd.f32 v9, v3  }
0x39c: {  	v5 =	vmul.f32 $1.442695020e+00, v5;
	v6 =	vmul.f32 $1.442695020e+00, v6;
	v9 =	vadd.f32 v9, v58  }
0x39d: {  	v2 =	vsub.f32 $0.0e+00, v2;
	v7 =	vand.u32 $0x7FFFFFFF, v7;
	v4 =	vmul.f32 v4, v4  }
0x39e: {  	s28 =	simm.s32 $0x10;
	(erf) = vpow2.f32 v5;
	v8 =	vsub.f32 $0.0e+00, v7;
	v5 =	vmul.f32 v9, v9  }
0x39f: {  	s21 =	scvt.s32.f32 s28;
	(erf) = vpow2.f32 v6;
	v4 =	vmul.f32 v4, v2  }
0x3a0: {  	v7 =	vmul.f32 $1.442695020e+00, v10;
	v5 =	vmul.f32 v5, v8  }
0x3a1: {  	v6 =	vadd.f32 s21, v16;
	v9 =	vmul.f32 $1.442695020e+00, v4;
	v4 =	vimm.s32 $0x8B  }
0x3a2: {  	(erf) = vpow2.f32 v7;
	v12 =	vmul.f32 $1.442695020e+00, v5  }
0x3a3: {  	v5 =	vimm.s32 $0x8C;
	(erf) = vpow2.f32 v9;
	v9 =	vadd.f32 v6, v60  }
0x3a4: {  	v7 =	vadd.f32 v6, v58  }
0x3a5: {  	v10 =	vadd.f32 v6, v1;
	v11 =	vadd.f32 v6, v3;
	v9 =	vmul.f32 v9, v9  }
0x3a6: {  	v13 =	vmul.f32 v7, v7;
	v7 =	vadd.f32 v6, v59;
	v6 =	vimm.s32 $0x8D;
	v4 =	vld.idx.msk [tilespmem:v4+s20+$0x0], $0xffff  }
0x3a7: {  	v10 =	vmul.f32 v10, v10;
	v14 =	vmul.f32 v9, v61;
	v9 =	vimm.s32 $0x8E  }
0x3a8: {  	v7 =	vmul.f32 v7, v7;
	v5 =	vld.idx.msk [tilespmem:v5+s20+$0x0], $0xffff  }
0x3a9: {  	v11 =	vmul.f32 v11, v11;
	v10 =	vmul.f32 v10, v62  }
0x3aa: {  	(erf) = vpow2.f32 v12;
	v12 =	vpop (erf);
	v17 =	vmul.f32 v7, v63;
	v7 =	vimm.s32 $0x8F  }
0x3ab: {  	s29 =	simm.s32 $0x20;
	v10 =	vmul.f32 $1.442695020e+00, v10;
	v6 =	vld.idx.msk [tilespmem:v6+s20+$0x0], $0xffff;
	v12 =	vmul.f32 v12, v4  }
0x3ac: {  	s21 =	scvt.s32.f32 s29;
	v15 =	vpop (erf);
	v9 =	vld.idx.msk [tilespmem:v9+s20+$0x0], $0xffff  }
0x3ad: {  	v11 =	vmul.f32 v11, v2;
	v15 =	vmul.f32 v15, v5;
	v12 =	vadd.f32 $0.0e+00, v12  }
0x3ae: {  	v18 =	vadd.f32 s21, v16;
	(erf) = vpow2.f32 v10;
	v14 =	vmul.f32 $1.442695020e+00, v14  }
0x3af: {  	v13 =	vmul.f32 v13, v8;
	v10 =	vpop (erf);
	v7 =	vld.idx.msk [tilespmem:v7+s20+$0x0], $0xffff;
	v12 =	vadd.f32 v12, v15;
	v15 =	vmul.f32 $1.442695020e+00, v17  }
0x3b0: {  	(erf) = vpow2.f32 v14;
	v10 =	vmul.f32 v10, v6;
	v17 =	vpop (erf)  }
0x3b1: {  	(erf) = vpow2.f32 v15;
	v15 =	vmul.f32 v17, v9;
	v17 =	vadd.f32 v18, v1  }
0x3b2: {  	v12 =	vadd.f32 v12, v10;
	v10 =	vmul.f32 $1.442695020e+00, v11  }
0x3b3: {  	v13 =	vmul.f32 $1.442695020e+00, v13;
	v11 =	vpop (erf);
	v17 =	vmul.f32 v17, v17  }
0x3b4: {  	v14 =	vadd.f32 v18, v58;
	v11 =	vmul.f32 v11, v7;
	(erf) = vpow2.f32 v10  }
0x3b5: {  	v20 =	vadd.f32 v18, v60;
	(erf) = vpow2.f32 v13;
	v13 =	vmul.f32 v17, v62  }
0x3b6: {  	v19 =	vadd.f32 v18, v3;
	v10 =	vmul.f32 v14, v14;
	v14 =	vadd.f32 v18, v59  }
0x3b7: {  	v12 =	vadd.f32 v12, v15;
	v15 =	vmul.f32 v20, v20;
	v17 =	vpop (erf);
	v13 =	vmul.f32 $1.442695020e+00, v13  }
0x3b8: {  	s30 =	simm.s32 $0x30;
	v14 =	vmul.f32 v14, v14;
	v17 =	vmul.f32 v17, v4  }
0x3b9: {  	s31 =	scvt.s32.f32 s30;
	v18 =	vmul.f32 v19, v19;
	v12 =	vadd.f32 v12, v11;
	v15 =	vmul.f32 v15, v61;
	v11 =	vpop (erf)  }
0x3ba: {  	v14 =	vmul.f32 v14, v63;
	v20 =	vmul.f32 v11, v5;
	v19 =	vadd.f32 $0.0e+00, v17  }
0x3bb: {  	s20 =	simm.s32 $0x50C0;
	v11 =	vadd.f32 s31, v16;
	(erf) = vpow2.f32 v13;
	v17 =	vmul.f32 $1.442695020e+00, v15;
	v13 =	vpop (erf)  }
0x3bc: {  	s21 =	simm.s32 $0x40;
	[tilespmem:s20+$0x0] =	vst v12;
	v15 =	vmul.f32 v18, v2;
	v12 =	vadd.f32 v19, v20;
	v13 =	vmul.f32 v13, v6  }
.LBB2_34:
0x3bd: {  	p0 =	sne.s32 s21, $0x9F0;
	v18 =	vadd.f32 v11, v58;
	v19 =	vmul.f32 $1.442695020e+00, v14;
	(erf) = vpow2.f32 v17;
	v17 =	vpop (erf)  }
0x3be: {  	v10 =	vmul.f32 v10, v8;
	v12 =	vadd.f32 v12, v13;
	v13 =	vmul.f32 v17, v9  }
0x3bf: {  	v17 =	vadd.f32 v11, v3;
	v15 =	vmul.f32 $1.442695020e+00, v15;
	(erf) = vpow2.f32 v19;
	v14 =	vpop (erf)  }
0x3c0: {  	v19 =	vadd.f32 v11, v1;
	v12 =	vadd.f32 v12, v13;
	v13 =	vmul.f32 v14, v7  }
0x3c1: {  	v20 =	vmul.f32 $1.442695020e+00, v10;
	v14 =	vadd.f32 v11, v60;
	(erf) = vpow2.f32 v15  }
0x3c2: {  	v10 =	vmul.f32 v18, v18;
	v15 =	vmul.f32 v19, v19;
	v12 =	vadd.f32 v12, v13  }
0x3c3: {  	s20 =	sadd.s32 $0x10, s20;
	v11 =	vadd.f32 v11, v59;
	v13 =	vmul.f32 v17, v17;
	(erf) = vpow2.f32 v20  }
0x3c4: {  	v14 =	vmul.f32 v14, v14;
	v15 =	vmul.f32 v15, v62;
	v17 =	vpop (erf);
	[tilespmem:s20+$0x0] =	vst v12  }
.Ltmp16:
0x3c5: {  	v11 =	vmul.f32 v11, v11;
	v12 =	vmul.f32 v17, v4;
	(pc) =	sbr.rel @p0 .LBB2_34-.Ltmp16, $4  }
0x3c6: {  	s22 =	scvt.s32.f32 s21;
	v15 =	vmul.f32 $1.442695020e+00, v15;
	v17 =	vmul.f32 v14, v61;
	v18 =	vpop (erf)  }
0x3c7: {  	v14 =	vmul.f32 v11, v63;
	v12 =	vadd.f32 $0.0e+00, v12;
	v18 =	vmul.f32 v18, v5  }
0x3c8: {  	v11 =	vadd.f32 s22, v16;
	v17 =	vmul.f32 $1.442695020e+00, v17;
	(erf) = vpow2.f32 v15;
	v19 =	vpop (erf)  }
0x3c9: {  	s21 =	sadd.s32 $0x10, s21;
	v15 =	vmul.f32 v13, v2;
	v12 =	vadd.f32 v12, v18;
	v13 =	vmul.f32 v19, v6  }
0x3ca: {  	v14 =	vmul.f32 $1.442695020e+00, v14;
	(erf) = vpow2.f32 v17;
	v1 =	vadd.f32 v11, v1  }
0x3cb: {  	v10 =	vmul.f32 v10, v8;
	v60 =	vadd.f32 v11, v60;
	v15 =	vmul.f32 $1.442695020e+00, v15  }
0x3cc: {  	(erf) = vpow2.f32 v14;
	v1 =	vmul.f32 v1, v1  }
0x3cd: {  	v3 =	vadd.f32 v11, v3;
	v10 =	vmul.f32 $1.442695020e+00, v10;
	v14 =	vmul.f32 v60, v60  }
0x3ce: {  	(erf) = vpow2.f32 v15;
	v15 =	vadd.f32 v11, v59;
	v1 =	vmul.f32 v1, v62  }
0x3cf: {  	v3 =	vmul.f32 v3, v3;
	v14 =	vmul.f32 v14, v61  }
0x3d0: {  	v15 =	vmul.f32 v15, v15;
	v1 =	vmul.f32 $1.442695020e+00, v1  }
0x3d1: {  	v60 =	vadd.f32 v11, v58;
	(erf) = vpow2.f32 v10;
	v14 =	vmul.f32 $1.442695020e+00, v14  }
0x3d2: {  	v61 =	vmul.f32 v15, v63;
	(erf) = vpow2.f32 v1  }
0x3d3: {  	v2 =	vmul.f32 v3, v2;
	v1 =	vmul.f32 v60, v60  }
0x3d4: {  	v3 =	vpop (erf);
	v10 =	vmul.f32 $1.442695020e+00, v61;
	(erf) = vpow2.f32 v14  }
0x3d5: {  	v2 =	vmul.f32 $1.442695020e+00, v2;
	v11 =	vpop (erf)  }
0x3d6: {  	v62 =	vpop (erf);
	v1 =	vmul.f32 v1, v8;
	(erf) = vpow2.f32 v10  }
0x3d7: {  	v63 =	vpop (erf)  }
0x3d8: {  	v58 =	vpop (erf);
	v1 =	vmul.f32 $1.442695020e+00, v1;
	(erf) = vpow2.f32 v2  }
0x3d9: {  	v2 =	vpop (erf)  }
0x3da: {  	v15 =	vpop (erf);
	(erf) = vpow2.f32 v1  }
0x3db: {  	v1 =	vmul.f32 v62, v4;
	v59 =	vpop (erf)  }
0x3dc: {  	v60 =	vmul.f32 v59, v4  }
0x3dd: {  	v61 =	vmul.f32 v63, v5;
	v1 =	vadd.f32 $0.0e+00, v1;
	v62 =	vpop (erf)  }
0x3de: {  	v12 =	vadd.f32 v12, v13;
	v63 =	vmul.f32 v62, v5;
	v4 =	vadd.f32 $0.0e+00, v60  }
0x3df: {  	v3 =	vmul.f32 v3, v9;
	v13 =	vmul.f32 v58, v6;
	v1 =	vadd.f32 v1, v61;
	v14 =	vpop (erf)  }
0x3e0: {  	v58 =	vmul.f32 v14, v6;
	v4 =	vadd.f32 v4, v63  }
0x3e1: {  	v3 =	vadd.f32 v12, v3;
	v2 =	vmul.f32 v2, v9;
	v1 =	vadd.f32 v1, v13;
	v59 =	vpop (erf)  }
0x3e2: {  	v60 =	vmul.f32 v11, v7;
	v61 =	vmul.f32 v59, v9;
	v4 =	vadd.f32 v4, v58  }
0x3e3: {  	v1 =	vadd.f32 v1, v2;
	v2 =	vmul.f32 v15, v7;
	v62 =	vpop (erf)  }
0x3e4: {  	v3 =	vadd.f32 v3, v60;
	v63 =	vmul.f32 v62, v7;
	v4 =	vadd.f32 v4, v61  }
0x3e5: {  	s20 =	sadd.s32 $0x10, s20;
	v1 =	vadd.f32 v1, v2  }
0x3e6: {  	[tilespmem:s20+$0x0] =	vst v3;
	s20 =	sadd.s32 $0x10, s20;
	v2 =	vadd.f32 v4, v63  }
0x3e7: {  	[tilespmem:s20+$0x0] =	vst v1;
	s20 =	sadd.s32 $0x10, s20  }
0x3e8: {  	[tilespmem:s20+$0x0] =	vst v2  }
0x3e9: {  	_ =	swait.ge [sflag:s18], $0x4000  }
0x3ea: {  	s31 =	simm.s32 $0x52B8;
	[sflag:s18] =	ssyncset.done $0x0  }
0x3eb: {  	s21 =	smov.u32 s13;
	s20 =	simm.s32 $0xFFFFFFE0;
	[sflag:s18] =	ssyncadd.s32 $0xFFFFC000  }
0x3ec: {  	[hbm4b:s13+s3] =	stream.linear.scatter [tilespmem:s31], [sflag:$0x1], $0x800, $0x38;
	[tilespmem:$0x78C0] =	vst v63  }
.LBB2_36:
0x3ed: {  	p0 =	sne.s32 s20, $0xFFFFF820  }
.Ltmp17:
0x3ee: {  	_ = 	snop;
	(pc) =	sbr.rel @p0 .LBB2_36-.Ltmp17, $4  }
0x3ef: {  	_ = 	snop  }
0x3f0: {  	s22 =	sshra.s32 s20, $0x2;
	s20 =	sadd.s32 $0xFFFFFFE0, s20  }
0x3f1: {  	s21 =	sadd.s32 $0x800, s21;
	s22 =	sadd.s32 $0x52B8, s22  }
0x3f2: {  	[hbm4b:s21+s3] =	stream.linear.scatter [tilespmem:s22], [sflag:$0x1], $0x800, $0x38;
	[tilespmem:$0x78C0] =	vst v63  }
0x3f3: {  	v1 =	vimm.s32 $0x91  }
0x3f4: {  	v3 =	vimm.s32 $0x93  }
0x3f5: {  	v4 =	vimm.s32 $0x94  }
0x3f6: {  	v2 =	vimm.s32 $0x92  }
0x3f7: {  	s20 =	simm.s32 $0x0;
	v5 =	vimm.s32 $0x96  }
0x3f8: {  	v6 =	vimm.s32 $0x95;
	v1 =	vld.idx.msk [tilespmem:v1+s20+$0x0], $0xffff  }
0x3f9: {  	v7 =	vimm.s32 $0x97;
	v3 =	vld.idx.msk [tilespmem:v3+s20+$0x0], $0xffff  }
0x3fa: {  	v8 =	vimm.s32 $0x98;
	v4 =	vld.idx.msk [tilespmem:v4+s20+$0x0], $0xffff  }
0x3fb: {  	v2 =	vld.idx.msk [tilespmem:v2+s20+$0x0], $0xffff  }
0x3fc: {  	v5 =	vld.idx.msk [tilespmem:v5+s20+$0x0], $0xffff  }
0x3fd: {  	v6 =	vld.idx.msk [tilespmem:v6+s20+$0x0], $0xffff  }
0x3fe: {  	s21 =	scvt.s32.f32 s20;
	v7 =	vld.idx.msk [tilespmem:v7+s20+$0x0], $0xffff  }
0x3ff: {  	v8 =	vld.idx.msk [tilespmem:v8+s20+$0x0], $0xffff;
	v59 =	vadd.f32 v3, v0;
	v3 =	vadd.f32 v4, v0;
	v4 =	vimm.s32 $0x99  }
0x400: {  	v9 =	vadd.f32 s21, v16  }
0x401: {  	v1 =	vadd.f32 v1, v0;
	v60 =	vadd.f32 v2, v0;
	v2 =	vand.u32 $0x7FFFFFFF, v5  }
0x402: {  	v58 =	vadd.f32 v6, v0;
	v62 =	vsub.f32 $0.0e+00, v2  }
0x403: {  	v2 =	vand.u32 $0x7FFFFFFF, v7;
	v7 =	vld.idx.msk [tilespmem:v22+s20+$0x0], $0xffff;
	v5 =	vadd.f32 v9, v1;
	v6 =	vadd.f32 v9, v60  }
0x404: {  	v61 =	vsub.f32 $0.0e+00, v2;
	v2 =	vand.u32 $0x7FFFFFFF, v8;
	v8 =	vadd.f32 v9, v59;
	v4 =	vld.idx.msk [tilespmem:v4+s20+$0x0], $0xffff  }
0x405: {  	v5 =	vmul.f32 v5, v5  }
0x406: {  	v63 =	vsub.f32 $0.0e+00, v2;
	v6 =	vmul.f32 v6, v6;
	v8 =	vmul.f32 v8, v8  }
0x407: {  	v5 =	vmul.f32 v5, v62  }
0x408: {  	v6 =	vmul.f32 v6, v61;
	v10 =	vmul.f32 v8, v63;
	v7 =	vand.u32 $0x7FFFFFFF, v7  }
0x409: {  	s28 =	simm.s32 $0x10;
	v5 =	vmul.f32 $1.442695020e+00, v5;
	v2 =	vand.u32 $0x7FFFFFFF, v4;
	v4 =	vadd.f32 v9, v3  }
0x40a: {  	s21 =	scvt.s32.f32 s28;
	v8 =	vsub.f32 $0.0e+00, v7;
	v6 =	vmul.f32 $1.442695020e+00, v6;
	v9 =	vadd.f32 v9, v58  }
0x40b: {  	(erf) = vpow2.f32 v5;
	v2 =	vsub.f32 $0.0e+00, v2;
	v4 =	vmul.f32 v4, v4  }
0x40c: {  	(erf) = vpow2.f32 v6;
	v6 =	vadd.f32 s21, v16;
	v5 =	vmul.f32 v9, v9  }
0x40d: {  	v7 =	vmul.f32 $1.442695020e+00, v10;
	v4 =	vmul.f32 v4, v2  }
0x40e: {  	v10 =	vadd.f32 v6, v1;
	v5 =	vmul.f32 v5, v8  }
0x40f: {  	(erf) = vpow2.f32 v7;
	v7 =	vadd.f32 v6, v58;
	v9 =	vmul.f32 $1.442695020e+00, v4  }
0x410: {  	v11 =	vadd.f32 v6, v3;
	v10 =	vmul.f32 v10, v10;
	v4 =	vld.idx.msk [tilespmem:v23+s20+$0x0], $0xffff;
	v12 =	vmul.f32 $1.442695020e+00, v5  }
0x411: {  	v13 =	vmul.f32 v7, v7;
	v7 =	vadd.f32 v6, v59;
	(erf) = vpow2.f32 v9  }
0x412: {  	v11 =	vmul.f32 v11, v11;
	v5 =	vld.idx.msk [tilespmem:v24+s20+$0x0], $0xffff;
	v9 =	vadd.f32 v6, v60  }
0x413: {  	v10 =	vmul.f32 v10, v62;
	v7 =	vmul.f32 v7, v7  }
0x414: {  	(erf) = vpow2.f32 v12;
	v9 =	vmul.f32 v9, v9;
	v12 =	vpop (erf)  }
0x415: {  	s29 =	simm.s32 $0x20;
	v6 =	vld.idx.msk [tilespmem:v25+s20+$0x0], $0xffff;
	v10 =	vmul.f32 $1.442695020e+00, v10;
	v12 =	vmul.f32 v12, v4  }
0x416: {  	s21 =	scvt.s32.f32 s29;
	v17 =	vmul.f32 v7, v63;
	v15 =	vpop (erf);
	v14 =	vmul.f32 v9, v61;
	v9 =	vld.idx.msk [tilespmem:v26+s20+$0x0], $0xffff  }
0x417: {  	v11 =	vmul.f32 v11, v2;
	v15 =	vmul.f32 v15, v5;
	v12 =	vadd.f32 $0.0e+00, v12  }
0x418: {  	v18 =	vadd.f32 s21, v16;
	(erf) = vpow2.f32 v10;
	v14 =	vmul.f32 $1.442695020e+00, v14  }
0x419: {  	v13 =	vmul.f32 v13, v8;
	v7 =	vld.idx.msk [tilespmem:v27+s20+$0x0], $0xffff;
	v10 =	vpop (erf);
	v12 =	vadd.f32 v12, v15;
	v15 =	vmul.f32 $1.442695020e+00, v17  }
0x41a: {  	v10 =	vmul.f32 v10, v6;
	(erf) = vpow2.f32 v14;
	v17 =	vpop (erf)  }
0x41b: {  	(erf) = vpow2.f32 v15;
	v15 =	vmul.f32 v17, v9;
	v17 =	vadd.f32 v18, v1  }
0x41c: {  	v12 =	vadd.f32 v12, v10;
	v10 =	vmul.f32 $1.442695020e+00, v11  }
0x41d: {  	v13 =	vmul.f32 $1.442695020e+00, v13;
	v11 =	vpop (erf);
	v17 =	vmul.f32 v17, v17  }
0x41e: {  	v14 =	vadd.f32 v18, v58;
	v11 =	vmul.f32 v11, v7;
	(erf) = vpow2.f32 v10  }
0x41f: {  	v20 =	vadd.f32 v18, v60;
	(erf) = vpow2.f32 v13;
	v13 =	vmul.f32 v17, v62  }
0x420: {  	v19 =	vadd.f32 v18, v3;
	v10 =	vmul.f32 v14, v14;
	v14 =	vadd.f32 v18, v59  }
0x421: {  	v12 =	vadd.f32 v12, v15;
	v15 =	vmul.f32 v20, v20;
	v17 =	vpop (erf);
	v13 =	vmul.f32 $1.442695020e+00, v13  }
0x422: {  	s30 =	simm.s32 $0x30;
	v14 =	vmul.f32 v14, v14;
	v17 =	vmul.f32 v17, v4  }
0x423: {  	s31 =	scvt.s32.f32 s30;
	v18 =	vmul.f32 v19, v19;
	v12 =	vadd.f32 v12, v11;
	v15 =	vmul.f32 v15, v61;
	v11 =	vpop (erf)  }
0x424: {  	v14 =	vmul.f32 v14, v63;
	v20 =	vmul.f32 v11, v5;
	v19 =	vadd.f32 $0.0e+00, v17  }
0x425: {  	s20 =	simm.s32 $0x5AC0;
	v11 =	vadd.f32 s31, v16;
	(erf) = vpow2.f32 v13;
	v17 =	vmul.f32 $1.442695020e+00, v15;
	v13 =	vpop (erf)  }
0x426: {  	s21 =	simm.s32 $0x40;
	[tilespmem:s20+$0x0] =	vst v12;
	v15 =	vmul.f32 v18, v2;
	v12 =	vadd.f32 v19, v20;
	v13 =	vmul.f32 v13, v6  }
.LBB2_38:
0x427: {  	p0 =	sne.s32 s21, $0x9F0;
	v18 =	vadd.f32 v11, v58;
	v19 =	vmul.f32 $1.442695020e+00, v14;
	(erf) = vpow2.f32 v17;
	v17 =	vpop (erf)  }
0x428: {  	v10 =	vmul.f32 v10, v8;
	v12 =	vadd.f32 v12, v13;
	v13 =	vmul.f32 v17, v9  }
0x429: {  	v17 =	vadd.f32 v11, v3;
	v15 =	vmul.f32 $1.442695020e+00, v15;
	(erf) = vpow2.f32 v19;
	v14 =	vpop (erf)  }
0x42a: {  	v19 =	vadd.f32 v11, v1;
	v12 =	vadd.f32 v12, v13;
	v13 =	vmul.f32 v14, v7  }
0x42b: {  	v20 =	vmul.f32 $1.442695020e+00, v10;
	v14 =	vadd.f32 v11, v60;
	(erf) = vpow2.f32 v15  }
0x42c: {  	v10 =	vmul.f32 v18, v18;
	v15 =	vmul.f32 v19, v19;
	v12 =	vadd.f32 v12, v13  }
0x42d: {  	s20 =	sadd.s32 $0x10, s20;
	v11 =	vadd.f32 v11, v59;
	v13 =	vmul.f32 v17, v17;
	(erf) = vpow2.f32 v20  }
0x42e: {  	v14 =	vmul.f32 v14, v14;
	v15 =	vmul.f32 v15, v62;
	v17 =	vpop (erf);
	[tilespmem:s20+$0x0] =	vst v12  }
.Ltmp18:
0x42f: {  	v11 =	vmul.f32 v11, v11;
	v12 =	vmul.f32 v17, v4;
	(pc) =	sbr.rel @p0 .LBB2_38-.Ltmp18, $4  }
0x430: {  	s22 =	scvt.s32.f32 s21;
	v15 =	vmul.f32 $1.442695020e+00, v15;
	v17 =	vmul.f32 v14, v61;
	v18 =	vpop (erf)  }
0x431: {  	v14 =	vmul.f32 v11, v63;
	v12 =	vadd.f32 $0.0e+00, v12;
	v18 =	vmul.f32 v18, v5  }
0x432: {  	v11 =	vadd.f32 s22, v16;
	v17 =	vmul.f32 $1.442695020e+00, v17;
	(erf) = vpow2.f32 v15;
	v19 =	vpop (erf)  }
0x433: {  	s21 =	sadd.s32 $0x10, s21;
	v15 =	vmul.f32 v13, v2;
	v12 =	vadd.f32 v12, v18;
	v13 =	vmul.f32 v19, v6  }
0x434: {  	v14 =	vmul.f32 $1.442695020e+00, v14;
	(erf) = vpow2.f32 v17;
	v1 =	vadd.f32 v11, v1  }
0x435: {  	v10 =	vmul.f32 v10, v8;
	v60 =	vadd.f32 v11, v60;
	v15 =	vmul.f32 $1.442695020e+00, v15  }
0x436: {  	(erf) = vpow2.f32 v14;
	v1 =	vmul.f32 v1, v1  }
0x437: {  	v3 =	vadd.f32 v11, v3;
	v10 =	vmul.f32 $1.442695020e+00, v10;
	v14 =	vmul.f32 v60, v60  }
0x438: {  	(erf) = vpow2.f32 v15;
	v15 =	vadd.f32 v11, v59;
	v1 =	vmul.f32 v1, v62  }
0x439: {  	v3 =	vmul.f32 v3, v3;
	v14 =	vmul.f32 v14, v61  }
0x43a: {  	v15 =	vmul.f32 v15, v15;
	v1 =	vmul.f32 $1.442695020e+00, v1  }
0x43b: {  	v60 =	vadd.f32 v11, v58;
	(erf) = vpow2.f32 v10;
	v14 =	vmul.f32 $1.442695020e+00, v14  }
0x43c: {  	v61 =	vmul.f32 v15, v63;
	(erf) = vpow2.f32 v1  }
0x43d: {  	v2 =	vmul.f32 v3, v2;
	v1 =	vmul.f32 v60, v60  }
0x43e: {  	v3 =	vpop (erf);
	v10 =	vmul.f32 $1.442695020e+00, v61;
	(erf) = vpow2.f32 v14  }
0x43f: {  	v2 =	vmul.f32 $1.442695020e+00, v2;
	v11 =	vpop (erf)  }
0x440: {  	v62 =	vpop (erf);
	v1 =	vmul.f32 v1, v8;
	(erf) = vpow2.f32 v10  }
0x441: {  	v63 =	vpop (erf)  }
0x442: {  	v58 =	vpop (erf);
	v1 =	vmul.f32 $1.442695020e+00, v1;
	(erf) = vpow2.f32 v2  }
0x443: {  	v2 =	vpop (erf)  }
0x444: {  	v15 =	vpop (erf);
	(erf) = vpow2.f32 v1  }
0x445: {  	v1 =	vmul.f32 v62, v4;
	v59 =	vpop (erf)  }
0x446: {  	v60 =	vmul.f32 v59, v4  }
0x447: {  	v61 =	vmul.f32 v63, v5;
	v1 =	vadd.f32 $0.0e+00, v1;
	v62 =	vpop (erf)  }
0x448: {  	v12 =	vadd.f32 v12, v13;
	v63 =	vmul.f32 v62, v5;
	v4 =	vadd.f32 $0.0e+00, v60  }
0x449: {  	v3 =	vmul.f32 v3, v9;
	v13 =	vmul.f32 v58, v6;
	v1 =	vadd.f32 v1, v61;
	v14 =	vpop (erf)  }
0x44a: {  	v58 =	vmul.f32 v14, v6;
	v4 =	vadd.f32 v4, v63  }
0x44b: {  	v3 =	vadd.f32 v12, v3;
	v2 =	vmul.f32 v2, v9;
	v1 =	vadd.f32 v1, v13;
	v59 =	vpop (erf)  }
0x44c: {  	v60 =	vmul.f32 v11, v7;
	v61 =	vmul.f32 v59, v9;
	v4 =	vadd.f32 v4, v58  }
0x44d: {  	v1 =	vadd.f32 v1, v2;
	v2 =	vmul.f32 v15, v7;
	v62 =	vpop (erf)  }
0x44e: {  	v3 =	vadd.f32 v3, v60;
	v63 =	vmul.f32 v62, v7;
	v4 =	vadd.f32 v4, v61  }
0x44f: {  	s20 =	sadd.s32 $0x10, s20;
	v1 =	vadd.f32 v1, v2  }
0x450: {  	[tilespmem:s20+$0x0] =	vst v3;
	s20 =	sadd.s32 $0x10, s20;
	v2 =	vadd.f32 v4, v63  }
0x451: {  	[tilespmem:s20+$0x0] =	vst v1;
	s20 =	sadd.s32 $0x10, s20  }
0x452: {  	[tilespmem:s20+$0x0] =	vst v2  }
0x453: {  	_ =	swait.ge [sflag:s18], $0x4000  }
0x454: {  	s31 =	simm.s32 $0x5CB8;
	[sflag:s18] =	ssyncset.done $0x0  }
0x455: {  	s21 =	smov.u32 s14;
	s20 =	simm.s32 $0xFFFFFFE0;
	[sflag:s18] =	ssyncadd.s32 $0xFFFFC000  }
0x456: {  	[hbm4b:s14+s3] =	stream.linear.scatter [tilespmem:s31], [sflag:$0x1], $0x800, $0x38;
	[tilespmem:$0x78C0] =	vst v63  }
.LBB2_40:
0x457: {  	p0 =	sne.s32 s20, $0xFFFFF820  }
.Ltmp19:
0x458: {  	_ = 	snop;
	(pc) =	sbr.rel @p0 .LBB2_40-.Ltmp19, $4  }
0x459: {  	_ = 	snop  }
0x45a: {  	s22 =	sshra.s32 s20, $0x2;
	s20 =	sadd.s32 $0xFFFFFFE0, s20  }
0x45b: {  	s21 =	sadd.s32 $0x800, s21;
	s22 =	sadd.s32 $0x5CB8, s22  }
0x45c: {  	[hbm4b:s21+s3] =	stream.linear.scatter [tilespmem:s22], [sflag:$0x1], $0x800, $0x38;
	[tilespmem:$0x78C0] =	vst v63  }
0x45d: {  	_ =	sdelay $0x2  }
0x45e: {  	s20 =	simm.s32 $0x0  }
0x45f: {  	v1 =	vld.idx.msk [tilespmem:v28+s20+$0x0], $0xffff  }
0x460: {  	v2 =	vld.idx.msk [tilespmem:v29+s20+$0x0], $0xffff  }
0x461: {  	v3 =	vld.idx.msk [tilespmem:v30+s20+$0x0], $0xffff  }
0x462: {  	v4 =	vld.idx.msk [tilespmem:v31+s20+$0x0], $0xffff  }
0x463: {  	v5 =	vld.idx.msk [tilespmem:v33+s20+$0x0], $0xffff  }
0x464: {  	v6 =	vld.idx.msk [tilespmem:v32+s20+$0x0], $0xffff;
	s21 =	scvt.s32.f32 s20  }
0x465: {  	v7 =	vld.idx.msk [tilespmem:v34+s20+$0x0], $0xffff  }
0x466: {  	v8 =	vld.idx.msk [tilespmem:v35+s20+$0x0], $0xffff;
	v9 =	vadd.f32 s21, v16;
	v1 =	vadd.f32 v1, v0  }
0x467: {  	v60 =	vadd.f32 v2, v0;
	v59 =	vadd.f32 v3, v0  }
0x468: {  	v3 =	vadd.f32 v4, v0;
	v2 =	vand.u32 $0x7FFFFFFF, v5;
	v4 =	vld.idx.msk [tilespmem:v36+s20+$0x0], $0xffff;
	v5 =	vadd.f32 v9, v1  }
0x469: {  	v58 =	vadd.f32 v6, v0;
	v62 =	vsub.f32 $0.0e+00, v2  }
0x46a: {  	v2 =	vand.u32 $0x7FFFFFFF, v7;
	v6 =	vadd.f32 v9, v60;
	v5 =	vmul.f32 v5, v5  }
0x46b: {  	v7 =	vld.idx.msk [tilespmem:v37+s20+$0x0], $0xffff;
	v61 =	vsub.f32 $0.0e+00, v2;
	v2 =	vand.u32 $0x7FFFFFFF, v8;
	v8 =	vadd.f32 v9, v59  }
0x46c: {  	v63 =	vsub.f32 $0.0e+00, v2;
	v6 =	vmul.f32 v6, v6;
	v5 =	vmul.f32 v5, v62  }
0x46d: {  	v8 =	vmul.f32 v8, v8;
	v2 =	vand.u32 $0x7FFFFFFF, v4;
	v4 =	vadd.f32 v9, v3  }
0x46e: {  	v9 =	vadd.f32 v9, v58;
	v6 =	vmul.f32 v6, v61;
	v5 =	vmul.f32 $1.442695020e+00, v5  }
0x46f: {  	s28 =	simm.s32 $0x10;
	v2 =	vsub.f32 $0.0e+00, v2;
	v10 =	vmul.f32 v8, v63;
	v4 =	vmul.f32 v4, v4  }
0x470: {  	s21 =	scvt.s32.f32 s28;
	v7 =	vand.u32 $0x7FFFFFFF, v7;
	v6 =	vmul.f32 $1.442695020e+00, v6;
	(erf) = vpow2.f32 v5  }
0x471: {  	v8 =	vsub.f32 $0.0e+00, v7;
	v7 =	vmul.f32 $1.442695020e+00, v10;
	v5 =	vmul.f32 v9, v9  }
0x472: {  	v4 =	vmul.f32 v4, v2;
	(erf) = vpow2.f32 v6;
	v6 =	vadd.f32 s21, v16  }
0x473: {  	v5 =	vmul.f32 v5, v8  }
0x474: {  	v9 =	vmul.f32 $1.442695020e+00, v4;
	(erf) = vpow2.f32 v7;
	v10 =	vadd.f32 v6, v1  }
0x475: {  	v4 =	vld.idx.msk [tilespmem:v38+s20+$0x0], $0xffff;
	v7 =	vadd.f32 v6, v58;
	v11 =	vadd.f32 v6, v3;
	v12 =	vmul.f32 $1.442695020e+00, v5  }
0x476: {  	(erf) = vpow2.f32 v9;
	v9 =	vadd.f32 v6, v60;
	v10 =	vmul.f32 v10, v10  }
0x477: {  	v5 =	vld.idx.msk [tilespmem:v39+s20+$0x0], $0xffff;
	v13 =	vmul.f32 v7, v7;
	v7 =	vadd.f32 v6, v59;
	v11 =	vmul.f32 v11, v11  }
0x478: {  	v9 =	vmul.f32 v9, v9;
	v10 =	vmul.f32 v10, v62  }
0x479: {  	(erf) = vpow2.f32 v12;
	v7 =	vmul.f32 v7, v7;
	v12 =	vpop (erf)  }
0x47a: {  	s29 =	simm.s32 $0x20;
	v6 =	vld.idx.msk [tilespmem:v40+s20+$0x0], $0xffff;
	v10 =	vmul.f32 $1.442695020e+00, v10;
	v12 =	vmul.f32 v12, v4  }
0x47b: {  	s21 =	scvt.s32.f32 s29;
	v14 =	vmul.f32 v9, v61;
	v9 =	vld.idx.msk [tilespmem:v41+s20+$0x0], $0xffff;
	v17 =	vmul.f32 v7, v63;
	v15 =	vpop (erf)  }
0x47c: {  	v11 =	vmul.f32 v11, v2;
	v15 =	vmul.f32 v15, v5;
	v12 =	vadd.f32 $0.0e+00, v12  }
0x47d: {  	v18 =	vadd.f32 s21, v16;
	v14 =	vmul.f32 $1.442695020e+00, v14;
	(erf) = vpow2.f32 v10  }
0x47e: {  	v13 =	vmul.f32 v13, v8;
	v7 =	vld.idx.msk [tilespmem:v42+s20+$0x0], $0xffff;
	v10 =	vpop (erf);
	v12 =	vadd.f32 v12, v15;
	v15 =	vmul.f32 $1.442695020e+00, v17  }
0x47f: {  	(erf) = vpow2.f32 v14;
	v10 =	vmul.f32 v10, v6;
	v17 =	vpop (erf)  }
0x480: {  	(erf) = vpow2.f32 v15;
	v15 =	vmul.f32 v17, v9;
	v17 =	vadd.f32 v18, v1  }
0x481: {  	v12 =	vadd.f32 v12, v10;
	v10 =	vmul.f32 $1.442695020e+00, v11  }
0x482: {  	v13 =	vmul.f32 $1.442695020e+00, v13;
	v11 =	vpop (erf);
	v17 =	vmul.f32 v17, v17  }
0x483: {  	v14 =	vadd.f32 v18, v58;
	v11 =	vmul.f32 v11, v7;
	(erf) = vpow2.f32 v10  }
0x484: {  	v20 =	vadd.f32 v18, v60;
	(erf) = vpow2.f32 v13;
	v13 =	vmul.f32 v17, v62  }
0x485: {  	v19 =	vadd.f32 v18, v3;
	v10 =	vmul.f32 v14, v14;
	v14 =	vadd.f32 v18, v59  }
0x486: {  	v12 =	vadd.f32 v12, v15;
	v15 =	vmul.f32 v20, v20;
	v17 =	vpop (erf);
	v13 =	vmul.f32 $1.442695020e+00, v13  }
0x487: {  	s30 =	simm.s32 $0x30;
	v14 =	vmul.f32 v14, v14;
	v17 =	vmul.f32 v17, v4  }
0x488: {  	s31 =	scvt.s32.f32 s30;
	v18 =	vmul.f32 v19, v19;
	v12 =	vadd.f32 v12, v11;
	v15 =	vmul.f32 v15, v61;
	v11 =	vpop (erf)  }
0x489: {  	v14 =	vmul.f32 v14, v63;
	v20 =	vmul.f32 v11, v5;
	v19 =	vadd.f32 $0.0e+00, v17  }
0x48a: {  	s20 =	simm.s32 $0x64C0;
	v11 =	vadd.f32 s31, v16;
	(erf) = vpow2.f32 v13;
	v17 =	vmul.f32 $1.442695020e+00, v15;
	v13 =	vpop (erf)  }
0x48b: {  	s21 =	simm.s32 $0x40;
	[tilespmem:s20+$0x0] =	vst v12;
	v15 =	vmul.f32 v18, v2;
	v12 =	vadd.f32 v19, v20;
	v13 =	vmul.f32 v13, v6  }
.LBB2_42:
0x48c: {  	p0 =	sne.s32 s21, $0x9F0;
	v18 =	vadd.f32 v11, v58;
	v19 =	vmul.f32 $1.442695020e+00, v14;
	(erf) = vpow2.f32 v17;
	v17 =	vpop (erf)  }
0x48d: {  	v10 =	vmul.f32 v10, v8;
	v12 =	vadd.f32 v12, v13;
	v13 =	vmul.f32 v17, v9  }
0x48e: {  	v17 =	vadd.f32 v11, v3;
	v15 =	vmul.f32 $1.442695020e+00, v15;
	(erf) = vpow2.f32 v19;
	v14 =	vpop (erf)  }
0x48f: {  	v19 =	vadd.f32 v11, v1;
	v12 =	vadd.f32 v12, v13;
	v13 =	vmul.f32 v14, v7  }
0x490: {  	v20 =	vmul.f32 $1.442695020e+00, v10;
	v14 =	vadd.f32 v11, v60;
	(erf) = vpow2.f32 v15  }
0x491: {  	v10 =	vmul.f32 v18, v18;
	v15 =	vmul.f32 v19, v19;
	v12 =	vadd.f32 v12, v13  }
0x492: {  	s20 =	sadd.s32 $0x10, s20;
	v11 =	vadd.f32 v11, v59;
	v13 =	vmul.f32 v17, v17;
	(erf) = vpow2.f32 v20  }
0x493: {  	v14 =	vmul.f32 v14, v14;
	v15 =	vmul.f32 v15, v62;
	v17 =	vpop (erf);
	[tilespmem:s20+$0x0] =	vst v12  }
.Ltmp20:
0x494: {  	v11 =	vmul.f32 v11, v11;
	v12 =	vmul.f32 v17, v4;
	(pc) =	sbr.rel @p0 .LBB2_42-.Ltmp20, $4  }
0x495: {  	s22 =	scvt.s32.f32 s21;
	v15 =	vmul.f32 $1.442695020e+00, v15;
	v17 =	vmul.f32 v14, v61;
	v18 =	vpop (erf)  }
0x496: {  	v14 =	vmul.f32 v11, v63;
	v12 =	vadd.f32 $0.0e+00, v12;
	v18 =	vmul.f32 v18, v5  }
0x497: {  	v11 =	vadd.f32 s22, v16;
	v17 =	vmul.f32 $1.442695020e+00, v17;
	(erf) = vpow2.f32 v15;
	v19 =	vpop (erf)  }
0x498: {  	s21 =	sadd.s32 $0x10, s21;
	v15 =	vmul.f32 v13, v2;
	v12 =	vadd.f32 v12, v18;
	v13 =	vmul.f32 v19, v6  }
0x499: {  	v14 =	vmul.f32 $1.442695020e+00, v14;
	(erf) = vpow2.f32 v17;
	v1 =	vadd.f32 v11, v1  }
0x49a: {  	v10 =	vmul.f32 v10, v8;
	v60 =	vadd.f32 v11, v60;
	v15 =	vmul.f32 $1.442695020e+00, v15  }
0x49b: {  	(erf) = vpow2.f32 v14;
	v1 =	vmul.f32 v1, v1  }
0x49c: {  	v3 =	vadd.f32 v11, v3;
	v10 =	vmul.f32 $1.442695020e+00, v10;
	v14 =	vmul.f32 v60, v60  }
0x49d: {  	(erf) = vpow2.f32 v15;
	v15 =	vadd.f32 v11, v59;
	v1 =	vmul.f32 v1, v62  }
0x49e: {  	v3 =	vmul.f32 v3, v3;
	v14 =	vmul.f32 v14, v61  }
0x49f: {  	v15 =	vmul.f32 v15, v15;
	v1 =	vmul.f32 $1.442695020e+00, v1  }
0x4a0: {  	v60 =	vadd.f32 v11, v58;
	(erf) = vpow2.f32 v10;
	v14 =	vmul.f32 $1.442695020e+00, v14  }
0x4a1: {  	v61 =	vmul.f32 v15, v63;
	(erf) = vpow2.f32 v1  }
0x4a2: {  	v2 =	vmul.f32 v3, v2;
	v1 =	vmul.f32 v60, v60  }
0x4a3: {  	v3 =	vpop (erf);
	v10 =	vmul.f32 $1.442695020e+00, v61;
	(erf) = vpow2.f32 v14  }
0x4a4: {  	v2 =	vmul.f32 $1.442695020e+00, v2;
	v11 =	vpop (erf)  }
0x4a5: {  	v62 =	vpop (erf);
	v1 =	vmul.f32 v1, v8;
	(erf) = vpow2.f32 v10  }
0x4a6: {  	v63 =	vpop (erf)  }
0x4a7: {  	v58 =	vpop (erf);
	v1 =	vmul.f32 $1.442695020e+00, v1;
	(erf) = vpow2.f32 v2  }
0x4a8: {  	v2 =	vpop (erf)  }
0x4a9: {  	v15 =	vpop (erf);
	(erf) = vpow2.f32 v1  }
0x4aa: {  	v1 =	vmul.f32 v62, v4;
	v59 =	vpop (erf)  }
0x4ab: {  	v60 =	vmul.f32 v59, v4  }
0x4ac: {  	v61 =	vmul.f32 v63, v5;
	v1 =	vadd.f32 $0.0e+00, v1;
	v62 =	vpop (erf)  }
0x4ad: {  	v12 =	vadd.f32 v12, v13;
	v63 =	vmul.f32 v62, v5;
	v4 =	vadd.f32 $0.0e+00, v60  }
0x4ae: {  	v3 =	vmul.f32 v3, v9;
	v13 =	vmul.f32 v58, v6;
	v1 =	vadd.f32 v1, v61;
	v14 =	vpop (erf)  }
0x4af: {  	v58 =	vmul.f32 v14, v6;
	v4 =	vadd.f32 v4, v63  }
0x4b0: {  	v3 =	vadd.f32 v12, v3;
	v2 =	vmul.f32 v2, v9;
	v1 =	vadd.f32 v1, v13;
	v59 =	vpop (erf)  }
0x4b1: {  	v60 =	vmul.f32 v11, v7;
	v61 =	vmul.f32 v59, v9;
	v4 =	vadd.f32 v4, v58  }
0x4b2: {  	v1 =	vadd.f32 v1, v2;
	v2 =	vmul.f32 v15, v7;
	v62 =	vpop (erf)  }
0x4b3: {  	v3 =	vadd.f32 v3, v60;
	v63 =	vmul.f32 v62, v7;
	v4 =	vadd.f32 v4, v61  }
0x4b4: {  	s20 =	sadd.s32 $0x10, s20;
	v1 =	vadd.f32 v1, v2  }
0x4b5: {  	[tilespmem:s20+$0x0] =	vst v3;
	s20 =	sadd.s32 $0x10, s20;
	v2 =	vadd.f32 v4, v63  }
0x4b6: {  	[tilespmem:s20+$0x0] =	vst v1;
	s20 =	sadd.s32 $0x10, s20  }
0x4b7: {  	[tilespmem:s20+$0x0] =	vst v2  }
0x4b8: {  	_ =	swait.ge [sflag:s18], $0x4000  }
0x4b9: {  	s31 =	simm.s32 $0x66B8;
	[sflag:s18] =	ssyncset.done $0x0  }
0x4ba: {  	s21 =	smov.u32 s15;
	s20 =	simm.s32 $0xFFFFFFE0;
	[sflag:s18] =	ssyncadd.s32 $0xFFFFC000  }
0x4bb: {  	[hbm4b:s15+s3] =	stream.linear.scatter [tilespmem:s31], [sflag:$0x1], $0x800, $0x38;
	[tilespmem:$0x78C0] =	vst v63  }
.LBB2_44:
0x4bc: {  	p0 =	sne.s32 s20, $0xFFFFF820  }
.Ltmp21:
0x4bd: {  	_ = 	snop;
	(pc) =	sbr.rel @p0 .LBB2_44-.Ltmp21, $4  }
0x4be: {  	_ = 	snop  }
0x4bf: {  	s22 =	sshra.s32 s20, $0x2;
	s20 =	sadd.s32 $0xFFFFFFE0, s20  }
0x4c0: {  	s21 =	sadd.s32 $0x800, s21;
	s22 =	sadd.s32 $0x66B8, s22  }
0x4c1: {  	[hbm4b:s21+s3] =	stream.linear.scatter [tilespmem:s22], [sflag:$0x1], $0x800, $0x38;
	[tilespmem:$0x78C0] =	vst v63  }
0x4c2: {  	_ =	sdelay $0x2  }
0x4c3: {  	s20 =	simm.s32 $0x0  }
0x4c4: {  	v1 =	vld.idx.msk [tilespmem:v43+s20+$0x0], $0xffff  }
0x4c5: {  	v2 =	vld.idx.msk [tilespmem:v44+s20+$0x0], $0xffff  }
0x4c6: {  	v3 =	vld.idx.msk [tilespmem:v45+s20+$0x0], $0xffff  }
0x4c7: {  	v4 =	vld.idx.msk [tilespmem:v46+s20+$0x0], $0xffff  }
0x4c8: {  	v5 =	vld.idx.msk [tilespmem:v48+s20+$0x0], $0xffff  }
0x4c9: {  	v6 =	vld.idx.msk [tilespmem:v47+s20+$0x0], $0xffff;
	s21 =	scvt.s32.f32 s20  }
0x4ca: {  	v7 =	vld.idx.msk [tilespmem:v49+s20+$0x0], $0xffff  }
0x4cb: {  	v8 =	vld.idx.msk [tilespmem:v50+s20+$0x0], $0xffff;
	v9 =	vadd.f32 s21, v16;
	v1 =	vadd.f32 v1, v0  }
0x4cc: {  	v60 =	vadd.f32 v2, v0;
	v59 =	vadd.f32 v3, v0  }
0x4cd: {  	v3 =	vadd.f32 v4, v0;
	v2 =	vand.u32 $0x7FFFFFFF, v5;
	v4 =	vld.idx.msk [tilespmem:v51+s20+$0x0], $0xffff;
	v5 =	vadd.f32 v9, v1  }
0x4ce: {  	v58 =	vadd.f32 v6, v0;
	v62 =	vsub.f32 $0.0e+00, v2  }
0x4cf: {  	v2 =	vand.u32 $0x7FFFFFFF, v7;
	v6 =	vadd.f32 v9, v60;
	v5 =	vmul.f32 v5, v5  }
0x4d0: {  	v7 =	vld.idx.msk [tilespmem:v52+s20+$0x0], $0xffff;
	v61 =	vsub.f32 $0.0e+00, v2;
	v2 =	vand.u32 $0x7FFFFFFF, v8;
	v8 =	vadd.f32 v9, v59  }
0x4d1: {  	v63 =	vsub.f32 $0.0e+00, v2;
	v6 =	vmul.f32 v6, v6;
	v5 =	vmul.f32 v5, v62  }
0x4d2: {  	v8 =	vmul.f32 v8, v8;
	v2 =	vand.u32 $0x7FFFFFFF, v4;
	v4 =	vadd.f32 v9, v3  }
0x4d3: {  	v9 =	vadd.f32 v9, v58;
	v6 =	vmul.f32 v6, v61;
	v5 =	vmul.f32 $1.442695020e+00, v5  }
0x4d4: {  	s28 =	simm.s32 $0x10;
	v2 =	vsub.f32 $0.0e+00, v2;
	v10 =	vmul.f32 v8, v63;
	v4 =	vmul.f32 v4, v4  }
0x4d5: {  	s21 =	scvt.s32.f32 s28;
	v7 =	vand.u32 $0x7FFFFFFF, v7;
	v6 =	vmul.f32 $1.442695020e+00, v6;
	(erf) = vpow2.f32 v5  }
0x4d6: {  	v8 =	vsub.f32 $0.0e+00, v7;
	v7 =	vmul.f32 $1.442695020e+00, v10;
	v5 =	vmul.f32 v9, v9  }
0x4d7: {  	v4 =	vmul.f32 v4, v2;
	(erf) = vpow2.f32 v6;
	v6 =	vadd.f32 s21, v16  }
0x4d8: {  	v5 =	vmul.f32 v5, v8  }
0x4d9: {  	v9 =	vmul.f32 $1.442695020e+00, v4;
	(erf) = vpow2.f32 v7;
	v10 =	vadd.f32 v6, v1  }
0x4da: {  	v4 =	vld.idx.msk [tilespmem:v53+s20+$0x0], $0xffff;
	v7 =	vadd.f32 v6, v58;
	v11 =	vadd.f32 v6, v3;
	v12 =	vmul.f32 $1.442695020e+00, v5  }
0x4db: {  	(erf) = vpow2.f32 v9;
	v9 =	vadd.f32 v6, v60;
	v10 =	vmul.f32 v10, v10  }
0x4dc: {  	v5 =	vld.idx.msk [tilespmem:v54+s20+$0x0], $0xffff;
	v13 =	vmul.f32 v7, v7;
	v7 =	vadd.f32 v6, v59;
	v11 =	vmul.f32 v11, v11  }
0x4dd: {  	v9 =	vmul.f32 v9, v9;
	v10 =	vmul.f32 v10, v62  }
0x4de: {  	(erf) = vpow2.f32 v12;
	v7 =	vmul.f32 v7, v7;
	v12 =	vpop (erf)  }
0x4df: {  	s29 =	simm.s32 $0x20;
	v6 =	vld.idx.msk [tilespmem:v55+s20+$0x0], $0xffff;
	v10 =	vmul.f32 $1.442695020e+00, v10;
	v12 =	vmul.f32 v12, v4  }
0x4e0: {  	s21 =	scvt.s32.f32 s29;
	v14 =	vmul.f32 v9, v61;
	v9 =	vld.idx.msk [tilespmem:v56+s20+$0x0], $0xffff;
	v17 =	vmul.f32 v7, v63;
	v15 =	vpop (erf)  }
0x4e1: {  	v11 =	vmul.f32 v11, v2;
	v15 =	vmul.f32 v15, v5;
	v12 =	vadd.f32 $0.0e+00, v12  }
0x4e2: {  	v18 =	vadd.f32 s21, v16;
	v14 =	vmul.f32 $1.442695020e+00, v14;
	(erf) = vpow2.f32 v10  }
0x4e3: {  	v13 =	vmul.f32 v13, v8;
	v7 =	vld.idx.msk [tilespmem:v57+s20+$0x0], $0xffff;
	v10 =	vpop (erf);
	v12 =	vadd.f32 v12, v15;
	v15 =	vmul.f32 $1.442695020e+00, v17  }
0x4e4: {  	(erf) = vpow2.f32 v14;
	v10 =	vmul.f32 v10, v6;
	v17 =	vpop (erf)  }
0x4e5: {  	(erf) = vpow2.f32 v15;
	v15 =	vmul.f32 v17, v9;
	v17 =	vadd.f32 v18, v1  }
0x4e6: {  	v12 =	vadd.f32 v12, v10;
	v10 =	vmul.f32 $1.442695020e+00, v11  }
0x4e7: {  	v13 =	vmul.f32 $1.442695020e+00, v13;
	v11 =	vpop (erf);
	v17 =	vmul.f32 v17, v17  }
0x4e8: {  	v14 =	vadd.f32 v18, v58;
	v11 =	vmul.f32 v11, v7;
	(erf) = vpow2.f32 v10  }
0x4e9: {  	v20 =	vadd.f32 v18, v60;
	(erf) = vpow2.f32 v13;
	v13 =	vmul.f32 v17, v62  }
0x4ea: {  	v19 =	vadd.f32 v18, v3;
	v10 =	vmul.f32 v14, v14;
	v14 =	vadd.f32 v18, v59  }
0x4eb: {  	v12 =	vadd.f32 v12, v15;
	v15 =	vmul.f32 v20, v20;
	v17 =	vpop (erf);
	v13 =	vmul.f32 $1.442695020e+00, v13  }
0x4ec: {  	s30 =	simm.s32 $0x30;
	v14 =	vmul.f32 v14, v14;
	v17 =	vmul.f32 v17, v4  }
0x4ed: {  	s31 =	scvt.s32.f32 s30;
	v18 =	vmul.f32 v19, v19;
	v12 =	vadd.f32 v12, v11;
	v15 =	vmul.f32 v15, v61;
	v11 =	vpop (erf)  }
0x4ee: {  	v14 =	vmul.f32 v14, v63;
	v20 =	vmul.f32 v11, v5;
	v19 =	vadd.f32 $0.0e+00, v17  }
0x4ef: {  	s20 =	simm.s32 $0x6EC0;
	v11 =	vadd.f32 s31, v16;
	(erf) = vpow2.f32 v13;
	v17 =	vmul.f32 $1.442695020e+00, v15;
	v13 =	vpop (erf)  }
0x4f0: {  	s21 =	simm.s32 $0x40;
	[tilespmem:s20+$0x0] =	vst v12;
	v15 =	vmul.f32 v18, v2;
	v12 =	vadd.f32 v19, v20;
	v13 =	vmul.f32 v13, v6  }
.LBB2_46:
0x4f1: {  	p0 =	sne.s32 s21, $0x9F0;
	v18 =	vadd.f32 v11, v58;
	v19 =	vmul.f32 $1.442695020e+00, v14;
	(erf) = vpow2.f32 v17;
	v17 =	vpop (erf)  }
0x4f2: {  	v10 =	vmul.f32 v10, v8;
	v12 =	vadd.f32 v12, v13;
	v13 =	vmul.f32 v17, v9  }
0x4f3: {  	v17 =	vadd.f32 v11, v3;
	v15 =	vmul.f32 $1.442695020e+00, v15;
	(erf) = vpow2.f32 v19;
	v14 =	vpop (erf)  }
0x4f4: {  	v19 =	vadd.f32 v11, v1;
	v12 =	vadd.f32 v12, v13;
	v13 =	vmul.f32 v14, v7  }
0x4f5: {  	v20 =	vmul.f32 $1.442695020e+00, v10;
	v14 =	vadd.f32 v11, v60;
	(erf) = vpow2.f32 v15  }
0x4f6: {  	v10 =	vmul.f32 v18, v18;
	v15 =	vmul.f32 v19, v19;
	v12 =	vadd.f32 v12, v13  }
0x4f7: {  	s20 =	sadd.s32 $0x10, s20;
	v11 =	vadd.f32 v11, v59;
	v13 =	vmul.f32 v17, v17;
	(erf) = vpow2.f32 v20  }
0x4f8: {  	v14 =	vmul.f32 v14, v14;
	v15 =	vmul.f32 v15, v62;
	v17 =	vpop (erf);
	[tilespmem:s20+$0x0] =	vst v12  }
.Ltmp22:
0x4f9: {  	v11 =	vmul.f32 v11, v11;
	v12 =	vmul.f32 v17, v4;
	(pc) =	sbr.rel @p0 .LBB2_46-.Ltmp22, $4  }
0x4fa: {  	s22 =	scvt.s32.f32 s21;
	v15 =	vmul.f32 $1.442695020e+00, v15;
	v17 =	vmul.f32 v14, v61;
	v18 =	vpop (erf)  }
0x4fb: {  	v14 =	vmul.f32 v11, v63;
	v12 =	vadd.f32 $0.0e+00, v12;
	v18 =	vmul.f32 v18, v5  }
0x4fc: {  	v11 =	vadd.f32 s22, v16;
	v17 =	vmul.f32 $1.442695020e+00, v17;
	(erf) = vpow2.f32 v15;
	v19 =	vpop (erf)  }
0x4fd: {  	s21 =	sadd.s32 $0x10, s21;
	v15 =	vmul.f32 v13, v2;
	v12 =	vadd.f32 v12, v18;
	v13 =	vmul.f32 v19, v6  }
0x4fe: {  	v14 =	vmul.f32 $1.442695020e+00, v14;
	(erf) = vpow2.f32 v17;
	v1 =	vadd.f32 v11, v1  }
0x4ff: {  	v10 =	vmul.f32 v10, v8;
	v60 =	vadd.f32 v11, v60;
	v15 =	vmul.f32 $1.442695020e+00, v15  }
0x500: {  	(erf) = vpow2.f32 v14;
	v1 =	vmul.f32 v1, v1  }
0x501: {  	v3 =	vadd.f32 v11, v3;
	v10 =	vmul.f32 $1.442695020e+00, v10;
	v14 =	vmul.f32 v60, v60  }
0x502: {  	(erf) = vpow2.f32 v15;
	v15 =	vadd.f32 v11, v59;
	v1 =	vmul.f32 v1, v62  }
0x503: {  	v3 =	vmul.f32 v3, v3;
	v14 =	vmul.f32 v14, v61  }
0x504: {  	v15 =	vmul.f32 v15, v15;
	v1 =	vmul.f32 $1.442695020e+00, v1  }
0x505: {  	v60 =	vadd.f32 v11, v58;
	(erf) = vpow2.f32 v10;
	v14 =	vmul.f32 $1.442695020e+00, v14  }
0x506: {  	v61 =	vmul.f32 v15, v63;
	(erf) = vpow2.f32 v1  }
0x507: {  	v2 =	vmul.f32 v3, v2;
	v1 =	vmul.f32 v60, v60  }
0x508: {  	v3 =	vpop (erf);
	v10 =	vmul.f32 $1.442695020e+00, v61;
	(erf) = vpow2.f32 v14  }
0x509: {  	v2 =	vmul.f32 $1.442695020e+00, v2;
	v11 =	vpop (erf)  }
0x50a: {  	v62 =	vpop (erf);
	v1 =	vmul.f32 v1, v8;
	(erf) = vpow2.f32 v10  }
0x50b: {  	v63 =	vpop (erf)  }
0x50c: {  	v58 =	vpop (erf);
	v1 =	vmul.f32 $1.442695020e+00, v1;
	(erf) = vpow2.f32 v2  }
0x50d: {  	v2 =	vpop (erf)  }
0x50e: {  	v15 =	vpop (erf);
	(erf) = vpow2.f32 v1  }
0x50f: {  	v1 =	vmul.f32 v62, v4;
	v59 =	vpop (erf)  }
0x510: {  	v60 =	vmul.f32 v59, v4  }
0x511: {  	v61 =	vmul.f32 v63, v5;
	v1 =	vadd.f32 $0.0e+00, v1;
	v62 =	vpop (erf)  }
0x512: {  	v12 =	vadd.f32 v12, v13;
	v63 =	vmul.f32 v62, v5;
	v4 =	vadd.f32 $0.0e+00, v60  }
0x513: {  	v3 =	vmul.f32 v3, v9;
	v13 =	vmul.f32 v58, v6;
	v1 =	vadd.f32 v1, v61;
	v14 =	vpop (erf)  }
0x514: {  	v58 =	vmul.f32 v14, v6;
	v4 =	vadd.f32 v4, v63  }
0x515: {  	v3 =	vadd.f32 v12, v3;
	v2 =	vmul.f32 v2, v9;
	v1 =	vadd.f32 v1, v13;
	v59 =	vpop (erf)  }
0x516: {  	v60 =	vmul.f32 v11, v7;
	v61 =	vmul.f32 v59, v9;
	v4 =	vadd.f32 v4, v58  }
0x517: {  	v1 =	vadd.f32 v1, v2;
	v2 =	vmul.f32 v15, v7;
	v62 =	vpop (erf)  }
0x518: {  	v3 =	vadd.f32 v3, v60;
	v63 =	vmul.f32 v62, v7;
	v4 =	vadd.f32 v4, v61  }
0x519: {  	s20 =	sadd.s32 $0x10, s20;
	v1 =	vadd.f32 v1, v2  }
0x51a: {  	[tilespmem:s20+$0x0] =	vst v3;
	s20 =	sadd.s32 $0x10, s20;
	v2 =	vadd.f32 v4, v63  }
0x51b: {  	[tilespmem:s20+$0x0] =	vst v1;
	s20 =	sadd.s32 $0x10, s20  }
0x51c: {  	[tilespmem:s20+$0x0] =	vst v2  }
0x51d: {  	_ =	swait.ge [sflag:s18], $0x4000  }
0x51e: {  	s31 =	simm.s32 $0x70B8;
	[sflag:s18] =	ssyncset.done $0x0  }
0x51f: {  	s21 =	smov.u32 s16;
	s20 =	simm.s32 $0xFFFFFFE0;
	[sflag:s18] =	ssyncadd.s32 $0xFFFFC000  }
0x520: {  	[hbm4b:s16+s3] =	stream.linear.scatter [tilespmem:s31], [sflag:$0x1], $0x800, $0x38;
	[tilespmem:$0x78C0] =	vst v63  }
.LBB2_48:
0x521: {  	p0 =	sne.s32 s20, $0xFFFFF820  }
.Ltmp23:
0x522: {  	_ = 	snop;
	(pc) =	sbr.rel @p0 .LBB2_48-.Ltmp23, $4  }
0x523: {  	_ = 	snop  }
0x524: {  	s22 =	sshra.s32 s20, $0x2;
	s20 =	sadd.s32 $0xFFFFFFE0, s20  }
0x525: {  	s21 =	sadd.s32 $0x800, s21;
	s22 =	sadd.s32 $0x70B8, s22  }
0x526: {  	[hbm4b:s21+s3] =	stream.linear.scatter [tilespmem:s22], [sflag:$0x1], $0x800, $0x38;
	[tilespmem:$0x78C0] =	vst v63  }
0x527: {  	s19 =	sadd.s32 $0x1, s19  }
0x528: {  	p0 =	sne.s32 s19, s5  }
.Ltmp24:
0x529: {  	_ = 	snop;
	(pc) =	sbr.rel @p0 .LBB2_1-.Ltmp24, $4  }
0x52a: {  	_ = 	snop  }
0x52b: {  	_ =	swait.ge [sflag:s18], $0x4000  }
0x52c: {  	[sflag:s18] =	ssyncset.done $0x0  }
0x52d: {  	[sflag:s18] =	ssyncadd.s32 $0xFFFFC000  }
0x52e: {  	_ =	sfence.sel $0x180000  }
0x52f: {  	[bflag:$0x0] =	sbarrier.arrive $0xFFFF  }
0x530: {  	p0 =	sne.s32 s0, $0x0;
	_ =	strace $0x90000047  }
0x531: {  	s0 =	sadd.s32 @!p0 $0x100000, s2;
	[bflag:$0x2] =	sbarrier.arrive $0xFFFF  }
0x532: {  	[sflag:s0] =	ssyncadd.tile.s32 @!p0 $0x1;
	_ =	shalt  }
.Lfunc_end2:
_tile_overlayer_lowered:
.L_overlay_start_2:
0x533: {  	(tag) =	ssettag $0x2  }
0x534: {  	s0 =	rddreg [dreg:$0x0];
	s2 =	stileid.u32  }
0x535: {  	s1 =	rddreg [dreg:$0x1];
	p0 =	sne.s32 s2, $0x0  }
0x536: {  	s3 =	rddreg [dreg:$0x2];
	[bflag:$0x3] =	sbarrier.arrive $0xFFFF;
	s2 =	simm.s32 @!p0 $0x1C02  }
0x537: {  	[timem:s3], [sflag:s2] =	dma.local @!p0 [hbm:s0], s1  }
0x538: {  	s0 =	simm.s32 @!p0 $0x2  }
0x539: {  	_ =	swait.ge @!p0 [sflag:s0], s1  }
0x53a: {  	s1 =	ssub.s32 @!p0 $0x0, s1;
	[sflag:s0] =	ssyncset.done @!p0 $0x0  }
0x53b: {  	[sflag:s0] =	ssyncadd.s32 @!p0 s1  }
0x53c: {  	[bflag:$0x3] =	sbarrier.arrive $0xFFFF  }
0x53d: {  	_ =	shalt  }

</sc_bundles>
